<compile_context>
chip_gen: v7x
topology: tpu7x:2x2x1
jax: 0.10.2.dev20260603
libtpu: 0.0.44.dev20260713+nightly
codegen_flags: <defaults>
</compile_context>

<pallas_src>
import functools

import jax
import jax.numpy as jnp
from jax import lax
from jax.experimental import pallas as pl
from jax.experimental.pallas import tpu as pltpu
from jax.experimental.pallas import tpu_sc as plsc

N = 10000
E = 320000
NSUB = 16
NW = 32
EPW = E // NW
CHUNK = 80
NCH = EPW // CHUNK
PADN = 10240
STRIPE = PADN // NSUB

_mesh = plsc.VectorSubcoreMesh(core_axis_name="c", subcore_axis_name="s")

_F32 = jnp.float32
_HI = jax.lax.Precision.HIGHEST



@functools.partial(
    pl.kernel,
    mesh=_mesh,
    out_type=jax.ShapeDtypeStruct((2, PADN, 128), _F32),
    scratch_types=[
        pltpu.VMEM((NCH, CHUNK), jnp.int32),
        pltpu.VMEM((NCH, CHUNK), jnp.int32),
        pltpu.VMEM((CHUNK, 128), _F32),
        pltpu.VMEM_SHARED((PADN, 128), _F32),
        pltpu.SemaphoreType.DMA,
    ],
)
def _agg_kernel(hs_hbm, src_hbm, dst_hbm, zeros_hbm, out_hbm,
                src_v, dst_v, rows_v, accum, sem):
    cid = lax.axis_index("c")
    sid = lax.axis_index("s")
    w = cid * NSUB + sid
    pltpu.sync_copy(src_hbm.at[w], src_v)
    pltpu.sync_copy(dst_hbm.at[w], dst_v)
    pltpu.sync_copy(zeros_hbm.at[pl.ds(sid * STRIPE, STRIPE)],
                    accum.at[pl.ds(sid * STRIPE, STRIPE)])
    plsc.subcore_barrier()

    @pl.loop(0, NCH)
    def _(j):
        pltpu.async_copy(hs_hbm.at[src_v.at[j]], rows_v, sem).wait()
        pltpu.sync_copy(rows_v, accum.at[dst_v.at[j]], add=True)

    plsc.subcore_barrier()
    pltpu.sync_copy(accum.at[pl.ds(sid * STRIPE, STRIPE)],
                    out_hbm.at[cid, pl.ds(sid * STRIPE, STRIPE)])


@functools.partial(
    pl.kernel,
    mesh=_mesh,
    out_type=jax.ShapeDtypeStruct((2, PADN, 16), _F32),
    scratch_types=[
        pltpu.VMEM((NCH, CHUNK), jnp.int32),
        pltpu.VMEM((CHUNK, 16), _F32),
        pltpu.VMEM_SHARED((PADN, 16), _F32),
    ],
)
def _deg_kernel(dst_hbm, ones_hbm, zeros_hbm, out_hbm,
                dst_v, ones_v, accum):
    cid = lax.axis_index("c")
    sid = lax.axis_index("s")
    w = cid * NSUB + sid
    pltpu.sync_copy(dst_hbm.at[w], dst_v)
    pltpu.sync_copy(ones_hbm, ones_v)
    pltpu.sync_copy(zeros_hbm.at[pl.ds(sid * STRIPE, STRIPE)],
                    accum.at[pl.ds(sid * STRIPE, STRIPE)])
    plsc.subcore_barrier()

    @pl.loop(0, NCH)
    def _(j):
        pltpu.sync_copy(ones_v, accum.at[dst_v.at[j]], add=True)

    plsc.subcore_barrier()
    pltpu.sync_copy(accum.at[pl.ds(sid * STRIPE, STRIPE)],
                    out_hbm.at[cid, pl.ds(sid * STRIPE, STRIPE)])



def _dinv_body(dp_ref, o_ref):
    deg = dp_ref[0, :, 0:1] + dp_ref[1, :, 0:1] + 1.0
    o_ref[...] = lax.rsqrt(deg)


def _dinv(deg_parts):
    return pl.pallas_call(
        _dinv_body,
        grid=(1,),
        in_specs=[pl.BlockSpec((2, N, 16), lambda i: (0, 0, 0))],
        out_specs=pl.BlockSpec((N, 1), lambda i: (0, 0)),
        out_shape=jax.ShapeDtypeStruct((N, 1), _F32),
    )(deg_parts)


def _matmul_scale_body(x_ref, w_ref, dinv_ref, o_ref):
    h = jnp.dot(x_ref[...], w_ref[...], preferred_element_type=_F32,
                precision=_HI)
    o_ref[...] = h * dinv_ref[...]


def _matmul_scale(x, W, dinv, rows=2000):
    din, dout = W.shape
    return pl.pallas_call(
        _matmul_scale_body,
        grid=(N // rows,),
        in_specs=[
            pl.BlockSpec((rows, din), lambda i: (i, 0)),
            pl.BlockSpec((din, dout), lambda i: (0, 0)),
            pl.BlockSpec((rows, 1), lambda i: (i, 0)),
        ],
        out_specs=pl.BlockSpec((rows, dout), lambda i: (i, 0)),
        out_shape=jax.ShapeDtypeStruct((N, dout), _F32),
    )(x, W, dinv)


def _combine_matmul_body(p_ref, hs_ref, dinv_ref, w_ref, b_ref, o_ref, *,
                         din):
    a = (p_ref[0][:, :din] + p_ref[1][:, :din] + hs_ref[...]) * dinv_ref[...]
    g = jnp.dot(a, w_ref[...], preferred_element_type=_F32, precision=_HI)
    o_ref[...] = g + b_ref[...]


def _combine_matmul(parts, hs, dinv, W, b, rows=2000):
    din, dout = W.shape
    return pl.pallas_call(
        functools.partial(_combine_matmul_body, din=din),
        grid=(N // rows,),
        in_specs=[
            pl.BlockSpec((2, rows, 128), lambda i: (0, i, 0)),
            pl.BlockSpec((rows, din), lambda i: (i, 0)),
            pl.BlockSpec((rows, 1), lambda i: (i, 0)),
            pl.BlockSpec((din, dout), lambda i: (0, 0)),
            pl.BlockSpec((1, dout), lambda i: (0, 0)),
        ],
        out_specs=pl.BlockSpec((rows, dout), lambda i: (i, 0)),
        out_shape=jax.ShapeDtypeStruct((N, dout), _F32),
    )(parts, hs, dinv, W, b.reshape(1, dout))


def _combine_matmul2_body(pa_ref, pb_ref, hs_ref, dinv_ref, w_ref, b_ref,
                          o_ref):
    a = jnp.concatenate(
        [pa_ref[0] + pa_ref[1], pb_ref[0] + pb_ref[1]], axis=1)
    a = (a + hs_ref[...]) * dinv_ref[...]
    g = jnp.dot(a, w_ref[...], preferred_element_type=_F32, precision=_HI)
    o_ref[...] = g + b_ref[...]


def _combine_matmul2(parts_a, parts_b, hs, dinv, W, b, rows=1000):
    din, dout = W.shape
    return pl.pallas_call(
        _combine_matmul2_body,
        grid=(N // rows,),
        in_specs=[
            pl.BlockSpec((2, rows, 128), lambda i: (0, i, 0)),
            pl.BlockSpec((2, rows, 128), lambda i: (0, i, 0)),
            pl.BlockSpec((rows, din), lambda i: (i, 0)),
            pl.BlockSpec((rows, 1), lambda i: (i, 0)),
            pl.BlockSpec((din, dout), lambda i: (0, 0)),
            pl.BlockSpec((1, dout), lambda i: (0, 0)),
        ],
        out_specs=pl.BlockSpec((rows, dout), lambda i: (i, 0)),
        out_shape=jax.ShapeDtypeStruct((N, dout), _F32),
    )(parts_a, parts_b, hs, dinv, W, b.reshape(1, dout))


def _combine_bias_body(p_ref, hs_ref, dinv_ref, b_ref, o_ref, *, d):
    o_ref[...] = (p_ref[0][:, :d] + p_ref[1][:, :d] + hs_ref[...]) \
        * dinv_ref[...] + b_ref[...]


def _combine_bias(parts, hs, dinv, b, rows=2000):
    d = hs.shape[1]
    return pl.pallas_call(
        functools.partial(_combine_bias_body, d=d),
        grid=(N // rows,),
        in_specs=[
            pl.BlockSpec((2, rows, 128), lambda i: (0, i, 0)),
            pl.BlockSpec((rows, d), lambda i: (i, 0)),
            pl.BlockSpec((rows, 1), lambda i: (i, 0)),
            pl.BlockSpec((1, d), lambda i: (0, 0)),
        ],
        out_specs=pl.BlockSpec((rows, d), lambda i: (i, 0)),
        out_shape=jax.ShapeDtypeStruct((N, d), _F32),
    )(parts, hs, dinv, b.reshape(1, d))


def _bn_relu_body(g_ref, gamma_ref, beta_ref, dinv_ref, o_ref, *, scale):
    g = g_ref[...]
    mean = jnp.mean(g, axis=0, keepdims=True)
    var = jnp.mean((g - mean) ** 2, axis=0, keepdims=True)
    z = (g - mean) * lax.rsqrt(var + 1e-5) * gamma_ref[...] + beta_ref[...]
    h = jnp.maximum(z, 0.0)
    if scale:
        h = h * dinv_ref[...]
    o_ref[...] = h


def _bn_relu(g, gamma, beta, dinv, scale):
    d = g.shape[1]
    cb = min(d, 128)
    return pl.pallas_call(
        functools.partial(_bn_relu_body, scale=scale),
        grid=(d // cb,),
        in_specs=[
            pl.BlockSpec((N, cb), lambda i: (0, i)),
            pl.BlockSpec((1, cb), lambda i: (0, i)),
            pl.BlockSpec((1, cb), lambda i: (0, i)),
            pl.BlockSpec((N, 1), lambda i: (0, 0)),
        ],
        out_specs=pl.BlockSpec((N, cb), lambda i: (0, i)),
        out_shape=jax.ShapeDtypeStruct((N, d), _F32),
    )(g, gamma.reshape(1, d), beta.reshape(1, d), dinv)


def _final_body(p_ref, hs_ref, dinv_ref, b_ref, o_ref):
    g = (p_ref[0][:, :48] + p_ref[1][:, :48] + hs_ref[...]) * dinv_ref[...] \
        + b_ref[...]
    z = g[:, :40]
    m = jnp.max(z, axis=1, keepdims=True)
    zs = z - m
    o_ref[...] = zs - jnp.log(jnp.sum(jnp.exp(zs), axis=1, keepdims=True))


def _final(parts, hs, dinv, b_pad, rows=2000):
    return pl.pallas_call(
        _final_body,
        grid=(N // rows,),
        in_specs=[
            pl.BlockSpec((2, rows, 128), lambda i: (0, i, 0)),
            pl.BlockSpec((rows, 48), lambda i: (i, 0)),
            pl.BlockSpec((rows, 1), lambda i: (i, 0)),
            pl.BlockSpec((1, 48), lambda i: (0, 0)),
        ],
        out_specs=pl.BlockSpec((rows, 40), lambda i: (i, 0)),
        out_shape=jax.ShapeDtypeStruct((N, 40), _F32),
    )(parts, hs, dinv, b_pad.reshape(1, 48))



def kernel(x, edge_index, Ws, bs, gammas, betas):
    ei = edge_index.astype(jnp.int32)
    src3 = ei[0].reshape(NW, NCH, CHUNK)
    dst3 = ei[1].reshape(NW, NCH, CHUNK)

    zeros128 = jnp.zeros((PADN, 128), _F32)
    zeros16 = jnp.zeros((PADN, 16), _F32)
    ones16 = jnp.ones((CHUNK, 16), _F32)

    def agg(hs):
        d = hs.shape[1]
        if d < 128:
            hs = jnp.pad(hs, ((0, 0), (0, 128 - d)))
        return _agg_kernel(hs, src3, dst3, zeros128)

    deg_parts = _deg_kernel(dst3, ones16, zeros16)
    dinv = _dinv(deg_parts)

    hs = _matmul_scale(x, Ws[0], dinv)
    parts = agg(hs)
    g = _combine_bias(parts, hs, dinv, bs[0])
    h = _bn_relu(g, gammas[0], betas[0], dinv, scale=True)

    for i in range(1, 5):
        parts = agg(h)
        g = _combine_matmul(parts, h, dinv, Ws[i], bs[i])
        h = _bn_relu(g, gammas[i], betas[i], dinv, scale=True)

    parts_a = agg(lax.slice(h, (0, 0), (N, 128)))
    parts_b = agg(lax.slice(h, (0, 128), (N, 256)))
    g = _combine_matmul2(parts_a, parts_b, h, dinv, Ws[5], bs[5])
    h = _bn_relu(g, gammas[5], betas[5], dinv, scale=False)

    W7 = jnp.pad(Ws[6], ((0, 0), (0, 8)))
    b7 = jnp.pad(bs[6], (0, 8))
    hs7 = _matmul_scale(h, W7, dinv)
    parts = agg(hs7)
    return _final(parts, hs7, dinv, b7)

# --- scband reference (transcript-rebuilt; emitter-appended) ---
"""Pipeline reference for scband-gcn-18356690223924 (READ-ONLY COPY).

The authoritative reference and input builder live on the scoring server;
editing this copy changes nothing except your own understanding.
"""

import jax, jax.numpy as jnp
import numpy as np

NUM_NODES = 10000
NUM_EDGES = 320000
DIMS = [128, 16, 32, 64, 128, 256, 512, 40]


def setup_inputs(seed: int = 0) -> dict:
    key = jax.random.key(seed)
    ks = jax.random.split(key, 20)
    x = jax.random.normal(ks[0], (NUM_NODES, DIMS[0]), dtype=jnp.float32)
    edge_index = jax.random.randint(ks[1], (2, NUM_EDGES), 0, NUM_NODES, dtype=jnp.int64)
    Ws, bs = [], []
    for i in range(7):
        fan_in = DIMS[i]
        W = jax.random.normal(ks[2 + i], (DIMS[i], DIMS[i + 1]), dtype=jnp.float32) * (1.0 / np.sqrt(fan_in))
        Ws.append(W)
        bs.append(jnp.zeros((DIMS[i + 1],), dtype=jnp.float32))
    gammas = [jnp.ones((DIMS[i + 1],), dtype=jnp.float32) for i in range(6)]
    betas = [jnp.zeros((DIMS[i + 1],), dtype=jnp.float32) for i in range(6)]
    return {"x": x, "edge_index": edge_index, "Ws": Ws, "bs": bs, "gammas": gammas, "betas": betas}


def _gcn_conv(x, src, dst, norm, W, b):
    h = x @ W
    msg = h[src] * norm[:, None]
    out = jnp.zeros((NUM_NODES, W.shape[1]), dtype=h.dtype).at[dst].add(msg)
    return out + b


def _batchnorm(x, gamma, beta, eps=1e-5):
    mean = jnp.mean(x, axis=0)
    var = jnp.var(x, axis=0)
    return (x - mean) / jnp.sqrt(var + eps) * gamma + beta


def reference(x, edge_index, Ws, bs, gammas, betas):
    # add self loops, compute symmetric normalization (GCNConv semantics)
    loop = jnp.arange(NUM_NODES, dtype=edge_index.dtype)
    src = jnp.concatenate([edge_index[0], loop])
    dst = jnp.concatenate([edge_index[1], loop])
    deg = jnp.zeros((NUM_NODES,), dtype=jnp.float32).at[dst].add(1.0)
    dinv = jnp.where(deg > 0, 1.0 / jnp.sqrt(deg), 0.0)
    norm = dinv[src] * dinv[dst]
    h = x
    for i in range(6):
        h = _gcn_conv(h, src, dst, norm, Ws[i], bs[i])
        h = _batchnorm(h, gammas[i], betas[i])
        h = jax.nn.relu(h)
        # dropout is identity in eval mode (deterministic reference)
    h = _gcn_conv(h, src, dst, norm, Ws[6], bs[6])
    return jax.nn.log_softmax(h, axis=1)

if __name__ == "__main__":
    import jax
    _d = setup_inputs()
    print(jax.jit(kernel)(*tuple(_d.values())))

</pallas_src>

<mosaic_0001>
#map = affine_map<(d0, d1) -> (0, 0, 0)>
#map1 = affine_map<(d0, d1) -> (0, 0)>
module attributes {stable_mosaic.version = 14 : i64} {
  func.func @_deg_kernel(%arg0: i32, %arg1: i32, %arg2: memref<32x125x80xi32, #tpu.memory_space<hbm>>, %arg3: memref<80x16xf32, #tpu.memory_space<hbm>>, %arg4: memref<10240x16xf32, #tpu.memory_space<hbm>>, %arg5: memref<2x10240x16xf32, #tpu.memory_space<hbm>>, %arg6: memref<125x80xi32, #tpu.memory_space<vmem>>, %arg7: memref<80x16xf32, #tpu.memory_space<vmem>>, %arg8: memref<10240x16xf32, #tpu.memory_space<vmem_shared>>) attributes {dimension_semantics = [#tpu.dimension_semantics<core_parallel>, #tpu.dimension_semantics<subcore_parallel>], iteration_bounds = array<i64: 2, 16>, scalar_prefetch = 0 : i64, scratch_operands = 3 : i64, tpu.core_type = #tpu.core_type<sc_vector_subcore>, window_params = [{transform_indices = #map}, {transform_indices = #map1}, {transform_indices = #map1}, {transform_indices = #map}]} {
    %mul3A = arith.constant 16 : i32
    %mul3A_0 = arith.muli %arg0, %mul3A : i32
    %add3A = arith.addi %mul3A_0, %arg1 : i32
    "tpu.region"() ({
      %run_scoped3A = tpu.sem_alloc : memref<!tpu.dma_semaphore, #tpu.memory_space<semaphore_mem>>
      %dma_start3A = arith.constant 0 : i32
      %dma_start3A_14 = arith.constant 0 : i32
      %dma_start3A_15 = tpu.memref_slice %arg2[%add3A, %dma_start3A, %dma_start3A_14] : memref<32x125x80xi32, #tpu.memory_space<hbm>> -> memref<1x125x80xi32, #tpu.memory_space<hbm>>
      %dma_start3A_16 = tpu.memref_squeeze %dma_start3A_15 : memref<1x125x80xi32, #tpu.memory_space<hbm>> -> memref<125x80xi32, #tpu.memory_space<hbm>>
      %dma_start3A_17 = arith.constant 0 : i32
      %dma_start3A_18 = arith.constant 0 : i32
      %dma_start3A_19 = tpu.memref_slice %arg2[%add3A, %dma_start3A_17, %dma_start3A_18] : memref<32x125x80xi32, #tpu.memory_space<hbm>> -> memref<1x125x80xi32, #tpu.memory_space<hbm>>
      %dma_start3A_20 = tpu.memref_squeeze %dma_start3A_19 : memref<1x125x80xi32, #tpu.memory_space<hbm>> -> memref<125x80xi32, #tpu.memory_space<hbm>>
      tpu.enqueue_dma source(%dma_start3A_20 : memref<125x80xi32, #tpu.memory_space<hbm>>) target(%arg6 : memref<125x80xi32, #tpu.memory_space<vmem>>) target_semaphore(%run_scoped3A : memref<!tpu.dma_semaphore, #tpu.memory_space<semaphore_mem>>)
      %dma_wait3A = arith.constant 0 : i32
      %dma_wait3A_21 = arith.constant 0 : i32
      %dma_wait3A_22 = tpu.memref_slice %arg2[%add3A, %dma_wait3A, %dma_wait3A_21] : memref<32x125x80xi32, #tpu.memory_space<hbm>> -> memref<1x125x80xi32, #tpu.memory_space<hbm>>
      %dma_wait3A_23 = tpu.memref_squeeze %dma_wait3A_22 : memref<1x125x80xi32, #tpu.memory_space<hbm>> -> memref<125x80xi32, #tpu.memory_space<hbm>>
      %dma_wait3A_24 = arith.constant 0 : i32
      %dma_wait3A_25 = arith.constant 0 : i32
      %dma_wait3A_26 = tpu.memref_slice %arg2[%add3A, %dma_wait3A_24, %dma_wait3A_25] : memref<32x125x80xi32, #tpu.memory_space<hbm>> -> memref<1x125x80xi32, #tpu.memory_space<hbm>>
      %dma_wait3A_27 = tpu.memref_squeeze %dma_wait3A_26 : memref<1x125x80xi32, #tpu.memory_space<hbm>> -> memref<125x80xi32, #tpu.memory_space<hbm>>
      tpu.wait_dma2 semaphore(%run_scoped3A : memref<!tpu.dma_semaphore, #tpu.memory_space<semaphore_mem>>) src(%dma_wait3A_27 : memref<125x80xi32, #tpu.memory_space<hbm>>) dst(%arg6 : memref<125x80xi32, #tpu.memory_space<vmem>>)
      tpu.yield
    }) : () -> ()
    "tpu.region"() ({
      %run_scoped3A = tpu.sem_alloc : memref<!tpu.dma_semaphore, #tpu.memory_space<semaphore_mem>>
      tpu.enqueue_dma source(%arg3 : memref<80x16xf32, #tpu.memory_space<hbm>>) target(%arg7 : memref<80x16xf32, #tpu.memory_space<vmem>>) target_semaphore(%run_scoped3A : memref<!tpu.dma_semaphore, #tpu.memory_space<semaphore_mem>>)
      tpu.wait_dma2 semaphore(%run_scoped3A : memref<!tpu.dma_semaphore, #tpu.memory_space<semaphore_mem>>) src(%arg3 : memref<80x16xf32, #tpu.memory_space<hbm>>) dst(%arg7 : memref<80x16xf32, #tpu.memory_space<vmem>>)
      tpu.yield
    }) : () -> ()
    %mul3A_1 = arith.constant 640 : i32
    %mul3A_2 = arith.muli %arg1, %mul3A_1 : i32
    %mul3A_3 = arith.constant 640 : i32
    %mul3A_4 = arith.muli %arg1, %mul3A_3 : i32
    "tpu.region"() ({
      %run_scoped3A = tpu.sem_alloc : memref<!tpu.dma_semaphore, #tpu.memory_space<semaphore_mem>>
      %dma_start3A = arith.constant 0 : i32
      %dma_start3A_14 = tpu.memref_slice %arg8[%mul3A_4, %dma_start3A] : memref<10240x16xf32, #tpu.memory_space<vmem_shared>> -> memref<640x16xf32, #tpu.memory_space<vmem_shared>>
      %dma_start3A_15 = arith.constant 0 : i32
      %dma_start3A_16 = tpu.memref_slice %arg4[%mul3A_2, %dma_start3A_15] : memref<10240x16xf32, #tpu.memory_space<hbm>> -> memref<640x16xf32, #tpu.memory_space<hbm>>
      tpu.enqueue_dma source(%dma_start3A_16 : memref<640x16xf32, #tpu.memory_space<hbm>>) target(%dma_start3A_14 : memref<640x16xf32, #tpu.memory_space<vmem_shared>>) target_semaphore(%run_scoped3A : memref<!tpu.dma_semaphore, #tpu.memory_space<semaphore_mem>>)
      %dma_wait3A = arith.constant 0 : i32
      %dma_wait3A_17 = tpu.memref_slice %arg8[%mul3A_4, %dma_wait3A] : memref<10240x16xf32, #tpu.memory_space<vmem_shared>> -> memref<640x16xf32, #tpu.memory_space<vmem_shared>>
      %dma_wait3A_18 = arith.constant 0 : i32
      %dma_wait3A_19 = tpu.memref_slice %arg4[%mul3A_2, %dma_wait3A_18] : memref<10240x16xf32, #tpu.memory_space<hbm>> -> memref<640x16xf32, #tpu.memory_space<hbm>>
      tpu.wait_dma2 semaphore(%run_scoped3A : memref<!tpu.dma_semaphore, #tpu.memory_space<semaphore_mem>>) src(%dma_wait3A_19 : memref<640x16xf32, #tpu.memory_space<hbm>>) dst(%dma_wait3A_17 : memref<640x16xf32, #tpu.memory_space<vmem_shared>>)
      tpu.yield
    }) : () -> ()
    %barrier3A = arith.constant 0 : index
    tpu.barrier barrier_id(%barrier3A)
    %scan3A = arith.constant 0 : i32
    %scan3A_5 = arith.constant 125 : i32
    %scan3A_6 = arith.addi %scan3A, %scan3A_5 : i32
    %scan3A_7 = arith.constant 1 : i32
    scf.for %scan3A_14 = %scan3A to %scan3A_6 step %scan3A_7  : i32 {
      %mul3A_15 = arith.constant 1 : i32
      %mul3A_16 = arith.muli %scan3A_14, %mul3A_15 : i32
      %add3A_17 = arith.constant 0 : i32
      %add3A_18 = arith.addi %add3A_17, %mul3A_16 : i32
      "tpu.region"() ({
        %run_scoped3A = tpu.sem_alloc : memref<!tpu.dma_semaphore, #tpu.memory_space<semaphore_mem>>
        %dma_start3A = arith.constant 0 : i32
        %dma_start3A_19 = tpu.memref_slice %arg6[%add3A_18, %dma_start3A] : memref<125x80xi32, #tpu.memory_space<vmem>> -> memref<1x80xi32, #tpu.memory_space<vmem>>
        %dma_start3A_20 = tpu.memref_squeeze %dma_start3A_19 : memref<1x80xi32, #tpu.memory_space<vmem>> -> memref<80xi32, #tpu.memory_space<vmem>>
        %dma_start3A_21 = arith.constant 0 : i32
        %dma_start3A_22 = arith.constant 0 : i32
        %dma_start3A_23 = tpu.memref_slice %arg8[%dma_start3A_21, %dma_start3A_22] : memref<10240x16xf32, #tpu.memory_space<vmem_shared>> -> memref<10240x16xf32, #tpu.memory_space<vmem_shared>>
        tpu.enqueue_indirect_dma source(%arg7 : memref<80x16xf32, #tpu.memory_space<vmem>>) target(%dma_start3A_23 : memref<10240x16xf32, #tpu.memory_space<vmem_shared>>) offsets(%dma_start3A_20 : memref<80xi32, #tpu.memory_space<vmem>>) semaphore(%run_scoped3A : memref<!tpu.dma_semaphore, #tpu.memory_space<semaphore_mem>>) {add = true}
        %dma_wait3A = arith.constant 0 : i32
        %dma_wait3A_24 = tpu.memref_slice %arg6[%add3A_18, %dma_wait3A] : memref<125x80xi32, #tpu.memory_space<vmem>> -> memref<1x80xi32, #tpu.memory_space<vmem>>
        %dma_wait3A_25 = tpu.memref_squeeze %dma_wait3A_24 : memref<1x80xi32, #tpu.memory_space<vmem>> -> memref<80xi32, #tpu.memory_space<vmem>>
        %dma_wait3A_26 = arith.constant 0 : i32
        %dma_wait3A_27 = arith.constant 0 : i32
        %dma_wait3A_28 = tpu.memref_slice %arg8[%dma_wait3A_26, %dma_wait3A_27] : memref<10240x16xf32, #tpu.memory_space<vmem_shared>> -> memref<10240x16xf32, #tpu.memory_space<vmem_shared>>
        tpu.wait_indirect_dma semaphore(%run_scoped3A : memref<!tpu.dma_semaphore, #tpu.memory_space<semaphore_mem>>) src(%arg7 : memref<80x16xf32, #tpu.memory_space<vmem>>) dst(%dma_wait3A_28 : memref<10240x16xf32, #tpu.memory_space<vmem_shared>>)
        tpu.yield
      }) : () -> ()
    }
    %scan3A_8 = arith.constant 125 : i32
    %barrier3A_9 = arith.constant 0 : index
    tpu.barrier barrier_id(%barrier3A_9)
    %mul3A_10 = arith.constant 640 : i32
    %mul3A_11 = arith.muli %arg1, %mul3A_10 : i32
    %mul3A_12 = arith.constant 640 : i32
    %mul3A_13 = arith.muli %arg1, %mul3A_12 : i32
    "tpu.region"() ({
      %run_scoped3A = tpu.sem_alloc : memref<!tpu.dma_semaphore, #tpu.memory_space<semaphore_mem>>
      %dma_start3A = arith.constant 0 : i32
      %dma_start3A_14 = tpu.memref_slice %arg5[%arg0, %mul3A_13, %dma_start3A] : memref<2x10240x16xf32, #tpu.memory_space<hbm>> -> memref<1x640x16xf32, #tpu.memory_space<hbm>>
      %dma_start3A_15 = tpu.memref_squeeze %dma_start3A_14 : memref<1x640x16xf32, #tpu.memory_space<hbm>> -> memref<640x16xf32, #tpu.memory_space<hbm>>
      %dma_start3A_16 = arith.constant 0 : i32
      %dma_start3A_17 = tpu.memref_slice %arg8[%mul3A_11, %dma_start3A_16] : memref<10240x16xf32, #tpu.memory_space<vmem_shared>> -> memref<640x16xf32, #tpu.memory_space<vmem_shared>>
      tpu.enqueue_dma source(%dma_start3A_17 : memref<640x16xf32, #tpu.memory_space<vmem_shared>>) target(%dma_start3A_15 : memref<640x16xf32, #tpu.memory_space<hbm>>) target_semaphore(%run_scoped3A : memref<!tpu.dma_semaphore, #tpu.memory_space<semaphore_mem>>)
      %dma_wait3A = arith.constant 0 : i32
      %dma_wait3A_18 = tpu.memref_slice %arg5[%arg0, %mul3A_13, %dma_wait3A] : memref<2x10240x16xf32, #tpu.memory_space<hbm>> -> memref<1x640x16xf32, #tpu.memory_space<hbm>>
      %dma_wait3A_19 = tpu.memref_squeeze %dma_wait3A_18 : memref<1x640x16xf32, #tpu.memory_space<hbm>> -> memref<640x16xf32, #tpu.memory_space<hbm>>
      %dma_wait3A_20 = arith.constant 0 : i32
      %dma_wait3A_21 = tpu.memref_slice %arg8[%mul3A_11, %dma_wait3A_20] : memref<10240x16xf32, #tpu.memory_space<vmem_shared>> -> memref<640x16xf32, #tpu.memory_space<vmem_shared>>
      tpu.wait_dma2 semaphore(%run_scoped3A : memref<!tpu.dma_semaphore, #tpu.memory_space<semaphore_mem>>) src(%dma_wait3A_21 : memref<640x16xf32, #tpu.memory_space<vmem_shared>>) dst(%dma_wait3A_19 : memref<640x16xf32, #tpu.memory_space<hbm>>)
      tpu.yield
    }) : () -> ()
    return
  }
}

#map = affine_map<(d0, d1) -> (0, 0)>
#map1 = affine_map<(d0, d1) -> (0, 0, 0)>
module attributes {stable_mosaic.version = 14 : i64} {
  func.func @_agg_kernel(%arg0: i32, %arg1: i32, %arg2: memref<10000x128xf32, #tpu.memory_space<hbm>>, %arg3: memref<32x125x80xi32, #tpu.memory_space<hbm>>, %arg4: memref<32x125x80xi32, #tpu.memory_space<hbm>>, %arg5: memref<10240x128xf32, #tpu.memory_space<hbm>>, %arg6: memref<2x10240x128xf32, #tpu.memory_space<hbm>>, %arg7: memref<125x80xi32, #tpu.memory_space<vmem>>, %arg8: memref<125x80xi32, #tpu.memory_space<vmem>>, %arg9: memref<80x128xf32, #tpu.memory_space<vmem>>, %arg10: memref<10240x128xf32, #tpu.memory_space<vmem_shared>>, %arg11: memref<!tpu.dma_semaphore, #tpu.memory_space<semaphore_mem>>) attributes {dimension_semantics = [#tpu.dimension_semantics<core_parallel>, #tpu.dimension_semantics<subcore_parallel>], iteration_bounds = array<i64: 2, 16>, scalar_prefetch = 0 : i64, scratch_operands = 5 : i64, tpu.core_type = #tpu.core_type<sc_vector_subcore>, window_params = [{transform_indices = #map}, {transform_indices = #map1}, {transform_indices = #map1}, {transform_indices = #map}, {transform_indices = #map1}]} {
    %mul3A = arith.constant 16 : i32
    %mul3A_0 = arith.muli %arg0, %mul3A : i32
    %add3A = arith.addi %mul3A_0, %arg1 : i32
    "tpu.region"() ({
      %run_scoped3A = tpu.sem_alloc : memref<!tpu.dma_semaphore, #tpu.memory_space<semaphore_mem>>
      %dma_start3A = arith.constant 0 : i32
      %dma_start3A_14 = arith.constant 0 : i32
      %dma_start3A_15 = tpu.memref_slice %arg3[%add3A, %dma_start3A, %dma_start3A_14] : memref<32x125x80xi32, #tpu.memory_space<hbm>> -> memref<1x125x80xi32, #tpu.memory_space<hbm>>
      %dma_start3A_16 = tpu.memref_squeeze %dma_start3A_15 : memref<1x125x80xi32, #tpu.memory_space<hbm>> -> memref<125x80xi32, #tpu.memory_space<hbm>>
      %dma_start3A_17 = arith.constant 0 : i32
      %dma_start3A_18 = arith.constant 0 : i32
      %dma_start3A_19 = tpu.memref_slice %arg3[%add3A, %dma_start3A_17, %dma_start3A_18] : memref<32x125x80xi32, #tpu.memory_space<hbm>> -> memref<1x125x80xi32, #tpu.memory_space<hbm>>
      %dma_start3A_20 = tpu.memref_squeeze %dma_start3A_19 : memref<1x125x80xi32, #tpu.memory_space<hbm>> -> memref<125x80xi32, #tpu.memory_space<hbm>>
      tpu.enqueue_dma source(%dma_start3A_20 : memref<125x80xi32, #tpu.memory_space<hbm>>) target(%arg7 : memref<125x80xi32, #tpu.memory_space<vmem>>) target_semaphore(%run_scoped3A : memref<!tpu.dma_semaphore, #tpu.memory_space<semaphore_mem>>)
      %dma_wait3A = arith.constant 0 : i32
      %dma_wait3A_21 = arith.constant 0 : i32
      %dma_wait3A_22 = tpu.memref_slice %arg3[%add3A, %dma_wait3A, %dma_wait3A_21] : memref<32x125x80xi32, #tpu.memory_space<hbm>> -> memref<1x125x80xi32, #tpu.memory_space<hbm>>
      %dma_wait3A_23 = tpu.memref_squeeze %dma_wait3A_22 : memref<1x125x80xi32, #tpu.memory_space<hbm>> -> memref<125x80xi32, #tpu.memory_space<hbm>>
      %dma_wait3A_24 = arith.constant 0 : i32
      %dma_wait3A_25 = arith.constant 0 : i32
      %dma_wait3A_26 = tpu.memref_slice %arg3[%add3A, %dma_wait3A_24, %dma_wait3A_25] : memref<32x125x80xi32, #tpu.memory_space<hbm>> -> memref<1x125x80xi32, #tpu.memory_space<hbm>>
      %dma_wait3A_27 = tpu.memref_squeeze %dma_wait3A_26 : memref<1x125x80xi32, #tpu.memory_space<hbm>> -> memref<125x80xi32, #tpu.memory_space<hbm>>
      tpu.wait_dma2 semaphore(%run_scoped3A : memref<!tpu.dma_semaphore, #tpu.memory_space<semaphore_mem>>) src(%dma_wait3A_27 : memref<125x80xi32, #tpu.memory_space<hbm>>) dst(%arg7 : memref<125x80xi32, #tpu.memory_space<vmem>>)
      tpu.yield
    }) : () -> ()
    "tpu.region"() ({
      %run_scoped3A = tpu.sem_alloc : memref<!tpu.dma_semaphore, #tpu.memory_space<semaphore_mem>>
      %dma_start3A = arith.constant 0 : i32
      %dma_start3A_14 = arith.constant 0 : i32
      %dma_start3A_15 = tpu.memref_slice %arg4[%add3A, %dma_start3A, %dma_start3A_14] : memref<32x125x80xi32, #tpu.memory_space<hbm>> -> memref<1x125x80xi32, #tpu.memory_space<hbm>>
      %dma_start3A_16 = tpu.memref_squeeze %dma_start3A_15 : memref<1x125x80xi32, #tpu.memory_space<hbm>> -> memref<125x80xi32, #tpu.memory_space<hbm>>
      %dma_start3A_17 = arith.constant 0 : i32
      %dma_start3A_18 = arith.constant 0 : i32
      %dma_start3A_19 = tpu.memref_slice %arg4[%add3A, %dma_start3A_17, %dma_start3A_18] : memref<32x125x80xi32, #tpu.memory_space<hbm>> -> memref<1x125x80xi32, #tpu.memory_space<hbm>>
      %dma_start3A_20 = tpu.memref_squeeze %dma_start3A_19 : memref<1x125x80xi32, #tpu.memory_space<hbm>> -> memref<125x80xi32, #tpu.memory_space<hbm>>
      tpu.enqueue_dma source(%dma_start3A_20 : memref<125x80xi32, #tpu.memory_space<hbm>>) target(%arg8 : memref<125x80xi32, #tpu.memory_space<vmem>>) target_semaphore(%run_scoped3A : memref<!tpu.dma_semaphore, #tpu.memory_space<semaphore_mem>>)
      %dma_wait3A = arith.constant 0 : i32
      %dma_wait3A_21 = arith.constant 0 : i32
      %dma_wait3A_22 = tpu.memref_slice %arg4[%add3A, %dma_wait3A, %dma_wait3A_21] : memref<32x125x80xi32, #tpu.memory_space<hbm>> -> memref<1x125x80xi32, #tpu.memory_space<hbm>>
      %dma_wait3A_23 = tpu.memref_squeeze %dma_wait3A_22 : memref<1x125x80xi32, #tpu.memory_space<hbm>> -> memref<125x80xi32, #tpu.memory_space<hbm>>
      %dma_wait3A_24 = arith.constant 0 : i32
      %dma_wait3A_25 = arith.constant 0 : i32
      %dma_wait3A_26 = tpu.memref_slice %arg4[%add3A, %dma_wait3A_24, %dma_wait3A_25] : memref<32x125x80xi32, #tpu.memory_space<hbm>> -> memref<1x125x80xi32, #tpu.memory_space<hbm>>
      %dma_wait3A_27 = tpu.memref_squeeze %dma_wait3A_26 : memref<1x125x80xi32, #tpu.memory_space<hbm>> -> memref<125x80xi32, #tpu.memory_space<hbm>>
      tpu.wait_dma2 semaphore(%run_scoped3A : memref<!tpu.dma_semaphore, #tpu.memory_space<semaphore_mem>>) src(%dma_wait3A_27 : memref<125x80xi32, #tpu.memory_space<hbm>>) dst(%arg8 : memref<125x80xi32, #tpu.memory_space<vmem>>)
      tpu.yield
    }) : () -> ()
    %mul3A_1 = arith.constant 640 : i32
    %mul3A_2 = arith.muli %arg1, %mul3A_1 : i32
    %mul3A_3 = arith.constant 640 : i32
    %mul3A_4 = arith.muli %arg1, %mul3A_3 : i32
    "tpu.region"() ({
      %run_scoped3A = tpu.sem_alloc : memref<!tpu.dma_semaphore, #tpu.memory_space<semaphore_mem>>
      %dma_start3A = arith.constant 0 : i32
      %dma_start3A_14 = tpu.memref_slice %arg10[%mul3A_4, %dma_start3A] : memref<10240x128xf32, #tpu.memory_space<vmem_shared>> -> memref<640x128xf32, #tpu.memory_space<vmem_shared>>
      %dma_start3A_15 = arith.constant 0 : i32
      %dma_start3A_16 = tpu.memref_slice %arg5[%mul3A_2, %dma_start3A_15] : memref<10240x128xf32, #tpu.memory_space<hbm>> -> memref<640x128xf32, #tpu.memory_space<hbm>>
      tpu.enqueue_dma source(%dma_start3A_16 : memref<640x128xf32, #tpu.memory_space<hbm>>) target(%dma_start3A_14 : memref<640x128xf32, #tpu.memory_space<vmem_shared>>) target_semaphore(%run_scoped3A : memref<!tpu.dma_semaphore, #tpu.memory_space<semaphore_mem>>)
      %dma_wait3A = arith.constant 0 : i32
      %dma_wait3A_17 = tpu.memref_slice %arg10[%mul3A_4, %dma_wait3A] : memref<10240x128xf32, #tpu.memory_space<vmem_shared>> -> memref<640x128xf32, #tpu.memory_space<vmem_shared>>
      %dma_wait3A_18 = arith.constant 0 : i32
      %dma_wait3A_19 = tpu.memref_slice %arg5[%mul3A_2, %dma_wait3A_18] : memref<10240x128xf32, #tpu.memory_space<hbm>> -> memref<640x128xf32, #tpu.memory_space<hbm>>
      tpu.wait_dma2 semaphore(%run_scoped3A : memref<!tpu.dma_semaphore, #tpu.memory_space<semaphore_mem>>) src(%dma_wait3A_19 : memref<640x128xf32, #tpu.memory_space<hbm>>) dst(%dma_wait3A_17 : memref<640x128xf32, #tpu.memory_space<vmem_shared>>)
      tpu.yield
    }) : () -> ()
    %barrier3A = arith.constant 0 : index
    tpu.barrier barrier_id(%barrier3A)
    %scan3A = arith.constant 0 : i32
    %scan3A_5 = arith.constant 125 : i32
    %scan3A_6 = arith.addi %scan3A, %scan3A_5 : i32
    %scan3A_7 = arith.constant 1 : i32
    scf.for %scan3A_14 = %scan3A to %scan3A_6 step %scan3A_7  : i32 {
      %mul3A_15 = arith.constant 1 : i32
      %mul3A_16 = arith.muli %scan3A_14, %mul3A_15 : i32
      %add3A_17 = arith.constant 0 : i32
      %add3A_18 = arith.addi %add3A_17, %mul3A_16 : i32
      %dma_start3A = arith.constant 0 : i32
      %dma_start3A_19 = tpu.memref_slice %arg7[%add3A_18, %dma_start3A] : memref<125x80xi32, #tpu.memory_space<vmem>> -> memref<1x80xi32, #tpu.memory_space<vmem>>
      %dma_start3A_20 = tpu.memref_squeeze %dma_start3A_19 : memref<1x80xi32, #tpu.memory_space<vmem>> -> memref<80xi32, #tpu.memory_space<vmem>>
      %dma_start3A_21 = arith.constant 0 : i32
      %dma_start3A_22 = arith.constant 0 : i32
      %dma_start3A_23 = tpu.memref_slice %arg2[%dma_start3A_21, %dma_start3A_22] : memref<10000x128xf32, #tpu.memory_space<hbm>> -> memref<10000x128xf32, #tpu.memory_space<hbm>>
      tpu.enqueue_indirect_dma source(%dma_start3A_23 : memref<10000x128xf32, #tpu.memory_space<hbm>>) target(%arg9 : memref<80x128xf32, #tpu.memory_space<vmem>>) offsets(%dma_start3A_20 : memref<80xi32, #tpu.memory_space<vmem>>) semaphore(%arg11 : memref<!tpu.dma_semaphore, #tpu.memory_space<semaphore_mem>>)
      %dma_wait3A = arith.constant 0 : i32
      %dma_wait3A_24 = tpu.memref_slice %arg7[%add3A_18, %dma_wait3A] : memref<125x80xi32, #tpu.memory_space<vmem>> -> memref<1x80xi32, #tpu.memory_space<vmem>>
      %dma_wait3A_25 = tpu.memref_squeeze %dma_wait3A_24 : memref<1x80xi32, #tpu.memory_space<vmem>> -> memref<80xi32, #tpu.memory_space<vmem>>
      %dma_wait3A_26 = arith.constant 0 : i32
      %dma_wait3A_27 = arith.constant 0 : i32
      %dma_wait3A_28 = tpu.memref_slice %arg2[%dma_wait3A_26, %dma_wait3A_27] : memref<10000x128xf32, #tpu.memory_space<hbm>> -> memref<10000x128xf32, #tpu.memory_space<hbm>>
      tpu.wait_indirect_dma semaphore(%arg11 : memref<!tpu.dma_semaphore, #tpu.memory_space<semaphore_mem>>) src(%dma_wait3A_28 : memref<10000x128xf32, #tpu.memory_space<hbm>>) dst(%arg9 : memref<80x128xf32, #tpu.memory_space<vmem>>)
      "tpu.region"() ({
        %run_scoped3A = tpu.sem_alloc : memref<!tpu.dma_semaphore, #tpu.memory_space<semaphore_mem>>
        %dma_start3A_29 = arith.constant 0 : i32
        %dma_start3A_30 = tpu.memref_slice %arg8[%add3A_18, %dma_start3A_29] : memref<125x80xi32, #tpu.memory_space<vmem>> -> memref<1x80xi32, #tpu.memory_space<vmem>>
        %dma_start3A_31 = tpu.memref_squeeze %dma_start3A_30 : memref<1x80xi32, #tpu.memory_space<vmem>> -> memref<80xi32, #tpu.memory_space<vmem>>
        %dma_start3A_32 = arith.constant 0 : i32
        %dma_start3A_33 = arith.constant 0 : i32
        %dma_start3A_34 = tpu.memref_slice %arg10[%dma_start3A_32, %dma_start3A_33] : memref<10240x128xf32, #tpu.memory_space<vmem_shared>> -> memref<10240x128xf32, #tpu.memory_space<vmem_shared>>
        tpu.enqueue_indirect_dma source(%arg9 : memref<80x128xf32, #tpu.memory_space<vmem>>) target(%dma_start3A_34 : memref<10240x128xf32, #tpu.memory_space<vmem_shared>>) offsets(%dma_start3A_31 : memref<80xi32, #tpu.memory_space<vmem>>) semaphore(%run_scoped3A : memref<!tpu.dma_semaphore, #tpu.memory_space<semaphore_mem>>) {add = true}
        %dma_wait3A_35 = arith.constant 0 : i32
        %dma_wait3A_36 = tpu.memref_slice %arg8[%add3A_18, %dma_wait3A_35] : memref<125x80xi32, #tpu.memory_space<vmem>> -> memref<1x80xi32, #tpu.memory_space<vmem>>
        %dma_wait3A_37 = tpu.memref_squeeze %dma_wait3A_36 : memref<1x80xi32, #tpu.memory_space<vmem>> -> memref<80xi32, #tpu.memory_space<vmem>>
        %dma_wait3A_38 = arith.constant 0 : i32
        %dma_wait3A_39 = arith.constant 0 : i32
        %dma_wait3A_40 = tpu.memref_slice %arg10[%dma_wait3A_38, %dma_wait3A_39] : memref<10240x128xf32, #tpu.memory_space<vmem_shared>> -> memref<10240x128xf32, #tpu.memory_space<vmem_shared>>
        tpu.wait_indirect_dma semaphore(%run_scoped3A : memref<!tpu.dma_semaphore, #tpu.memory_space<semaphore_mem>>) src(%arg9 : memref<80x128xf32, #tpu.memory_space<vmem>>) dst(%dma_wait3A_40 : memref<10240x128xf32, #tpu.memory_space<vmem_shared>>)
        tpu.yield
      }) : () -> ()
    }
    %scan3A_8 = arith.constant 125 : i32
    %barrier3A_9 = arith.constant 0 : index
    tpu.barrier barrier_id(%barrier3A_9)
    %mul3A_10 = arith.constant 640 : i32
    %mul3A_11 = arith.muli %arg1, %mul3A_10 : i32
    %mul3A_12 = arith.constant 640 : i32
    %mul3A_13 = arith.muli %arg1, %mul3A_12 : i32
    "tpu.region"() ({
      %run_scoped3A = tpu.sem_alloc : memref<!tpu.dma_semaphore, #tpu.memory_space<semaphore_mem>>
      %dma_start3A = arith.constant 0 : i32
      %dma_start3A_14 = tpu.memref_slice %arg6[%arg0, %mul3A_13, %dma_start3A] : memref<2x10240x128xf32, #tpu.memory_space<hbm>> -> memref<1x640x128xf32, #tpu.memory_space<hbm>>
      %dma_start3A_15 = tpu.memref_squeeze %dma_start3A_14 : memref<1x640x128xf32, #tpu.memory_space<hbm>> -> memref<640x128xf32, #tpu.memory_space<hbm>>
      %dma_start3A_16 = arith.constant 0 : i32
      %dma_start3A_17 = tpu.memref_slice %arg10[%mul3A_11, %dma_start3A_16] : memref<10240x128xf32, #tpu.memory_space<vmem_shared>> -> memref<640x128xf32, #tpu.memory_space<vmem_shared>>
      tpu.enqueue_dma source(%dma_start3A_17 : memref<640x128xf32, #tpu.memory_space<vmem_shared>>) target(%dma_start3A_15 : memref<640x128xf32, #tpu.memory_space<hbm>>) target_semaphore(%run_scoped3A : memref<!tpu.dma_semaphore, #tpu.memory_space<semaphore_mem>>)
      %dma_wait3A = arith.constant 0 : i32
      %dma_wait3A_18 = tpu.memref_slice %arg6[%arg0, %mul3A_13, %dma_wait3A] : memref<2x10240x128xf32, #tpu.memory_space<hbm>> -> memref<1x640x128xf32, #tpu.memory_space<hbm>>
      %dma_wait3A_19 = tpu.memref_squeeze %dma_wait3A_18 : memref<1x640x128xf32, #tpu.memory_space<hbm>> -> memref<640x128xf32, #tpu.memory_space<hbm>>
      %dma_wait3A_20 = arith.constant 0 : i32
      %dma_wait3A_21 = tpu.memref_slice %arg10[%mul3A_11, %dma_wait3A_20] : memref<10240x128xf32, #tpu.memory_space<vmem_shared>> -> memref<640x128xf32, #tpu.memory_space<vmem_shared>>
      tpu.wait_dma2 semaphore(%run_scoped3A : memref<!tpu.dma_semaphore, #tpu.memory_space<semaphore_mem>>) src(%dma_wait3A_21 : memref<640x128xf32, #tpu.memory_space<vmem_shared>>) dst(%dma_wait3A_19 : memref<640x128xf32, #tpu.memory_space<hbm>>)
      tpu.yield
    }) : () -> ()
    return
  }
}

#map = affine_map<(d0, d1) -> (0, 0)>
#map1 = affine_map<(d0, d1) -> (0, 0, 0)>
module attributes {stable_mosaic.version = 14 : i64} {
  func.func @_agg_kernel(%arg0: i32, %arg1: i32, %arg2: memref<10000x128xf32, #tpu.memory_space<hbm>>, %arg3: memref<32x125x80xi32, #tpu.memory_space<hbm>>, %arg4: memref<32x125x80xi32, #tpu.memory_space<hbm>>, %arg5: memref<10240x128xf32, #tpu.memory_space<hbm>>, %arg6: memref<2x10240x128xf32, #tpu.memory_space<hbm>>, %arg7: memref<125x80xi32, #tpu.memory_space<vmem>>, %arg8: memref<125x80xi32, #tpu.memory_space<vmem>>, %arg9: memref<80x128xf32, #tpu.memory_space<vmem>>, %arg10: memref<10240x128xf32, #tpu.memory_space<vmem_shared>>, %arg11: memref<!tpu.dma_semaphore, #tpu.memory_space<semaphore_mem>>) attributes {dimension_semantics = [#tpu.dimension_semantics<core_parallel>, #tpu.dimension_semantics<subcore_parallel>], iteration_bounds = array<i64: 2, 16>, scalar_prefetch = 0 : i64, scratch_operands = 5 : i64, tpu.core_type = #tpu.core_type<sc_vector_subcore>, window_params = [{transform_indices = #map}, {transform_indices = #map1}, {transform_indices = #map1}, {transform_indices = #map}, {transform_indices = #map1}]} {
    %mul3A = arith.constant 16 : i32
    %mul3A_0 = arith.muli %arg0, %mul3A : i32
    %add3A = arith.addi %mul3A_0, %arg1 : i32
    "tpu.region"() ({
      %run_scoped3A = tpu.sem_alloc : memref<!tpu.dma_semaphore, #tpu.memory_space<semaphore_mem>>
      %dma_start3A = arith.constant 0 : i32
      %dma_start3A_14 = arith.constant 0 : i32
      %dma_start3A_15 = tpu.memref_slice %arg3[%add3A, %dma_start3A, %dma_start3A_14] : memref<32x125x80xi32, #tpu.memory_space<hbm>> -> memref<1x125x80xi32, #tpu.memory_space<hbm>>
      %dma_start3A_16 = tpu.memref_squeeze %dma_start3A_15 : memref<1x125x80xi32, #tpu.memory_space<hbm>> -> memref<125x80xi32, #tpu.memory_space<hbm>>
      %dma_start3A_17 = arith.constant 0 : i32
      %dma_start3A_18 = arith.constant 0 : i32
      %dma_start3A_19 = tpu.memref_slice %arg3[%add3A, %dma_start3A_17, %dma_start3A_18] : memref<32x125x80xi32, #tpu.memory_space<hbm>> -> memref<1x125x80xi32, #tpu.memory_space<hbm>>
      %dma_start3A_20 = tpu.memref_squeeze %dma_start3A_19 : memref<1x125x80xi32, #tpu.memory_space<hbm>> -> memref<125x80xi32, #tpu.memory_space<hbm>>
      tpu.enqueue_dma source(%dma_start3A_20 : memref<125x80xi32, #tpu.memory_space<hbm>>) target(%arg7 : memref<125x80xi32, #tpu.memory_space<vmem>>) target_semaphore(%run_scoped3A : memref<!tpu.dma_semaphore, #tpu.memory_space<semaphore_mem>>)
      %dma_wait3A = arith.constant 0 : i32
      %dma_wait3A_21 = arith.constant 0 : i32
      %dma_wait3A_22 = tpu.memref_slice %arg3[%add3A, %dma_wait3A, %dma_wait3A_21] : memref<32x125x80xi32, #tpu.memory_space<hbm>> -> memref<1x125x80xi32, #tpu.memory_space<hbm>>
      %dma_wait3A_23 = tpu.memref_squeeze %dma_wait3A_22 : memref<1x125x80xi32, #tpu.memory_space<hbm>> -> memref<125x80xi32, #tpu.memory_space<hbm>>
      %dma_wait3A_24 = arith.constant 0 : i32
      %dma_wait3A_25 = arith.constant 0 : i32
      %dma_wait3A_26 = tpu.memref_slice %arg3[%add3A, %dma_wait3A_24, %dma_wait3A_25] : memref<32x125x80xi32, #tpu.memory_space<hbm>> -> memref<1x125x80xi32, #tpu.memory_space<hbm>>
      %dma_wait3A_27 = tpu.memref_squeeze %dma_wait3A_26 : memref<1x125x80xi32, #tpu.memory_space<hbm>> -> memref<125x80xi32, #tpu.memory_space<hbm>>
      tpu.wait_dma2 semaphore(%run_scoped3A : memref<!tpu.dma_semaphore, #tpu.memory_space<semaphore_mem>>) src(%dma_wait3A_27 : memref<125x80xi32, #tpu.memory_space<hbm>>) dst(%arg7 : memref<125x80xi32, #tpu.memory_space<vmem>>)
      tpu.yield
    }) : () -> ()
    "tpu.region"() ({
      %run_scoped3A = tpu.sem_alloc : memref<!tpu.dma_semaphore, #tpu.memory_space<semaphore_mem>>
      %dma_start3A = arith.constant 0 : i32
      %dma_start3A_14 = arith.constant 0 : i32
      %dma_start3A_15 = tpu.memref_slice %arg4[%add3A, %dma_start3A, %dma_start3A_14] : memref<32x125x80xi32, #tpu.memory_space<hbm>> -> memref<1x125x80xi32, #tpu.memory_space<hbm>>
      %dma_start3A_16 = tpu.memref_squeeze %dma_start3A_15 : memref<1x125x80xi32, #tpu.memory_space<hbm>> -> memref<125x80xi32, #tpu.memory_space<hbm>>
      %dma_start3A_17 = arith.constant 0 : i32
      %dma_start3A_18 = arith.constant 0 : i32
      %dma_start3A_19 = tpu.memref_slice %arg4[%add3A, %dma_start3A_17, %dma_start3A_18] : memref<32x125x80xi32, #tpu.memory_space<hbm>> -> memref<1x125x80xi32, #tpu.memory_space<hbm>>
      %dma_start3A_20 = tpu.memref_squeeze %dma_start3A_19 : memref<1x125x80xi32, #tpu.memory_space<hbm>> -> memref<125x80xi32, #tpu.memory_space<hbm>>
      tpu.enqueue_dma source(%dma_start3A_20 : memref<125x80xi32, #tpu.memory_space<hbm>>) target(%arg8 : memref<125x80xi32, #tpu.memory_space<vmem>>) target_semaphore(%run_scoped3A : memref<!tpu.dma_semaphore, #tpu.memory_space<semaphore_mem>>)
      %dma_wait3A = arith.constant 0 : i32
      %dma_wait3A_21 = arith.constant 0 : i32
      %dma_wait3A_22 = tpu.memref_slice %arg4[%add3A, %dma_wait3A, %dma_wait3A_21] : memref<32x125x80xi32, #tpu.memory_space<hbm>> -> memref<1x125x80xi32, #tpu.memory_space<hbm>>
      %dma_wait3A_23 = tpu.memref_squeeze %dma_wait3A_22 : memref<1x125x80xi32, #tpu.memory_space<hbm>> -> memref<125x80xi32, #tpu.memory_space<hbm>>
      %dma_wait3A_24 = arith.constant 0 : i32
      %dma_wait3A_25 = arith.constant 0 : i32
      %dma_wait3A_26 = tpu.memref_slice %arg4[%add3A, %dma_wait3A_24, %dma_wait3A_25] : memref<32x125x80xi32, #tpu.memory_space<hbm>> -> memref<1x125x80xi32, #tpu.memory_space<hbm>>
      %dma_wait3A_27 = tpu.memref_squeeze %dma_wait3A_26 : memref<1x125x80xi32, #tpu.memory_space<hbm>> -> memref<125x80xi32, #tpu.memory_space<hbm>>
      tpu.wait_dma2 semaphore(%run_scoped3A : memref<!tpu.dma_semaphore, #tpu.memory_space<semaphore_mem>>) src(%dma_wait3A_27 : memref<125x80xi32, #tpu.memory_space<hbm>>) dst(%arg8 : memref<125x80xi32, #tpu.memory_space<vmem>>)
      tpu.yield
    }) : () -> ()
    %mul3A_1 = arith.constant 640 : i32
    %mul3A_2 = arith.muli %arg1, %mul3A_1 : i32
    %mul3A_3 = arith.constant 640 : i32
    %mul3A_4 = arith.muli %arg1, %mul3A_3 : i32
    "tpu.region"() ({
      %run_scoped3A = tpu.sem_alloc : memref<!tpu.dma_semaphore, #tpu.memory_space<semaphore_mem>>
      %dma_start3A = arith.constant 0 : i32
      %dma_start3A_14 = tpu.memref_slice %arg10[%mul3A_4, %dma_start3A] : memref<10240x128xf32, #tpu.memory_space<vmem_shared>> -> memref<640x128xf32, #tpu.memory_space<vmem_shared>>
      %dma_start3A_15 = arith.constant 0 : i32
      %dma_start3A_16 = tpu.memref_slice %arg5[%mul3A_2, %dma_start3A_15] : memref<10240x128xf32, #tpu.memory_space<hbm>> -> memref<640x128xf32, #tpu.memory_space<hbm>>
      tpu.enqueue_dma source(%dma_start3A_16 : memref<640x128xf32, #tpu.memory_space<hbm>>) target(%dma_start3A_14 : memref<640x128xf32, #tpu.memory_space<vmem_shared>>) target_semaphore(%run_scoped3A : memref<!tpu.dma_semaphore, #tpu.memory_space<semaphore_mem>>)
      %dma_wait3A = arith.constant 0 : i32
      %dma_wait3A_17 = tpu.memref_slice %arg10[%mul3A_4, %dma_wait3A] : memref<10240x128xf32, #tpu.memory_space<vmem_shared>> -> memref<640x128xf32, #tpu.memory_space<vmem_shared>>
      %dma_wait3A_18 = arith.constant 0 : i32
      %dma_wait3A_19 = tpu.memref_slice %arg5[%mul3A_2, %dma_wait3A_18] : memref<10240x128xf32, #tpu.memory_space<hbm>> -> memref<640x128xf32, #tpu.memory_space<hbm>>
      tpu.wait_dma2 semaphore(%run_scoped3A : memref<!tpu.dma_semaphore, #tpu.memory_space<semaphore_mem>>) src(%dma_wait3A_19 : memref<640x128xf32, #tpu.memory_space<hbm>>) dst(%dma_wait3A_17 : memref<640x128xf32, #tpu.memory_space<vmem_shared>>)
      tpu.yield
    }) : () -> ()
    %barrier3A = arith.constant 0 : index
    tpu.barrier barrier_id(%barrier3A)
    %scan3A = arith.constant 0 : i32
    %scan3A_5 = arith.constant 125 : i32
    %scan3A_6 = arith.addi %scan3A, %scan3A_5 : i32
    %scan3A_7 = arith.constant 1 : i32
    scf.for %scan3A_14 = %scan3A to %scan3A_6 step %scan3A_7  : i32 {
      %mul3A_15 = arith.constant 1 : i32
      %mul3A_16 = arith.muli %scan3A_14, %mul3A_15 : i32
      %add3A_17 = arith.constant 0 : i32
      %add3A_18 = arith.addi %add3A_17, %mul3A_16 : i32
      %dma_start3A = arith.constant 0 : i32
      %dma_start3A_19 = tpu.memref_slice %arg7[%add3A_18, %dma_start3A] : memref<125x80xi32, #tpu.memory_space<vmem>> -> memref<1x80xi32, #tpu.memory_space<vmem>>
      %dma_start3A_20 = tpu.memref_squeeze %dma_start3A_19 : memref<1x80xi32, #tpu.memory_space<vmem>> -> memref<80xi32, #tpu.memory_space<vmem>>
      %dma_start3A_21 = arith.constant 0 : i32
      %dma_start3A_22 = arith.constant 0 : i32
      %dma_start3A_23 = tpu.memref_slice %arg2[%dma_start3A_21, %dma_start3A_22] : memref<10000x128xf32, #tpu.memory_space<hbm>> -> memref<10000x128xf32, #tpu.memory_space<hbm>>
      tpu.enqueue_indirect_dma source(%dma_start3A_23 : memref<10000x128xf32, #tpu.memory_space<hbm>>) target(%arg9 : memref<80x128xf32, #tpu.memory_space<vmem>>) offsets(%dma_start3A_20 : memref<80xi32, #tpu.memory_space<vmem>>) semaphore(%arg11 : memref<!tpu.dma_semaphore, #tpu.memory_space<semaphore_mem>>)
      %dma_wait3A = arith.constant 0 : i32
      %dma_wait3A_24 = tpu.memref_slice %arg7[%add3A_18, %dma_wait3A] : memref<125x80xi32, #tpu.memory_space<vmem>> -> memref<1x80xi32, #tpu.memory_space<vmem>>
      %dma_wait3A_25 = tpu.memref_squeeze %dma_wait3A_24 : memref<1x80xi32, #tpu.memory_space<vmem>> -> memref<80xi32, #tpu.memory_space<vmem>>
      %dma_wait3A_26 = arith.constant 0 : i32
      %dma_wait3A_27 = arith.constant 0 : i32
      %dma_wait3A_28 = tpu.memref_slice %arg2[%dma_wait3A_26, %dma_wait3A_27] : memref<10000x128xf32, #tpu.memory_space<hbm>> -> memref<10000x128xf32, #tpu.memory_space<hbm>>
      tpu.wait_indirect_dma semaphore(%arg11 : memref<!tpu.dma_semaphore, #tpu.memory_space<semaphore_mem>>) src(%dma_wait3A_28 : memref<10000x128xf32, #tpu.memory_space<hbm>>) dst(%arg9 : memref<80x128xf32, #tpu.memory_space<vmem>>)
      "tpu.region"() ({
        %run_scoped3A = tpu.sem_alloc : memref<!tpu.dma_semaphore, #tpu.memory_space<semaphore_mem>>
        %dma_start3A_29 = arith.constant 0 : i32
        %dma_start3A_30 = tpu.memref_slice %arg8[%add3A_18, %dma_start3A_29] : memref<125x80xi32, #tpu.memory_space<vmem>> -> memref<1x80xi32, #tpu.memory_space<vmem>>
        %dma_start3A_31 = tpu.memref_squeeze %dma_start3A_30 : memref<1x80xi32, #tpu.memory_space<vmem>> -> memref<80xi32, #tpu.memory_space<vmem>>
        %dma_start3A_32 = arith.constant 0 : i32
        %dma_start3A_33 = arith.constant 0 : i32
        %dma_start3A_34 = tpu.memref_slice %arg10[%dma_start3A_32, %dma_start3A_33] : memref<10240x128xf32, #tpu.memory_space<vmem_shared>> -> memref<10240x128xf32, #tpu.memory_space<vmem_shared>>
        tpu.enqueue_indirect_dma source(%arg9 : memref<80x128xf32, #tpu.memory_space<vmem>>) target(%dma_start3A_34 : memref<10240x128xf32, #tpu.memory_space<vmem_shared>>) offsets(%dma_start3A_31 : memref<80xi32, #tpu.memory_space<vmem>>) semaphore(%run_scoped3A : memref<!tpu.dma_semaphore, #tpu.memory_space<semaphore_mem>>) {add = true}
        %dma_wait3A_35 = arith.constant 0 : i32
        %dma_wait3A_36 = tpu.memref_slice %arg8[%add3A_18, %dma_wait3A_35] : memref<125x80xi32, #tpu.memory_space<vmem>> -> memref<1x80xi32, #tpu.memory_space<vmem>>
        %dma_wait3A_37 = tpu.memref_squeeze %dma_wait3A_36 : memref<1x80xi32, #tpu.memory_space<vmem>> -> memref<80xi32, #tpu.memory_space<vmem>>
        %dma_wait3A_38 = arith.constant 0 : i32
        %dma_wait3A_39 = arith.constant 0 : i32
        %dma_wait3A_40 = tpu.memref_slice %arg10[%dma_wait3A_38, %dma_wait3A_39] : memref<10240x128xf32, #tpu.memory_space<vmem_shared>> -> memref<10240x128xf32, #tpu.memory_space<vmem_shared>>
        tpu.wait_indirect_dma semaphore(%run_scoped3A : memref<!tpu.dma_semaphore, #tpu.memory_space<semaphore_mem>>) src(%arg9 : memref<80x128xf32, #tpu.memory_space<vmem>>) dst(%dma_wait3A_40 : memref<10240x128xf32, #tpu.memory_space<vmem_shared>>)
        tpu.yield
      }) : () -> ()
    }
    %scan3A_8 = arith.constant 125 : i32
    %barrier3A_9 = arith.constant 0 : index
    tpu.barrier barrier_id(%barrier3A_9)
    %mul3A_10 = arith.constant 640 : i32
    %mul3A_11 = arith.muli %arg1, %mul3A_10 : i32
    %mul3A_12 = arith.constant 640 : i32
    %mul3A_13 = arith.muli %arg1, %mul3A_12 : i32
    "tpu.region"() ({
      %run_scoped3A = tpu.sem_alloc : memref<!tpu.dma_semaphore, #tpu.memory_space<semaphore_mem>>
      %dma_start3A = arith.constant 0 : i32
      %dma_start3A_14 = tpu.memref_slice %arg6[%arg0, %mul3A_13, %dma_start3A] : memref<2x10240x128xf32, #tpu.memory_space<hbm>> -> memref<1x640x128xf32, #tpu.memory_space<hbm>>
      %dma_start3A_15 = tpu.memref_squeeze %dma_start3A_14 : memref<1x640x128xf32, #tpu.memory_space<hbm>> -> memref<640x128xf32, #tpu.memory_space<hbm>>
      %dma_start3A_16 = arith.constant 0 : i32
      %dma_start3A_17 = tpu.memref_slice %arg10[%mul3A_11, %dma_start3A_16] : memref<10240x128xf32, #tpu.memory_space<vmem_shared>> -> memref<640x128xf32, #tpu.memory_space<vmem_shared>>
      tpu.enqueue_dma source(%dma_start3A_17 : memref<640x128xf32, #tpu.memory_space<vmem_shared>>) target(%dma_start3A_15 : memref<640x128xf32, #tpu.memory_space<hbm>>) target_semaphore(%run_scoped3A : memref<!tpu.dma_semaphore, #tpu.memory_space<semaphore_mem>>)
      %dma_wait3A = arith.constant 0 : i32
      %dma_wait3A_18 = tpu.memref_slice %arg6[%arg0, %mul3A_13, %dma_wait3A] : memref<2x10240x128xf32, #tpu.memory_space<hbm>> -> memref<1x640x128xf32, #tpu.memory_space<hbm>>
      %dma_wait3A_19 = tpu.memref_squeeze %dma_wait3A_18 : memref<1x640x128xf32, #tpu.memory_space<hbm>> -> memref<640x128xf32, #tpu.memory_space<hbm>>
      %dma_wait3A_20 = arith.constant 0 : i32
      %dma_wait3A_21 = tpu.memref_slice %arg10[%mul3A_11, %dma_wait3A_20] : memref<10240x128xf32, #tpu.memory_space<vmem_shared>> -> memref<640x128xf32, #tpu.memory_space<vmem_shared>>
      tpu.wait_dma2 semaphore(%run_scoped3A : memref<!tpu.dma_semaphore, #tpu.memory_space<semaphore_mem>>) src(%dma_wait3A_21 : memref<640x128xf32, #tpu.memory_space<vmem_shared>>) dst(%dma_wait3A_19 : memref<640x128xf32, #tpu.memory_space<hbm>>)
      tpu.yield
    }) : () -> ()
    return
  }
}

#map = affine_map<(d0, d1) -> (0, 0)>
#map1 = affine_map<(d0, d1) -> (0, 0, 0)>
module attributes {stable_mosaic.version = 14 : i64} {
  func.func @_agg_kernel(%arg0: i32, %arg1: i32, %arg2: memref<10000x128xf32, #tpu.memory_space<hbm>>, %arg3: memref<32x125x80xi32, #tpu.memory_space<hbm>>, %arg4: memref<32x125x80xi32, #tpu.memory_space<hbm>>, %arg5: memref<10240x128xf32, #tpu.memory_space<hbm>>, %arg6: memref<2x10240x128xf32, #tpu.memory_space<hbm>>, %arg7: memref<125x80xi32, #tpu.memory_space<vmem>>, %arg8: memref<125x80xi32, #tpu.memory_space<vmem>>, %arg9: memref<80x128xf32, #tpu.memory_space<vmem>>, %arg10: memref<10240x128xf32, #tpu.memory_space<vmem_shared>>, %arg11: memref<!tpu.dma_semaphore, #tpu.memory_space<semaphore_mem>>) attributes {dimension_semantics = [#tpu.dimension_semantics<core_parallel>, #tpu.dimension_semantics<subcore_parallel>], iteration_bounds = array<i64: 2, 16>, scalar_prefetch = 0 : i64, scratch_operands = 5 : i64, tpu.core_type = #tpu.core_type<sc_vector_subcore>, window_params = [{transform_indices = #map}, {transform_indices = #map1}, {transform_indices = #map1}, {transform_indices = #map}, {transform_indices = #map1}]} {
    %mul3A = arith.constant 16 : i32
    %mul3A_0 = arith.muli %arg0, %mul3A : i32
    %add3A = arith.addi %mul3A_0, %arg1 : i32
    "tpu.region"() ({
      %run_scoped3A = tpu.sem_alloc : memref<!tpu.dma_semaphore, #tpu.memory_space<semaphore_mem>>
      %dma_start3A = arith.constant 0 : i32
      %dma_start3A_14 = arith.constant 0 : i32
      %dma_start3A_15 = tpu.memref_slice %arg3[%add3A, %dma_start3A, %dma_start3A_14] : memref<32x125x80xi32, #tpu.memory_space<hbm>> -> memref<1x125x80xi32, #tpu.memory_space<hbm>>
      %dma_start3A_16 = tpu.memref_squeeze %dma_start3A_15 : memref<1x125x80xi32, #tpu.memory_space<hbm>> -> memref<125x80xi32, #tpu.memory_space<hbm>>
      %dma_start3A_17 = arith.constant 0 : i32
      %dma_start3A_18 = arith.constant 0 : i32
      %dma_start3A_19 = tpu.memref_slice %arg3[%add3A, %dma_start3A_17, %dma_start3A_18] : memref<32x125x80xi32, #tpu.memory_space<hbm>> -> memref<1x125x80xi32, #tpu.memory_space<hbm>>
      %dma_start3A_20 = tpu.memref_squeeze %dma_start3A_19 : memref<1x125x80xi32, #tpu.memory_space<hbm>> -> memref<125x80xi32, #tpu.memory_space<hbm>>
      tpu.enqueue_dma source(%dma_start3A_20 : memref<125x80xi32, #tpu.memory_space<hbm>>) target(%arg7 : memref<125x80xi32, #tpu.memory_space<vmem>>) target_semaphore(%run_scoped3A : memref<!tpu.dma_semaphore, #tpu.memory_space<semaphore_mem>>)
      %dma_wait3A = arith.constant 0 : i32
      %dma_wait3A_21 = arith.constant 0 : i32
      %dma_wait3A_22 = tpu.memref_slice %arg3[%add3A, %dma_wait3A, %dma_wait3A_21] : memref<32x125x80xi32, #tpu.memory_space<hbm>> -> memref<1x125x80xi32, #tpu.memory_space<hbm>>
      %dma_wait3A_23 = tpu.memref_squeeze %dma_wait3A_22 : memref<1x125x80xi32, #tpu.memory_space<hbm>> -> memref<125x80xi32, #tpu.memory_space<hbm>>
      %dma_wait3A_24 = arith.constant 0 : i32
      %dma_wait3A_25 = arith.constant 0 : i32
      %dma_wait3A_26 = tpu.memref_slice %arg3[%add3A, %dma_wait3A_24, %dma_wait3A_25] : memref<32x125x80xi32, #tpu.memory_space<hbm>> -> memref<1x125x80xi32, #tpu.memory_space<hbm>>
      %dma_wait3A_27 = tpu.memref_squeeze %dma_wait3A_26 : memref<1x125x80xi32, #tpu.memory_space<hbm>> -> memref<125x80xi32, #tpu.memory_space<hbm>>
      tpu.wait_dma2 semaphore(%run_scoped3A : memref<!tpu.dma_semaphore, #tpu.memory_space<semaphore_mem>>) src(%dma_wait3A_27 : memref<125x80xi32, #tpu.memory_space<hbm>>) dst(%arg7 : memref<125x80xi32, #tpu.memory_space<vmem>>)
      tpu.yield
    }) : () -> ()
    "tpu.region"() ({
      %run_scoped3A = tpu.sem_alloc : memref<!tpu.dma_semaphore, #tpu.memory_space<semaphore_mem>>
      %dma_start3A = arith.constant 0 : i32
      %dma_start3A_14 = arith.constant 0 : i32
      %dma_start3A_15 = tpu.memref_slice %arg4[%add3A, %dma_start3A, %dma_start3A_14] : memref<32x125x80xi32, #tpu.memory_space<hbm>> -> memref<1x125x80xi32, #tpu.memory_space<hbm>>
      %dma_start3A_16 = tpu.memref_squeeze %dma_start3A_15 : memref<1x125x80xi32, #tpu.memory_space<hbm>> -> memref<125x80xi32, #tpu.memory_space<hbm>>
      %dma_start3A_17 = arith.constant 0 : i32
      %dma_start3A_18 = arith.constant 0 : i32
      %dma_start3A_19 = tpu.memref_slice %arg4[%add3A, %dma_start3A_17, %dma_start3A_18] : memref<32x125x80xi32, #tpu.memory_space<hbm>> -> memref<1x125x80xi32, #tpu.memory_space<hbm>>
      %dma_start3A_20 = tpu.memref_squeeze %dma_start3A_19 : memref<1x125x80xi32, #tpu.memory_space<hbm>> -> memref<125x80xi32, #tpu.memory_space<hbm>>
      tpu.enqueue_dma source(%dma_start3A_20 : memref<125x80xi32, #tpu.memory_space<hbm>>) target(%arg8 : memref<125x80xi32, #tpu.memory_space<vmem>>) target_semaphore(%run_scoped3A : memref<!tpu.dma_semaphore, #tpu.memory_space<semaphore_mem>>)
      %dma_wait3A = arith.constant 0 : i32
      %dma_wait3A_21 = arith.constant 0 : i32
      %dma_wait3A_22 = tpu.memref_slice %arg4[%add3A, %dma_wait3A, %dma_wait3A_21] : memref<32x125x80xi32, #tpu.memory_space<hbm>> -> memref<1x125x80xi32, #tpu.memory_space<hbm>>
      %dma_wait3A_23 = tpu.memref_squeeze %dma_wait3A_22 : memref<1x125x80xi32, #tpu.memory_space<hbm>> -> memref<125x80xi32, #tpu.memory_space<hbm>>
      %dma_wait3A_24 = arith.constant 0 : i32
      %dma_wait3A_25 = arith.constant 0 : i32
      %dma_wait3A_26 = tpu.memref_slice %arg4[%add3A, %dma_wait3A_24, %dma_wait3A_25] : memref<32x125x80xi32, #tpu.memory_space<hbm>> -> memref<1x125x80xi32, #tpu.memory_space<hbm>>
      %dma_wait3A_27 = tpu.memref_squeeze %dma_wait3A_26 : memref<1x125x80xi32, #tpu.memory_space<hbm>> -> memref<125x80xi32, #tpu.memory_space<hbm>>
      tpu.wait_dma2 semaphore(%run_scoped3A : memref<!tpu.dma_semaphore, #tpu.memory_space<semaphore_mem>>) src(%dma_wait3A_27 : memref<125x80xi32, #tpu.memory_space<hbm>>) dst(%arg8 : memref<125x80xi32, #tpu.memory_space<vmem>>)
      tpu.yield
    }) : () -> ()
    %mul3A_1 = arith.constant 640 : i32
    %mul3A_2 = arith.muli %arg1, %mul3A_1 : i32
    %mul3A_3 = arith.constant 640 : i32
    %mul3A_4 = arith.muli %arg1, %mul3A_3 : i32
    "tpu.region"() ({
      %run_scoped3A = tpu.sem_alloc : memref<!tpu.dma_semaphore, #tpu.memory_space<semaphore_mem>>
      %dma_start3A = arith.constant 0 : i32
      %dma_start3A_14 = tpu.memref_slice %arg10[%mul3A_4, %dma_start3A] : memref<10240x128xf32, #tpu.memory_space<vmem_shared>> -> memref<640x128xf32, #tpu.memory_space<vmem_shared>>
      %dma_start3A_15 = arith.constant 0 : i32
      %dma_start3A_16 = tpu.memref_slice %arg5[%mul3A_2, %dma_start3A_15] : memref<10240x128xf32, #tpu.memory_space<hbm>> -> memref<640x128xf32, #tpu.memory_space<hbm>>
      tpu.enqueue_dma source(%dma_start3A_16 : memref<640x128xf32, #tpu.memory_space<hbm>>) target(%dma_start3A_14 : memref<640x128xf32, #tpu.memory_space<vmem_shared>>) target_semaphore(%run_scoped3A : memref<!tpu.dma_semaphore, #tpu.memory_space<semaphore_mem>>)
      %dma_wait3A = arith.constant 0 : i32
      %dma_wait3A_17 = tpu.memref_slice %arg10[%mul3A_4, %dma_wait3A] : memref<10240x128xf32, #tpu.memory_space<vmem_shared>> -> memref<640x128xf32, #tpu.memory_space<vmem_shared>>
      %dma_wait3A_18 = arith.constant 0 : i32
      %dma_wait3A_19 = tpu.memref_slice %arg5[%mul3A_2, %dma_wait3A_18] : memref<10240x128xf32, #tpu.memory_space<hbm>> -> memref<640x128xf32, #tpu.memory_space<hbm>>
      tpu.wait_dma2 semaphore(%run_scoped3A : memref<!tpu.dma_semaphore, #tpu.memory_space<semaphore_mem>>) src(%dma_wait3A_19 : memref<640x128xf32, #tpu.memory_space<hbm>>) dst(%dma_wait3A_17 : memref<640x128xf32, #tpu.memory_space<vmem_shared>>)
      tpu.yield
    }) : () -> ()
    %barrier3A = arith.constant 0 : index
    tpu.barrier barrier_id(%barrier3A)
    %scan3A = arith.constant 0 : i32
    %scan3A_5 = arith.constant 125 : i32
    %scan3A_6 = arith.addi %scan3A, %scan3A_5 : i32
    %scan3A_7 = arith.constant 1 : i32
    scf.for %scan3A_14 = %scan3A to %scan3A_6 step %scan3A_7  : i32 {
      %mul3A_15 = arith.constant 1 : i32
      %mul3A_16 = arith.muli %scan3A_14, %mul3A_15 : i32
      %add3A_17 = arith.constant 0 : i32
      %add3A_18 = arith.addi %add3A_17, %mul3A_16 : i32
      %dma_start3A = arith.constant 0 : i32
      %dma_start3A_19 = tpu.memref_slice %arg7[%add3A_18, %dma_start3A] : memref<125x80xi32, #tpu.memory_space<vmem>> -> memref<1x80xi32, #tpu.memory_space<vmem>>
      %dma_start3A_20 = tpu.memref_squeeze %dma_start3A_19 : memref<1x80xi32, #tpu.memory_space<vmem>> -> memref<80xi32, #tpu.memory_space<vmem>>
      %dma_start3A_21 = arith.constant 0 : i32
      %dma_start3A_22 = arith.constant 0 : i32
      %dma_start3A_23 = tpu.memref_slice %arg2[%dma_start3A_21, %dma_start3A_22] : memref<10000x128xf32, #tpu.memory_space<hbm>> -> memref<10000x128xf32, #tpu.memory_space<hbm>>
      tpu.enqueue_indirect_dma source(%dma_start3A_23 : memref<10000x128xf32, #tpu.memory_space<hbm>>) target(%arg9 : memref<80x128xf32, #tpu.memory_space<vmem>>) offsets(%dma_start3A_20 : memref<80xi32, #tpu.memory_space<vmem>>) semaphore(%arg11 : memref<!tpu.dma_semaphore, #tpu.memory_space<semaphore_mem>>)
      %dma_wait3A = arith.constant 0 : i32
      %dma_wait3A_24 = tpu.memref_slice %arg7[%add3A_18, %dma_wait3A] : memref<125x80xi32, #tpu.memory_space<vmem>> -> memref<1x80xi32, #tpu.memory_space<vmem>>
      %dma_wait3A_25 = tpu.memref_squeeze %dma_wait3A_24 : memref<1x80xi32, #tpu.memory_space<vmem>> -> memref<80xi32, #tpu.memory_space<vmem>>
      %dma_wait3A_26 = arith.constant 0 : i32
      %dma_wait3A_27 = arith.constant 0 : i32
      %dma_wait3A_28 = tpu.memref_slice %arg2[%dma_wait3A_26, %dma_wait3A_27] : memref<10000x128xf32, #tpu.memory_space<hbm>> -> memref<10000x128xf32, #tpu.memory_space<hbm>>
      tpu.wait_indirect_dma semaphore(%arg11 : memref<!tpu.dma_semaphore, #tpu.memory_space<semaphore_mem>>) src(%dma_wait3A_28 : memref<10000x128xf32, #tpu.memory_space<hbm>>) dst(%arg9 : memref<80x128xf32, #tpu.memory_space<vmem>>)
      "tpu.region"() ({
        %run_scoped3A = tpu.sem_alloc : memref<!tpu.dma_semaphore, #tpu.memory_space<semaphore_mem>>
        %dma_start3A_29 = arith.constant 0 : i32
        %dma_start3A_30 = tpu.memref_slice %arg8[%add3A_18, %dma_start3A_29] : memref<125x80xi32, #tpu.memory_space<vmem>> -> memref<1x80xi32, #tpu.memory_space<vmem>>
        %dma_start3A_31 = tpu.memref_squeeze %dma_start3A_30 : memref<1x80xi32, #tpu.memory_space<vmem>> -> memref<80xi32, #tpu.memory_space<vmem>>
        %dma_start3A_32 = arith.constant 0 : i32
        %dma_start3A_33 = arith.constant 0 : i32
        %dma_start3A_34 = tpu.memref_slice %arg10[%dma_start3A_32, %dma_start3A_33] : memref<10240x128xf32, #tpu.memory_space<vmem_shared>> -> memref<10240x128xf32, #tpu.memory_space<vmem_shared>>
        tpu.enqueue_indirect_dma source(%arg9 : memref<80x128xf32, #tpu.memory_space<vmem>>) target(%dma_start3A_34 : memref<10240x128xf32, #tpu.memory_space<vmem_shared>>) offsets(%dma_start3A_31 : memref<80xi32, #tpu.memory_space<vmem>>) semaphore(%run_scoped3A : memref<!tpu.dma_semaphore, #tpu.memory_space<semaphore_mem>>) {add = true}
        %dma_wait3A_35 = arith.constant 0 : i32
        %dma_wait3A_36 = tpu.memref_slice %arg8[%add3A_18, %dma_wait3A_35] : memref<125x80xi32, #tpu.memory_space<vmem>> -> memref<1x80xi32, #tpu.memory_space<vmem>>
        %dma_wait3A_37 = tpu.memref_squeeze %dma_wait3A_36 : memref<1x80xi32, #tpu.memory_space<vmem>> -> memref<80xi32, #tpu.memory_space<vmem>>
        %dma_wait3A_38 = arith.constant 0 : i32
        %dma_wait3A_39 = arith.constant 0 : i32
        %dma_wait3A_40 = tpu.memref_slice %arg10[%dma_wait3A_38, %dma_wait3A_39] : memref<10240x128xf32, #tpu.memory_space<vmem_shared>> -> memref<10240x128xf32, #tpu.memory_space<vmem_shared>>
        tpu.wait_indirect_dma semaphore(%run_scoped3A : memref<!tpu.dma_semaphore, #tpu.memory_space<semaphore_mem>>) src(%arg9 : memref<80x128xf32, #tpu.memory_space<vmem>>) dst(%dma_wait3A_40 : memref<10240x128xf32, #tpu.memory_space<vmem_shared>>)
        tpu.yield
      }) : () -> ()
    }
    %scan3A_8 = arith.constant 125 : i32
    %barrier3A_9 = arith.constant 0 : index
    tpu.barrier barrier_id(%barrier3A_9)
    %mul3A_10 = arith.constant 640 : i32
    %mul3A_11 = arith.muli %arg1, %mul3A_10 : i32
    %mul3A_12 = arith.constant 640 : i32
    %mul3A_13 = arith.muli %arg1, %mul3A_12 : i32
    "tpu.region"() ({
      %run_scoped3A = tpu.sem_alloc : memref<!tpu.dma_semaphore, #tpu.memory_space<semaphore_mem>>
      %dma_start3A = arith.constant 0 : i32
      %dma_start3A_14 = tpu.memref_slice %arg6[%arg0, %mul3A_13, %dma_start3A] : memref<2x10240x128xf32, #tpu.memory_space<hbm>> -> memref<1x640x128xf32, #tpu.memory_space<hbm>>
      %dma_start3A_15 = tpu.memref_squeeze %dma_start3A_14 : memref<1x640x128xf32, #tpu.memory_space<hbm>> -> memref<640x128xf32, #tpu.memory_space<hbm>>
      %dma_start3A_16 = arith.constant 0 : i32
      %dma_start3A_17 = tpu.memref_slice %arg10[%mul3A_11, %dma_start3A_16] : memref<10240x128xf32, #tpu.memory_space<vmem_shared>> -> memref<640x128xf32, #tpu.memory_space<vmem_shared>>
      tpu.enqueue_dma source(%dma_start3A_17 : memref<640x128xf32, #tpu.memory_space<vmem_shared>>) target(%dma_start3A_15 : memref<640x128xf32, #tpu.memory_space<hbm>>) target_semaphore(%run_scoped3A : memref<!tpu.dma_semaphore, #tpu.memory_space<semaphore_mem>>)
      %dma_wait3A = arith.constant 0 : i32
      %dma_wait3A_18 = tpu.memref_slice %arg6[%arg0, %mul3A_13, %dma_wait3A] : memref<2x10240x128xf32, #tpu.memory_space<hbm>> -> memref<1x640x128xf32, #tpu.memory_space<hbm>>
      %dma_wait3A_19 = tpu.memref_squeeze %dma_wait3A_18 : memref<1x640x128xf32, #tpu.memory_space<hbm>> -> memref<640x128xf32, #tpu.memory_space<hbm>>
      %dma_wait3A_20 = arith.constant 0 : i32
      %dma_wait3A_21 = tpu.memref_slice %arg10[%mul3A_11, %dma_wait3A_20] : memref<10240x128xf32, #tpu.memory_space<vmem_shared>> -> memref<640x128xf32, #tpu.memory_space<vmem_shared>>
      tpu.wait_dma2 semaphore(%run_scoped3A : memref<!tpu.dma_semaphore, #tpu.memory_space<semaphore_mem>>) src(%dma_wait3A_21 : memref<640x128xf32, #tpu.memory_space<vmem_shared>>) dst(%dma_wait3A_19 : memref<640x128xf32, #tpu.memory_space<hbm>>)
      tpu.yield
    }) : () -> ()
    return
  }
}

#map = affine_map<(d0, d1) -> (0, 0)>
#map1 = affine_map<(d0, d1) -> (0, 0, 0)>
module attributes {stable_mosaic.version = 14 : i64} {
  func.func @_agg_kernel(%arg0: i32, %arg1: i32, %arg2: memref<10000x128xf32, #tpu.memory_space<hbm>>, %arg3: memref<32x125x80xi32, #tpu.memory_space<hbm>>, %arg4: memref<32x125x80xi32, #tpu.memory_space<hbm>>, %arg5: memref<10240x128xf32, #tpu.memory_space<hbm>>, %arg6: memref<2x10240x128xf32, #tpu.memory_space<hbm>>, %arg7: memref<125x80xi32, #tpu.memory_space<vmem>>, %arg8: memref<125x80xi32, #tpu.memory_space<vmem>>, %arg9: memref<80x128xf32, #tpu.memory_space<vmem>>, %arg10: memref<10240x128xf32, #tpu.memory_space<vmem_shared>>, %arg11: memref<!tpu.dma_semaphore, #tpu.memory_space<semaphore_mem>>) attributes {dimension_semantics = [#tpu.dimension_semantics<core_parallel>, #tpu.dimension_semantics<subcore_parallel>], iteration_bounds = array<i64: 2, 16>, scalar_prefetch = 0 : i64, scratch_operands = 5 : i64, tpu.core_type = #tpu.core_type<sc_vector_subcore>, window_params = [{transform_indices = #map}, {transform_indices = #map1}, {transform_indices = #map1}, {transform_indices = #map}, {transform_indices = #map1}]} {
    %mul3A = arith.constant 16 : i32
    %mul3A_0 = arith.muli %arg0, %mul3A : i32
    %add3A = arith.addi %mul3A_0, %arg1 : i32
    "tpu.region"() ({
      %run_scoped3A = tpu.sem_alloc : memref<!tpu.dma_semaphore, #tpu.memory_space<semaphore_mem>>
      %dma_start3A = arith.constant 0 : i32
      %dma_start3A_14 = arith.constant 0 : i32
      %dma_start3A_15 = tpu.memref_slice %arg3[%add3A, %dma_start3A, %dma_start3A_14] : memref<32x125x80xi32, #tpu.memory_space<hbm>> -> memref<1x125x80xi32, #tpu.memory_space<hbm>>
      %dma_start3A_16 = tpu.memref_squeeze %dma_start3A_15 : memref<1x125x80xi32, #tpu.memory_space<hbm>> -> memref<125x80xi32, #tpu.memory_space<hbm>>
      %dma_start3A_17 = arith.constant 0 : i32
      %dma_start3A_18 = arith.constant 0 : i32
      %dma_start3A_19 = tpu.memref_slice %arg3[%add3A, %dma_start3A_17, %dma_start3A_18] : memref<32x125x80xi32, #tpu.memory_space<hbm>> -> memref<1x125x80xi32, #tpu.memory_space<hbm>>
      %dma_start3A_20 = tpu.memref_squeeze %dma_start3A_19 : memref<1x125x80xi32, #tpu.memory_space<hbm>> -> memref<125x80xi32, #tpu.memory_space<hbm>>
      tpu.enqueue_dma source(%dma_start3A_20 : memref<125x80xi32, #tpu.memory_space<hbm>>) target(%arg7 : memref<125x80xi32, #tpu.memory_space<vmem>>) target_semaphore(%run_scoped3A : memref<!tpu.dma_semaphore, #tpu.memory_space<semaphore_mem>>)
      %dma_wait3A = arith.constant 0 : i32
      %dma_wait3A_21 = arith.constant 0 : i32
      %dma_wait3A_22 = tpu.memref_slice %arg3[%add3A, %dma_wait3A, %dma_wait3A_21] : memref<32x125x80xi32, #tpu.memory_space<hbm>> -> memref<1x125x80xi32, #tpu.memory_space<hbm>>
      %dma_wait3A_23 = tpu.memref_squeeze %dma_wait3A_22 : memref<1x125x80xi32, #tpu.memory_space<hbm>> -> memref<125x80xi32, #tpu.memory_space<hbm>>
      %dma_wait3A_24 = arith.constant 0 : i32
      %dma_wait3A_25 = arith.constant 0 : i32
      %dma_wait3A_26 = tpu.memref_slice %arg3[%add3A, %dma_wait3A_24, %dma_wait3A_25] : memref<32x125x80xi32, #tpu.memory_space<hbm>> -> memref<1x125x80xi32, #tpu.memory_space<hbm>>
      %dma_wait3A_27 = tpu.memref_squeeze %dma_wait3A_26 : memref<1x125x80xi32, #tpu.memory_space<hbm>> -> memref<125x80xi32, #tpu.memory_space<hbm>>
      tpu.wait_dma2 semaphore(%run_scoped3A : memref<!tpu.dma_semaphore, #tpu.memory_space<semaphore_mem>>) src(%dma_wait3A_27 : memref<125x80xi32, #tpu.memory_space<hbm>>) dst(%arg7 : memref<125x80xi32, #tpu.memory_space<vmem>>)
      tpu.yield
    }) : () -> ()
    "tpu.region"() ({
      %run_scoped3A = tpu.sem_alloc : memref<!tpu.dma_semaphore, #tpu.memory_space<semaphore_mem>>
      %dma_start3A = arith.constant 0 : i32
      %dma_start3A_14 = arith.constant 0 : i32
      %dma_start3A_15 = tpu.memref_slice %arg4[%add3A, %dma_start3A, %dma_start3A_14] : memref<32x125x80xi32, #tpu.memory_space<hbm>> -> memref<1x125x80xi32, #tpu.memory_space<hbm>>
      %dma_start3A_16 = tpu.memref_squeeze %dma_start3A_15 : memref<1x125x80xi32, #tpu.memory_space<hbm>> -> memref<125x80xi32, #tpu.memory_space<hbm>>
      %dma_start3A_17 = arith.constant 0 : i32
      %dma_start3A_18 = arith.constant 0 : i32
      %dma_start3A_19 = tpu.memref_slice %arg4[%add3A, %dma_start3A_17, %dma_start3A_18] : memref<32x125x80xi32, #tpu.memory_space<hbm>> -> memref<1x125x80xi32, #tpu.memory_space<hbm>>
      %dma_start3A_20 = tpu.memref_squeeze %dma_start3A_19 : memref<1x125x80xi32, #tpu.memory_space<hbm>> -> memref<125x80xi32, #tpu.memory_space<hbm>>
      tpu.enqueue_dma source(%dma_start3A_20 : memref<125x80xi32, #tpu.memory_space<hbm>>) target(%arg8 : memref<125x80xi32, #tpu.memory_space<vmem>>) target_semaphore(%run_scoped3A : memref<!tpu.dma_semaphore, #tpu.memory_space<semaphore_mem>>)
      %dma_wait3A = arith.constant 0 : i32
      %dma_wait3A_21 = arith.constant 0 : i32
      %dma_wait3A_22 = tpu.memref_slice %arg4[%add3A, %dma_wait3A, %dma_wait3A_21] : memref<32x125x80xi32, #tpu.memory_space<hbm>> -> memref<1x125x80xi32, #tpu.memory_space<hbm>>
      %dma_wait3A_23 = tpu.memref_squeeze %dma_wait3A_22 : memref<1x125x80xi32, #tpu.memory_space<hbm>> -> memref<125x80xi32, #tpu.memory_space<hbm>>
      %dma_wait3A_24 = arith.constant 0 : i32
      %dma_wait3A_25 = arith.constant 0 : i32
      %dma_wait3A_26 = tpu.memref_slice %arg4[%add3A, %dma_wait3A_24, %dma_wait3A_25] : memref<32x125x80xi32, #tpu.memory_space<hbm>> -> memref<1x125x80xi32, #tpu.memory_space<hbm>>
      %dma_wait3A_27 = tpu.memref_squeeze %dma_wait3A_26 : memref<1x125x80xi32, #tpu.memory_space<hbm>> -> memref<125x80xi32, #tpu.memory_space<hbm>>
      tpu.wait_dma2 semaphore(%run_scoped3A : memref<!tpu.dma_semaphore, #tpu.memory_space<semaphore_mem>>) src(%dma_wait3A_27 : memref<125x80xi32, #tpu.memory_space<hbm>>) dst(%arg8 : memref<125x80xi32, #tpu.memory_space<vmem>>)
      tpu.yield
    }) : () -> ()
    %mul3A_1 = arith.constant 640 : i32
    %mul3A_2 = arith.muli %arg1, %mul3A_1 : i32
    %mul3A_3 = arith.constant 640 : i32
    %mul3A_4 = arith.muli %arg1, %mul3A_3 : i32
    "tpu.region"() ({
      %run_scoped3A = tpu.sem_alloc : memref<!tpu.dma_semaphore, #tpu.memory_space<semaphore_mem>>
      %dma_start3A = arith.constant 0 : i32
      %dma_start3A_14 = tpu.memref_slice %arg10[%mul3A_4, %dma_start3A] : memref<10240x128xf32, #tpu.memory_space<vmem_shared>> -> memref<640x128xf32, #tpu.memory_space<vmem_shared>>
      %dma_start3A_15 = arith.constant 0 : i32
      %dma_start3A_16 = tpu.memref_slice %arg5[%mul3A_2, %dma_start3A_15] : memref<10240x128xf32, #tpu.memory_space<hbm>> -> memref<640x128xf32, #tpu.memory_space<hbm>>
      tpu.enqueue_dma source(%dma_start3A_16 : memref<640x128xf32, #tpu.memory_space<hbm>>) target(%dma_start3A_14 : memref<640x128xf32, #tpu.memory_space<vmem_shared>>) target_semaphore(%run_scoped3A : memref<!tpu.dma_semaphore, #tpu.memory_space<semaphore_mem>>)
      %dma_wait3A = arith.constant 0 : i32
      %dma_wait3A_17 = tpu.memref_slice %arg10[%mul3A_4, %dma_wait3A] : memref<10240x128xf32, #tpu.memory_space<vmem_shared>> -> memref<640x128xf32, #tpu.memory_space<vmem_shared>>
      %dma_wait3A_18 = arith.constant 0 : i32
      %dma_wait3A_19 = tpu.memref_slice %arg5[%mul3A_2, %dma_wait3A_18] : memref<10240x128xf32, #tpu.memory_space<hbm>> -> memref<640x128xf32, #tpu.memory_space<hbm>>
      tpu.wait_dma2 semaphore(%run_scoped3A : memref<!tpu.dma_semaphore, #tpu.memory_space<semaphore_mem>>) src(%dma_wait3A_19 : memref<640x128xf32, #tpu.memory_space<hbm>>) dst(%dma_wait3A_17 : memref<640x128xf32, #tpu.memory_space<vmem_shared>>)
      tpu.yield
    }) : () -> ()
    %barrier3A = arith.constant 0 : index
    tpu.barrier barrier_id(%barrier3A)
    %scan3A = arith.constant 0 : i32
    %scan3A_5 = arith.constant 125 : i32
    %scan3A_6 = arith.addi %scan3A, %scan3A_5 : i32
    %scan3A_7 = arith.constant 1 : i32
    scf.for %scan3A_14 = %scan3A to %scan3A_6 step %scan3A_7  : i32 {
      %mul3A_15 = arith.constant 1 : i32
      %mul3A_16 = arith.muli %scan3A_14, %mul3A_15 : i32
      %add3A_17 = arith.constant 0 : i32
      %add3A_18 = arith.addi %add3A_17, %mul3A_16 : i32
      %dma_start3A = arith.constant 0 : i32
      %dma_start3A_19 = tpu.memref_slice %arg7[%add3A_18, %dma_start3A] : memref<125x80xi32, #tpu.memory_space<vmem>> -> memref<1x80xi32, #tpu.memory_space<vmem>>
      %dma_start3A_20 = tpu.memref_squeeze %dma_start3A_19 : memref<1x80xi32, #tpu.memory_space<vmem>> -> memref<80xi32, #tpu.memory_space<vmem>>
      %dma_start3A_21 = arith.constant 0 : i32
      %dma_start3A_22 = arith.constant 0 : i32
      %dma_start3A_23 = tpu.memref_slice %arg2[%dma_start3A_21, %dma_start3A_22] : memref<10000x128xf32, #tpu.memory_space<hbm>> -> memref<10000x128xf32, #tpu.memory_space<hbm>>
      tpu.enqueue_indirect_dma source(%dma_start3A_23 : memref<10000x128xf32, #tpu.memory_space<hbm>>) target(%arg9 : memref<80x128xf32, #tpu.memory_space<vmem>>) offsets(%dma_start3A_20 : memref<80xi32, #tpu.memory_space<vmem>>) semaphore(%arg11 : memref<!tpu.dma_semaphore, #tpu.memory_space<semaphore_mem>>)
      %dma_wait3A = arith.constant 0 : i32
      %dma_wait3A_24 = tpu.memref_slice %arg7[%add3A_18, %dma_wait3A] : memref<125x80xi32, #tpu.memory_space<vmem>> -> memref<1x80xi32, #tpu.memory_space<vmem>>
      %dma_wait3A_25 = tpu.memref_squeeze %dma_wait3A_24 : memref<1x80xi32, #tpu.memory_space<vmem>> -> memref<80xi32, #tpu.memory_space<vmem>>
      %dma_wait3A_26 = arith.constant 0 : i32
      %dma_wait3A_27 = arith.constant 0 : i32
      %dma_wait3A_28 = tpu.memref_slice %arg2[%dma_wait3A_26, %dma_wait3A_27] : memref<10000x128xf32, #tpu.memory_space<hbm>> -> memref<10000x128xf32, #tpu.memory_space<hbm>>
      tpu.wait_indirect_dma semaphore(%arg11 : memref<!tpu.dma_semaphore, #tpu.memory_space<semaphore_mem>>) src(%dma_wait3A_28 : memref<10000x128xf32, #tpu.memory_space<hbm>>) dst(%arg9 : memref<80x128xf32, #tpu.memory_space<vmem>>)
      "tpu.region"() ({
        %run_scoped3A = tpu.sem_alloc : memref<!tpu.dma_semaphore, #tpu.memory_space<semaphore_mem>>
        %dma_start3A_29 = arith.constant 0 : i32
        %dma_start3A_30 = tpu.memref_slice %arg8[%add3A_18, %dma_start3A_29] : memref<125x80xi32, #tpu.memory_space<vmem>> -> memref<1x80xi32, #tpu.memory_space<vmem>>
        %dma_start3A_31 = tpu.memref_squeeze %dma_start3A_30 : memref<1x80xi32, #tpu.memory_space<vmem>> -> memref<80xi32, #tpu.memory_space<vmem>>
        %dma_start3A_32 = arith.constant 0 : i32
        %dma_start3A_33 = arith.constant 0 : i32
        %dma_start3A_34 = tpu.memref_slice %arg10[%dma_start3A_32, %dma_start3A_33] : memref<10240x128xf32, #tpu.memory_space<vmem_shared>> -> memref<10240x128xf32, #tpu.memory_space<vmem_shared>>
        tpu.enqueue_indirect_dma source(%arg9 : memref<80x128xf32, #tpu.memory_space<vmem>>) target(%dma_start3A_34 : memref<10240x128xf32, #tpu.memory_space<vmem_shared>>) offsets(%dma_start3A_31 : memref<80xi32, #tpu.memory_space<vmem>>) semaphore(%run_scoped3A : memref<!tpu.dma_semaphore, #tpu.memory_space<semaphore_mem>>) {add = true}
        %dma_wait3A_35 = arith.constant 0 : i32
        %dma_wait3A_36 = tpu.memref_slice %arg8[%add3A_18, %dma_wait3A_35] : memref<125x80xi32, #tpu.memory_space<vmem>> -> memref<1x80xi32, #tpu.memory_space<vmem>>
        %dma_wait3A_37 = tpu.memref_squeeze %dma_wait3A_36 : memref<1x80xi32, #tpu.memory_space<vmem>> -> memref<80xi32, #tpu.memory_space<vmem>>
        %dma_wait3A_38 = arith.constant 0 : i32
        %dma_wait3A_39 = arith.constant 0 : i32
        %dma_wait3A_40 = tpu.memref_slice %arg10[%dma_wait3A_38, %dma_wait3A_39] : memref<10240x128xf32, #tpu.memory_space<vmem_shared>> -> memref<10240x128xf32, #tpu.memory_space<vmem_shared>>
        tpu.wait_indirect_dma semaphore(%run_scoped3A : memref<!tpu.dma_semaphore, #tpu.memory_space<semaphore_mem>>) src(%arg9 : memref<80x128xf32, #tpu.memory_space<vmem>>) dst(%dma_wait3A_40 : memref<10240x128xf32, #tpu.memory_space<vmem_shared>>)
        tpu.yield
      }) : () -> ()
    }
    %scan3A_8 = arith.constant 125 : i32
    %barrier3A_9 = arith.constant 0 : index
    tpu.barrier barrier_id(%barrier3A_9)
    %mul3A_10 = arith.constant 640 : i32
    %mul3A_11 = arith.muli %arg1, %mul3A_10 : i32
    %mul3A_12 = arith.constant 640 : i32
    %mul3A_13 = arith.muli %arg1, %mul3A_12 : i32
    "tpu.region"() ({
      %run_scoped3A = tpu.sem_alloc : memref<!tpu.dma_semaphore, #tpu.memory_space<semaphore_mem>>
      %dma_start3A = arith.constant 0 : i32
      %dma_start3A_14 = tpu.memref_slice %arg6[%arg0, %mul3A_13, %dma_start3A] : memref<2x10240x128xf32, #tpu.memory_space<hbm>> -> memref<1x640x128xf32, #tpu.memory_space<hbm>>
      %dma_start3A_15 = tpu.memref_squeeze %dma_start3A_14 : memref<1x640x128xf32, #tpu.memory_space<hbm>> -> memref<640x128xf32, #tpu.memory_space<hbm>>
      %dma_start3A_16 = arith.constant 0 : i32
      %dma_start3A_17 = tpu.memref_slice %arg10[%mul3A_11, %dma_start3A_16] : memref<10240x128xf32, #tpu.memory_space<vmem_shared>> -> memref<640x128xf32, #tpu.memory_space<vmem_shared>>
      tpu.enqueue_dma source(%dma_start3A_17 : memref<640x128xf32, #tpu.memory_space<vmem_shared>>) target(%dma_start3A_15 : memref<640x128xf32, #tpu.memory_space<hbm>>) target_semaphore(%run_scoped3A : memref<!tpu.dma_semaphore, #tpu.memory_space<semaphore_mem>>)
      %dma_wait3A = arith.constant 0 : i32
      %dma_wait3A_18 = tpu.memref_slice %arg6[%arg0, %mul3A_13, %dma_wait3A] : memref<2x10240x128xf32, #tpu.memory_space<hbm>> -> memref<1x640x128xf32, #tpu.memory_space<hbm>>
      %dma_wait3A_19 = tpu.memref_squeeze %dma_wait3A_18 : memref<1x640x128xf32, #tpu.memory_space<hbm>> -> memref<640x128xf32, #tpu.memory_space<hbm>>
      %dma_wait3A_20 = arith.constant 0 : i32
      %dma_wait3A_21 = tpu.memref_slice %arg10[%mul3A_11, %dma_wait3A_20] : memref<10240x128xf32, #tpu.memory_space<vmem_shared>> -> memref<640x128xf32, #tpu.memory_space<vmem_shared>>
      tpu.wait_dma2 semaphore(%run_scoped3A : memref<!tpu.dma_semaphore, #tpu.memory_space<semaphore_mem>>) src(%dma_wait3A_21 : memref<640x128xf32, #tpu.memory_space<vmem_shared>>) dst(%dma_wait3A_19 : memref<640x128xf32, #tpu.memory_space<hbm>>)
      tpu.yield
    }) : () -> ()
    return
  }
}

#map = affine_map<(d0, d1) -> (0, 0)>
#map1 = affine_map<(d0, d1) -> (0, 0, 0)>
module attributes {stable_mosaic.version = 14 : i64} {
  func.func @_agg_kernel(%arg0: i32, %arg1: i32, %arg2: memref<10000x128xf32, #tpu.memory_space<hbm>>, %arg3: memref<32x125x80xi32, #tpu.memory_space<hbm>>, %arg4: memref<32x125x80xi32, #tpu.memory_space<hbm>>, %arg5: memref<10240x128xf32, #tpu.memory_space<hbm>>, %arg6: memref<2x10240x128xf32, #tpu.memory_space<hbm>>, %arg7: memref<125x80xi32, #tpu.memory_space<vmem>>, %arg8: memref<125x80xi32, #tpu.memory_space<vmem>>, %arg9: memref<80x128xf32, #tpu.memory_space<vmem>>, %arg10: memref<10240x128xf32, #tpu.memory_space<vmem_shared>>, %arg11: memref<!tpu.dma_semaphore, #tpu.memory_space<semaphore_mem>>) attributes {dimension_semantics = [#tpu.dimension_semantics<core_parallel>, #tpu.dimension_semantics<subcore_parallel>], iteration_bounds = array<i64: 2, 16>, scalar_prefetch = 0 : i64, scratch_operands = 5 : i64, tpu.core_type = #tpu.core_type<sc_vector_subcore>, window_params = [{transform_indices = #map}, {transform_indices = #map1}, {transform_indices = #map1}, {transform_indices = #map}, {transform_indices = #map1}]} {
    %mul3A = arith.constant 16 : i32
    %mul3A_0 = arith.muli %arg0, %mul3A : i32
    %add3A = arith.addi %mul3A_0, %arg1 : i32
    "tpu.region"() ({
      %run_scoped3A = tpu.sem_alloc : memref<!tpu.dma_semaphore, #tpu.memory_space<semaphore_mem>>
      %dma_start3A = arith.constant 0 : i32
      %dma_start3A_14 = arith.constant 0 : i32
      %dma_start3A_15 = tpu.memref_slice %arg3[%add3A, %dma_start3A, %dma_start3A_14] : memref<32x125x80xi32, #tpu.memory_space<hbm>> -> memref<1x125x80xi32, #tpu.memory_space<hbm>>
      %dma_start3A_16 = tpu.memref_squeeze %dma_start3A_15 : memref<1x125x80xi32, #tpu.memory_space<hbm>> -> memref<125x80xi32, #tpu.memory_space<hbm>>
      %dma_start3A_17 = arith.constant 0 : i32
      %dma_start3A_18 = arith.constant 0 : i32
      %dma_start3A_19 = tpu.memref_slice %arg3[%add3A, %dma_start3A_17, %dma_start3A_18] : memref<32x125x80xi32, #tpu.memory_space<hbm>> -> memref<1x125x80xi32, #tpu.memory_space<hbm>>
      %dma_start3A_20 = tpu.memref_squeeze %dma_start3A_19 : memref<1x125x80xi32, #tpu.memory_space<hbm>> -> memref<125x80xi32, #tpu.memory_space<hbm>>
      tpu.enqueue_dma source(%dma_start3A_20 : memref<125x80xi32, #tpu.memory_space<hbm>>) target(%arg7 : memref<125x80xi32, #tpu.memory_space<vmem>>) target_semaphore(%run_scoped3A : memref<!tpu.dma_semaphore, #tpu.memory_space<semaphore_mem>>)
      %dma_wait3A = arith.constant 0 : i32
      %dma_wait3A_21 = arith.constant 0 : i32
      %dma_wait3A_22 = tpu.memref_slice %arg3[%add3A, %dma_wait3A, %dma_wait3A_21] : memref<32x125x80xi32, #tpu.memory_space<hbm>> -> memref<1x125x80xi32, #tpu.memory_space<hbm>>
      %dma_wait3A_23 = tpu.memref_squeeze %dma_wait3A_22 : memref<1x125x80xi32, #tpu.memory_space<hbm>> -> memref<125x80xi32, #tpu.memory_space<hbm>>
      %dma_wait3A_24 = arith.constant 0 : i32
      %dma_wait3A_25 = arith.constant 0 : i32
      %dma_wait3A_26 = tpu.memref_slice %arg3[%add3A, %dma_wait3A_24, %dma_wait3A_25] : memref<32x125x80xi32, #tpu.memory_space<hbm>> -> memref<1x125x80xi32, #tpu.memory_space<hbm>>
      %dma_wait3A_27 = tpu.memref_squeeze %dma_wait3A_26 : memref<1x125x80xi32, #tpu.memory_space<hbm>> -> memref<125x80xi32, #tpu.memory_space<hbm>>
      tpu.wait_dma2 semaphore(%run_scoped3A : memref<!tpu.dma_semaphore, #tpu.memory_space<semaphore_mem>>) src(%dma_wait3A_27 : memref<125x80xi32, #tpu.memory_space<hbm>>) dst(%arg7 : memref<125x80xi32, #tpu.memory_space<vmem>>)
      tpu.yield
    }) : () -> ()
    "tpu.region"() ({
      %run_scoped3A = tpu.sem_alloc : memref<!tpu.dma_semaphore, #tpu.memory_space<semaphore_mem>>
      %dma_start3A = arith.constant 0 : i32
      %dma_start3A_14 = arith.constant 0 : i32
      %dma_start3A_15 = tpu.memref_slice %arg4[%add3A, %dma_start3A, %dma_start3A_14] : memref<32x125x80xi32, #tpu.memory_space<hbm>> -> memref<1x125x80xi32, #tpu.memory_space<hbm>>
      %dma_start3A_16 = tpu.memref_squeeze %dma_start3A_15 : memref<1x125x80xi32, #tpu.memory_space<hbm>> -> memref<125x80xi32, #tpu.memory_space<hbm>>
      %dma_start3A_17 = arith.constant 0 : i32
      %dma_start3A_18 = arith.constant 0 : i32
      %dma_start3A_19 = tpu.memref_slice %arg4[%add3A, %dma_start3A_17, %dma_start3A_18] : memref<32x125x80xi32, #tpu.memory_space<hbm>> -> memref<1x125x80xi32, #tpu.memory_space<hbm>>
      %dma_start3A_20 = tpu.memref_squeeze %dma_start3A_19 : memref<1x125x80xi32, #tpu.memory_space<hbm>> -> memref<125x80xi32, #tpu.memory_space<hbm>>
      tpu.enqueue_dma source(%dma_start3A_20 : memref<125x80xi32, #tpu.memory_space<hbm>>) target(%arg8 : memref<125x80xi32, #tpu.memory_space<vmem>>) target_semaphore(%run_scoped3A : memref<!tpu.dma_semaphore, #tpu.memory_space<semaphore_mem>>)
      %dma_wait3A = arith.constant 0 : i32
      %dma_wait3A_21 = arith.constant 0 : i32
      %dma_wait3A_22 = tpu.memref_slice %arg4[%add3A, %dma_wait3A, %dma_wait3A_21] : memref<32x125x80xi32, #tpu.memory_space<hbm>> -> memref<1x125x80xi32, #tpu.memory_space<hbm>>
      %dma_wait3A_23 = tpu.memref_squeeze %dma_wait3A_22 : memref<1x125x80xi32, #tpu.memory_space<hbm>> -> memref<125x80xi32, #tpu.memory_space<hbm>>
      %dma_wait3A_24 = arith.constant 0 : i32
      %dma_wait3A_25 = arith.constant 0 : i32
      %dma_wait3A_26 = tpu.memref_slice %arg4[%add3A, %dma_wait3A_24, %dma_wait3A_25] : memref<32x125x80xi32, #tpu.memory_space<hbm>> -> memref<1x125x80xi32, #tpu.memory_space<hbm>>
      %dma_wait3A_27 = tpu.memref_squeeze %dma_wait3A_26 : memref<1x125x80xi32, #tpu.memory_space<hbm>> -> memref<125x80xi32, #tpu.memory_space<hbm>>
      tpu.wait_dma2 semaphore(%run_scoped3A : memref<!tpu.dma_semaphore, #tpu.memory_space<semaphore_mem>>) src(%dma_wait3A_27 : memref<125x80xi32, #tpu.memory_space<hbm>>) dst(%arg8 : memref<125x80xi32, #tpu.memory_space<vmem>>)
      tpu.yield
    }) : () -> ()
    %mul3A_1 = arith.constant 640 : i32
    %mul3A_2 = arith.muli %arg1, %mul3A_1 : i32
    %mul3A_3 = arith.constant 640 : i32
    %mul3A_4 = arith.muli %arg1, %mul3A_3 : i32
    "tpu.region"() ({
      %run_scoped3A = tpu.sem_alloc : memref<!tpu.dma_semaphore, #tpu.memory_space<semaphore_mem>>
      %dma_start3A = arith.constant 0 : i32
      %dma_start3A_14 = tpu.memref_slice %arg10[%mul3A_4, %dma_start3A] : memref<10240x128xf32, #tpu.memory_space<vmem_shared>> -> memref<640x128xf32, #tpu.memory_space<vmem_shared>>
      %dma_start3A_15 = arith.constant 0 : i32
      %dma_start3A_16 = tpu.memref_slice %arg5[%mul3A_2, %dma_start3A_15] : memref<10240x128xf32, #tpu.memory_space<hbm>> -> memref<640x128xf32, #tpu.memory_space<hbm>>
      tpu.enqueue_dma source(%dma_start3A_16 : memref<640x128xf32, #tpu.memory_space<hbm>>) target(%dma_start3A_14 : memref<640x128xf32, #tpu.memory_space<vmem_shared>>) target_semaphore(%run_scoped3A : memref<!tpu.dma_semaphore, #tpu.memory_space<semaphore_mem>>)
      %dma_wait3A = arith.constant 0 : i32
      %dma_wait3A_17 = tpu.memref_slice %arg10[%mul3A_4, %dma_wait3A] : memref<10240x128xf32, #tpu.memory_space<vmem_shared>> -> memref<640x128xf32, #tpu.memory_space<vmem_shared>>
      %dma_wait3A_18 = arith.constant 0 : i32
      %dma_wait3A_19 = tpu.memref_slice %arg5[%mul3A_2, %dma_wait3A_18] : memref<10240x128xf32, #tpu.memory_space<hbm>> -> memref<640x128xf32, #tpu.memory_space<hbm>>
      tpu.wait_dma2 semaphore(%run_scoped3A : memref<!tpu.dma_semaphore, #tpu.memory_space<semaphore_mem>>) src(%dma_wait3A_19 : memref<640x128xf32, #tpu.memory_space<hbm>>) dst(%dma_wait3A_17 : memref<640x128xf32, #tpu.memory_space<vmem_shared>>)
      tpu.yield
    }) : () -> ()
    %barrier3A = arith.constant 0 : index
    tpu.barrier barrier_id(%barrier3A)
    %scan3A = arith.constant 0 : i32
    %scan3A_5 = arith.constant 125 : i32
    %scan3A_6 = arith.addi %scan3A, %scan3A_5 : i32
    %scan3A_7 = arith.constant 1 : i32
    scf.for %scan3A_14 = %scan3A to %scan3A_6 step %scan3A_7  : i32 {
      %mul3A_15 = arith.constant 1 : i32
      %mul3A_16 = arith.muli %scan3A_14, %mul3A_15 : i32
      %add3A_17 = arith.constant 0 : i32
      %add3A_18 = arith.addi %add3A_17, %mul3A_16 : i32
      %dma_start3A = arith.constant 0 : i32
      %dma_start3A_19 = tpu.memref_slice %arg7[%add3A_18, %dma_start3A] : memref<125x80xi32, #tpu.memory_space<vmem>> -> memref<1x80xi32, #tpu.memory_space<vmem>>
      %dma_start3A_20 = tpu.memref_squeeze %dma_start3A_19 : memref<1x80xi32, #tpu.memory_space<vmem>> -> memref<80xi32, #tpu.memory_space<vmem>>
      %dma_start3A_21 = arith.constant 0 : i32
      %dma_start3A_22 = arith.constant 0 : i32
      %dma_start3A_23 = tpu.memref_slice %arg2[%dma_start3A_21, %dma_start3A_22] : memref<10000x128xf32, #tpu.memory_space<hbm>> -> memref<10000x128xf32, #tpu.memory_space<hbm>>
      tpu.enqueue_indirect_dma source(%dma_start3A_23 : memref<10000x128xf32, #tpu.memory_space<hbm>>) target(%arg9 : memref<80x128xf32, #tpu.memory_space<vmem>>) offsets(%dma_start3A_20 : memref<80xi32, #tpu.memory_space<vmem>>) semaphore(%arg11 : memref<!tpu.dma_semaphore, #tpu.memory_space<semaphore_mem>>)
      %dma_wait3A = arith.constant 0 : i32
      %dma_wait3A_24 = tpu.memref_slice %arg7[%add3A_18, %dma_wait3A] : memref<125x80xi32, #tpu.memory_space<vmem>> -> memref<1x80xi32, #tpu.memory_space<vmem>>
      %dma_wait3A_25 = tpu.memref_squeeze %dma_wait3A_24 : memref<1x80xi32, #tpu.memory_space<vmem>> -> memref<80xi32, #tpu.memory_space<vmem>>
      %dma_wait3A_26 = arith.constant 0 : i32
      %dma_wait3A_27 = arith.constant 0 : i32
      %dma_wait3A_28 = tpu.memref_slice %arg2[%dma_wait3A_26, %dma_wait3A_27] : memref<10000x128xf32, #tpu.memory_space<hbm>> -> memref<10000x128xf32, #tpu.memory_space<hbm>>
      tpu.wait_indirect_dma semaphore(%arg11 : memref<!tpu.dma_semaphore, #tpu.memory_space<semaphore_mem>>) src(%dma_wait3A_28 : memref<10000x128xf32, #tpu.memory_space<hbm>>) dst(%arg9 : memref<80x128xf32, #tpu.memory_space<vmem>>)
      "tpu.region"() ({
        %run_scoped3A = tpu.sem_alloc : memref<!tpu.dma_semaphore, #tpu.memory_space<semaphore_mem>>
        %dma_start3A_29 = arith.constant 0 : i32
        %dma_start3A_30 = tpu.memref_slice %arg8[%add3A_18, %dma_start3A_29] : memref<125x80xi32, #tpu.memory_space<vmem>> -> memref<1x80xi32, #tpu.memory_space<vmem>>
        %dma_start3A_31 = tpu.memref_squeeze %dma_start3A_30 : memref<1x80xi32, #tpu.memory_space<vmem>> -> memref<80xi32, #tpu.memory_space<vmem>>
        %dma_start3A_32 = arith.constant 0 : i32
        %dma_start3A_33 = arith.constant 0 : i32
        %dma_start3A_34 = tpu.memref_slice %arg10[%dma_start3A_32, %dma_start3A_33] : memref<10240x128xf32, #tpu.memory_space<vmem_shared>> -> memref<10240x128xf32, #tpu.memory_space<vmem_shared>>
        tpu.enqueue_indirect_dma source(%arg9 : memref<80x128xf32, #tpu.memory_space<vmem>>) target(%dma_start3A_34 : memref<10240x128xf32, #tpu.memory_space<vmem_shared>>) offsets(%dma_start3A_31 : memref<80xi32, #tpu.memory_space<vmem>>) semaphore(%run_scoped3A : memref<!tpu.dma_semaphore, #tpu.memory_space<semaphore_mem>>) {add = true}
        %dma_wait3A_35 = arith.constant 0 : i32
        %dma_wait3A_36 = tpu.memref_slice %arg8[%add3A_18, %dma_wait3A_35] : memref<125x80xi32, #tpu.memory_space<vmem>> -> memref<1x80xi32, #tpu.memory_space<vmem>>
        %dma_wait3A_37 = tpu.memref_squeeze %dma_wait3A_36 : memref<1x80xi32, #tpu.memory_space<vmem>> -> memref<80xi32, #tpu.memory_space<vmem>>
        %dma_wait3A_38 = arith.constant 0 : i32
        %dma_wait3A_39 = arith.constant 0 : i32
        %dma_wait3A_40 = tpu.memref_slice %arg10[%dma_wait3A_38, %dma_wait3A_39] : memref<10240x128xf32, #tpu.memory_space<vmem_shared>> -> memref<10240x128xf32, #tpu.memory_space<vmem_shared>>
        tpu.wait_indirect_dma semaphore(%run_scoped3A : memref<!tpu.dma_semaphore, #tpu.memory_space<semaphore_mem>>) src(%arg9 : memref<80x128xf32, #tpu.memory_space<vmem>>) dst(%dma_wait3A_40 : memref<10240x128xf32, #tpu.memory_space<vmem_shared>>)
        tpu.yield
      }) : () -> ()
    }
    %scan3A_8 = arith.constant 125 : i32
    %barrier3A_9 = arith.constant 0 : index
    tpu.barrier barrier_id(%barrier3A_9)
    %mul3A_10 = arith.constant 640 : i32
    %mul3A_11 = arith.muli %arg1, %mul3A_10 : i32
    %mul3A_12 = arith.constant 640 : i32
    %mul3A_13 = arith.muli %arg1, %mul3A_12 : i32
    "tpu.region"() ({
      %run_scoped3A = tpu.sem_alloc : memref<!tpu.dma_semaphore, #tpu.memory_space<semaphore_mem>>
      %dma_start3A = arith.constant 0 : i32
      %dma_start3A_14 = tpu.memref_slice %arg6[%arg0, %mul3A_13, %dma_start3A] : memref<2x10240x128xf32, #tpu.memory_space<hbm>> -> memref<1x640x128xf32, #tpu.memory_space<hbm>>
      %dma_start3A_15 = tpu.memref_squeeze %dma_start3A_14 : memref<1x640x128xf32, #tpu.memory_space<hbm>> -> memref<640x128xf32, #tpu.memory_space<hbm>>
      %dma_start3A_16 = arith.constant 0 : i32
      %dma_start3A_17 = tpu.memref_slice %arg10[%mul3A_11, %dma_start3A_16] : memref<10240x128xf32, #tpu.memory_space<vmem_shared>> -> memref<640x128xf32, #tpu.memory_space<vmem_shared>>
      tpu.enqueue_dma source(%dma_start3A_17 : memref<640x128xf32, #tpu.memory_space<vmem_shared>>) target(%dma_start3A_15 : memref<640x128xf32, #tpu.memory_space<hbm>>) target_semaphore(%run_scoped3A : memref<!tpu.dma_semaphore, #tpu.memory_space<semaphore_mem>>)
      %dma_wait3A = arith.constant 0 : i32
      %dma_wait3A_18 = tpu.memref_slice %arg6[%arg0, %mul3A_13, %dma_wait3A] : memref<2x10240x128xf32, #tpu.memory_space<hbm>> -> memref<1x640x128xf32, #tpu.memory_space<hbm>>
      %dma_wait3A_19 = tpu.memref_squeeze %dma_wait3A_18 : memref<1x640x128xf32, #tpu.memory_space<hbm>> -> memref<640x128xf32, #tpu.memory_space<hbm>>
      %dma_wait3A_20 = arith.constant 0 : i32
      %dma_wait3A_21 = tpu.memref_slice %arg10[%mul3A_11, %dma_wait3A_20] : memref<10240x128xf32, #tpu.memory_space<vmem_shared>> -> memref<640x128xf32, #tpu.memory_space<vmem_shared>>
      tpu.wait_dma2 semaphore(%run_scoped3A : memref<!tpu.dma_semaphore, #tpu.memory_space<semaphore_mem>>) src(%dma_wait3A_21 : memref<640x128xf32, #tpu.memory_space<vmem_shared>>) dst(%dma_wait3A_19 : memref<640x128xf32, #tpu.memory_space<hbm>>)
      tpu.yield
    }) : () -> ()
    return
  }
}

#map = affine_map<(d0, d1) -> (0, 0)>
#map1 = affine_map<(d0, d1) -> (0, 0, 0)>
module attributes {stable_mosaic.version = 14 : i64} {
  func.func @_agg_kernel(%arg0: i32, %arg1: i32, %arg2: memref<10000x128xf32, #tpu.memory_space<hbm>>, %arg3: memref<32x125x80xi32, #tpu.memory_space<hbm>>, %arg4: memref<32x125x80xi32, #tpu.memory_space<hbm>>, %arg5: memref<10240x128xf32, #tpu.memory_space<hbm>>, %arg6: memref<2x10240x128xf32, #tpu.memory_space<hbm>>, %arg7: memref<125x80xi32, #tpu.memory_space<vmem>>, %arg8: memref<125x80xi32, #tpu.memory_space<vmem>>, %arg9: memref<80x128xf32, #tpu.memory_space<vmem>>, %arg10: memref<10240x128xf32, #tpu.memory_space<vmem_shared>>, %arg11: memref<!tpu.dma_semaphore, #tpu.memory_space<semaphore_mem>>) attributes {dimension_semantics = [#tpu.dimension_semantics<core_parallel>, #tpu.dimension_semantics<subcore_parallel>], iteration_bounds = array<i64: 2, 16>, scalar_prefetch = 0 : i64, scratch_operands = 5 : i64, tpu.core_type = #tpu.core_type<sc_vector_subcore>, window_params = [{transform_indices = #map}, {transform_indices = #map1}, {transform_indices = #map1}, {transform_indices = #map}, {transform_indices = #map1}]} {
    %mul3A = arith.constant 16 : i32
    %mul3A_0 = arith.muli %arg0, %mul3A : i32
    %add3A = arith.addi %mul3A_0, %arg1 : i32
    "tpu.region"() ({
      %run_scoped3A = tpu.sem_alloc : memref<!tpu.dma_semaphore, #tpu.memory_space<semaphore_mem>>
      %dma_start3A = arith.constant 0 : i32
      %dma_start3A_14 = arith.constant 0 : i32
      %dma_start3A_15 = tpu.memref_slice %arg3[%add3A, %dma_start3A, %dma_start3A_14] : memref<32x125x80xi32, #tpu.memory_space<hbm>> -> memref<1x125x80xi32, #tpu.memory_space<hbm>>
      %dma_start3A_16 = tpu.memref_squeeze %dma_start3A_15 : memref<1x125x80xi32, #tpu.memory_space<hbm>> -> memref<125x80xi32, #tpu.memory_space<hbm>>
      %dma_start3A_17 = arith.constant 0 : i32
      %dma_start3A_18 = arith.constant 0 : i32
      %dma_start3A_19 = tpu.memref_slice %arg3[%add3A, %dma_start3A_17, %dma_start3A_18] : memref<32x125x80xi32, #tpu.memory_space<hbm>> -> memref<1x125x80xi32, #tpu.memory_space<hbm>>
      %dma_start3A_20 = tpu.memref_squeeze %dma_start3A_19 : memref<1x125x80xi32, #tpu.memory_space<hbm>> -> memref<125x80xi32, #tpu.memory_space<hbm>>
      tpu.enqueue_dma source(%dma_start3A_20 : memref<125x80xi32, #tpu.memory_space<hbm>>) target(%arg7 : memref<125x80xi32, #tpu.memory_space<vmem>>) target_semaphore(%run_scoped3A : memref<!tpu.dma_semaphore, #tpu.memory_space<semaphore_mem>>)
      %dma_wait3A = arith.constant 0 : i32
      %dma_wait3A_21 = arith.constant 0 : i32
      %dma_wait3A_22 = tpu.memref_slice %arg3[%add3A, %dma_wait3A, %dma_wait3A_21] : memref<32x125x80xi32, #tpu.memory_space<hbm>> -> memref<1x125x80xi32, #tpu.memory_space<hbm>>
      %dma_wait3A_23 = tpu.memref_squeeze %dma_wait3A_22 : memref<1x125x80xi32, #tpu.memory_space<hbm>> -> memref<125x80xi32, #tpu.memory_space<hbm>>
      %dma_wait3A_24 = arith.constant 0 : i32
      %dma_wait3A_25 = arith.constant 0 : i32
      %dma_wait3A_26 = tpu.memref_slice %arg3[%add3A, %dma_wait3A_24, %dma_wait3A_25] : memref<32x125x80xi32, #tpu.memory_space<hbm>> -> memref<1x125x80xi32, #tpu.memory_space<hbm>>
      %dma_wait3A_27 = tpu.memref_squeeze %dma_wait3A_26 : memref<1x125x80xi32, #tpu.memory_space<hbm>> -> memref<125x80xi32, #tpu.memory_space<hbm>>
      tpu.wait_dma2 semaphore(%run_scoped3A : memref<!tpu.dma_semaphore, #tpu.memory_space<semaphore_mem>>) src(%dma_wait3A_27 : memref<125x80xi32, #tpu.memory_space<hbm>>) dst(%arg7 : memref<125x80xi32, #tpu.memory_space<vmem>>)
      tpu.yield
    }) : () -> ()
    "tpu.region"() ({
      %run_scoped3A = tpu.sem_alloc : memref<!tpu.dma_semaphore, #tpu.memory_space<semaphore_mem>>
      %dma_start3A = arith.constant 0 : i32
      %dma_start3A_14 = arith.constant 0 : i32
      %dma_start3A_15 = tpu.memref_slice %arg4[%add3A, %dma_start3A, %dma_start3A_14] : memref<32x125x80xi32, #tpu.memory_space<hbm>> -> memref<1x125x80xi32, #tpu.memory_space<hbm>>
      %dma_start3A_16 = tpu.memref_squeeze %dma_start3A_15 : memref<1x125x80xi32, #tpu.memory_space<hbm>> -> memref<125x80xi32, #tpu.memory_space<hbm>>
      %dma_start3A_17 = arith.constant 0 : i32
      %dma_start3A_18 = arith.constant 0 : i32
      %dma_start3A_19 = tpu.memref_slice %arg4[%add3A, %dma_start3A_17, %dma_start3A_18] : memref<32x125x80xi32, #tpu.memory_space<hbm>> -> memref<1x125x80xi32, #tpu.memory_space<hbm>>
      %dma_start3A_20 = tpu.memref_squeeze %dma_start3A_19 : memref<1x125x80xi32, #tpu.memory_space<hbm>> -> memref<125x80xi32, #tpu.memory_space<hbm>>
      tpu.enqueue_dma source(%dma_start3A_20 : memref<125x80xi32, #tpu.memory_space<hbm>>) target(%arg8 : memref<125x80xi32, #tpu.memory_space<vmem>>) target_semaphore(%run_scoped3A : memref<!tpu.dma_semaphore, #tpu.memory_space<semaphore_mem>>)
      %dma_wait3A = arith.constant 0 : i32
      %dma_wait3A_21 = arith.constant 0 : i32
      %dma_wait3A_22 = tpu.memref_slice %arg4[%add3A, %dma_wait3A, %dma_wait3A_21] : memref<32x125x80xi32, #tpu.memory_space<hbm>> -> memref<1x125x80xi32, #tpu.memory_space<hbm>>
      %dma_wait3A_23 = tpu.memref_squeeze %dma_wait3A_22 : memref<1x125x80xi32, #tpu.memory_space<hbm>> -> memref<125x80xi32, #tpu.memory_space<hbm>>
      %dma_wait3A_24 = arith.constant 0 : i32
      %dma_wait3A_25 = arith.constant 0 : i32
      %dma_wait3A_26 = tpu.memref_slice %arg4[%add3A, %dma_wait3A_24, %dma_wait3A_25] : memref<32x125x80xi32, #tpu.memory_space<hbm>> -> memref<1x125x80xi32, #tpu.memory_space<hbm>>
      %dma_wait3A_27 = tpu.memref_squeeze %dma_wait3A_26 : memref<1x125x80xi32, #tpu.memory_space<hbm>> -> memref<125x80xi32, #tpu.memory_space<hbm>>
      tpu.wait_dma2 semaphore(%run_scoped3A : memref<!tpu.dma_semaphore, #tpu.memory_space<semaphore_mem>>) src(%dma_wait3A_27 : memref<125x80xi32, #tpu.memory_space<hbm>>) dst(%arg8 : memref<125x80xi32, #tpu.memory_space<vmem>>)
      tpu.yield
    }) : () -> ()
    %mul3A_1 = arith.constant 640 : i32
    %mul3A_2 = arith.muli %arg1, %mul3A_1 : i32
    %mul3A_3 = arith.constant 640 : i32
    %mul3A_4 = arith.muli %arg1, %mul3A_3 : i32
    "tpu.region"() ({
      %run_scoped3A = tpu.sem_alloc : memref<!tpu.dma_semaphore, #tpu.memory_space<semaphore_mem>>
      %dma_start3A = arith.constant 0 : i32
      %dma_start3A_14 = tpu.memref_slice %arg10[%mul3A_4, %dma_start3A] : memref<10240x128xf32, #tpu.memory_space<vmem_shared>> -> memref<640x128xf32, #tpu.memory_space<vmem_shared>>
      %dma_start3A_15 = arith.constant 0 : i32
      %dma_start3A_16 = tpu.memref_slice %arg5[%mul3A_2, %dma_start3A_15] : memref<10240x128xf32, #tpu.memory_space<hbm>> -> memref<640x128xf32, #tpu.memory_space<hbm>>
      tpu.enqueue_dma source(%dma_start3A_16 : memref<640x128xf32, #tpu.memory_space<hbm>>) target(%dma_start3A_14 : memref<640x128xf32, #tpu.memory_space<vmem_shared>>) target_semaphore(%run_scoped3A : memref<!tpu.dma_semaphore, #tpu.memory_space<semaphore_mem>>)
      %dma_wait3A = arith.constant 0 : i32
      %dma_wait3A_17 = tpu.memref_slice %arg10[%mul3A_4, %dma_wait3A] : memref<10240x128xf32, #tpu.memory_space<vmem_shared>> -> memref<640x128xf32, #tpu.memory_space<vmem_shared>>
      %dma_wait3A_18 = arith.constant 0 : i32
      %dma_wait3A_19 = tpu.memref_slice %arg5[%mul3A_2, %dma_wait3A_18] : memref<10240x128xf32, #tpu.memory_space<hbm>> -> memref<640x128xf32, #tpu.memory_space<hbm>>
      tpu.wait_dma2 semaphore(%run_scoped3A : memref<!tpu.dma_semaphore, #tpu.memory_space<semaphore_mem>>) src(%dma_wait3A_19 : memref<640x128xf32, #tpu.memory_space<hbm>>) dst(%dma_wait3A_17 : memref<640x128xf32, #tpu.memory_space<vmem_shared>>)
      tpu.yield
    }) : () -> ()
    %barrier3A = arith.constant 0 : index
    tpu.barrier barrier_id(%barrier3A)
    %scan3A = arith.constant 0 : i32
    %scan3A_5 = arith.constant 125 : i32
    %scan3A_6 = arith.addi %scan3A, %scan3A_5 : i32
    %scan3A_7 = arith.constant 1 : i32
    scf.for %scan3A_14 = %scan3A to %scan3A_6 step %scan3A_7  : i32 {
      %mul3A_15 = arith.constant 1 : i32
      %mul3A_16 = arith.muli %scan3A_14, %mul3A_15 : i32
      %add3A_17 = arith.constant 0 : i32
      %add3A_18 = arith.addi %add3A_17, %mul3A_16 : i32
      %dma_start3A = arith.constant 0 : i32
      %dma_start3A_19 = tpu.memref_slice %arg7[%add3A_18, %dma_start3A] : memref<125x80xi32, #tpu.memory_space<vmem>> -> memref<1x80xi32, #tpu.memory_space<vmem>>
      %dma_start3A_20 = tpu.memref_squeeze %dma_start3A_19 : memref<1x80xi32, #tpu.memory_space<vmem>> -> memref<80xi32, #tpu.memory_space<vmem>>
      %dma_start3A_21 = arith.constant 0 : i32
      %dma_start3A_22 = arith.constant 0 : i32
      %dma_start3A_23 = tpu.memref_slice %arg2[%dma_start3A_21, %dma_start3A_22] : memref<10000x128xf32, #tpu.memory_space<hbm>> -> memref<10000x128xf32, #tpu.memory_space<hbm>>
      tpu.enqueue_indirect_dma source(%dma_start3A_23 : memref<10000x128xf32, #tpu.memory_space<hbm>>) target(%arg9 : memref<80x128xf32, #tpu.memory_space<vmem>>) offsets(%dma_start3A_20 : memref<80xi32, #tpu.memory_space<vmem>>) semaphore(%arg11 : memref<!tpu.dma_semaphore, #tpu.memory_space<semaphore_mem>>)
      %dma_wait3A = arith.constant 0 : i32
      %dma_wait3A_24 = tpu.memref_slice %arg7[%add3A_18, %dma_wait3A] : memref<125x80xi32, #tpu.memory_space<vmem>> -> memref<1x80xi32, #tpu.memory_space<vmem>>
      %dma_wait3A_25 = tpu.memref_squeeze %dma_wait3A_24 : memref<1x80xi32, #tpu.memory_space<vmem>> -> memref<80xi32, #tpu.memory_space<vmem>>
      %dma_wait3A_26 = arith.constant 0 : i32
      %dma_wait3A_27 = arith.constant 0 : i32
      %dma_wait3A_28 = tpu.memref_slice %arg2[%dma_wait3A_26, %dma_wait3A_27] : memref<10000x128xf32, #tpu.memory_space<hbm>> -> memref<10000x128xf32, #tpu.memory_space<hbm>>
      tpu.wait_indirect_dma semaphore(%arg11 : memref<!tpu.dma_semaphore, #tpu.memory_space<semaphore_mem>>) src(%dma_wait3A_28 : memref<10000x128xf32, #tpu.memory_space<hbm>>) dst(%arg9 : memref<80x128xf32, #tpu.memory_space<vmem>>)
      "tpu.region"() ({
        %run_scoped3A = tpu.sem_alloc : memref<!tpu.dma_semaphore, #tpu.memory_space<semaphore_mem>>
        %dma_start3A_29 = arith.constant 0 : i32
        %dma_start3A_30 = tpu.memref_slice %arg8[%add3A_18, %dma_start3A_29] : memref<125x80xi32, #tpu.memory_space<vmem>> -> memref<1x80xi32, #tpu.memory_space<vmem>>
        %dma_start3A_31 = tpu.memref_squeeze %dma_start3A_30 : memref<1x80xi32, #tpu.memory_space<vmem>> -> memref<80xi32, #tpu.memory_space<vmem>>
        %dma_start3A_32 = arith.constant 0 : i32
        %dma_start3A_33 = arith.constant 0 : i32
        %dma_start3A_34 = tpu.memref_slice %arg10[%dma_start3A_32, %dma_start3A_33] : memref<10240x128xf32, #tpu.memory_space<vmem_shared>> -> memref<10240x128xf32, #tpu.memory_space<vmem_shared>>
        tpu.enqueue_indirect_dma source(%arg9 : memref<80x128xf32, #tpu.memory_space<vmem>>) target(%dma_start3A_34 : memref<10240x128xf32, #tpu.memory_space<vmem_shared>>) offsets(%dma_start3A_31 : memref<80xi32, #tpu.memory_space<vmem>>) semaphore(%run_scoped3A : memref<!tpu.dma_semaphore, #tpu.memory_space<semaphore_mem>>) {add = true}
        %dma_wait3A_35 = arith.constant 0 : i32
        %dma_wait3A_36 = tpu.memref_slice %arg8[%add3A_18, %dma_wait3A_35] : memref<125x80xi32, #tpu.memory_space<vmem>> -> memref<1x80xi32, #tpu.memory_space<vmem>>
        %dma_wait3A_37 = tpu.memref_squeeze %dma_wait3A_36 : memref<1x80xi32, #tpu.memory_space<vmem>> -> memref<80xi32, #tpu.memory_space<vmem>>
        %dma_wait3A_38 = arith.constant 0 : i32
        %dma_wait3A_39 = arith.constant 0 : i32
        %dma_wait3A_40 = tpu.memref_slice %arg10[%dma_wait3A_38, %dma_wait3A_39] : memref<10240x128xf32, #tpu.memory_space<vmem_shared>> -> memref<10240x128xf32, #tpu.memory_space<vmem_shared>>
        tpu.wait_indirect_dma semaphore(%run_scoped3A : memref<!tpu.dma_semaphore, #tpu.memory_space<semaphore_mem>>) src(%arg9 : memref<80x128xf32, #tpu.memory_space<vmem>>) dst(%dma_wait3A_40 : memref<10240x128xf32, #tpu.memory_space<vmem_shared>>)
        tpu.yield
      }) : () -> ()
    }
    %scan3A_8 = arith.constant 125 : i32
    %barrier3A_9 = arith.constant 0 : index
    tpu.barrier barrier_id(%barrier3A_9)
    %mul3A_10 = arith.constant 640 : i32
    %mul3A_11 = arith.muli %arg1, %mul3A_10 : i32
    %mul3A_12 = arith.constant 640 : i32
    %mul3A_13 = arith.muli %arg1, %mul3A_12 : i32
    "tpu.region"() ({
      %run_scoped3A = tpu.sem_alloc : memref<!tpu.dma_semaphore, #tpu.memory_space<semaphore_mem>>
      %dma_start3A = arith.constant 0 : i32
      %dma_start3A_14 = tpu.memref_slice %arg6[%arg0, %mul3A_13, %dma_start3A] : memref<2x10240x128xf32, #tpu.memory_space<hbm>> -> memref<1x640x128xf32, #tpu.memory_space<hbm>>
      %dma_start3A_15 = tpu.memref_squeeze %dma_start3A_14 : memref<1x640x128xf32, #tpu.memory_space<hbm>> -> memref<640x128xf32, #tpu.memory_space<hbm>>
      %dma_start3A_16 = arith.constant 0 : i32
      %dma_start3A_17 = tpu.memref_slice %arg10[%mul3A_11, %dma_start3A_16] : memref<10240x128xf32, #tpu.memory_space<vmem_shared>> -> memref<640x128xf32, #tpu.memory_space<vmem_shared>>
      tpu.enqueue_dma source(%dma_start3A_17 : memref<640x128xf32, #tpu.memory_space<vmem_shared>>) target(%dma_start3A_15 : memref<640x128xf32, #tpu.memory_space<hbm>>) target_semaphore(%run_scoped3A : memref<!tpu.dma_semaphore, #tpu.memory_space<semaphore_mem>>)
      %dma_wait3A = arith.constant 0 : i32
      %dma_wait3A_18 = tpu.memref_slice %arg6[%arg0, %mul3A_13, %dma_wait3A] : memref<2x10240x128xf32, #tpu.memory_space<hbm>> -> memref<1x640x128xf32, #tpu.memory_space<hbm>>
      %dma_wait3A_19 = tpu.memref_squeeze %dma_wait3A_18 : memref<1x640x128xf32, #tpu.memory_space<hbm>> -> memref<640x128xf32, #tpu.memory_space<hbm>>
      %dma_wait3A_20 = arith.constant 0 : i32
      %dma_wait3A_21 = tpu.memref_slice %arg10[%mul3A_11, %dma_wait3A_20] : memref<10240x128xf32, #tpu.memory_space<vmem_shared>> -> memref<640x128xf32, #tpu.memory_space<vmem_shared>>
      tpu.wait_dma2 semaphore(%run_scoped3A : memref<!tpu.dma_semaphore, #tpu.memory_space<semaphore_mem>>) src(%dma_wait3A_21 : memref<640x128xf32, #tpu.memory_space<vmem_shared>>) dst(%dma_wait3A_19 : memref<640x128xf32, #tpu.memory_space<hbm>>)
      tpu.yield
    }) : () -> ()
    return
  }
}

#map = affine_map<(d0, d1) -> (0, 0)>
#map1 = affine_map<(d0, d1) -> (0, 0, 0)>
module attributes {stable_mosaic.version = 14 : i64} {
  func.func @_agg_kernel(%arg0: i32, %arg1: i32, %arg2: memref<10000x128xf32, #tpu.memory_space<hbm>>, %arg3: memref<32x125x80xi32, #tpu.memory_space<hbm>>, %arg4: memref<32x125x80xi32, #tpu.memory_space<hbm>>, %arg5: memref<10240x128xf32, #tpu.memory_space<hbm>>, %arg6: memref<2x10240x128xf32, #tpu.memory_space<hbm>>, %arg7: memref<125x80xi32, #tpu.memory_space<vmem>>, %arg8: memref<125x80xi32, #tpu.memory_space<vmem>>, %arg9: memref<80x128xf32, #tpu.memory_space<vmem>>, %arg10: memref<10240x128xf32, #tpu.memory_space<vmem_shared>>, %arg11: memref<!tpu.dma_semaphore, #tpu.memory_space<semaphore_mem>>) attributes {dimension_semantics = [#tpu.dimension_semantics<core_parallel>, #tpu.dimension_semantics<subcore_parallel>], iteration_bounds = array<i64: 2, 16>, scalar_prefetch = 0 : i64, scratch_operands = 5 : i64, tpu.core_type = #tpu.core_type<sc_vector_subcore>, window_params = [{transform_indices = #map}, {transform_indices = #map1}, {transform_indices = #map1}, {transform_indices = #map}, {transform_indices = #map1}]} {
    %mul3A = arith.constant 16 : i32
    %mul3A_0 = arith.muli %arg0, %mul3A : i32
    %add3A = arith.addi %mul3A_0, %arg1 : i32
    "tpu.region"() ({
      %run_scoped3A = tpu.sem_alloc : memref<!tpu.dma_semaphore, #tpu.memory_space<semaphore_mem>>
      %dma_start3A = arith.constant 0 : i32
      %dma_start3A_14 = arith.constant 0 : i32
      %dma_start3A_15 = tpu.memref_slice %arg3[%add3A, %dma_start3A, %dma_start3A_14] : memref<32x125x80xi32, #tpu.memory_space<hbm>> -> memref<1x125x80xi32, #tpu.memory_space<hbm>>
      %dma_start3A_16 = tpu.memref_squeeze %dma_start3A_15 : memref<1x125x80xi32, #tpu.memory_space<hbm>> -> memref<125x80xi32, #tpu.memory_space<hbm>>
      %dma_start3A_17 = arith.constant 0 : i32
      %dma_start3A_18 = arith.constant 0 : i32
      %dma_start3A_19 = tpu.memref_slice %arg3[%add3A, %dma_start3A_17, %dma_start3A_18] : memref<32x125x80xi32, #tpu.memory_space<hbm>> -> memref<1x125x80xi32, #tpu.memory_space<hbm>>
      %dma_start3A_20 = tpu.memref_squeeze %dma_start3A_19 : memref<1x125x80xi32, #tpu.memory_space<hbm>> -> memref<125x80xi32, #tpu.memory_space<hbm>>
      tpu.enqueue_dma source(%dma_start3A_20 : memref<125x80xi32, #tpu.memory_space<hbm>>) target(%arg7 : memref<125x80xi32, #tpu.memory_space<vmem>>) target_semaphore(%run_scoped3A : memref<!tpu.dma_semaphore, #tpu.memory_space<semaphore_mem>>)
      %dma_wait3A = arith.constant 0 : i32
      %dma_wait3A_21 = arith.constant 0 : i32
      %dma_wait3A_22 = tpu.memref_slice %arg3[%add3A, %dma_wait3A, %dma_wait3A_21] : memref<32x125x80xi32, #tpu.memory_space<hbm>> -> memref<1x125x80xi32, #tpu.memory_space<hbm>>
      %dma_wait3A_23 = tpu.memref_squeeze %dma_wait3A_22 : memref<1x125x80xi32, #tpu.memory_space<hbm>> -> memref<125x80xi32, #tpu.memory_space<hbm>>
      %dma_wait3A_24 = arith.constant 0 : i32
      %dma_wait3A_25 = arith.constant 0 : i32
      %dma_wait3A_26 = tpu.memref_slice %arg3[%add3A, %dma_wait3A_24, %dma_wait3A_25] : memref<32x125x80xi32, #tpu.memory_space<hbm>> -> memref<1x125x80xi32, #tpu.memory_space<hbm>>
      %dma_wait3A_27 = tpu.memref_squeeze %dma_wait3A_26 : memref<1x125x80xi32, #tpu.memory_space<hbm>> -> memref<125x80xi32, #tpu.memory_space<hbm>>
      tpu.wait_dma2 semaphore(%run_scoped3A : memref<!tpu.dma_semaphore, #tpu.memory_space<semaphore_mem>>) src(%dma_wait3A_27 : memref<125x80xi32, #tpu.memory_space<hbm>>) dst(%arg7 : memref<125x80xi32, #tpu.memory_space<vmem>>)
      tpu.yield
    }) : () -> ()
    "tpu.region"() ({
      %run_scoped3A = tpu.sem_alloc : memref<!tpu.dma_semaphore, #tpu.memory_space<semaphore_mem>>
      %dma_start3A = arith.constant 0 : i32
      %dma_start3A_14 = arith.constant 0 : i32
      %dma_start3A_15 = tpu.memref_slice %arg4[%add3A, %dma_start3A, %dma_start3A_14] : memref<32x125x80xi32, #tpu.memory_space<hbm>> -> memref<1x125x80xi32, #tpu.memory_space<hbm>>
      %dma_start3A_16 = tpu.memref_squeeze %dma_start3A_15 : memref<1x125x80xi32, #tpu.memory_space<hbm>> -> memref<125x80xi32, #tpu.memory_space<hbm>>
      %dma_start3A_17 = arith.constant 0 : i32
      %dma_start3A_18 = arith.constant 0 : i32
      %dma_start3A_19 = tpu.memref_slice %arg4[%add3A, %dma_start3A_17, %dma_start3A_18] : memref<32x125x80xi32, #tpu.memory_space<hbm>> -> memref<1x125x80xi32, #tpu.memory_space<hbm>>
      %dma_start3A_20 = tpu.memref_squeeze %dma_start3A_19 : memref<1x125x80xi32, #tpu.memory_space<hbm>> -> memref<125x80xi32, #tpu.memory_space<hbm>>
      tpu.enqueue_dma source(%dma_start3A_20 : memref<125x80xi32, #tpu.memory_space<hbm>>) target(%arg8 : memref<125x80xi32, #tpu.memory_space<vmem>>) target_semaphore(%run_scoped3A : memref<!tpu.dma_semaphore, #tpu.memory_space<semaphore_mem>>)
      %dma_wait3A = arith.constant 0 : i32
      %dma_wait3A_21 = arith.constant 0 : i32
      %dma_wait3A_22 = tpu.memref_slice %arg4[%add3A, %dma_wait3A, %dma_wait3A_21] : memref<32x125x80xi32, #tpu.memory_space<hbm>> -> memref<1x125x80xi32, #tpu.memory_space<hbm>>
      %dma_wait3A_23 = tpu.memref_squeeze %dma_wait3A_22 : memref<1x125x80xi32, #tpu.memory_space<hbm>> -> memref<125x80xi32, #tpu.memory_space<hbm>>
      %dma_wait3A_24 = arith.constant 0 : i32
      %dma_wait3A_25 = arith.constant 0 : i32
      %dma_wait3A_26 = tpu.memref_slice %arg4[%add3A, %dma_wait3A_24, %dma_wait3A_25] : memref<32x125x80xi32, #tpu.memory_space<hbm>> -> memref<1x125x80xi32, #tpu.memory_space<hbm>>
      %dma_wait3A_27 = tpu.memref_squeeze %dma_wait3A_26 : memref<1x125x80xi32, #tpu.memory_space<hbm>> -> memref<125x80xi32, #tpu.memory_space<hbm>>
      tpu.wait_dma2 semaphore(%run_scoped3A : memref<!tpu.dma_semaphore, #tpu.memory_space<semaphore_mem>>) src(%dma_wait3A_27 : memref<125x80xi32, #tpu.memory_space<hbm>>) dst(%arg8 : memref<125x80xi32, #tpu.memory_space<vmem>>)
      tpu.yield
    }) : () -> ()
    %mul3A_1 = arith.constant 640 : i32
    %mul3A_2 = arith.muli %arg1, %mul3A_1 : i32
    %mul3A_3 = arith.constant 640 : i32
    %mul3A_4 = arith.muli %arg1, %mul3A_3 : i32
    "tpu.region"() ({
      %run_scoped3A = tpu.sem_alloc : memref<!tpu.dma_semaphore, #tpu.memory_space<semaphore_mem>>
      %dma_start3A = arith.constant 0 : i32
      %dma_start3A_14 = tpu.memref_slice %arg10[%mul3A_4, %dma_start3A] : memref<10240x128xf32, #tpu.memory_space<vmem_shared>> -> memref<640x128xf32, #tpu.memory_space<vmem_shared>>
      %dma_start3A_15 = arith.constant 0 : i32
      %dma_start3A_16 = tpu.memref_slice %arg5[%mul3A_2, %dma_start3A_15] : memref<10240x128xf32, #tpu.memory_space<hbm>> -> memref<640x128xf32, #tpu.memory_space<hbm>>
      tpu.enqueue_dma source(%dma_start3A_16 : memref<640x128xf32, #tpu.memory_space<hbm>>) target(%dma_start3A_14 : memref<640x128xf32, #tpu.memory_space<vmem_shared>>) target_semaphore(%run_scoped3A : memref<!tpu.dma_semaphore, #tpu.memory_space<semaphore_mem>>)
      %dma_wait3A = arith.constant 0 : i32
      %dma_wait3A_17 = tpu.memref_slice %arg10[%mul3A_4, %dma_wait3A] : memref<10240x128xf32, #tpu.memory_space<vmem_shared>> -> memref<640x128xf32, #tpu.memory_space<vmem_shared>>
      %dma_wait3A_18 = arith.constant 0 : i32
      %dma_wait3A_19 = tpu.memref_slice %arg5[%mul3A_2, %dma_wait3A_18] : memref<10240x128xf32, #tpu.memory_space<hbm>> -> memref<640x128xf32, #tpu.memory_space<hbm>>
      tpu.wait_dma2 semaphore(%run_scoped3A : memref<!tpu.dma_semaphore, #tpu.memory_space<semaphore_mem>>) src(%dma_wait3A_19 : memref<640x128xf32, #tpu.memory_space<hbm>>) dst(%dma_wait3A_17 : memref<640x128xf32, #tpu.memory_space<vmem_shared>>)
      tpu.yield
    }) : () -> ()
    %barrier3A = arith.constant 0 : index
    tpu.barrier barrier_id(%barrier3A)
    %scan3A = arith.constant 0 : i32
    %scan3A_5 = arith.constant 125 : i32
    %scan3A_6 = arith.addi %scan3A, %scan3A_5 : i32
    %scan3A_7 = arith.constant 1 : i32
    scf.for %scan3A_14 = %scan3A to %scan3A_6 step %scan3A_7  : i32 {
      %mul3A_15 = arith.constant 1 : i32
      %mul3A_16 = arith.muli %scan3A_14, %mul3A_15 : i32
      %add3A_17 = arith.constant 0 : i32
      %add3A_18 = arith.addi %add3A_17, %mul3A_16 : i32
      %dma_start3A = arith.constant 0 : i32
      %dma_start3A_19 = tpu.memref_slice %arg7[%add3A_18, %dma_start3A] : memref<125x80xi32, #tpu.memory_space<vmem>> -> memref<1x80xi32, #tpu.memory_space<vmem>>
      %dma_start3A_20 = tpu.memref_squeeze %dma_start3A_19 : memref<1x80xi32, #tpu.memory_space<vmem>> -> memref<80xi32, #tpu.memory_space<vmem>>
      %dma_start3A_21 = arith.constant 0 : i32
      %dma_start3A_22 = arith.constant 0 : i32
      %dma_start3A_23 = tpu.memref_slice %arg2[%dma_start3A_21, %dma_start3A_22] : memref<10000x128xf32, #tpu.memory_space<hbm>> -> memref<10000x128xf32, #tpu.memory_space<hbm>>
      tpu.enqueue_indirect_dma source(%dma_start3A_23 : memref<10000x128xf32, #tpu.memory_space<hbm>>) target(%arg9 : memref<80x128xf32, #tpu.memory_space<vmem>>) offsets(%dma_start3A_20 : memref<80xi32, #tpu.memory_space<vmem>>) semaphore(%arg11 : memref<!tpu.dma_semaphore, #tpu.memory_space<semaphore_mem>>)
      %dma_wait3A = arith.constant 0 : i32
      %dma_wait3A_24 = tpu.memref_slice %arg7[%add3A_18, %dma_wait3A] : memref<125x80xi32, #tpu.memory_space<vmem>> -> memref<1x80xi32, #tpu.memory_space<vmem>>
      %dma_wait3A_25 = tpu.memref_squeeze %dma_wait3A_24 : memref<1x80xi32, #tpu.memory_space<vmem>> -> memref<80xi32, #tpu.memory_space<vmem>>
      %dma_wait3A_26 = arith.constant 0 : i32
      %dma_wait3A_27 = arith.constant 0 : i32
      %dma_wait3A_28 = tpu.memref_slice %arg2[%dma_wait3A_26, %dma_wait3A_27] : memref<10000x128xf32, #tpu.memory_space<hbm>> -> memref<10000x128xf32, #tpu.memory_space<hbm>>
      tpu.wait_indirect_dma semaphore(%arg11 : memref<!tpu.dma_semaphore, #tpu.memory_space<semaphore_mem>>) src(%dma_wait3A_28 : memref<10000x128xf32, #tpu.memory_space<hbm>>) dst(%arg9 : memref<80x128xf32, #tpu.memory_space<vmem>>)
      "tpu.region"() ({
        %run_scoped3A = tpu.sem_alloc : memref<!tpu.dma_semaphore, #tpu.memory_space<semaphore_mem>>
        %dma_start3A_29 = arith.constant 0 : i32
        %dma_start3A_30 = tpu.memref_slice %arg8[%add3A_18, %dma_start3A_29] : memref<125x80xi32, #tpu.memory_space<vmem>> -> memref<1x80xi32, #tpu.memory_space<vmem>>
        %dma_start3A_31 = tpu.memref_squeeze %dma_start3A_30 : memref<1x80xi32, #tpu.memory_space<vmem>> -> memref<80xi32, #tpu.memory_space<vmem>>
        %dma_start3A_32 = arith.constant 0 : i32
        %dma_start3A_33 = arith.constant 0 : i32
        %dma_start3A_34 = tpu.memref_slice %arg10[%dma_start3A_32, %dma_start3A_33] : memref<10240x128xf32, #tpu.memory_space<vmem_shared>> -> memref<10240x128xf32, #tpu.memory_space<vmem_shared>>
        tpu.enqueue_indirect_dma source(%arg9 : memref<80x128xf32, #tpu.memory_space<vmem>>) target(%dma_start3A_34 : memref<10240x128xf32, #tpu.memory_space<vmem_shared>>) offsets(%dma_start3A_31 : memref<80xi32, #tpu.memory_space<vmem>>) semaphore(%run_scoped3A : memref<!tpu.dma_semaphore, #tpu.memory_space<semaphore_mem>>) {add = true}
        %dma_wait3A_35 = arith.constant 0 : i32
        %dma_wait3A_36 = tpu.memref_slice %arg8[%add3A_18, %dma_wait3A_35] : memref<125x80xi32, #tpu.memory_space<vmem>> -> memref<1x80xi32, #tpu.memory_space<vmem>>
        %dma_wait3A_37 = tpu.memref_squeeze %dma_wait3A_36 : memref<1x80xi32, #tpu.memory_space<vmem>> -> memref<80xi32, #tpu.memory_space<vmem>>
        %dma_wait3A_38 = arith.constant 0 : i32
        %dma_wait3A_39 = arith.constant 0 : i32
        %dma_wait3A_40 = tpu.memref_slice %arg10[%dma_wait3A_38, %dma_wait3A_39] : memref<10240x128xf32, #tpu.memory_space<vmem_shared>> -> memref<10240x128xf32, #tpu.memory_space<vmem_shared>>
        tpu.wait_indirect_dma semaphore(%run_scoped3A : memref<!tpu.dma_semaphore, #tpu.memory_space<semaphore_mem>>) src(%arg9 : memref<80x128xf32, #tpu.memory_space<vmem>>) dst(%dma_wait3A_40 : memref<10240x128xf32, #tpu.memory_space<vmem_shared>>)
        tpu.yield
      }) : () -> ()
    }
    %scan3A_8 = arith.constant 125 : i32
    %barrier3A_9 = arith.constant 0 : index
    tpu.barrier barrier_id(%barrier3A_9)
    %mul3A_10 = arith.constant 640 : i32
    %mul3A_11 = arith.muli %arg1, %mul3A_10 : i32
    %mul3A_12 = arith.constant 640 : i32
    %mul3A_13 = arith.muli %arg1, %mul3A_12 : i32
    "tpu.region"() ({
      %run_scoped3A = tpu.sem_alloc : memref<!tpu.dma_semaphore, #tpu.memory_space<semaphore_mem>>
      %dma_start3A = arith.constant 0 : i32
      %dma_start3A_14 = tpu.memref_slice %arg6[%arg0, %mul3A_13, %dma_start3A] : memref<2x10240x128xf32, #tpu.memory_space<hbm>> -> memref<1x640x128xf32, #tpu.memory_space<hbm>>
      %dma_start3A_15 = tpu.memref_squeeze %dma_start3A_14 : memref<1x640x128xf32, #tpu.memory_space<hbm>> -> memref<640x128xf32, #tpu.memory_space<hbm>>
      %dma_start3A_16 = arith.constant 0 : i32
      %dma_start3A_17 = tpu.memref_slice %arg10[%mul3A_11, %dma_start3A_16] : memref<10240x128xf32, #tpu.memory_space<vmem_shared>> -> memref<640x128xf32, #tpu.memory_space<vmem_shared>>
      tpu.enqueue_dma source(%dma_start3A_17 : memref<640x128xf32, #tpu.memory_space<vmem_shared>>) target(%dma_start3A_15 : memref<640x128xf32, #tpu.memory_space<hbm>>) target_semaphore(%run_scoped3A : memref<!tpu.dma_semaphore, #tpu.memory_space<semaphore_mem>>)
      %dma_wait3A = arith.constant 0 : i32
      %dma_wait3A_18 = tpu.memref_slice %arg6[%arg0, %mul3A_13, %dma_wait3A] : memref<2x10240x128xf32, #tpu.memory_space<hbm>> -> memref<1x640x128xf32, #tpu.memory_space<hbm>>
      %dma_wait3A_19 = tpu.memref_squeeze %dma_wait3A_18 : memref<1x640x128xf32, #tpu.memory_space<hbm>> -> memref<640x128xf32, #tpu.memory_space<hbm>>
      %dma_wait3A_20 = arith.constant 0 : i32
      %dma_wait3A_21 = tpu.memref_slice %arg10[%mul3A_11, %dma_wait3A_20] : memref<10240x128xf32, #tpu.memory_space<vmem_shared>> -> memref<640x128xf32, #tpu.memory_space<vmem_shared>>
      tpu.wait_dma2 semaphore(%run_scoped3A : memref<!tpu.dma_semaphore, #tpu.memory_space<semaphore_mem>>) src(%dma_wait3A_21 : memref<640x128xf32, #tpu.memory_space<vmem_shared>>) dst(%dma_wait3A_19 : memref<640x128xf32, #tpu.memory_space<hbm>>)
      tpu.yield
    }) : () -> ()
    return
  }
}

#map = affine_map<(d0, d1) -> (0, 0)>
#map1 = affine_map<(d0, d1) -> (0, 0, 0)>
module attributes {stable_mosaic.version = 14 : i64} {
  func.func @_agg_kernel(%arg0: i32, %arg1: i32, %arg2: memref<10000x128xf32, #tpu.memory_space<hbm>>, %arg3: memref<32x125x80xi32, #tpu.memory_space<hbm>>, %arg4: memref<32x125x80xi32, #tpu.memory_space<hbm>>, %arg5: memref<10240x128xf32, #tpu.memory_space<hbm>>, %arg6: memref<2x10240x128xf32, #tpu.memory_space<hbm>>, %arg7: memref<125x80xi32, #tpu.memory_space<vmem>>, %arg8: memref<125x80xi32, #tpu.memory_space<vmem>>, %arg9: memref<80x128xf32, #tpu.memory_space<vmem>>, %arg10: memref<10240x128xf32, #tpu.memory_space<vmem_shared>>, %arg11: memref<!tpu.dma_semaphore, #tpu.memory_space<semaphore_mem>>) attributes {dimension_semantics = [#tpu.dimension_semantics<core_parallel>, #tpu.dimension_semantics<subcore_parallel>], iteration_bounds = array<i64: 2, 16>, scalar_prefetch = 0 : i64, scratch_operands = 5 : i64, tpu.core_type = #tpu.core_type<sc_vector_subcore>, window_params = [{transform_indices = #map}, {transform_indices = #map1}, {transform_indices = #map1}, {transform_indices = #map}, {transform_indices = #map1}]} {
    %mul3A = arith.constant 16 : i32
    %mul3A_0 = arith.muli %arg0, %mul3A : i32
    %add3A = arith.addi %mul3A_0, %arg1 : i32
    "tpu.region"() ({
      %run_scoped3A = tpu.sem_alloc : memref<!tpu.dma_semaphore, #tpu.memory_space<semaphore_mem>>
      %dma_start3A = arith.constant 0 : i32
      %dma_start3A_14 = arith.constant 0 : i32
      %dma_start3A_15 = tpu.memref_slice %arg3[%add3A, %dma_start3A, %dma_start3A_14] : memref<32x125x80xi32, #tpu.memory_space<hbm>> -> memref<1x125x80xi32, #tpu.memory_space<hbm>>
      %dma_start3A_16 = tpu.memref_squeeze %dma_start3A_15 : memref<1x125x80xi32, #tpu.memory_space<hbm>> -> memref<125x80xi32, #tpu.memory_space<hbm>>
      %dma_start3A_17 = arith.constant 0 : i32
      %dma_start3A_18 = arith.constant 0 : i32
      %dma_start3A_19 = tpu.memref_slice %arg3[%add3A, %dma_start3A_17, %dma_start3A_18] : memref<32x125x80xi32, #tpu.memory_space<hbm>> -> memref<1x125x80xi32, #tpu.memory_space<hbm>>
      %dma_start3A_20 = tpu.memref_squeeze %dma_start3A_19 : memref<1x125x80xi32, #tpu.memory_space<hbm>> -> memref<125x80xi32, #tpu.memory_space<hbm>>
      tpu.enqueue_dma source(%dma_start3A_20 : memref<125x80xi32, #tpu.memory_space<hbm>>) target(%arg7 : memref<125x80xi32, #tpu.memory_space<vmem>>) target_semaphore(%run_scoped3A : memref<!tpu.dma_semaphore, #tpu.memory_space<semaphore_mem>>)
      %dma_wait3A = arith.constant 0 : i32
      %dma_wait3A_21 = arith.constant 0 : i32
      %dma_wait3A_22 = tpu.memref_slice %arg3[%add3A, %dma_wait3A, %dma_wait3A_21] : memref<32x125x80xi32, #tpu.memory_space<hbm>> -> memref<1x125x80xi32, #tpu.memory_space<hbm>>
      %dma_wait3A_23 = tpu.memref_squeeze %dma_wait3A_22 : memref<1x125x80xi32, #tpu.memory_space<hbm>> -> memref<125x80xi32, #tpu.memory_space<hbm>>
      %dma_wait3A_24 = arith.constant 0 : i32
      %dma_wait3A_25 = arith.constant 0 : i32
      %dma_wait3A_26 = tpu.memref_slice %arg3[%add3A, %dma_wait3A_24, %dma_wait3A_25] : memref<32x125x80xi32, #tpu.memory_space<hbm>> -> memref<1x125x80xi32, #tpu.memory_space<hbm>>
      %dma_wait3A_27 = tpu.memref_squeeze %dma_wait3A_26 : memref<1x125x80xi32, #tpu.memory_space<hbm>> -> memref<125x80xi32, #tpu.memory_space<hbm>>
      tpu.wait_dma2 semaphore(%run_scoped3A : memref<!tpu.dma_semaphore, #tpu.memory_space<semaphore_mem>>) src(%dma_wait3A_27 : memref<125x80xi32, #tpu.memory_space<hbm>>) dst(%arg7 : memref<125x80xi32, #tpu.memory_space<vmem>>)
      tpu.yield
    }) : () -> ()
    "tpu.region"() ({
      %run_scoped3A = tpu.sem_alloc : memref<!tpu.dma_semaphore, #tpu.memory_space<semaphore_mem>>
      %dma_start3A = arith.constant 0 : i32
      %dma_start3A_14 = arith.constant 0 : i32
      %dma_start3A_15 = tpu.memref_slice %arg4[%add3A, %dma_start3A, %dma_start3A_14] : memref<32x125x80xi32, #tpu.memory_space<hbm>> -> memref<1x125x80xi32, #tpu.memory_space<hbm>>
      %dma_start3A_16 = tpu.memref_squeeze %dma_start3A_15 : memref<1x125x80xi32, #tpu.memory_space<hbm>> -> memref<125x80xi32, #tpu.memory_space<hbm>>
      %dma_start3A_17 = arith.constant 0 : i32
      %dma_start3A_18 = arith.constant 0 : i32
      %dma_start3A_19 = tpu.memref_slice %arg4[%add3A, %dma_start3A_17, %dma_start3A_18] : memref<32x125x80xi32, #tpu.memory_space<hbm>> -> memref<1x125x80xi32, #tpu.memory_space<hbm>>
      %dma_start3A_20 = tpu.memref_squeeze %dma_start3A_19 : memref<1x125x80xi32, #tpu.memory_space<hbm>> -> memref<125x80xi32, #tpu.memory_space<hbm>>
      tpu.enqueue_dma source(%dma_start3A_20 : memref<125x80xi32, #tpu.memory_space<hbm>>) target(%arg8 : memref<125x80xi32, #tpu.memory_space<vmem>>) target_semaphore(%run_scoped3A : memref<!tpu.dma_semaphore, #tpu.memory_space<semaphore_mem>>)
      %dma_wait3A = arith.constant 0 : i32
      %dma_wait3A_21 = arith.constant 0 : i32
      %dma_wait3A_22 = tpu.memref_slice %arg4[%add3A, %dma_wait3A, %dma_wait3A_21] : memref<32x125x80xi32, #tpu.memory_space<hbm>> -> memref<1x125x80xi32, #tpu.memory_space<hbm>>
      %dma_wait3A_23 = tpu.memref_squeeze %dma_wait3A_22 : memref<1x125x80xi32, #tpu.memory_space<hbm>> -> memref<125x80xi32, #tpu.memory_space<hbm>>
      %dma_wait3A_24 = arith.constant 0 : i32
      %dma_wait3A_25 = arith.constant 0 : i32
      %dma_wait3A_26 = tpu.memref_slice %arg4[%add3A, %dma_wait3A_24, %dma_wait3A_25] : memref<32x125x80xi32, #tpu.memory_space<hbm>> -> memref<1x125x80xi32, #tpu.memory_space<hbm>>
      %dma_wait3A_27 = tpu.memref_squeeze %dma_wait3A_26 : memref<1x125x80xi32, #tpu.memory_space<hbm>> -> memref<125x80xi32, #tpu.memory_space<hbm>>
      tpu.wait_dma2 semaphore(%run_scoped3A : memref<!tpu.dma_semaphore, #tpu.memory_space<semaphore_mem>>) src(%dma_wait3A_27 : memref<125x80xi32, #tpu.memory_space<hbm>>) dst(%arg8 : memref<125x80xi32, #tpu.memory_space<vmem>>)
      tpu.yield
    }) : () -> ()
    %mul3A_1 = arith.constant 640 : i32
    %mul3A_2 = arith.muli %arg1, %mul3A_1 : i32
    %mul3A_3 = arith.constant 640 : i32
    %mul3A_4 = arith.muli %arg1, %mul3A_3 : i32
    "tpu.region"() ({
      %run_scoped3A = tpu.sem_alloc : memref<!tpu.dma_semaphore, #tpu.memory_space<semaphore_mem>>
      %dma_start3A = arith.constant 0 : i32
      %dma_start3A_14 = tpu.memref_slice %arg10[%mul3A_4, %dma_start3A] : memref<10240x128xf32, #tpu.memory_space<vmem_shared>> -> memref<640x128xf32, #tpu.memory_space<vmem_shared>>
      %dma_start3A_15 = arith.constant 0 : i32
      %dma_start3A_16 = tpu.memref_slice %arg5[%mul3A_2, %dma_start3A_15] : memref<10240x128xf32, #tpu.memory_space<hbm>> -> memref<640x128xf32, #tpu.memory_space<hbm>>
      tpu.enqueue_dma source(%dma_start3A_16 : memref<640x128xf32, #tpu.memory_space<hbm>>) target(%dma_start3A_14 : memref<640x128xf32, #tpu.memory_space<vmem_shared>>) target_semaphore(%run_scoped3A : memref<!tpu.dma_semaphore, #tpu.memory_space<semaphore_mem>>)
      %dma_wait3A = arith.constant 0 : i32
      %dma_wait3A_17 = tpu.memref_slice %arg10[%mul3A_4, %dma_wait3A] : memref<10240x128xf32, #tpu.memory_space<vmem_shared>> -> memref<640x128xf32, #tpu.memory_space<vmem_shared>>
      %dma_wait3A_18 = arith.constant 0 : i32
      %dma_wait3A_19 = tpu.memref_slice %arg5[%mul3A_2, %dma_wait3A_18] : memref<10240x128xf32, #tpu.memory_space<hbm>> -> memref<640x128xf32, #tpu.memory_space<hbm>>
      tpu.wait_dma2 semaphore(%run_scoped3A : memref<!tpu.dma_semaphore, #tpu.memory_space<semaphore_mem>>) src(%dma_wait3A_19 : memref<640x128xf32, #tpu.memory_space<hbm>>) dst(%dma_wait3A_17 : memref<640x128xf32, #tpu.memory_space<vmem_shared>>)
      tpu.yield
    }) : () -> ()
    %barrier3A = arith.constant 0 : index
    tpu.barrier barrier_id(%barrier3A)
    %scan3A = arith.constant 0 : i32
    %scan3A_5 = arith.constant 125 : i32
    %scan3A_6 = arith.addi %scan3A, %scan3A_5 : i32
    %scan3A_7 = arith.constant 1 : i32
    scf.for %scan3A_14 = %scan3A to %scan3A_6 step %scan3A_7  : i32 {
      %mul3A_15 = arith.constant 1 : i32
      %mul3A_16 = arith.muli %scan3A_14, %mul3A_15 : i32
      %add3A_17 = arith.constant 0 : i32
      %add3A_18 = arith.addi %add3A_17, %mul3A_16 : i32
      %dma_start3A = arith.constant 0 : i32
      %dma_start3A_19 = tpu.memref_slice %arg7[%add3A_18, %dma_start3A] : memref<125x80xi32, #tpu.memory_space<vmem>> -> memref<1x80xi32, #tpu.memory_space<vmem>>
      %dma_start3A_20 = tpu.memref_squeeze %dma_start3A_19 : memref<1x80xi32, #tpu.memory_space<vmem>> -> memref<80xi32, #tpu.memory_space<vmem>>
      %dma_start3A_21 = arith.constant 0 : i32
      %dma_start3A_22 = arith.constant 0 : i32
      %dma_start3A_23 = tpu.memref_slice %arg2[%dma_start3A_21, %dma_start3A_22] : memref<10000x128xf32, #tpu.memory_space<hbm>> -> memref<10000x128xf32, #tpu.memory_space<hbm>>
      tpu.enqueue_indirect_dma source(%dma_start3A_23 : memref<10000x128xf32, #tpu.memory_space<hbm>>) target(%arg9 : memref<80x128xf32, #tpu.memory_space<vmem>>) offsets(%dma_start3A_20 : memref<80xi32, #tpu.memory_space<vmem>>) semaphore(%arg11 : memref<!tpu.dma_semaphore, #tpu.memory_space<semaphore_mem>>)
      %dma_wait3A = arith.constant 0 : i32
      %dma_wait3A_24 = tpu.memref_slice %arg7[%add3A_18, %dma_wait3A] : memref<125x80xi32, #tpu.memory_space<vmem>> -> memref<1x80xi32, #tpu.memory_space<vmem>>
      %dma_wait3A_25 = tpu.memref_squeeze %dma_wait3A_24 : memref<1x80xi32, #tpu.memory_space<vmem>> -> memref<80xi32, #tpu.memory_space<vmem>>
      %dma_wait3A_26 = arith.constant 0 : i32
      %dma_wait3A_27 = arith.constant 0 : i32
      %dma_wait3A_28 = tpu.memref_slice %arg2[%dma_wait3A_26, %dma_wait3A_27] : memref<10000x128xf32, #tpu.memory_space<hbm>> -> memref<10000x128xf32, #tpu.memory_space<hbm>>
      tpu.wait_indirect_dma semaphore(%arg11 : memref<!tpu.dma_semaphore, #tpu.memory_space<semaphore_mem>>) src(%dma_wait3A_28 : memref<10000x128xf32, #tpu.memory_space<hbm>>) dst(%arg9 : memref<80x128xf32, #tpu.memory_space<vmem>>)
      "tpu.region"() ({
        %run_scoped3A = tpu.sem_alloc : memref<!tpu.dma_semaphore, #tpu.memory_space<semaphore_mem>>
        %dma_start3A_29 = arith.constant 0 : i32
        %dma_start3A_30 = tpu.memref_slice %arg8[%add3A_18, %dma_start3A_29] : memref<125x80xi32, #tpu.memory_space<vmem>> -> memref<1x80xi32, #tpu.memory_space<vmem>>
        %dma_start3A_31 = tpu.memref_squeeze %dma_start3A_30 : memref<1x80xi32, #tpu.memory_space<vmem>> -> memref<80xi32, #tpu.memory_space<vmem>>
        %dma_start3A_32 = arith.constant 0 : i32
        %dma_start3A_33 = arith.constant 0 : i32
        %dma_start3A_34 = tpu.memref_slice %arg10[%dma_start3A_32, %dma_start3A_33] : memref<10240x128xf32, #tpu.memory_space<vmem_shared>> -> memref<10240x128xf32, #tpu.memory_space<vmem_shared>>
        tpu.enqueue_indirect_dma source(%arg9 : memref<80x128xf32, #tpu.memory_space<vmem>>) target(%dma_start3A_34 : memref<10240x128xf32, #tpu.memory_space<vmem_shared>>) offsets(%dma_start3A_31 : memref<80xi32, #tpu.memory_space<vmem>>) semaphore(%run_scoped3A : memref<!tpu.dma_semaphore, #tpu.memory_space<semaphore_mem>>) {add = true}
        %dma_wait3A_35 = arith.constant 0 : i32
        %dma_wait3A_36 = tpu.memref_slice %arg8[%add3A_18, %dma_wait3A_35] : memref<125x80xi32, #tpu.memory_space<vmem>> -> memref<1x80xi32, #tpu.memory_space<vmem>>
        %dma_wait3A_37 = tpu.memref_squeeze %dma_wait3A_36 : memref<1x80xi32, #tpu.memory_space<vmem>> -> memref<80xi32, #tpu.memory_space<vmem>>
        %dma_wait3A_38 = arith.constant 0 : i32
        %dma_wait3A_39 = arith.constant 0 : i32
        %dma_wait3A_40 = tpu.memref_slice %arg10[%dma_wait3A_38, %dma_wait3A_39] : memref<10240x128xf32, #tpu.memory_space<vmem_shared>> -> memref<10240x128xf32, #tpu.memory_space<vmem_shared>>
        tpu.wait_indirect_dma semaphore(%run_scoped3A : memref<!tpu.dma_semaphore, #tpu.memory_space<semaphore_mem>>) src(%arg9 : memref<80x128xf32, #tpu.memory_space<vmem>>) dst(%dma_wait3A_40 : memref<10240x128xf32, #tpu.memory_space<vmem_shared>>)
        tpu.yield
      }) : () -> ()
    }
    %scan3A_8 = arith.constant 125 : i32
    %barrier3A_9 = arith.constant 0 : index
    tpu.barrier barrier_id(%barrier3A_9)
    %mul3A_10 = arith.constant 640 : i32
    %mul3A_11 = arith.muli %arg1, %mul3A_10 : i32
    %mul3A_12 = arith.constant 640 : i32
    %mul3A_13 = arith.muli %arg1, %mul3A_12 : i32
    "tpu.region"() ({
      %run_scoped3A = tpu.sem_alloc : memref<!tpu.dma_semaphore, #tpu.memory_space<semaphore_mem>>
      %dma_start3A = arith.constant 0 : i32
      %dma_start3A_14 = tpu.memref_slice %arg6[%arg0, %mul3A_13, %dma_start3A] : memref<2x10240x128xf32, #tpu.memory_space<hbm>> -> memref<1x640x128xf32, #tpu.memory_space<hbm>>
      %dma_start3A_15 = tpu.memref_squeeze %dma_start3A_14 : memref<1x640x128xf32, #tpu.memory_space<hbm>> -> memref<640x128xf32, #tpu.memory_space<hbm>>
      %dma_start3A_16 = arith.constant 0 : i32
      %dma_start3A_17 = tpu.memref_slice %arg10[%mul3A_11, %dma_start3A_16] : memref<10240x128xf32, #tpu.memory_space<vmem_shared>> -> memref<640x128xf32, #tpu.memory_space<vmem_shared>>
      tpu.enqueue_dma source(%dma_start3A_17 : memref<640x128xf32, #tpu.memory_space<vmem_shared>>) target(%dma_start3A_15 : memref<640x128xf32, #tpu.memory_space<hbm>>) target_semaphore(%run_scoped3A : memref<!tpu.dma_semaphore, #tpu.memory_space<semaphore_mem>>)
      %dma_wait3A = arith.constant 0 : i32
      %dma_wait3A_18 = tpu.memref_slice %arg6[%arg0, %mul3A_13, %dma_wait3A] : memref<2x10240x128xf32, #tpu.memory_space<hbm>> -> memref<1x640x128xf32, #tpu.memory_space<hbm>>
      %dma_wait3A_19 = tpu.memref_squeeze %dma_wait3A_18 : memref<1x640x128xf32, #tpu.memory_space<hbm>> -> memref<640x128xf32, #tpu.memory_space<hbm>>
      %dma_wait3A_20 = arith.constant 0 : i32
      %dma_wait3A_21 = tpu.memref_slice %arg10[%mul3A_11, %dma_wait3A_20] : memref<10240x128xf32, #tpu.memory_space<vmem_shared>> -> memref<640x128xf32, #tpu.memory_space<vmem_shared>>
      tpu.wait_dma2 semaphore(%run_scoped3A : memref<!tpu.dma_semaphore, #tpu.memory_space<semaphore_mem>>) src(%dma_wait3A_21 : memref<640x128xf32, #tpu.memory_space<vmem_shared>>) dst(%dma_wait3A_19 : memref<640x128xf32, #tpu.memory_space<hbm>>)
      tpu.yield
    }) : () -> ()
    return
  }
}

module attributes {stable_mosaic.version = 14 : i64} {
  func.func @_dinv_body(%arg0: i32, %arg1: memref<2x10000x16xf32, #tpu.memory_space<vmem>>, %arg2: memref<10000x1xf32, #tpu.memory_space<vmem>>) attributes {dimension_semantics = [#tpu.dimension_semantics<arbitrary>], iteration_bounds = array<i64: 1>, scalar_prefetch = 0 : i64, scratch_operands = 0 : i64, tpu.core_type = #tpu.core_type<tc>, window_params = [{transform_indices = @transform_0, window_bounds = array<i64: 2, 10000, 16>}, {pipeline_mode = #tpu.pipeline_mode<synchronous>, transform_indices = @transform_1, window_bounds = array<i64: 10000, 1>}]} {
    %get3A = arith.constant 0 : index
    %get3A_0 = arith.constant 0 : index
    %get3A_1 = arith.constant 0 : index
    %get3A_2 = vector.load %arg1[%get3A, %get3A_0, %get3A_1] : memref<2x10000x16xf32, #tpu.memory_space<vmem>>, vector<1x10000x1xf32>
    %get3A_3 = vector.shape_cast %get3A_2 : vector<1x10000x1xf32> to vector<10000x1xf32>
    %get3A_4 = arith.constant 1 : index
    %get3A_5 = arith.constant 0 : index
    %get3A_6 = arith.constant 0 : index
    %get3A_7 = vector.load %arg1[%get3A_4, %get3A_5, %get3A_6] : memref<2x10000x16xf32, #tpu.memory_space<vmem>>, vector<1x10000x1xf32>
    %get3A_8 = vector.shape_cast %get3A_7 : vector<1x10000x1xf32> to vector<10000x1xf32>
    %add3A = arith.addf %get3A_3, %get3A_8 : vector<10000x1xf32>
    %add3A_9 = arith.constant 1.000000e+00 : f32
    %add3A_10 = vector.broadcast %add3A_9 : f32 to vector<10000x1xf32>
    %add3A_11 = arith.addf %add3A, %add3A_10 : vector<10000x1xf32>
    %rsqrt3A = math.rsqrt %add3A_11 : vector<10000x1xf32>
    %swap3A = arith.constant 0 : index
    %swap3A_12 = arith.constant 0 : index
    %swap3A_13 = vector.load %arg2[%swap3A, %swap3A_12] : memref<10000x1xf32, #tpu.memory_space<vmem>>, vector<10000x1xf32>
    tpu.vector_store %arg2[%swap3A, %swap3A_12], %rsqrt3A {strides = array<i32>} : memref<10000x1xf32, #tpu.memory_space<vmem>>, vector<10000x1xf32>,
    return
  }
  func.func @transform_0(%arg0: i32) -> (i32, i32, i32) {
    %c0_i32 = arith.constant 0 : i32
    %c0_i32_0 = arith.constant 0 : i32
    %c0_i32_1 = arith.constant 0 : i32
    %c0_i32_2 = arith.constant 0 : i32
    return %c0_i32, %c0_i32_0, %c0_i32_1 : i32, i32, i32
  }
  func.func @transform_1(%arg0: i32) -> (i32, i32) {
    %c0_i32 = arith.constant 0 : i32
    %c0_i32_0 = arith.constant 0 : i32
    %c0_i32_1 = arith.constant 0 : i32
    return %c0_i32, %c0_i32_0 : i32, i32
  }
}

module attributes {stable_mosaic.version = 14 : i64} {
  func.func @_matmul_scale_body(%arg0: i32, %arg1: memref<2000x128xf32, #tpu.memory_space<vmem>>, %arg2: memref<128x16xf32, #tpu.memory_space<vmem>>, %arg3: memref<2000x1xf32, #tpu.memory_space<vmem>>, %arg4: memref<2000x16xf32, #tpu.memory_space<vmem>>) attributes {dimension_semantics = [#tpu.dimension_semantics<arbitrary>], iteration_bounds = array<i64: 5>, scalar_prefetch = 0 : i64, scratch_operands = 0 : i64, tpu.core_type = #tpu.core_type<tc>, window_params = [{transform_indices = @transform_0, window_bounds = array<i64: 2000, 128>}, {pipeline_mode = #tpu.pipeline_mode<synchronous>, transform_indices = @transform_1, window_bounds = array<i64: 128, 16>}, {transform_indices = @transform_2, window_bounds = array<i64: 2000, 1>}, {transform_indices = @transform_3, window_bounds = array<i64: 2000, 16>}]} {
    %get3A = arith.constant 0 : index
    %get3A_0 = arith.constant 0 : index
    %get3A_1 = vector.load %arg1[%get3A, %get3A_0] : memref<2000x128xf32, #tpu.memory_space<vmem>>, vector<2000x128xf32>
    %get3A_2 = arith.constant 0 : index
    %get3A_3 = arith.constant 0 : index
    %get3A_4 = vector.load %arg2[%get3A_2, %get3A_3] : memref<128x16xf32, #tpu.memory_space<vmem>>, vector<128x16xf32>
    %dot_general3A = arith.constant dense<0.000000e+00> : vector<2000x16xf32>
    %dot_general3A_5 = tpu.matmul %get3A_1, %get3A_4, %dot_general3A {dimension_numbers = #tpu.dot_dimension_numbers<[1], [0], [0], [1], [0, 0, 1, 1], [], []>, precision = #tpu.contract_precision<fp32>, transpose_lhs_hint = false} : vector<2000x128xf32>, vector<128x16xf32>, vector<2000x16xf32> -> vector<2000x16xf32>
    %get3A_6 = arith.constant 0 : index
    %get3A_7 = arith.constant 0 : index
    %get3A_8 = vector.load %arg3[%get3A_6, %get3A_7] : memref<2000x1xf32, #tpu.memory_space<vmem>>, vector<2000x1xf32>
    %mul3A = vector.broadcast %get3A_8 : vector<2000x1xf32> to vector<2000x16xf32>
    %mul3A_9 = arith.mulf %dot_general3A_5, %mul3A : vector<2000x16xf32>
    %swap3A = arith.constant 0 : index
    %swap3A_10 = arith.constant 0 : index
    %swap3A_11 = vector.load %arg4[%swap3A, %swap3A_10] : memref<2000x16xf32, #tpu.memory_space<vmem>>, vector<2000x16xf32>
    tpu.vector_store %arg4[%swap3A, %swap3A_10], %mul3A_9 {strides = array<i32>} : memref<2000x16xf32, #tpu.memory_space<vmem>>, vector<2000x16xf32>,
    return
  }
  func.func @transform_0(%arg0: i32) -> (i32, i32) {
    %c0_i32 = arith.constant 0 : i32
    %c0_i32_0 = arith.constant 0 : i32
    return %arg0, %c0_i32 : i32, i32
  }
  func.func @transform_1(%arg0: i32) -> (i32, i32) {
    %c0_i32 = arith.constant 0 : i32
    %c0_i32_0 = arith.constant 0 : i32
    %c0_i32_1 = arith.constant 0 : i32
    return %c0_i32, %c0_i32_0 : i32, i32
  }
  func.func @transform_2(%arg0: i32) -> (i32, i32) {
    %c0_i32 = arith.constant 0 : i32
    %c0_i32_0 = arith.constant 0 : i32
    return %arg0, %c0_i32 : i32, i32
  }
  func.func @transform_3(%arg0: i32) -> (i32, i32) {
    %c0_i32 = arith.constant 0 : i32
    %c0_i32_0 = arith.constant 0 : i32
    return %arg0, %c0_i32 : i32, i32
  }
}

module attributes {stable_mosaic.version = 14 : i64} {
  func.func @_combine_bias_body(%arg0: i32, %arg1: memref<2x2000x128xf32, #tpu.memory_space<vmem>>, %arg2: memref<2000x16xf32, #tpu.memory_space<vmem>>, %arg3: memref<2000x1xf32, #tpu.memory_space<vmem>>, %arg4: memref<1x16xf32, #tpu.memory_space<vmem>>, %arg5: memref<2000x16xf32, #tpu.memory_space<vmem>>) attributes {dimension_semantics = [#tpu.dimension_semantics<arbitrary>], iteration_bounds = array<i64: 5>, scalar_prefetch = 0 : i64, scratch_operands = 0 : i64, tpu.core_type = #tpu.core_type<tc>, window_params = [{transform_indices = @transform_0, window_bounds = array<i64: 2, 2000, 128>}, {transform_indices = @transform_1, window_bounds = array<i64: 2000, 16>}, {transform_indices = @transform_2, window_bounds = array<i64: 2000, 1>}, {pipeline_mode = #tpu.pipeline_mode<synchronous>, transform_indices = @transform_3, window_bounds = array<i64: 1, 16>}, {transform_indices = @transform_4, window_bounds = array<i64: 2000, 16>}]} {
    %get3A = arith.constant 0 : index
    %get3A_0 = arith.constant 0 : index
    %get3A_1 = arith.constant 0 : index
    %get3A_2 = vector.load %arg1[%get3A, %get3A_0, %get3A_1] : memref<2x2000x128xf32, #tpu.memory_space<vmem>>, vector<1x2000x128xf32>
    %get3A_3 = vector.shape_cast %get3A_2 : vector<1x2000x128xf32> to vector<2000x128xf32>
    %slice3A = vector.extract_strided_slice %get3A_3 {offsets = [0, 0], sizes = [2000, 16], strides = [1, 1]} : vector<2000x128xf32> to vector<2000x16xf32>
    %get3A_4 = arith.constant 1 : index
    %get3A_5 = arith.constant 0 : index
    %get3A_6 = arith.constant 0 : index
    %get3A_7 = vector.load %arg1[%get3A_4, %get3A_5, %get3A_6] : memref<2x2000x128xf32, #tpu.memory_space<vmem>>, vector<1x2000x128xf32>
    %get3A_8 = vector.shape_cast %get3A_7 : vector<1x2000x128xf32> to vector<2000x128xf32>
    %slice3A_9 = vector.extract_strided_slice %get3A_8 {offsets = [0, 0], sizes = [2000, 16], strides = [1, 1]} : vector<2000x128xf32> to vector<2000x16xf32>
    %add3A = arith.addf %slice3A, %slice3A_9 : vector<2000x16xf32>
    %get3A_10 = arith.constant 0 : index
    %get3A_11 = arith.constant 0 : index
    %get3A_12 = vector.load %arg2[%get3A_10, %get3A_11] : memref<2000x16xf32, #tpu.memory_space<vmem>>, vector<2000x16xf32>
    %add3A_13 = arith.addf %add3A, %get3A_12 : vector<2000x16xf32>
    %get3A_14 = arith.constant 0 : index
    %get3A_15 = arith.constant 0 : index
    %get3A_16 = vector.load %arg3[%get3A_14, %get3A_15] : memref<2000x1xf32, #tpu.memory_space<vmem>>, vector<2000x1xf32>
    %mul3A = vector.broadcast %get3A_16 : vector<2000x1xf32> to vector<2000x16xf32>
    %mul3A_17 = arith.mulf %add3A_13, %mul3A : vector<2000x16xf32>
    %get3A_18 = arith.constant 0 : index
    %get3A_19 = arith.constant 0 : index
    %get3A_20 = vector.load %arg4[%get3A_18, %get3A_19] : memref<1x16xf32, #tpu.memory_space<vmem>>, vector<1x16xf32>
    %add3A_21 = vector.broadcast %get3A_20 : vector<1x16xf32> to vector<2000x16xf32>
    %add3A_22 = arith.addf %mul3A_17, %add3A_21 : vector<2000x16xf32>
    %swap3A = arith.constant 0 : index
    %swap3A_23 = arith.constant 0 : index
    %swap3A_24 = vector.load %arg5[%swap3A, %swap3A_23] : memref<2000x16xf32, #tpu.memory_space<vmem>>, vector<2000x16xf32>
    tpu.vector_store %arg5[%swap3A, %swap3A_23], %add3A_22 {strides = array<i32>} : memref<2000x16xf32, #tpu.memory_space<vmem>>, vector<2000x16xf32>,
    return
  }
  func.func @transform_0(%arg0: i32) -> (i32, i32, i32) {
    %c0_i32 = arith.constant 0 : i32
    %c0_i32_0 = arith.constant 0 : i32
    %c0_i32_1 = arith.constant 0 : i32
    return %c0_i32, %arg0, %c0_i32_0 : i32, i32, i32
  }
  func.func @transform_1(%arg0: i32) -> (i32, i32) {
    %c0_i32 = arith.constant 0 : i32
    %c0_i32_0 = arith.constant 0 : i32
    return %arg0, %c0_i32 : i32, i32
  }
  func.func @transform_2(%arg0: i32) -> (i32, i32) {
    %c0_i32 = arith.constant 0 : i32
    %c0_i32_0 = arith.constant 0 : i32
    return %arg0, %c0_i32 : i32, i32
  }
  func.func @transform_3(%arg0: i32) -> (i32, i32) {
    %c0_i32 = arith.constant 0 : i32
    %c0_i32_0 = arith.constant 0 : i32
    %c0_i32_1 = arith.constant 0 : i32
    return %c0_i32, %c0_i32_0 : i32, i32
  }
  func.func @transform_4(%arg0: i32) -> (i32, i32) {
    %c0_i32 = arith.constant 0 : i32
    %c0_i32_0 = arith.constant 0 : i32
    return %arg0, %c0_i32 : i32, i32
  }
}

module attributes {stable_mosaic.version = 14 : i64} {
  func.func @_bn_relu_body(%arg0: i32, %arg1: memref<10000x16xf32, #tpu.memory_space<vmem>>, %arg2: memref<1x16xf32, #tpu.memory_space<vmem>>, %arg3: memref<1x16xf32, #tpu.memory_space<vmem>>, %arg4: memref<10000x1xf32, #tpu.memory_space<vmem>>, %arg5: memref<10000x16xf32, #tpu.memory_space<vmem>>) attributes {dimension_semantics = [#tpu.dimension_semantics<arbitrary>], iteration_bounds = array<i64: 1>, scalar_prefetch = 0 : i64, scratch_operands = 0 : i64, tpu.core_type = #tpu.core_type<tc>, window_params = [{transform_indices = @transform_0, window_bounds = array<i64: 10000, 16>}, {transform_indices = @transform_1, window_bounds = array<i64: 1, 16>}, {transform_indices = @transform_2, window_bounds = array<i64: 1, 16>}, {pipeline_mode = #tpu.pipeline_mode<synchronous>, transform_indices = @transform_3, window_bounds = array<i64: 10000, 1>}, {transform_indices = @transform_4, window_bounds = array<i64: 10000, 16>}]} {
    %get3A = arith.constant 0 : index
    %get3A_0 = arith.constant 0 : index
    %get3A_1 = vector.load %arg1[%get3A, %get3A_0] : memref<10000x16xf32, #tpu.memory_space<vmem>>, vector<10000x16xf32>
    %reduce_sum3A = arith.constant dense<0.000000e+00> : vector<16xf32>
    %reduce_sum3A_2 = vector.multi_reduction <add>, %get3A_1, %reduce_sum3A [0] : vector<10000x16xf32> to vector<16xf32>
    %broadcast_in_dim3A = vector.shape_cast %reduce_sum3A_2 : vector<16xf32> to vector<1x16xf32>
    %div3A = arith.constant 1.000000e+04 : f32
    %div3A_3 = vector.broadcast %div3A : f32 to vector<1x16xf32>
    %div3A_4 = arith.divf %broadcast_in_dim3A, %div3A_3 : vector<1x16xf32>
    %sub3A = vector.broadcast %div3A_4 : vector<1x16xf32> to vector<10000x16xf32>
    %sub3A_5 = arith.subf %get3A_1, %sub3A : vector<10000x16xf32>
    %integer_pow3A = arith.mulf %sub3A_5, %sub3A_5 : vector<10000x16xf32>
    %reduce_sum3A_6 = arith.constant dense<0.000000e+00> : vector<16xf32>
    %reduce_sum3A_7 = vector.multi_reduction <add>, %integer_pow3A, %reduce_sum3A_6 [0] : vector<10000x16xf32> to vector<16xf32>
    %broadcast_in_dim3A_8 = vector.shape_cast %reduce_sum3A_7 : vector<16xf32> to vector<1x16xf32>
    %div3A_9 = arith.constant 1.000000e+04 : f32
    %div3A_10 = vector.broadcast %div3A_9 : f32 to vector<1x16xf32>
    %div3A_11 = arith.divf %broadcast_in_dim3A_8, %div3A_10 : vector<1x16xf32>
    %sub3A_12 = vector.broadcast %div3A_4 : vector<1x16xf32> to vector<10000x16xf32>
    %sub3A_13 = arith.subf %get3A_1, %sub3A_12 : vector<10000x16xf32>
    %add3A = arith.constant 9.99999974E-6 : f32
    %add3A_14 = vector.broadcast %add3A : f32 to vector<1x16xf32>
    %add3A_15 = arith.addf %div3A_11, %add3A_14 : vector<1x16xf32>
    %rsqrt3A = math.rsqrt %add3A_15 : vector<1x16xf32>
    %mul3A = vector.broadcast %rsqrt3A : vector<1x16xf32> to vector<10000x16xf32>
    %mul3A_16 = arith.mulf %sub3A_13, %mul3A : vector<10000x16xf32>
    %get3A_17 = arith.constant 0 : index
    %get3A_18 = arith.constant 0 : index
    %get3A_19 = vector.load %arg2[%get3A_17, %get3A_18] : memref<1x16xf32, #tpu.memory_space<vmem>>, vector<1x16xf32>
    %mul3A_20 = vector.broadcast %get3A_19 : vector<1x16xf32> to vector<10000x16xf32>
    %mul3A_21 = arith.mulf %mul3A_16, %mul3A_20 : vector<10000x16xf32>
    %get3A_22 = arith.constant 0 : index
    %get3A_23 = arith.constant 0 : index
    %get3A_24 = vector.load %arg3[%get3A_22, %get3A_23] : memref<1x16xf32, #tpu.memory_space<vmem>>, vector<1x16xf32>
    %add3A_25 = vector.broadcast %get3A_24 : vector<1x16xf32> to vector<10000x16xf32>
    %add3A_26 = arith.addf %mul3A_21, %add3A_25 : vector<10000x16xf32>
    %max3A = arith.constant 0.000000e+00 : f32
    %max3A_27 = vector.broadcast %max3A : f32 to vector<10000x16xf32>
    %max3A_28 = arith.maximumf %add3A_26, %max3A_27 : vector<10000x16xf32>
    %get3A_29 = arith.constant 0 : index
    %get3A_30 = arith.constant 0 : index
    %get3A_31 = vector.load %arg4[%get3A_29, %get3A_30] : memref<10000x1xf32, #tpu.memory_space<vmem>>, vector<10000x1xf32>
    %mul3A_32 = vector.broadcast %get3A_31 : vector<10000x1xf32> to vector<10000x16xf32>
    %mul3A_33 = arith.mulf %max3A_28, %mul3A_32 : vector<10000x16xf32>
    %swap3A = arith.constant 0 : index
    %swap3A_34 = arith.constant 0 : index
    %swap3A_35 = vector.load %arg5[%swap3A, %swap3A_34] : memref<10000x16xf32, #tpu.memory_space<vmem>>, vector<10000x16xf32>
    tpu.vector_store %arg5[%swap3A, %swap3A_34], %mul3A_33 {strides = array<i32>} : memref<10000x16xf32, #tpu.memory_space<vmem>>, vector<10000x16xf32>,
    return
  }
  func.func @transform_0(%arg0: i32) -> (i32, i32) {
    %c0_i32 = arith.constant 0 : i32
    %c0_i32_0 = arith.constant 0 : i32
    return %c0_i32, %arg0 : i32, i32
  }
  func.func @transform_1(%arg0: i32) -> (i32, i32) {
    %c0_i32 = arith.constant 0 : i32
    %c0_i32_0 = arith.constant 0 : i32
    return %c0_i32, %arg0 : i32, i32
  }
  func.func @transform_2(%arg0: i32) -> (i32, i32) {
    %c0_i32 = arith.constant 0 : i32
    %c0_i32_0 = arith.constant 0 : i32
    return %c0_i32, %arg0 : i32, i32
  }
  func.func @transform_3(%arg0: i32) -> (i32, i32) {
    %c0_i32 = arith.constant 0 : i32
    %c0_i32_0 = arith.constant 0 : i32
    %c0_i32_1 = arith.constant 0 : i32
    return %c0_i32, %c0_i32_0 : i32, i32
  }
  func.func @transform_4(%arg0: i32) -> (i32, i32) {
    %c0_i32 = arith.constant 0 : i32
    %c0_i32_0 = arith.constant 0 : i32
    return %c0_i32, %arg0 : i32, i32
  }
}

module attributes {stable_mosaic.version = 14 : i64} {
  func.func @_combine_matmul_body(%arg0: i32, %arg1: memref<2x2000x128xf32, #tpu.memory_space<vmem>>, %arg2: memref<2000x16xf32, #tpu.memory_space<vmem>>, %arg3: memref<2000x1xf32, #tpu.memory_space<vmem>>, %arg4: memref<16x32xf32, #tpu.memory_space<vmem>>, %arg5: memref<1x32xf32, #tpu.memory_space<vmem>>, %arg6: memref<2000x32xf32, #tpu.memory_space<vmem>>) attributes {dimension_semantics = [#tpu.dimension_semantics<arbitrary>], iteration_bounds = array<i64: 5>, scalar_prefetch = 0 : i64, scratch_operands = 0 : i64, tpu.core_type = #tpu.core_type<tc>, window_params = [{transform_indices = @transform_0, window_bounds = array<i64: 2, 2000, 128>}, {transform_indices = @transform_1, window_bounds = array<i64: 2000, 16>}, {transform_indices = @transform_2, window_bounds = array<i64: 2000, 1>}, {pipeline_mode = #tpu.pipeline_mode<synchronous>, transform_indices = @transform_3, window_bounds = array<i64: 16, 32>}, {pipeline_mode = #tpu.pipeline_mode<synchronous>, transform_indices = @transform_4, window_bounds = array<i64: 1, 32>}, {transform_indices = @transform_5, window_bounds = array<i64: 2000, 32>}]} {
    %get3A = arith.constant 0 : index
    %get3A_0 = arith.constant 0 : index
    %get3A_1 = arith.constant 0 : index
    %get3A_2 = vector.load %arg1[%get3A, %get3A_0, %get3A_1] : memref<2x2000x128xf32, #tpu.memory_space<vmem>>, vector<1x2000x128xf32>
    %get3A_3 = vector.shape_cast %get3A_2 : vector<1x2000x128xf32> to vector<2000x128xf32>
    %slice3A = vector.extract_strided_slice %get3A_3 {offsets = [0, 0], sizes = [2000, 16], strides = [1, 1]} : vector<2000x128xf32> to vector<2000x16xf32>
    %get3A_4 = arith.constant 1 : index
    %get3A_5 = arith.constant 0 : index
    %get3A_6 = arith.constant 0 : index
    %get3A_7 = vector.load %arg1[%get3A_4, %get3A_5, %get3A_6] : memref<2x2000x128xf32, #tpu.memory_space<vmem>>, vector<1x2000x128xf32>
    %get3A_8 = vector.shape_cast %get3A_7 : vector<1x2000x128xf32> to vector<2000x128xf32>
    %slice3A_9 = vector.extract_strided_slice %get3A_8 {offsets = [0, 0], sizes = [2000, 16], strides = [1, 1]} : vector<2000x128xf32> to vector<2000x16xf32>
    %add3A = arith.addf %slice3A, %slice3A_9 : vector<2000x16xf32>
    %get3A_10 = arith.constant 0 : index
    %get3A_11 = arith.constant 0 : index
    %get3A_12 = vector.load %arg2[%get3A_10, %get3A_11] : memref<2000x16xf32, #tpu.memory_space<vmem>>, vector<2000x16xf32>
    %add3A_13 = arith.addf %add3A, %get3A_12 : vector<2000x16xf32>
    %get3A_14 = arith.constant 0 : index
    %get3A_15 = arith.constant 0 : index
    %get3A_16 = vector.load %arg3[%get3A_14, %get3A_15] : memref<2000x1xf32, #tpu.memory_space<vmem>>, vector<2000x1xf32>
    %mul3A = vector.broadcast %get3A_16 : vector<2000x1xf32> to vector<2000x16xf32>
    %mul3A_17 = arith.mulf %add3A_13, %mul3A : vector<2000x16xf32>
    %get3A_18 = arith.constant 0 : index
    %get3A_19 = arith.constant 0 : index
    %get3A_20 = vector.load %arg4[%get3A_18, %get3A_19] : memref<16x32xf32, #tpu.memory_space<vmem>>, vector<16x32xf32>
    %dot_general3A = arith.constant dense<0.000000e+00> : vector<2000x32xf32>
    %dot_general3A_21 = tpu.matmul %mul3A_17, %get3A_20, %dot_general3A {dimension_numbers = #tpu.dot_dimension_numbers<[1], [0], [0], [1], [0, 0, 1, 1], [], []>, precision = #tpu.contract_precision<fp32>, transpose_lhs_hint = false} : vector<2000x16xf32>, vector<16x32xf32>, vector<2000x32xf32> -> vector<2000x32xf32>
    %get3A_22 = arith.constant 0 : index
    %get3A_23 = arith.constant 0 : index
    %get3A_24 = vector.load %arg5[%get3A_22, %get3A_23] : memref<1x32xf32, #tpu.memory_space<vmem>>, vector<1x32xf32>
    %add3A_25 = vector.broadcast %get3A_24 : vector<1x32xf32> to vector<2000x32xf32>
    %add3A_26 = arith.addf %dot_general3A_21, %add3A_25 : vector<2000x32xf32>
    %swap3A = arith.constant 0 : index
    %swap3A_27 = arith.constant 0 : index
    %swap3A_28 = vector.load %arg6[%swap3A, %swap3A_27] : memref<2000x32xf32, #tpu.memory_space<vmem>>, vector<2000x32xf32>
    tpu.vector_store %arg6[%swap3A, %swap3A_27], %add3A_26 {strides = array<i32>} : memref<2000x32xf32, #tpu.memory_space<vmem>>, vector<2000x32xf32>,
    return
  }
  func.func @transform_0(%arg0: i32) -> (i32, i32, i32) {
    %c0_i32 = arith.constant 0 : i32
    %c0_i32_0 = arith.constant 0 : i32
    %c0_i32_1 = arith.constant 0 : i32
    return %c0_i32, %arg0, %c0_i32_0 : i32, i32, i32
  }
  func.func @transform_1(%arg0: i32) -> (i32, i32) {
    %c0_i32 = arith.constant 0 : i32
    %c0_i32_0 = arith.constant 0 : i32
    return %arg0, %c0_i32 : i32, i32
  }
  func.func @transform_2(%arg0: i32) -> (i32, i32) {
    %c0_i32 = arith.constant 0 : i32
    %c0_i32_0 = arith.constant 0 : i32
    return %arg0, %c0_i32 : i32, i32
  }
  func.func @transform_3(%arg0: i32) -> (i32, i32) {
    %c0_i32 = arith.constant 0 : i32
    %c0_i32_0 = arith.constant 0 : i32
    %c0_i32_1 = arith.constant 0 : i32
    return %c0_i32, %c0_i32_0 : i32, i32
  }
  func.func @transform_4(%arg0: i32) -> (i32, i32) {
    %c0_i32 = arith.constant 0 : i32
    %c0_i32_0 = arith.constant 0 : i32
    %c0_i32_1 = arith.constant 0 : i32
    return %c0_i32, %c0_i32_0 : i32, i32
  }
  func.func @transform_5(%arg0: i32) -> (i32, i32) {
    %c0_i32 = arith.constant 0 : i32
    %c0_i32_0 = arith.constant 0 : i32
    return %arg0, %c0_i32 : i32, i32
  }
}

module attributes {stable_mosaic.version = 14 : i64} {
  func.func @_bn_relu_body(%arg0: i32, %arg1: memref<10000x32xf32, #tpu.memory_space<vmem>>, %arg2: memref<1x32xf32, #tpu.memory_space<vmem>>, %arg3: memref<1x32xf32, #tpu.memory_space<vmem>>, %arg4: memref<10000x1xf32, #tpu.memory_space<vmem>>, %arg5: memref<10000x32xf32, #tpu.memory_space<vmem>>) attributes {dimension_semantics = [#tpu.dimension_semantics<arbitrary>], iteration_bounds = array<i64: 1>, scalar_prefetch = 0 : i64, scratch_operands = 0 : i64, tpu.core_type = #tpu.core_type<tc>, window_params = [{transform_indices = @transform_0, window_bounds = array<i64: 10000, 32>}, {transform_indices = @transform_1, window_bounds = array<i64: 1, 32>}, {transform_indices = @transform_2, window_bounds = array<i64: 1, 32>}, {pipeline_mode = #tpu.pipeline_mode<synchronous>, transform_indices = @transform_3, window_bounds = array<i64: 10000, 1>}, {transform_indices = @transform_4, window_bounds = array<i64: 10000, 32>}]} {
    %get3A = arith.constant 0 : index
    %get3A_0 = arith.constant 0 : index
    %get3A_1 = vector.load %arg1[%get3A, %get3A_0] : memref<10000x32xf32, #tpu.memory_space<vmem>>, vector<10000x32xf32>
    %reduce_sum3A = arith.constant dense<0.000000e+00> : vector<32xf32>
    %reduce_sum3A_2 = vector.multi_reduction <add>, %get3A_1, %reduce_sum3A [0] : vector<10000x32xf32> to vector<32xf32>
    %broadcast_in_dim3A = vector.shape_cast %reduce_sum3A_2 : vector<32xf32> to vector<1x32xf32>
    %div3A = arith.constant 1.000000e+04 : f32
    %div3A_3 = vector.broadcast %div3A : f32 to vector<1x32xf32>
    %div3A_4 = arith.divf %broadcast_in_dim3A, %div3A_3 : vector<1x32xf32>
    %sub3A = vector.broadcast %div3A_4 : vector<1x32xf32> to vector<10000x32xf32>
    %sub3A_5 = arith.subf %get3A_1, %sub3A : vector<10000x32xf32>
    %integer_pow3A = arith.mulf %sub3A_5, %sub3A_5 : vector<10000x32xf32>
    %reduce_sum3A_6 = arith.constant dense<0.000000e+00> : vector<32xf32>
    %reduce_sum3A_7 = vector.multi_reduction <add>, %integer_pow3A, %reduce_sum3A_6 [0] : vector<10000x32xf32> to vector<32xf32>
    %broadcast_in_dim3A_8 = vector.shape_cast %reduce_sum3A_7 : vector<32xf32> to vector<1x32xf32>
    %div3A_9 = arith.constant 1.000000e+04 : f32
    %div3A_10 = vector.broadcast %div3A_9 : f32 to vector<1x32xf32>
    %div3A_11 = arith.divf %broadcast_in_dim3A_8, %div3A_10 : vector<1x32xf32>
    %sub3A_12 = vector.broadcast %div3A_4 : vector<1x32xf32> to vector<10000x32xf32>
    %sub3A_13 = arith.subf %get3A_1, %sub3A_12 : vector<10000x32xf32>
    %add3A = arith.constant 9.99999974E-6 : f32
    %add3A_14 = vector.broadcast %add3A : f32 to vector<1x32xf32>
    %add3A_15 = arith.addf %div3A_11, %add3A_14 : vector<1x32xf32>
    %rsqrt3A = math.rsqrt %add3A_15 : vector<1x32xf32>
    %mul3A = vector.broadcast %rsqrt3A : vector<1x32xf32> to vector<10000x32xf32>
    %mul3A_16 = arith.mulf %sub3A_13, %mul3A : vector<10000x32xf32>
    %get3A_17 = arith.constant 0 : index
    %get3A_18 = arith.constant 0 : index
    %get3A_19 = vector.load %arg2[%get3A_17, %get3A_18] : memref<1x32xf32, #tpu.memory_space<vmem>>, vector<1x32xf32>
    %mul3A_20 = vector.broadcast %get3A_19 : vector<1x32xf32> to vector<10000x32xf32>
    %mul3A_21 = arith.mulf %mul3A_16, %mul3A_20 : vector<10000x32xf32>
    %get3A_22 = arith.constant 0 : index
    %get3A_23 = arith.constant 0 : index
    %get3A_24 = vector.load %arg3[%get3A_22, %get3A_23] : memref<1x32xf32, #tpu.memory_space<vmem>>, vector<1x32xf32>
    %add3A_25 = vector.broadcast %get3A_24 : vector<1x32xf32> to vector<10000x32xf32>
    %add3A_26 = arith.addf %mul3A_21, %add3A_25 : vector<10000x32xf32>
    %max3A = arith.constant 0.000000e+00 : f32
    %max3A_27 = vector.broadcast %max3A : f32 to vector<10000x32xf32>
    %max3A_28 = arith.maximumf %add3A_26, %max3A_27 : vector<10000x32xf32>
    %get3A_29 = arith.constant 0 : index
    %get3A_30 = arith.constant 0 : index
    %get3A_31 = vector.load %arg4[%get3A_29, %get3A_30] : memref<10000x1xf32, #tpu.memory_space<vmem>>, vector<10000x1xf32>
    %mul3A_32 = vector.broadcast %get3A_31 : vector<10000x1xf32> to vector<10000x32xf32>
    %mul3A_33 = arith.mulf %max3A_28, %mul3A_32 : vector<10000x32xf32>
    %swap3A = arith.constant 0 : index
    %swap3A_34 = arith.constant 0 : index
    %swap3A_35 = vector.load %arg5[%swap3A, %swap3A_34] : memref<10000x32xf32, #tpu.memory_space<vmem>>, vector<10000x32xf32>
    tpu.vector_store %arg5[%swap3A, %swap3A_34], %mul3A_33 {strides = array<i32>} : memref<10000x32xf32, #tpu.memory_space<vmem>>, vector<10000x32xf32>,
    return
  }
  func.func @transform_0(%arg0: i32) -> (i32, i32) {
    %c0_i32 = arith.constant 0 : i32
    %c0_i32_0 = arith.constant 0 : i32
    return %c0_i32, %arg0 : i32, i32
  }
  func.func @transform_1(%arg0: i32) -> (i32, i32) {
    %c0_i32 = arith.constant 0 : i32
    %c0_i32_0 = arith.constant 0 : i32
    return %c0_i32, %arg0 : i32, i32
  }
  func.func @transform_2(%arg0: i32) -> (i32, i32) {
    %c0_i32 = arith.constant 0 : i32
    %c0_i32_0 = arith.constant 0 : i32
    return %c0_i32, %arg0 : i32, i32
  }
  func.func @transform_3(%arg0: i32) -> (i32, i32) {
    %c0_i32 = arith.constant 0 : i32
    %c0_i32_0 = arith.constant 0 : i32
    %c0_i32_1 = arith.constant 0 : i32
    return %c0_i32, %c0_i32_0 : i32, i32
  }
  func.func @transform_4(%arg0: i32) -> (i32, i32) {
    %c0_i32 = arith.constant 0 : i32
    %c0_i32_0 = arith.constant 0 : i32
    return %c0_i32, %arg0 : i32, i32
  }
}

module attributes {stable_mosaic.version = 14 : i64} {
  func.func @_combine_matmul_body(%arg0: i32, %arg1: memref<2x2000x128xf32, #tpu.memory_space<vmem>>, %arg2: memref<2000x32xf32, #tpu.memory_space<vmem>>, %arg3: memref<2000x1xf32, #tpu.memory_space<vmem>>, %arg4: memref<32x64xf32, #tpu.memory_space<vmem>>, %arg5: memref<1x64xf32, #tpu.memory_space<vmem>>, %arg6: memref<2000x64xf32, #tpu.memory_space<vmem>>) attributes {dimension_semantics = [#tpu.dimension_semantics<arbitrary>], iteration_bounds = array<i64: 5>, scalar_prefetch = 0 : i64, scratch_operands = 0 : i64, tpu.core_type = #tpu.core_type<tc>, window_params = [{transform_indices = @transform_0, window_bounds = array<i64: 2, 2000, 128>}, {transform_indices = @transform_1, window_bounds = array<i64: 2000, 32>}, {transform_indices = @transform_2, window_bounds = array<i64: 2000, 1>}, {pipeline_mode = #tpu.pipeline_mode<synchronous>, transform_indices = @transform_3, window_bounds = array<i64: 32, 64>}, {pipeline_mode = #tpu.pipeline_mode<synchronous>, transform_indices = @transform_4, window_bounds = array<i64: 1, 64>}, {transform_indices = @transform_5, window_bounds = array<i64: 2000, 64>}]} {
    %get3A = arith.constant 0 : index
    %get3A_0 = arith.constant 0 : index
    %get3A_1 = arith.constant 0 : index
    %get3A_2 = vector.load %arg1[%get3A, %get3A_0, %get3A_1] : memref<2x2000x128xf32, #tpu.memory_space<vmem>>, vector<1x2000x128xf32>
    %get3A_3 = vector.shape_cast %get3A_2 : vector<1x2000x128xf32> to vector<2000x128xf32>
    %slice3A = vector.extract_strided_slice %get3A_3 {offsets = [0, 0], sizes = [2000, 32], strides = [1, 1]} : vector<2000x128xf32> to vector<2000x32xf32>
    %get3A_4 = arith.constant 1 : index
    %get3A_5 = arith.constant 0 : index
    %get3A_6 = arith.constant 0 : index
    %get3A_7 = vector.load %arg1[%get3A_4, %get3A_5, %get3A_6] : memref<2x2000x128xf32, #tpu.memory_space<vmem>>, vector<1x2000x128xf32>
    %get3A_8 = vector.shape_cast %get3A_7 : vector<1x2000x128xf32> to vector<2000x128xf32>
    %slice3A_9 = vector.extract_strided_slice %get3A_8 {offsets = [0, 0], sizes = [2000, 32], strides = [1, 1]} : vector<2000x128xf32> to vector<2000x32xf32>
    %add3A = arith.addf %slice3A, %slice3A_9 : vector<2000x32xf32>
    %get3A_10 = arith.constant 0 : index
    %get3A_11 = arith.constant 0 : index
    %get3A_12 = vector.load %arg2[%get3A_10, %get3A_11] : memref<2000x32xf32, #tpu.memory_space<vmem>>, vector<2000x32xf32>
    %add3A_13 = arith.addf %add3A, %get3A_12 : vector<2000x32xf32>
    %get3A_14 = arith.constant 0 : index
    %get3A_15 = arith.constant 0 : index
    %get3A_16 = vector.load %arg3[%get3A_14, %get3A_15] : memref<2000x1xf32, #tpu.memory_space<vmem>>, vector<2000x1xf32>
    %mul3A = vector.broadcast %get3A_16 : vector<2000x1xf32> to vector<2000x32xf32>
    %mul3A_17 = arith.mulf %add3A_13, %mul3A : vector<2000x32xf32>
    %get3A_18 = arith.constant 0 : index
    %get3A_19 = arith.constant 0 : index
    %get3A_20 = vector.load %arg4[%get3A_18, %get3A_19] : memref<32x64xf32, #tpu.memory_space<vmem>>, vector<32x64xf32>
    %dot_general3A = arith.constant dense<0.000000e+00> : vector<2000x64xf32>
    %dot_general3A_21 = tpu.matmul %mul3A_17, %get3A_20, %dot_general3A {dimension_numbers = #tpu.dot_dimension_numbers<[1], [0], [0], [1], [0, 0, 1, 1], [], []>, precision = #tpu.contract_precision<fp32>, transpose_lhs_hint = false} : vector<2000x32xf32>, vector<32x64xf32>, vector<2000x64xf32> -> vector<2000x64xf32>
    %get3A_22 = arith.constant 0 : index
    %get3A_23 = arith.constant 0 : index
    %get3A_24 = vector.load %arg5[%get3A_22, %get3A_23] : memref<1x64xf32, #tpu.memory_space<vmem>>, vector<1x64xf32>
    %add3A_25 = vector.broadcast %get3A_24 : vector<1x64xf32> to vector<2000x64xf32>
    %add3A_26 = arith.addf %dot_general3A_21, %add3A_25 : vector<2000x64xf32>
    %swap3A = arith.constant 0 : index
    %swap3A_27 = arith.constant 0 : index
    %swap3A_28 = vector.load %arg6[%swap3A, %swap3A_27] : memref<2000x64xf32, #tpu.memory_space<vmem>>, vector<2000x64xf32>
    tpu.vector_store %arg6[%swap3A, %swap3A_27], %add3A_26 {strides = array<i32>} : memref<2000x64xf32, #tpu.memory_space<vmem>>, vector<2000x64xf32>,
    return
  }
  func.func @transform_0(%arg0: i32) -> (i32, i32, i32) {
    %c0_i32 = arith.constant 0 : i32
    %c0_i32_0 = arith.constant 0 : i32
    %c0_i32_1 = arith.constant 0 : i32
    return %c0_i32, %arg0, %c0_i32_0 : i32, i32, i32
  }
  func.func @transform_1(%arg0: i32) -> (i32, i32) {
    %c0_i32 = arith.constant 0 : i32
    %c0_i32_0 = arith.constant 0 : i32
    return %arg0, %c0_i32 : i32, i32
  }
  func.func @transform_2(%arg0: i32) -> (i32, i32) {
    %c0_i32 = arith.constant 0 : i32
    %c0_i32_0 = arith.constant 0 : i32
    return %arg0, %c0_i32 : i32, i32
  }
  func.func @transform_3(%arg0: i32) -> (i32, i32) {
    %c0_i32 = arith.constant 0 : i32
    %c0_i32_0 = arith.constant 0 : i32
    %c0_i32_1 = arith.constant 0 : i32
    return %c0_i32, %c0_i32_0 : i32, i32
  }
  func.func @transform_4(%arg0: i32) -> (i32, i32) {
    %c0_i32 = arith.constant 0 : i32
    %c0_i32_0 = arith.constant 0 : i32
    %c0_i32_1 = arith.constant 0 : i32
    return %c0_i32, %c0_i32_0 : i32, i32
  }
  func.func @transform_5(%arg0: i32) -> (i32, i32) {
    %c0_i32 = arith.constant 0 : i32
    %c0_i32_0 = arith.constant 0 : i32
    return %arg0, %c0_i32 : i32, i32
  }
}

module attributes {stable_mosaic.version = 14 : i64} {
  func.func @_bn_relu_body(%arg0: i32, %arg1: memref<10000x64xf32, #tpu.memory_space<vmem>>, %arg2: memref<1x64xf32, #tpu.memory_space<vmem>>, %arg3: memref<1x64xf32, #tpu.memory_space<vmem>>, %arg4: memref<10000x1xf32, #tpu.memory_space<vmem>>, %arg5: memref<10000x64xf32, #tpu.memory_space<vmem>>) attributes {dimension_semantics = [#tpu.dimension_semantics<arbitrary>], iteration_bounds = array<i64: 1>, scalar_prefetch = 0 : i64, scratch_operands = 0 : i64, tpu.core_type = #tpu.core_type<tc>, window_params = [{transform_indices = @transform_0, window_bounds = array<i64: 10000, 64>}, {transform_indices = @transform_1, window_bounds = array<i64: 1, 64>}, {transform_indices = @transform_2, window_bounds = array<i64: 1, 64>}, {pipeline_mode = #tpu.pipeline_mode<synchronous>, transform_indices = @transform_3, window_bounds = array<i64: 10000, 1>}, {transform_indices = @transform_4, window_bounds = array<i64: 10000, 64>}]} {
    %get3A = arith.constant 0 : index
    %get3A_0 = arith.constant 0 : index
    %get3A_1 = vector.load %arg1[%get3A, %get3A_0] : memref<10000x64xf32, #tpu.memory_space<vmem>>, vector<10000x64xf32>
    %reduce_sum3A = arith.constant dense<0.000000e+00> : vector<64xf32>
    %reduce_sum3A_2 = vector.multi_reduction <add>, %get3A_1, %reduce_sum3A [0] : vector<10000x64xf32> to vector<64xf32>
    %broadcast_in_dim3A = vector.shape_cast %reduce_sum3A_2 : vector<64xf32> to vector<1x64xf32>
    %div3A = arith.constant 1.000000e+04 : f32
    %div3A_3 = vector.broadcast %div3A : f32 to vector<1x64xf32>
    %div3A_4 = arith.divf %broadcast_in_dim3A, %div3A_3 : vector<1x64xf32>
    %sub3A = vector.broadcast %div3A_4 : vector<1x64xf32> to vector<10000x64xf32>
    %sub3A_5 = arith.subf %get3A_1, %sub3A : vector<10000x64xf32>
    %integer_pow3A = arith.mulf %sub3A_5, %sub3A_5 : vector<10000x64xf32>
    %reduce_sum3A_6 = arith.constant dense<0.000000e+00> : vector<64xf32>
    %reduce_sum3A_7 = vector.multi_reduction <add>, %integer_pow3A, %reduce_sum3A_6 [0] : vector<10000x64xf32> to vector<64xf32>
    %broadcast_in_dim3A_8 = vector.shape_cast %reduce_sum3A_7 : vector<64xf32> to vector<1x64xf32>
    %div3A_9 = arith.constant 1.000000e+04 : f32
    %div3A_10 = vector.broadcast %div3A_9 : f32 to vector<1x64xf32>
    %div3A_11 = arith.divf %broadcast_in_dim3A_8, %div3A_10 : vector<1x64xf32>
    %sub3A_12 = vector.broadcast %div3A_4 : vector<1x64xf32> to vector<10000x64xf32>
    %sub3A_13 = arith.subf %get3A_1, %sub3A_12 : vector<10000x64xf32>
    %add3A = arith.constant 9.99999974E-6 : f32
    %add3A_14 = vector.broadcast %add3A : f32 to vector<1x64xf32>
    %add3A_15 = arith.addf %div3A_11, %add3A_14 : vector<1x64xf32>
    %rsqrt3A = math.rsqrt %add3A_15 : vector<1x64xf32>
    %mul3A = vector.broadcast %rsqrt3A : vector<1x64xf32> to vector<10000x64xf32>
    %mul3A_16 = arith.mulf %sub3A_13, %mul3A : vector<10000x64xf32>
    %get3A_17 = arith.constant 0 : index
    %get3A_18 = arith.constant 0 : index
    %get3A_19 = vector.load %arg2[%get3A_17, %get3A_18] : memref<1x64xf32, #tpu.memory_space<vmem>>, vector<1x64xf32>
    %mul3A_20 = vector.broadcast %get3A_19 : vector<1x64xf32> to vector<10000x64xf32>
    %mul3A_21 = arith.mulf %mul3A_16, %mul3A_20 : vector<10000x64xf32>
    %get3A_22 = arith.constant 0 : index
    %get3A_23 = arith.constant 0 : index
    %get3A_24 = vector.load %arg3[%get3A_22, %get3A_23] : memref<1x64xf32, #tpu.memory_space<vmem>>, vector<1x64xf32>
    %add3A_25 = vector.broadcast %get3A_24 : vector<1x64xf32> to vector<10000x64xf32>
    %add3A_26 = arith.addf %mul3A_21, %add3A_25 : vector<10000x64xf32>
    %max3A = arith.constant 0.000000e+00 : f32
    %max3A_27 = vector.broadcast %max3A : f32 to vector<10000x64xf32>
    %max3A_28 = arith.maximumf %add3A_26, %max3A_27 : vector<10000x64xf32>
    %get3A_29 = arith.constant 0 : index
    %get3A_30 = arith.constant 0 : index
    %get3A_31 = vector.load %arg4[%get3A_29, %get3A_30] : memref<10000x1xf32, #tpu.memory_space<vmem>>, vector<10000x1xf32>
    %mul3A_32 = vector.broadcast %get3A_31 : vector<10000x1xf32> to vector<10000x64xf32>
    %mul3A_33 = arith.mulf %max3A_28, %mul3A_32 : vector<10000x64xf32>
    %swap3A = arith.constant 0 : index
    %swap3A_34 = arith.constant 0 : index
    %swap3A_35 = vector.load %arg5[%swap3A, %swap3A_34] : memref<10000x64xf32, #tpu.memory_space<vmem>>, vector<10000x64xf32>
    tpu.vector_store %arg5[%swap3A, %swap3A_34], %mul3A_33 {strides = array<i32>} : memref<10000x64xf32, #tpu.memory_space<vmem>>, vector<10000x64xf32>,
    return
  }
  func.func @transform_0(%arg0: i32) -> (i32, i32) {
    %c0_i32 = arith.constant 0 : i32
    %c0_i32_0 = arith.constant 0 : i32
    return %c0_i32, %arg0 : i32, i32
  }
  func.func @transform_1(%arg0: i32) -> (i32, i32) {
    %c0_i32 = arith.constant 0 : i32
    %c0_i32_0 = arith.constant 0 : i32
    return %c0_i32, %arg0 : i32, i32
  }
  func.func @transform_2(%arg0: i32) -> (i32, i32) {
    %c0_i32 = arith.constant 0 : i32
    %c0_i32_0 = arith.constant 0 : i32
    return %c0_i32, %arg0 : i32, i32
  }
  func.func @transform_3(%arg0: i32) -> (i32, i32) {
    %c0_i32 = arith.constant 0 : i32
    %c0_i32_0 = arith.constant 0 : i32
    %c0_i32_1 = arith.constant 0 : i32
    return %c0_i32, %c0_i32_0 : i32, i32
  }
  func.func @transform_4(%arg0: i32) -> (i32, i32) {
    %c0_i32 = arith.constant 0 : i32
    %c0_i32_0 = arith.constant 0 : i32
    return %c0_i32, %arg0 : i32, i32
  }
}

module attributes {stable_mosaic.version = 14 : i64} {
  func.func @_combine_matmul_body(%arg0: i32, %arg1: memref<2x2000x128xf32, #tpu.memory_space<vmem>>, %arg2: memref<2000x64xf32, #tpu.memory_space<vmem>>, %arg3: memref<2000x1xf32, #tpu.memory_space<vmem>>, %arg4: memref<64x128xf32, #tpu.memory_space<vmem>>, %arg5: memref<1x128xf32, #tpu.memory_space<vmem>>, %arg6: memref<2000x128xf32, #tpu.memory_space<vmem>>) attributes {dimension_semantics = [#tpu.dimension_semantics<arbitrary>], iteration_bounds = array<i64: 5>, scalar_prefetch = 0 : i64, scratch_operands = 0 : i64, tpu.core_type = #tpu.core_type<tc>, window_params = [{transform_indices = @transform_0, window_bounds = array<i64: 2, 2000, 128>}, {transform_indices = @transform_1, window_bounds = array<i64: 2000, 64>}, {transform_indices = @transform_2, window_bounds = array<i64: 2000, 1>}, {pipeline_mode = #tpu.pipeline_mode<synchronous>, transform_indices = @transform_3, window_bounds = array<i64: 64, 128>}, {pipeline_mode = #tpu.pipeline_mode<synchronous>, transform_indices = @transform_4, window_bounds = array<i64: 1, 128>}, {transform_indices = @transform_5, window_bounds = array<i64: 2000, 128>}]} {
    %get3A = arith.constant 0 : index
    %get3A_0 = arith.constant 0 : index
    %get3A_1 = arith.constant 0 : index
    %get3A_2 = vector.load %arg1[%get3A, %get3A_0, %get3A_1] : memref<2x2000x128xf32, #tpu.memory_space<vmem>>, vector<1x2000x128xf32>
    %get3A_3 = vector.shape_cast %get3A_2 : vector<1x2000x128xf32> to vector<2000x128xf32>
    %slice3A = vector.extract_strided_slice %get3A_3 {offsets = [0, 0], sizes = [2000, 64], strides = [1, 1]} : vector<2000x128xf32> to vector<2000x64xf32>
    %get3A_4 = arith.constant 1 : index
    %get3A_5 = arith.constant 0 : index
    %get3A_6 = arith.constant 0 : index
    %get3A_7 = vector.load %arg1[%get3A_4, %get3A_5, %get3A_6] : memref<2x2000x128xf32, #tpu.memory_space<vmem>>, vector<1x2000x128xf32>
    %get3A_8 = vector.shape_cast %get3A_7 : vector<1x2000x128xf32> to vector<2000x128xf32>
    %slice3A_9 = vector.extract_strided_slice %get3A_8 {offsets = [0, 0], sizes = [2000, 64], strides = [1, 1]} : vector<2000x128xf32> to vector<2000x64xf32>
    %add3A = arith.addf %slice3A, %slice3A_9 : vector<2000x64xf32>
    %get3A_10 = arith.constant 0 : index
    %get3A_11 = arith.constant 0 : index
    %get3A_12 = vector.load %arg2[%get3A_10, %get3A_11] : memref<2000x64xf32, #tpu.memory_space<vmem>>, vector<2000x64xf32>
    %add3A_13 = arith.addf %add3A, %get3A_12 : vector<2000x64xf32>
    %get3A_14 = arith.constant 0 : index
    %get3A_15 = arith.constant 0 : index
    %get3A_16 = vector.load %arg3[%get3A_14, %get3A_15] : memref<2000x1xf32, #tpu.memory_space<vmem>>, vector<2000x1xf32>
    %mul3A = vector.broadcast %get3A_16 : vector<2000x1xf32> to vector<2000x64xf32>
    %mul3A_17 = arith.mulf %add3A_13, %mul3A : vector<2000x64xf32>
    %get3A_18 = arith.constant 0 : index
    %get3A_19 = arith.constant 0 : index
    %get3A_20 = vector.load %arg4[%get3A_18, %get3A_19] : memref<64x128xf32, #tpu.memory_space<vmem>>, vector<64x128xf32>
    %dot_general3A = arith.constant dense<0.000000e+00> : vector<2000x128xf32>
    %dot_general3A_21 = tpu.matmul %mul3A_17, %get3A_20, %dot_general3A {dimension_numbers = #tpu.dot_dimension_numbers<[1], [0], [0], [1], [0, 0, 1, 1], [], []>, precision = #tpu.contract_precision<fp32>, transpose_lhs_hint = false} : vector<2000x64xf32>, vector<64x128xf32>, vector<2000x128xf32> -> vector<2000x128xf32>
    %get3A_22 = arith.constant 0 : index
    %get3A_23 = arith.constant 0 : index
    %get3A_24 = vector.load %arg5[%get3A_22, %get3A_23] : memref<1x128xf32, #tpu.memory_space<vmem>>, vector<1x128xf32>
    %add3A_25 = vector.broadcast %get3A_24 : vector<1x128xf32> to vector<2000x128xf32>
    %add3A_26 = arith.addf %dot_general3A_21, %add3A_25 : vector<2000x128xf32>
    %swap3A = arith.constant 0 : index
    %swap3A_27 = arith.constant 0 : index
    %swap3A_28 = vector.load %arg6[%swap3A, %swap3A_27] : memref<2000x128xf32, #tpu.memory_space<vmem>>, vector<2000x128xf32>
    tpu.vector_store %arg6[%swap3A, %swap3A_27], %add3A_26 {strides = array<i32>} : memref<2000x128xf32, #tpu.memory_space<vmem>>, vector<2000x128xf32>,
    return
  }
  func.func @transform_0(%arg0: i32) -> (i32, i32, i32) {
    %c0_i32 = arith.constant 0 : i32
    %c0_i32_0 = arith.constant 0 : i32
    %c0_i32_1 = arith.constant 0 : i32
    return %c0_i32, %arg0, %c0_i32_0 : i32, i32, i32
  }
  func.func @transform_1(%arg0: i32) -> (i32, i32) {
    %c0_i32 = arith.constant 0 : i32
    %c0_i32_0 = arith.constant 0 : i32
    return %arg0, %c0_i32 : i32, i32
  }
  func.func @transform_2(%arg0: i32) -> (i32, i32) {
    %c0_i32 = arith.constant 0 : i32
    %c0_i32_0 = arith.constant 0 : i32
    return %arg0, %c0_i32 : i32, i32
  }
  func.func @transform_3(%arg0: i32) -> (i32, i32) {
    %c0_i32 = arith.constant 0 : i32
    %c0_i32_0 = arith.constant 0 : i32
    %c0_i32_1 = arith.constant 0 : i32
    return %c0_i32, %c0_i32_0 : i32, i32
  }
  func.func @transform_4(%arg0: i32) -> (i32, i32) {
    %c0_i32 = arith.constant 0 : i32
    %c0_i32_0 = arith.constant 0 : i32
    %c0_i32_1 = arith.constant 0 : i32
    return %c0_i32, %c0_i32_0 : i32, i32
  }
  func.func @transform_5(%arg0: i32) -> (i32, i32) {
    %c0_i32 = arith.constant 0 : i32
    %c0_i32_0 = arith.constant 0 : i32
    return %arg0, %c0_i32 : i32, i32
  }
}

module attributes {stable_mosaic.version = 14 : i64} {
  func.func @_bn_relu_body(%arg0: i32, %arg1: memref<10000x128xf32, #tpu.memory_space<vmem>>, %arg2: memref<1x128xf32, #tpu.memory_space<vmem>>, %arg3: memref<1x128xf32, #tpu.memory_space<vmem>>, %arg4: memref<10000x1xf32, #tpu.memory_space<vmem>>, %arg5: memref<10000x128xf32, #tpu.memory_space<vmem>>) attributes {dimension_semantics = [#tpu.dimension_semantics<arbitrary>], iteration_bounds = array<i64: 1>, scalar_prefetch = 0 : i64, scratch_operands = 0 : i64, tpu.core_type = #tpu.core_type<tc>, window_params = [{transform_indices = @transform_0, window_bounds = array<i64: 10000, 128>}, {transform_indices = @transform_1, window_bounds = array<i64: 1, 128>}, {transform_indices = @transform_2, window_bounds = array<i64: 1, 128>}, {pipeline_mode = #tpu.pipeline_mode<synchronous>, transform_indices = @transform_3, window_bounds = array<i64: 10000, 1>}, {transform_indices = @transform_4, window_bounds = array<i64: 10000, 128>}]} {
    %get3A = arith.constant 0 : index
    %get3A_0 = arith.constant 0 : index
    %get3A_1 = vector.load %arg1[%get3A, %get3A_0] : memref<10000x128xf32, #tpu.memory_space<vmem>>, vector<10000x128xf32>
    %reduce_sum3A = arith.constant dense<0.000000e+00> : vector<128xf32>
    %reduce_sum3A_2 = vector.multi_reduction <add>, %get3A_1, %reduce_sum3A [0] : vector<10000x128xf32> to vector<128xf32>
    %broadcast_in_dim3A = vector.shape_cast %reduce_sum3A_2 : vector<128xf32> to vector<1x128xf32>
    %div3A = arith.constant 1.000000e+04 : f32
    %div3A_3 = vector.broadcast %div3A : f32 to vector<1x128xf32>
    %div3A_4 = arith.divf %broadcast_in_dim3A, %div3A_3 : vector<1x128xf32>
    %sub3A = vector.broadcast %div3A_4 : vector<1x128xf32> to vector<10000x128xf32>
    %sub3A_5 = arith.subf %get3A_1, %sub3A : vector<10000x128xf32>
    %integer_pow3A = arith.mulf %sub3A_5, %sub3A_5 : vector<10000x128xf32>
    %reduce_sum3A_6 = arith.constant dense<0.000000e+00> : vector<128xf32>
    %reduce_sum3A_7 = vector.multi_reduction <add>, %integer_pow3A, %reduce_sum3A_6 [0] : vector<10000x128xf32> to vector<128xf32>
    %broadcast_in_dim3A_8 = vector.shape_cast %reduce_sum3A_7 : vector<128xf32> to vector<1x128xf32>
    %div3A_9 = arith.constant 1.000000e+04 : f32
    %div3A_10 = vector.broadcast %div3A_9 : f32 to vector<1x128xf32>
    %div3A_11 = arith.divf %broadcast_in_dim3A_8, %div3A_10 : vector<1x128xf32>
    %sub3A_12 = vector.broadcast %div3A_4 : vector<1x128xf32> to vector<10000x128xf32>
    %sub3A_13 = arith.subf %get3A_1, %sub3A_12 : vector<10000x128xf32>
    %add3A = arith.constant 9.99999974E-6 : f32
    %add3A_14 = vector.broadcast %add3A : f32 to vector<1x128xf32>
    %add3A_15 = arith.addf %div3A_11, %add3A_14 : vector<1x128xf32>
    %rsqrt3A = math.rsqrt %add3A_15 : vector<1x128xf32>
    %mul3A = vector.broadcast %rsqrt3A : vector<1x128xf32> to vector<10000x128xf32>
    %mul3A_16 = arith.mulf %sub3A_13, %mul3A : vector<10000x128xf32>
    %get3A_17 = arith.constant 0 : index
    %get3A_18 = arith.constant 0 : index
    %get3A_19 = vector.load %arg2[%get3A_17, %get3A_18] : memref<1x128xf32, #tpu.memory_space<vmem>>, vector<1x128xf32>
    %mul3A_20 = vector.broadcast %get3A_19 : vector<1x128xf32> to vector<10000x128xf32>
    %mul3A_21 = arith.mulf %mul3A_16, %mul3A_20 : vector<10000x128xf32>
    %get3A_22 = arith.constant 0 : index
    %get3A_23 = arith.constant 0 : index
    %get3A_24 = vector.load %arg3[%get3A_22, %get3A_23] : memref<1x128xf32, #tpu.memory_space<vmem>>, vector<1x128xf32>
    %add3A_25 = vector.broadcast %get3A_24 : vector<1x128xf32> to vector<10000x128xf32>
    %add3A_26 = arith.addf %mul3A_21, %add3A_25 : vector<10000x128xf32>
    %max3A = arith.constant 0.000000e+00 : f32
    %max3A_27 = vector.broadcast %max3A : f32 to vector<10000x128xf32>
    %max3A_28 = arith.maximumf %add3A_26, %max3A_27 : vector<10000x128xf32>
    %get3A_29 = arith.constant 0 : index
    %get3A_30 = arith.constant 0 : index
    %get3A_31 = vector.load %arg4[%get3A_29, %get3A_30] : memref<10000x1xf32, #tpu.memory_space<vmem>>, vector<10000x1xf32>
    %mul3A_32 = vector.broadcast %get3A_31 : vector<10000x1xf32> to vector<10000x128xf32>
    %mul3A_33 = arith.mulf %max3A_28, %mul3A_32 : vector<10000x128xf32>
    %swap3A = arith.constant 0 : index
    %swap3A_34 = arith.constant 0 : index
    %swap3A_35 = vector.load %arg5[%swap3A, %swap3A_34] : memref<10000x128xf32, #tpu.memory_space<vmem>>, vector<10000x128xf32>
    tpu.vector_store %arg5[%swap3A, %swap3A_34], %mul3A_33 {strides = array<i32>} : memref<10000x128xf32, #tpu.memory_space<vmem>>, vector<10000x128xf32>,
    return
  }
  func.func @transform_0(%arg0: i32) -> (i32, i32) {
    %c0_i32 = arith.constant 0 : i32
    %c0_i32_0 = arith.constant 0 : i32
    return %c0_i32, %arg0 : i32, i32
  }
  func.func @transform_1(%arg0: i32) -> (i32, i32) {
    %c0_i32 = arith.constant 0 : i32
    %c0_i32_0 = arith.constant 0 : i32
    return %c0_i32, %arg0 : i32, i32
  }
  func.func @transform_2(%arg0: i32) -> (i32, i32) {
    %c0_i32 = arith.constant 0 : i32
    %c0_i32_0 = arith.constant 0 : i32
    return %c0_i32, %arg0 : i32, i32
  }
  func.func @transform_3(%arg0: i32) -> (i32, i32) {
    %c0_i32 = arith.constant 0 : i32
    %c0_i32_0 = arith.constant 0 : i32
    %c0_i32_1 = arith.constant 0 : i32
    return %c0_i32, %c0_i32_0 : i32, i32
  }
  func.func @transform_4(%arg0: i32) -> (i32, i32) {
    %c0_i32 = arith.constant 0 : i32
    %c0_i32_0 = arith.constant 0 : i32
    return %c0_i32, %arg0 : i32, i32
  }
}

module attributes {stable_mosaic.version = 14 : i64} {
  func.func @_combine_matmul_body(%arg0: i32, %arg1: memref<2x2000x128xf32, #tpu.memory_space<vmem>>, %arg2: memref<2000x128xf32, #tpu.memory_space<vmem>>, %arg3: memref<2000x1xf32, #tpu.memory_space<vmem>>, %arg4: memref<128x256xf32, #tpu.memory_space<vmem>>, %arg5: memref<1x256xf32, #tpu.memory_space<vmem>>, %arg6: memref<2000x256xf32, #tpu.memory_space<vmem>>) attributes {dimension_semantics = [#tpu.dimension_semantics<arbitrary>], iteration_bounds = array<i64: 5>, scalar_prefetch = 0 : i64, scratch_operands = 0 : i64, tpu.core_type = #tpu.core_type<tc>, window_params = [{transform_indices = @transform_0, window_bounds = array<i64: 2, 2000, 128>}, {transform_indices = @transform_1, window_bounds = array<i64: 2000, 128>}, {transform_indices = @transform_2, window_bounds = array<i64: 2000, 1>}, {pipeline_mode = #tpu.pipeline_mode<synchronous>, transform_indices = @transform_3, window_bounds = array<i64: 128, 256>}, {pipeline_mode = #tpu.pipeline_mode<synchronous>, transform_indices = @transform_4, window_bounds = array<i64: 1, 256>}, {transform_indices = @transform_5, window_bounds = array<i64: 2000, 256>}]} {
    %get3A = arith.constant 0 : index
    %get3A_0 = arith.constant 0 : index
    %get3A_1 = arith.constant 0 : index
    %get3A_2 = vector.load %arg1[%get3A, %get3A_0, %get3A_1] : memref<2x2000x128xf32, #tpu.memory_space<vmem>>, vector<1x2000x128xf32>
    %get3A_3 = vector.shape_cast %get3A_2 : vector<1x2000x128xf32> to vector<2000x128xf32>
    %get3A_4 = arith.constant 1 : index
    %get3A_5 = arith.constant 0 : index
    %get3A_6 = arith.constant 0 : index
    %get3A_7 = vector.load %arg1[%get3A_4, %get3A_5, %get3A_6] : memref<2x2000x128xf32, #tpu.memory_space<vmem>>, vector<1x2000x128xf32>
    %get3A_8 = vector.shape_cast %get3A_7 : vector<1x2000x128xf32> to vector<2000x128xf32>
    %add3A = arith.addf %get3A_3, %get3A_8 : vector<2000x128xf32>
    %get3A_9 = arith.constant 0 : index
    %get3A_10 = arith.constant 0 : index
    %get3A_11 = vector.load %arg2[%get3A_9, %get3A_10] : memref<2000x128xf32, #tpu.memory_space<vmem>>, vector<2000x128xf32>
    %add3A_12 = arith.addf %add3A, %get3A_11 : vector<2000x128xf32>
    %get3A_13 = arith.constant 0 : index
    %get3A_14 = arith.constant 0 : index
    %get3A_15 = vector.load %arg3[%get3A_13, %get3A_14] : memref<2000x1xf32, #tpu.memory_space<vmem>>, vector<2000x1xf32>
    %mul3A = vector.broadcast %get3A_15 : vector<2000x1xf32> to vector<2000x128xf32>
    %mul3A_16 = arith.mulf %add3A_12, %mul3A : vector<2000x128xf32>
    %get3A_17 = arith.constant 0 : index
    %get3A_18 = arith.constant 0 : index
    %get3A_19 = vector.load %arg4[%get3A_17, %get3A_18] : memref<128x256xf32, #tpu.memory_space<vmem>>, vector<128x256xf32>
    %dot_general3A = arith.constant dense<0.000000e+00> : vector<2000x256xf32>
    %dot_general3A_20 = tpu.matmul %mul3A_16, %get3A_19, %dot_general3A {dimension_numbers = #tpu.dot_dimension_numbers<[1], [0], [0], [1], [0, 0, 1, 1], [], []>, precision = #tpu.contract_precision<fp32>, transpose_lhs_hint = false} : vector<2000x128xf32>, vector<128x256xf32>, vector<2000x256xf32> -> vector<2000x256xf32>
    %get3A_21 = arith.constant 0 : index
    %get3A_22 = arith.constant 0 : index
    %get3A_23 = vector.load %arg5[%get3A_21, %get3A_22] : memref<1x256xf32, #tpu.memory_space<vmem>>, vector<1x256xf32>
    %add3A_24 = vector.broadcast %get3A_23 : vector<1x256xf32> to vector<2000x256xf32>
    %add3A_25 = arith.addf %dot_general3A_20, %add3A_24 : vector<2000x256xf32>
    %swap3A = arith.constant 0 : index
    %swap3A_26 = arith.constant 0 : index
    %swap3A_27 = vector.load %arg6[%swap3A, %swap3A_26] : memref<2000x256xf32, #tpu.memory_space<vmem>>, vector<2000x256xf32>
    tpu.vector_store %arg6[%swap3A, %swap3A_26], %add3A_25 {strides = array<i32>} : memref<2000x256xf32, #tpu.memory_space<vmem>>, vector<2000x256xf32>,
    return
  }
  func.func @transform_0(%arg0: i32) -> (i32, i32, i32) {
    %c0_i32 = arith.constant 0 : i32
    %c0_i32_0 = arith.constant 0 : i32
    %c0_i32_1 = arith.constant 0 : i32
    return %c0_i32, %arg0, %c0_i32_0 : i32, i32, i32
  }
  func.func @transform_1(%arg0: i32) -> (i32, i32) {
    %c0_i32 = arith.constant 0 : i32
    %c0_i32_0 = arith.constant 0 : i32
    return %arg0, %c0_i32 : i32, i32
  }
  func.func @transform_2(%arg0: i32) -> (i32, i32) {
    %c0_i32 = arith.constant 0 : i32
    %c0_i32_0 = arith.constant 0 : i32
    return %arg0, %c0_i32 : i32, i32
  }
  func.func @transform_3(%arg0: i32) -> (i32, i32) {
    %c0_i32 = arith.constant 0 : i32
    %c0_i32_0 = arith.constant 0 : i32
    %c0_i32_1 = arith.constant 0 : i32
    return %c0_i32, %c0_i32_0 : i32, i32
  }
  func.func @transform_4(%arg0: i32) -> (i32, i32) {
    %c0_i32 = arith.constant 0 : i32
    %c0_i32_0 = arith.constant 0 : i32
    %c0_i32_1 = arith.constant 0 : i32
    return %c0_i32, %c0_i32_0 : i32, i32
  }
  func.func @transform_5(%arg0: i32) -> (i32, i32) {
    %c0_i32 = arith.constant 0 : i32
    %c0_i32_0 = arith.constant 0 : i32
    return %arg0, %c0_i32 : i32, i32
  }
}

module attributes {stable_mosaic.version = 14 : i64} {
  func.func @_bn_relu_body(%arg0: i32, %arg1: memref<10000x128xf32, #tpu.memory_space<vmem>>, %arg2: memref<1x128xf32, #tpu.memory_space<vmem>>, %arg3: memref<1x128xf32, #tpu.memory_space<vmem>>, %arg4: memref<10000x1xf32, #tpu.memory_space<vmem>>, %arg5: memref<10000x128xf32, #tpu.memory_space<vmem>>) attributes {dimension_semantics = [#tpu.dimension_semantics<arbitrary>], iteration_bounds = array<i64: 2>, scalar_prefetch = 0 : i64, scratch_operands = 0 : i64, tpu.core_type = #tpu.core_type<tc>, window_params = [{transform_indices = @transform_0, window_bounds = array<i64: 10000, 128>}, {transform_indices = @transform_1, window_bounds = array<i64: 1, 128>}, {transform_indices = @transform_2, window_bounds = array<i64: 1, 128>}, {pipeline_mode = #tpu.pipeline_mode<synchronous>, transform_indices = @transform_3, window_bounds = array<i64: 10000, 1>}, {transform_indices = @transform_4, window_bounds = array<i64: 10000, 128>}]} {
    %get3A = arith.constant 0 : index
    %get3A_0 = arith.constant 0 : index
    %get3A_1 = vector.load %arg1[%get3A, %get3A_0] : memref<10000x128xf32, #tpu.memory_space<vmem>>, vector<10000x128xf32>
    %reduce_sum3A = arith.constant dense<0.000000e+00> : vector<128xf32>
    %reduce_sum3A_2 = vector.multi_reduction <add>, %get3A_1, %reduce_sum3A [0] : vector<10000x128xf32> to vector<128xf32>
    %broadcast_in_dim3A = vector.shape_cast %reduce_sum3A_2 : vector<128xf32> to vector<1x128xf32>
    %div3A = arith.constant 1.000000e+04 : f32
    %div3A_3 = vector.broadcast %div3A : f32 to vector<1x128xf32>
    %div3A_4 = arith.divf %broadcast_in_dim3A, %div3A_3 : vector<1x128xf32>
    %sub3A = vector.broadcast %div3A_4 : vector<1x128xf32> to vector<10000x128xf32>
    %sub3A_5 = arith.subf %get3A_1, %sub3A : vector<10000x128xf32>
    %integer_pow3A = arith.mulf %sub3A_5, %sub3A_5 : vector<10000x128xf32>
    %reduce_sum3A_6 = arith.constant dense<0.000000e+00> : vector<128xf32>
    %reduce_sum3A_7 = vector.multi_reduction <add>, %integer_pow3A, %reduce_sum3A_6 [0] : vector<10000x128xf32> to vector<128xf32>
    %broadcast_in_dim3A_8 = vector.shape_cast %reduce_sum3A_7 : vector<128xf32> to vector<1x128xf32>
    %div3A_9 = arith.constant 1.000000e+04 : f32
    %div3A_10 = vector.broadcast %div3A_9 : f32 to vector<1x128xf32>
    %div3A_11 = arith.divf %broadcast_in_dim3A_8, %div3A_10 : vector<1x128xf32>
    %sub3A_12 = vector.broadcast %div3A_4 : vector<1x128xf32> to vector<10000x128xf32>
    %sub3A_13 = arith.subf %get3A_1, %sub3A_12 : vector<10000x128xf32>
    %add3A = arith.constant 9.99999974E-6 : f32
    %add3A_14 = vector.broadcast %add3A : f32 to vector<1x128xf32>
    %add3A_15 = arith.addf %div3A_11, %add3A_14 : vector<1x128xf32>
    %rsqrt3A = math.rsqrt %add3A_15 : vector<1x128xf32>
    %mul3A = vector.broadcast %rsqrt3A : vector<1x128xf32> to vector<10000x128xf32>
    %mul3A_16 = arith.mulf %sub3A_13, %mul3A : vector<10000x128xf32>
    %get3A_17 = arith.constant 0 : index
    %get3A_18 = arith.constant 0 : index
    %get3A_19 = vector.load %arg2[%get3A_17, %get3A_18] : memref<1x128xf32, #tpu.memory_space<vmem>>, vector<1x128xf32>
    %mul3A_20 = vector.broadcast %get3A_19 : vector<1x128xf32> to vector<10000x128xf32>
    %mul3A_21 = arith.mulf %mul3A_16, %mul3A_20 : vector<10000x128xf32>
    %get3A_22 = arith.constant 0 : index
    %get3A_23 = arith.constant 0 : index
    %get3A_24 = vector.load %arg3[%get3A_22, %get3A_23] : memref<1x128xf32, #tpu.memory_space<vmem>>, vector<1x128xf32>
    %add3A_25 = vector.broadcast %get3A_24 : vector<1x128xf32> to vector<10000x128xf32>
    %add3A_26 = arith.addf %mul3A_21, %add3A_25 : vector<10000x128xf32>
    %max3A = arith.constant 0.000000e+00 : f32
    %max3A_27 = vector.broadcast %max3A : f32 to vector<10000x128xf32>
    %max3A_28 = arith.maximumf %add3A_26, %max3A_27 : vector<10000x128xf32>
    %get3A_29 = arith.constant 0 : index
    %get3A_30 = arith.constant 0 : index
    %get3A_31 = vector.load %arg4[%get3A_29, %get3A_30] : memref<10000x1xf32, #tpu.memory_space<vmem>>, vector<10000x1xf32>
    %mul3A_32 = vector.broadcast %get3A_31 : vector<10000x1xf32> to vector<10000x128xf32>
    %mul3A_33 = arith.mulf %max3A_28, %mul3A_32 : vector<10000x128xf32>
    %swap3A = arith.constant 0 : index
    %swap3A_34 = arith.constant 0 : index
    %swap3A_35 = vector.load %arg5[%swap3A, %swap3A_34] : memref<10000x128xf32, #tpu.memory_space<vmem>>, vector<10000x128xf32>
    tpu.vector_store %arg5[%swap3A, %swap3A_34], %mul3A_33 {strides = array<i32>} : memref<10000x128xf32, #tpu.memory_space<vmem>>, vector<10000x128xf32>,
    return
  }
  func.func @transform_0(%arg0: i32) -> (i32, i32) {
    %c0_i32 = arith.constant 0 : i32
    %c0_i32_0 = arith.constant 0 : i32
    return %c0_i32, %arg0 : i32, i32
  }
  func.func @transform_1(%arg0: i32) -> (i32, i32) {
    %c0_i32 = arith.constant 0 : i32
    %c0_i32_0 = arith.constant 0 : i32
    return %c0_i32, %arg0 : i32, i32
  }
  func.func @transform_2(%arg0: i32) -> (i32, i32) {
    %c0_i32 = arith.constant 0 : i32
    %c0_i32_0 = arith.constant 0 : i32
    return %c0_i32, %arg0 : i32, i32
  }
  func.func @transform_3(%arg0: i32) -> (i32, i32) {
    %c0_i32 = arith.constant 0 : i32
    %c0_i32_0 = arith.constant 0 : i32
    %c0_i32_1 = arith.constant 0 : i32
    return %c0_i32, %c0_i32_0 : i32, i32
  }
  func.func @transform_4(%arg0: i32) -> (i32, i32) {
    %c0_i32 = arith.constant 0 : i32
    %c0_i32_0 = arith.constant 0 : i32
    return %c0_i32, %arg0 : i32, i32
  }
}

module attributes {stable_mosaic.version = 14 : i64} {
  func.func @_combine_matmul2_body(%arg0: i32, %arg1: memref<2x1000x128xf32, #tpu.memory_space<vmem>>, %arg2: memref<2x1000x128xf32, #tpu.memory_space<vmem>>, %arg3: memref<1000x256xf32, #tpu.memory_space<vmem>>, %arg4: memref<1000x1xf32, #tpu.memory_space<vmem>>, %arg5: memref<256x512xf32, #tpu.memory_space<vmem>>, %arg6: memref<1x512xf32, #tpu.memory_space<vmem>>, %arg7: memref<1000x512xf32, #tpu.memory_space<vmem>>) attributes {dimension_semantics = [#tpu.dimension_semantics<arbitrary>], iteration_bounds = array<i64: 10>, scalar_prefetch = 0 : i64, scratch_operands = 0 : i64, tpu.core_type = #tpu.core_type<tc>, window_params = [{transform_indices = @transform_0, window_bounds = array<i64: 2, 1000, 128>}, {transform_indices = @transform_1, window_bounds = array<i64: 2, 1000, 128>}, {transform_indices = @transform_2, window_bounds = array<i64: 1000, 256>}, {transform_indices = @transform_3, window_bounds = array<i64: 1000, 1>}, {pipeline_mode = #tpu.pipeline_mode<synchronous>, transform_indices = @transform_4, window_bounds = array<i64: 256, 512>}, {pipeline_mode = #tpu.pipeline_mode<synchronous>, transform_indices = @transform_5, window_bounds = array<i64: 1, 512>}, {transform_indices = @transform_6, window_bounds = array<i64: 1000, 512>}]} {
    %get3A = arith.constant 0 : index
    %get3A_0 = arith.constant 0 : index
    %get3A_1 = arith.constant 0 : index
    %get3A_2 = vector.load %arg1[%get3A, %get3A_0, %get3A_1] : memref<2x1000x128xf32, #tpu.memory_space<vmem>>, vector<1x1000x128xf32>
    %get3A_3 = vector.shape_cast %get3A_2 : vector<1x1000x128xf32> to vector<1000x128xf32>
    %get3A_4 = arith.constant 1 : index
    %get3A_5 = arith.constant 0 : index
    %get3A_6 = arith.constant 0 : index
    %get3A_7 = vector.load %arg1[%get3A_4, %get3A_5, %get3A_6] : memref<2x1000x128xf32, #tpu.memory_space<vmem>>, vector<1x1000x128xf32>
    %get3A_8 = vector.shape_cast %get3A_7 : vector<1x1000x128xf32> to vector<1000x128xf32>
    %add3A = arith.addf %get3A_3, %get3A_8 : vector<1000x128xf32>
    %get3A_9 = arith.constant 0 : index
    %get3A_10 = arith.constant 0 : index
    %get3A_11 = arith.constant 0 : index
    %get3A_12 = vector.load %arg2[%get3A_9, %get3A_10, %get3A_11] : memref<2x1000x128xf32, #tpu.memory_space<vmem>>, vector<1x1000x128xf32>
    %get3A_13 = vector.shape_cast %get3A_12 : vector<1x1000x128xf32> to vector<1000x128xf32>
    %get3A_14 = arith.constant 1 : index
    %get3A_15 = arith.constant 0 : index
    %get3A_16 = arith.constant 0 : index
    %get3A_17 = vector.load %arg2[%get3A_14, %get3A_15, %get3A_16] : memref<2x1000x128xf32, #tpu.memory_space<vmem>>, vector<1x1000x128xf32>
    %get3A_18 = vector.shape_cast %get3A_17 : vector<1x1000x128xf32> to vector<1000x128xf32>
    %add3A_19 = arith.addf %get3A_13, %get3A_18 : vector<1000x128xf32>
    %concatenate3A = tpu.concatenate %add3A, %add3A_19 in 1 : vector<1000x128xf32>, vector<1000x128xf32> -> vector<1000x256xf32>
    %get3A_20 = arith.constant 0 : index
    %get3A_21 = arith.constant 0 : index
    %get3A_22 = vector.load %arg3[%get3A_20, %get3A_21] : memref<1000x256xf32, #tpu.memory_space<vmem>>, vector<1000x256xf32>
    %add3A_23 = arith.addf %concatenate3A, %get3A_22 : vector<1000x256xf32>
    %get3A_24 = arith.constant 0 : index
    %get3A_25 = arith.constant 0 : index
    %get3A_26 = vector.load %arg4[%get3A_24, %get3A_25] : memref<1000x1xf32, #tpu.memory_space<vmem>>, vector<1000x1xf32>
    %mul3A = vector.broadcast %get3A_26 : vector<1000x1xf32> to vector<1000x256xf32>
    %mul3A_27 = arith.mulf %add3A_23, %mul3A : vector<1000x256xf32>
    %get3A_28 = arith.constant 0 : index
    %get3A_29 = arith.constant 0 : index
    %get3A_30 = vector.load %arg5[%get3A_28, %get3A_29] : memref<256x512xf32, #tpu.memory_space<vmem>>, vector<256x512xf32>
    %dot_general3A = arith.constant dense<0.000000e+00> : vector<1000x512xf32>
    %dot_general3A_31 = tpu.matmul %mul3A_27, %get3A_30, %dot_general3A {dimension_numbers = #tpu.dot_dimension_numbers<[1], [0], [0], [1], [0, 0, 1, 1], [], []>, precision = #tpu.contract_precision<fp32>, transpose_lhs_hint = false} : vector<1000x256xf32>, vector<256x512xf32>, vector<1000x512xf32> -> vector<1000x512xf32>
    %get3A_32 = arith.constant 0 : index
    %get3A_33 = arith.constant 0 : index
    %get3A_34 = vector.load %arg6[%get3A_32, %get3A_33] : memref<1x512xf32, #tpu.memory_space<vmem>>, vector<1x512xf32>
    %add3A_35 = vector.broadcast %get3A_34 : vector<1x512xf32> to vector<1000x512xf32>
    %add3A_36 = arith.addf %dot_general3A_31, %add3A_35 : vector<1000x512xf32>
    %swap3A = arith.constant 0 : index
    %swap3A_37 = arith.constant 0 : index
    %swap3A_38 = vector.load %arg7[%swap3A, %swap3A_37] : memref<1000x512xf32, #tpu.memory_space<vmem>>, vector<1000x512xf32>
    tpu.vector_store %arg7[%swap3A, %swap3A_37], %add3A_36 {strides = array<i32>} : memref<1000x512xf32, #tpu.memory_space<vmem>>, vector<1000x512xf32>,
    return
  }
  func.func @transform_0(%arg0: i32) -> (i32, i32, i32) {
    %c0_i32 = arith.constant 0 : i32
    %c0_i32_0 = arith.constant 0 : i32
    %c0_i32_1 = arith.constant 0 : i32
    return %c0_i32, %arg0, %c0_i32_0 : i32, i32, i32
  }
  func.func @transform_1(%arg0: i32) -> (i32, i32, i32) {
    %c0_i32 = arith.constant 0 : i32
    %c0_i32_0 = arith.constant 0 : i32
    %c0_i32_1 = arith.constant 0 : i32
    return %c0_i32, %arg0, %c0_i32_0 : i32, i32, i32
  }
  func.func @transform_2(%arg0: i32) -> (i32, i32) {
    %c0_i32 = arith.constant 0 : i32
    %c0_i32_0 = arith.constant 0 : i32
    return %arg0, %c0_i32 : i32, i32
  }
  func.func @transform_3(%arg0: i32) -> (i32, i32) {
    %c0_i32 = arith.constant 0 : i32
    %c0_i32_0 = arith.constant 0 : i32
    return %arg0, %c0_i32 : i32, i32
  }
  func.func @transform_4(%arg0: i32) -> (i32, i32) {
    %c0_i32 = arith.constant 0 : i32
    %c0_i32_0 = arith.constant 0 : i32
    %c0_i32_1 = arith.constant 0 : i32
    return %c0_i32, %c0_i32_0 : i32, i32
  }
  func.func @transform_5(%arg0: i32) -> (i32, i32) {
    %c0_i32 = arith.constant 0 : i32
    %c0_i32_0 = arith.constant 0 : i32
    %c0_i32_1 = arith.constant 0 : i32
    return %c0_i32, %c0_i32_0 : i32, i32
  }
  func.func @transform_6(%arg0: i32) -> (i32, i32) {
    %c0_i32 = arith.constant 0 : i32
    %c0_i32_0 = arith.constant 0 : i32
    return %arg0, %c0_i32 : i32, i32
  }
}

module attributes {stable_mosaic.version = 14 : i64} {
  func.func @_bn_relu_body(%arg0: i32, %arg1: memref<10000x128xf32, #tpu.memory_space<vmem>>, %arg2: memref<1x128xf32, #tpu.memory_space<vmem>>, %arg3: memref<1x128xf32, #tpu.memory_space<vmem>>, %arg4: memref<10000x1xf32, #tpu.memory_space<vmem>>, %arg5: memref<10000x128xf32, #tpu.memory_space<vmem>>) attributes {dimension_semantics = [#tpu.dimension_semantics<arbitrary>], iteration_bounds = array<i64: 4>, scalar_prefetch = 0 : i64, scratch_operands = 0 : i64, tpu.core_type = #tpu.core_type<tc>, window_params = [{transform_indices = @transform_0, window_bounds = array<i64: 10000, 128>}, {transform_indices = @transform_1, window_bounds = array<i64: 1, 128>}, {transform_indices = @transform_2, window_bounds = array<i64: 1, 128>}, {pipeline_mode = #tpu.pipeline_mode<synchronous>, transform_indices = @transform_3, window_bounds = array<i64: 10000, 1>}, {transform_indices = @transform_4, window_bounds = array<i64: 10000, 128>}]} {
    %get3A = arith.constant 0 : index
    %get3A_0 = arith.constant 0 : index
    %get3A_1 = vector.load %arg1[%get3A, %get3A_0] : memref<10000x128xf32, #tpu.memory_space<vmem>>, vector<10000x128xf32>
    %reduce_sum3A = arith.constant dense<0.000000e+00> : vector<128xf32>
    %reduce_sum3A_2 = vector.multi_reduction <add>, %get3A_1, %reduce_sum3A [0] : vector<10000x128xf32> to vector<128xf32>
    %broadcast_in_dim3A = vector.shape_cast %reduce_sum3A_2 : vector<128xf32> to vector<1x128xf32>
    %div3A = arith.constant 1.000000e+04 : f32
    %div3A_3 = vector.broadcast %div3A : f32 to vector<1x128xf32>
    %div3A_4 = arith.divf %broadcast_in_dim3A, %div3A_3 : vector<1x128xf32>
    %sub3A = vector.broadcast %div3A_4 : vector<1x128xf32> to vector<10000x128xf32>
    %sub3A_5 = arith.subf %get3A_1, %sub3A : vector<10000x128xf32>
    %integer_pow3A = arith.mulf %sub3A_5, %sub3A_5 : vector<10000x128xf32>
    %reduce_sum3A_6 = arith.constant dense<0.000000e+00> : vector<128xf32>
    %reduce_sum3A_7 = vector.multi_reduction <add>, %integer_pow3A, %reduce_sum3A_6 [0] : vector<10000x128xf32> to vector<128xf32>
    %broadcast_in_dim3A_8 = vector.shape_cast %reduce_sum3A_7 : vector<128xf32> to vector<1x128xf32>
    %div3A_9 = arith.constant 1.000000e+04 : f32
    %div3A_10 = vector.broadcast %div3A_9 : f32 to vector<1x128xf32>
    %div3A_11 = arith.divf %broadcast_in_dim3A_8, %div3A_10 : vector<1x128xf32>
    %sub3A_12 = vector.broadcast %div3A_4 : vector<1x128xf32> to vector<10000x128xf32>
    %sub3A_13 = arith.subf %get3A_1, %sub3A_12 : vector<10000x128xf32>
    %add3A = arith.constant 9.99999974E-6 : f32
    %add3A_14 = vector.broadcast %add3A : f32 to vector<1x128xf32>
    %add3A_15 = arith.addf %div3A_11, %add3A_14 : vector<1x128xf32>
    %rsqrt3A = math.rsqrt %add3A_15 : vector<1x128xf32>
    %mul3A = vector.broadcast %rsqrt3A : vector<1x128xf32> to vector<10000x128xf32>
    %mul3A_16 = arith.mulf %sub3A_13, %mul3A : vector<10000x128xf32>
    %get3A_17 = arith.constant 0 : index
    %get3A_18 = arith.constant 0 : index
    %get3A_19 = vector.load %arg2[%get3A_17, %get3A_18] : memref<1x128xf32, #tpu.memory_space<vmem>>, vector<1x128xf32>
    %mul3A_20 = vector.broadcast %get3A_19 : vector<1x128xf32> to vector<10000x128xf32>
    %mul3A_21 = arith.mulf %mul3A_16, %mul3A_20 : vector<10000x128xf32>
    %get3A_22 = arith.constant 0 : index
    %get3A_23 = arith.constant 0 : index
    %get3A_24 = vector.load %arg3[%get3A_22, %get3A_23] : memref<1x128xf32, #tpu.memory_space<vmem>>, vector<1x128xf32>
    %add3A_25 = vector.broadcast %get3A_24 : vector<1x128xf32> to vector<10000x128xf32>
    %add3A_26 = arith.addf %mul3A_21, %add3A_25 : vector<10000x128xf32>
    %max3A = arith.constant 0.000000e+00 : f32
    %max3A_27 = vector.broadcast %max3A : f32 to vector<10000x128xf32>
    %max3A_28 = arith.maximumf %add3A_26, %max3A_27 : vector<10000x128xf32>
    %swap3A = arith.constant 0 : index
    %swap3A_29 = arith.constant 0 : index
    %swap3A_30 = vector.load %arg5[%swap3A, %swap3A_29] : memref<10000x128xf32, #tpu.memory_space<vmem>>, vector<10000x128xf32>
    tpu.vector_store %arg5[%swap3A, %swap3A_29], %max3A_28 {strides = array<i32>} : memref<10000x128xf32, #tpu.memory_space<vmem>>, vector<10000x128xf32>,
    return
  }
  func.func @transform_0(%arg0: i32) -> (i32, i32) {
    %c0_i32 = arith.constant 0 : i32
    %c0_i32_0 = arith.constant 0 : i32
    return %c0_i32, %arg0 : i32, i32
  }
  func.func @transform_1(%arg0: i32) -> (i32, i32) {
    %c0_i32 = arith.constant 0 : i32
    %c0_i32_0 = arith.constant 0 : i32
    return %c0_i32, %arg0 : i32, i32
  }
  func.func @transform_2(%arg0: i32) -> (i32, i32) {
    %c0_i32 = arith.constant 0 : i32
    %c0_i32_0 = arith.constant 0 : i32
    return %c0_i32, %arg0 : i32, i32
  }
  func.func @transform_3(%arg0: i32) -> (i32, i32) {
    %c0_i32 = arith.constant 0 : i32
    %c0_i32_0 = arith.constant 0 : i32
    %c0_i32_1 = arith.constant 0 : i32
    return %c0_i32, %c0_i32_0 : i32, i32
  }
  func.func @transform_4(%arg0: i32) -> (i32, i32) {
    %c0_i32 = arith.constant 0 : i32
    %c0_i32_0 = arith.constant 0 : i32
    return %c0_i32, %arg0 : i32, i32
  }
}

module attributes {stable_mosaic.version = 14 : i64} {
  func.func @_matmul_scale_body(%arg0: i32, %arg1: memref<2000x512xf32, #tpu.memory_space<vmem>>, %arg2: memref<512x48xf32, #tpu.memory_space<vmem>>, %arg3: memref<2000x1xf32, #tpu.memory_space<vmem>>, %arg4: memref<2000x48xf32, #tpu.memory_space<vmem>>) attributes {dimension_semantics = [#tpu.dimension_semantics<arbitrary>], iteration_bounds = array<i64: 5>, scalar_prefetch = 0 : i64, scratch_operands = 0 : i64, tpu.core_type = #tpu.core_type<tc>, window_params = [{transform_indices = @transform_0, window_bounds = array<i64: 2000, 512>}, {pipeline_mode = #tpu.pipeline_mode<synchronous>, transform_indices = @transform_1, window_bounds = array<i64: 512, 48>}, {transform_indices = @transform_2, window_bounds = array<i64: 2000, 1>}, {transform_indices = @transform_3, window_bounds = array<i64: 2000, 48>}]} {
    %get3A = arith.constant 0 : index
    %get3A_0 = arith.constant 0 : index
    %get3A_1 = vector.load %arg1[%get3A, %get3A_0] : memref<2000x512xf32, #tpu.memory_space<vmem>>, vector<2000x512xf32>
    %get3A_2 = arith.constant 0 : index
    %get3A_3 = arith.constant 0 : index
    %get3A_4 = vector.load %arg2[%get3A_2, %get3A_3] : memref<512x48xf32, #tpu.memory_space<vmem>>, vector<512x48xf32>
    %dot_general3A = arith.constant dense<0.000000e+00> : vector<2000x48xf32>
    %dot_general3A_5 = tpu.matmul %get3A_1, %get3A_4, %dot_general3A {dimension_numbers = #tpu.dot_dimension_numbers<[1], [0], [0], [1], [0, 0, 1, 1], [], []>, precision = #tpu.contract_precision<fp32>, transpose_lhs_hint = false} : vector<2000x512xf32>, vector<512x48xf32>, vector<2000x48xf32> -> vector<2000x48xf32>
    %get3A_6 = arith.constant 0 : index
    %get3A_7 = arith.constant 0 : index
    %get3A_8 = vector.load %arg3[%get3A_6, %get3A_7] : memref<2000x1xf32, #tpu.memory_space<vmem>>, vector<2000x1xf32>
    %mul3A = vector.broadcast %get3A_8 : vector<2000x1xf32> to vector<2000x48xf32>
    %mul3A_9 = arith.mulf %dot_general3A_5, %mul3A : vector<2000x48xf32>
    %swap3A = arith.constant 0 : index
    %swap3A_10 = arith.constant 0 : index
    %swap3A_11 = vector.load %arg4[%swap3A, %swap3A_10] : memref<2000x48xf32, #tpu.memory_space<vmem>>, vector<2000x48xf32>
    tpu.vector_store %arg4[%swap3A, %swap3A_10], %mul3A_9 {strides = array<i32>} : memref<2000x48xf32, #tpu.memory_space<vmem>>, vector<2000x48xf32>,
    return
  }
  func.func @transform_0(%arg0: i32) -> (i32, i32) {
    %c0_i32 = arith.constant 0 : i32
    %c0_i32_0 = arith.constant 0 : i32
    return %arg0, %c0_i32 : i32, i32
  }
  func.func @transform_1(%arg0: i32) -> (i32, i32) {
    %c0_i32 = arith.constant 0 : i32
    %c0_i32_0 = arith.constant 0 : i32
    %c0_i32_1 = arith.constant 0 : i32
    return %c0_i32, %c0_i32_0 : i32, i32
  }
  func.func @transform_2(%arg0: i32) -> (i32, i32) {
    %c0_i32 = arith.constant 0 : i32
    %c0_i32_0 = arith.constant 0 : i32
    return %arg0, %c0_i32 : i32, i32
  }
  func.func @transform_3(%arg0: i32) -> (i32, i32) {
    %c0_i32 = arith.constant 0 : i32
    %c0_i32_0 = arith.constant 0 : i32
    return %arg0, %c0_i32 : i32, i32
  }
}

module attributes {stable_mosaic.version = 14 : i64} {
  func.func @_final_body(%arg0: i32, %arg1: memref<2x2000x128xf32, #tpu.memory_space<vmem>>, %arg2: memref<2000x48xf32, #tpu.memory_space<vmem>>, %arg3: memref<2000x1xf32, #tpu.memory_space<vmem>>, %arg4: memref<1x48xf32, #tpu.memory_space<vmem>>, %arg5: memref<2000x40xf32, #tpu.memory_space<vmem>>) attributes {dimension_semantics = [#tpu.dimension_semantics<arbitrary>], iteration_bounds = array<i64: 5>, scalar_prefetch = 0 : i64, scratch_operands = 0 : i64, tpu.core_type = #tpu.core_type<tc>, window_params = [{transform_indices = @transform_0, window_bounds = array<i64: 2, 2000, 128>}, {transform_indices = @transform_1, window_bounds = array<i64: 2000, 48>}, {transform_indices = @transform_2, window_bounds = array<i64: 2000, 1>}, {pipeline_mode = #tpu.pipeline_mode<synchronous>, transform_indices = @transform_3, window_bounds = array<i64: 1, 48>}, {transform_indices = @transform_4, window_bounds = array<i64: 2000, 40>}]} {
    %get3A = arith.constant 0 : index
    %get3A_0 = arith.constant 0 : index
    %get3A_1 = arith.constant 0 : index
    %get3A_2 = vector.load %arg1[%get3A, %get3A_0, %get3A_1] : memref<2x2000x128xf32, #tpu.memory_space<vmem>>, vector<1x2000x128xf32>
    %get3A_3 = vector.shape_cast %get3A_2 : vector<1x2000x128xf32> to vector<2000x128xf32>
    %slice3A = vector.extract_strided_slice %get3A_3 {offsets = [0, 0], sizes = [2000, 48], strides = [1, 1]} : vector<2000x128xf32> to vector<2000x48xf32>
    %get3A_4 = arith.constant 1 : index
    %get3A_5 = arith.constant 0 : index
    %get3A_6 = arith.constant 0 : index
    %get3A_7 = vector.load %arg1[%get3A_4, %get3A_5, %get3A_6] : memref<2x2000x128xf32, #tpu.memory_space<vmem>>, vector<1x2000x128xf32>
    %get3A_8 = vector.shape_cast %get3A_7 : vector<1x2000x128xf32> to vector<2000x128xf32>
    %slice3A_9 = vector.extract_strided_slice %get3A_8 {offsets = [0, 0], sizes = [2000, 48], strides = [1, 1]} : vector<2000x128xf32> to vector<2000x48xf32>
    %add3A = arith.addf %slice3A, %slice3A_9 : vector<2000x48xf32>
    %get3A_10 = arith.constant 0 : index
    %get3A_11 = arith.constant 0 : index
    %get3A_12 = vector.load %arg2[%get3A_10, %get3A_11] : memref<2000x48xf32, #tpu.memory_space<vmem>>, vector<2000x48xf32>
    %add3A_13 = arith.addf %add3A, %get3A_12 : vector<2000x48xf32>
    %get3A_14 = arith.constant 0 : index
    %get3A_15 = arith.constant 0 : index
    %get3A_16 = vector.load %arg3[%get3A_14, %get3A_15] : memref<2000x1xf32, #tpu.memory_space<vmem>>, vector<2000x1xf32>
    %mul3A = vector.broadcast %get3A_16 : vector<2000x1xf32> to vector<2000x48xf32>
    %mul3A_17 = arith.mulf %add3A_13, %mul3A : vector<2000x48xf32>
    %get3A_18 = arith.constant 0 : index
    %get3A_19 = arith.constant 0 : index
    %get3A_20 = vector.load %arg4[%get3A_18, %get3A_19] : memref<1x48xf32, #tpu.memory_space<vmem>>, vector<1x48xf32>
    %add3A_21 = vector.broadcast %get3A_20 : vector<1x48xf32> to vector<2000x48xf32>
    %add3A_22 = arith.addf %mul3A_17, %add3A_21 : vector<2000x48xf32>
    %slice3A_23 = vector.extract_strided_slice %add3A_22 {offsets = [0, 0], sizes = [2000, 40], strides = [1, 1]} : vector<2000x48xf32> to vector<2000x40xf32>
    %reduce_max3A = arith.constant dense<0xFF800000> : vector<2000xf32>
    %reduce_max3A_24 = vector.multi_reduction <maximumf>, %slice3A_23, %reduce_max3A [1] : vector<2000x40xf32> to vector<2000xf32>
    %broadcast_in_dim3A = vector.shape_cast %reduce_max3A_24 : vector<2000xf32> to vector<2000x1xf32>
    %sub3A = vector.broadcast %broadcast_in_dim3A : vector<2000x1xf32> to vector<2000x40xf32>
    %sub3A_25 = arith.subf %slice3A_23, %sub3A : vector<2000x40xf32>
    %exp3A = math.exp %sub3A_25 : vector<2000x40xf32>
    %reduce_sum3A = arith.constant dense<0.000000e+00> : vector<2000xf32>
    %reduce_sum3A_26 = vector.multi_reduction <add>, %exp3A, %reduce_sum3A [1] : vector<2000x40xf32> to vector<2000xf32>
    %broadcast_in_dim3A_27 = vector.shape_cast %reduce_sum3A_26 : vector<2000xf32> to vector<2000x1xf32>
    %log3A = math.log %broadcast_in_dim3A_27 : vector<2000x1xf32>
    %sub3A_28 = vector.broadcast %log3A : vector<2000x1xf32> to vector<2000x40xf32>
    %sub3A_29 = arith.subf %sub3A_25, %sub3A_28 : vector<2000x40xf32>
    %swap3A = arith.constant 0 : index
    %swap3A_30 = arith.constant 0 : index
    %swap3A_31 = vector.load %arg5[%swap3A, %swap3A_30] : memref<2000x40xf32, #tpu.memory_space<vmem>>, vector<2000x40xf32>
    tpu.vector_store %arg5[%swap3A, %swap3A_30], %sub3A_29 {strides = array<i32>} : memref<2000x40xf32, #tpu.memory_space<vmem>>, vector<2000x40xf32>,
    return
  }
  func.func @transform_0(%arg0: i32) -> (i32, i32, i32) {
    %c0_i32 = arith.constant 0 : i32
    %c0_i32_0 = arith.constant 0 : i32
    %c0_i32_1 = arith.constant 0 : i32
    return %c0_i32, %arg0, %c0_i32_0 : i32, i32, i32
  }
  func.func @transform_1(%arg0: i32) -> (i32, i32) {
    %c0_i32 = arith.constant 0 : i32
    %c0_i32_0 = arith.constant 0 : i32
    return %arg0, %c0_i32 : i32, i32
  }
  func.func @transform_2(%arg0: i32) -> (i32, i32) {
    %c0_i32 = arith.constant 0 : i32
    %c0_i32_0 = arith.constant 0 : i32
    return %arg0, %c0_i32 : i32, i32
  }
  func.func @transform_3(%arg0: i32) -> (i32, i32) {
    %c0_i32 = arith.constant 0 : i32
    %c0_i32_0 = arith.constant 0 : i32
    %c0_i32_1 = arith.constant 0 : i32
    return %c0_i32, %c0_i32_0 : i32, i32
  }
  func.func @transform_4(%arg0: i32) -> (i32, i32) {
    %c0_i32 = arith.constant 0 : i32
    %c0_i32_0 = arith.constant 0 : i32
    return %arg0, %c0_i32 : i32, i32
  }
}

</mosaic_0001>

<sc_bundles>
// kernel: kernel.27.cloned.1.call-start
scs
__scs_entry_jumppad:
0x0: {  	(pc) =	sbr.rel $0x88, $3  }
0x1: {  	(tag) =	ssettag $0x0;
	lr =	simm.s32 $0x1  }
0x2: {  	[smem:$0x3F85] =	sst lr;
	_ =	strace $0xD0000000  }
0x3: {  	_ = 	snop  }
0x4: {  	_ = 	snop  }
0x5: {  	_ = 	snop  }
0x6: {  	_ = 	snop  }
0x7: {  	_ = 	snop  }
__scs_overlays_trampoline_lowered:
0x8: {  	[smem:$0x3F94] =	sst s0  }
0x9: {  	[smem:$0x3F95] =	sst s1  }
0xa: {  	[smem:$0x3F96] =	sst s2  }
0xb: {  	[smem:$0x3F97] =	sst s3  }
0xc: {  	[smem:$0x3F98] =	sst s4  }
0xd: {  	[smem:$0x3F99] =	sst s5  }
0xe: {  	[smem:$0x3F9A] =	sst s6  }
0xf: {  	[smem:$0x3F9B] =	sst s7  }
0x10: {  	[smem:$0x3F9C] =	sst s8  }
0x11: {  	[smem:$0x3F9D] =	sst s9;
	s0 =	simm.s32 @!p0 $0x0  }
0x12: {  	s1 =	sld [smem:$0x3F83];
	s0 =	simm.s32 @p0 $0x1  }
0x13: {  	[smem:$0x3F9E] =	sst s0;
	s0 =	simm.s32 @!p1 $0x0  }
0x14: {  	s2 =	sld [smem:$0x3F82];
	s0 =	simm.s32 @p1 $0x1  }
0x15: {  	[smem:$0x3F9F] =	sst s0;
	s0 =	simm.s32 @!p2 $0x0  }
0x16: {  	s3 =	sld [smem:$0x3FDB];
	s0 =	simm.s32 @p2 $0x1  }
0x17: {  	s4 =	simm.s32 $0x1BF5;
	[smem:$0x3FA1] =	sst s0  }
0x18: {  	s0 =	sld [smem:$0x3F84];
	_ =	swait.ge [sflag:s4], $0x0  }
0x19: {  	s7 =	sld [smem:$0x3F85]  }
0x1a: {  	s8 =	sadd.s32 $0xFFFFE003, lr  }
0x1b: {  	s9 =	sadd.s32 $0xFFFFFEF7, lr;
	s5 =	simm.s32 $0xFFFFFFFF;
	p2 =	slt.u32 s8, $0xFFFFF086  }
0x1c: {  	p1 =	slt.u32 s9, $0xF7A;
	s5 =	simm.s32 @!p2 $0x0  }
0x1d: {  	s5 =	simm.s32 @p1 $0x1;
	p0 =	seq.s32 s7, s2  }
0x1e: {  	s7 =	smul.u32 @!p0 $0xF7A, s2;
	p2 =	seq.s32 @!p0 s5, $0x0  }
0x1f: {  	s9 =	smul.u32 $0xF7A, s1;
	s8 =	simm.s32 @!p0 $0x1BF5;
	p2 =	por !p2, p0  }
0x20: {  	[sflag:s8] =	ssyncset.s32 @!p0 $0xFFFFF086;
	s6 =	sadd.s32 @!p0 s3, s7;
	s7 =	simm.s32 @!p0 $0x108  }
0x21: {  	s3 =	sadd.s32 s3, s9;
	s6 =	sadd.s32 @!p0 $0x88, s6;
	s7 =	simm.s32 @p2 $0x1082  }
0x22: {  	[simem:s7], [sflag:s8] =	dma.local @!p0 [hbm:s6], $0xF7A  }
0x23: {  	s9 =	sor.u32 $0xD0000000, s2;
	s6 =	simm.s32 $0x108;
	_ =	swait.ge @!p0 [sflag:s8], $0x0  }
0x24: {  	s3 =	sadd.s32 $0x88, s3;
	s6 =	simm.s32 @!p1 $0x1082;
	[sflag:s4] =	ssyncset.s32 $0xFFFFF086  }
0x25: {  	[simem:s6], [sflag:s4] =	dma.local [hbm:s3], $0xF7A  }
0x26: {  	[smem:$0x3F85] =	sst s1;
	(tag) =	ssettag s2;
	_ =	strace s9  }
0x27: {  	s1 =	sld [smem:$0x3F95]  }
0x28: {  	s2 =	sld [smem:$0x3F96]  }
0x29: {  	s4 =	sld [smem:$0x3F98]  }
0x2a: {  	p0 =	seq.s32 s5, $0x0;
	s5 =	sld [smem:$0x3F99]  }
0x2b: {  	s6 =	sld [smem:$0x3F9A]  }
0x2c: {  	s7 =	sld [smem:$0x3F9B]  }
0x2d: {  	s3 =	simm.s32 $0x108;
	s8 =	sld [smem:$0x3F9C]  }
0x2e: {  	s3 =	simm.s32 @!p0 $0x1082;
	s9 =	sld [smem:$0x3F9D]  }
0x2f: {  	lr =	sadd.s32 s0, s3;
	s0 =	sld [smem:$0x3F94]  }
0x30: {  	s3 =	sld [smem:$0x3F97]  }
0x31: {  	[smem:$0x3FA0] =	sst s10  }
0x32: {  	s10 =	sld [smem:$0x3F9E];
	_ =	sdelay $0x3  }
0x33: {  	p0 =	seq.s32 s10, $0x1;
	s10 =	sld [smem:$0x3FA0];
	_ =	sdelay $0x3  }
0x34: {  	[smem:$0x3FA0] =	sst s10  }
0x35: {  	s10 =	sld [smem:$0x3F9F];
	_ =	sdelay $0x3  }
0x36: {  	p1 =	seq.s32 s10, $0x1;
	s10 =	sld [smem:$0x3FA0];
	_ =	sdelay $0x3  }
0x37: {  	[smem:$0x3FA0] =	sst s10  }
0x38: {  	s10 =	sld [smem:$0x3FA1]  }
0x39: {  	_ = 	snop;
	(pc) =	sbr.ind lr, $3  }
0x3a: {  	_ = 	snop  }
0x3b: {  	_ = 	snop  }
0x3c: {  	p2 =	seq.s32 s10, $0x1;
	s10 =	sld [smem:$0x3FA0]  }
0x3d: {  	_ =	shalt  }
0x3e: {  	_ =	shalt  }
0x3f: {  	_ =	shalt  }
0x40: {  	_ =	shalt  }
0x41: {  	_ =	shalt  }
0x42: {  	_ =	shalt  }
0x43: {  	_ =	shalt  }
0x44: {  	_ =	shalt  }
0x45: {  	_ =	shalt  }
0x46: {  	_ =	shalt  }
0x47: {  	_ =	shalt  }
0x48: {  	_ =	shalt  }
0x49: {  	_ =	shalt  }
0x4a: {  	_ =	shalt  }
0x4b: {  	_ =	shalt  }
0x4c: {  	_ =	shalt  }
0x4d: {  	_ =	shalt  }
0x4e: {  	_ =	shalt  }
0x4f: {  	_ =	shalt  }
0x50: {  	_ =	shalt  }
0x51: {  	_ =	shalt  }
0x52: {  	_ =	shalt  }
0x53: {  	_ =	shalt  }
0x54: {  	_ =	shalt  }
0x55: {  	_ =	shalt  }
0x56: {  	_ =	shalt  }
0x57: {  	_ =	shalt  }
0x58: {  	_ =	shalt  }
0x59: {  	_ =	shalt  }
0x5a: {  	_ =	shalt  }
0x5b: {  	_ =	shalt  }
0x5c: {  	_ =	shalt  }
0x5d: {  	_ =	shalt  }
0x5e: {  	_ =	shalt  }
0x5f: {  	_ =	shalt  }
0x60: {  	_ =	shalt  }
0x61: {  	_ =	shalt  }
0x62: {  	_ =	shalt  }
0x63: {  	_ =	shalt  }
0x64: {  	_ =	shalt  }
0x65: {  	_ =	shalt  }
0x66: {  	_ =	shalt  }
0x67: {  	_ =	shalt  }
0x68: {  	_ =	shalt  }
0x69: {  	_ =	shalt  }
0x6a: {  	_ =	shalt  }
0x6b: {  	_ =	shalt  }
0x6c: {  	_ =	shalt  }
0x6d: {  	_ =	shalt  }
0x6e: {  	_ =	shalt  }
0x6f: {  	_ =	shalt  }
0x70: {  	_ =	shalt  }
0x71: {  	_ =	shalt  }
0x72: {  	_ =	shalt  }
0x73: {  	_ =	shalt  }
0x74: {  	_ =	shalt  }
0x75: {  	_ =	shalt  }
0x76: {  	_ =	shalt  }
0x77: {  	_ =	shalt  }
0x78: {  	_ =	shalt  }
0x79: {  	_ =	shalt  }
0x7a: {  	_ =	shalt  }
0x7b: {  	_ =	shalt  }
0x7c: {  	_ =	shalt  }
0x7d: {  	_ =	shalt  }
0x7e: {  	_ =	shalt  }
0x7f: {  	_ =	shalt  }
0x80: {  	_ =	shalt  }
0x81: {  	_ =	shalt  }
0x82: {  	_ =	shalt  }
0x83: {  	_ =	shalt  }
0x84: {  	_ =	shalt  }
0x85: {  	_ =	shalt  }
0x86: {  	_ =	shalt  }
0x87: {  	_ =	shalt  }
.Lfunc_end0:
.L_simem_size_0:
called_computation_lowered:
.L_overlay_start_0:
0x88: {  	s2 =	sld [smem:$0x3FD9]  }
0x89: {  	s3 =	sld [smem:$0x3FFE];
	_ =	sdelay $0x1  }
0x8a: {  	s1 =	srdreg.scid  }
0x8b: {  	s0 =	sand.u32 $0x1, s1  }
0x8c: {  	s17 =	sshll.u32 s0, $0xA;
	s2 =	sadd.s32 s3, s2  }
0x8d: {  	s2 =	sadd.s32 s2, s17  }
0x8e: {  	[smem:$0x3FAC] =	sst s2  }
0x8f: {  	_ = 	snop  }
0x90: {  	s2 =	sld [smem:$0x3FD0];
	(tm) =	ssettm $0x1  }
0x91: {  	s18 =	sld [smem:$0x3FFB];
	_ =	sdelay $0x3  }
0x92: {  	_ =	strace s18  }
0x93: {  	s3 =	sld [smem:$0x3FFC];
	_ =	sdelay $0x3  }
0x94: {  	_ =	strace s3  }
0x95: {  	s3 =	sld [smem:$0x3FFD];
	_ =	sdelay $0x3  }
0x96: {  	_ =	strace s3  }
0x97: {  	_ =	strace $0x8FFFFFFF  }
0x98: {  	s19 =	sld [smem:$0x3FDB];
	_ =	sdelay $0x1  }
0x99: {  	s4 =	simm.s32 $_scs_section_size  }
0x9a: {  	s5 =	simm.s32 $_size__tile_overlayer_lowered;
	s6 =	simm.s32 $_tile_overlayer_lowered  }
0x9b: {  	s22 =	simm.s32 $0x1BFF;
	s21 =	sshll.u32 s6, $0x1;
	s3 =	sadd.s32 s4, s19  }
0x9c: {  	s7 =	simm.s32 $0x0;
	s20 =	sshll.u32 s5, $0x1;
	s5 =	sadd.s32 s21, s3  }
0x9d: {  	[timem:s7], [sflag:s22] =	dma.local [hbm:s5], s20  }
0x9e: {  	_ =	swait.ge [sflag:s22], s20  }
0x9f: {  	s4 =	ssub.s32 $0x0, s20;
	[sflag:s22] =	ssyncset.done $0x0  }
0xa0: {  	[sflag:s22] =	ssyncadd.s32 s4;
	_ =	sdelay $0x1  }
0xa1: {  	s23 =	simm.s32 $0x1B8B  }
0xa2: {  	_ =	swait.ge [sflag:s23], $0x1  }
0xa3: {  	[sflag:s23] =	ssyncset.done $0x0  }
0xa4: {  	s25 =	simm.s32 $0x1B8E;
	s24 =	sld [smem:$0x3FFE];
	[sflag:s23] =	ssyncadd.s32 $0xFFFFFFFF  }
0xa5: {  	s26 =	simm.s32 $execute0_lowered;
	[smem:$0x3FD2] =	sst s25  }
0xa6: {  	s5 =	sshll.u32 s26, $0x1;
	_ =	strace $0x80000046;
	[dreg:$0x1] =	wrdreg $0xFFFFFFFF  }
0xa7: {  	s28 =	simm.s32 $_size_execute0_lowered;
	s3 =	sadd.s32 s3, s5;
	[dreg:$0x0] =	wrdreg $0x0  }
0xa8: {  	s5 =	sshll.u32 s28, $0x1;
	[dreg:$0x2] =	wrdreg s3  }
0xa9: {  	[dreg:$0x3] =	wrdreg s5  }
0xaa: {  	[dreg:$0x4] =	wrdreg $0xC0  }
0xab: {  	_ =	task [dreg:s7], $0x5FFFF  }
0xac: {  	[dreg:$0x1] =	wrdreg $0xFFFFFFFF  }
0xad: {  	[dreg:$0x0] =	wrdreg $0x60  }
0xae: {  	[dreg:$0x2] =	wrdreg s24  }
0xaf: {  	[dreg:$0x3] =	wrdreg s2  }
0xb0: {  	[dreg:$0x4] =	wrdreg $0x68000  }
0xb1: {  	[dreg:$0x5] =	wrdreg $0x9  }
0xb2: {  	_ =	task.clear_ibuf [dreg:s7], $0x6FFFF;
	_ =	strace $0x90000046  }
0xb3: {  	s29 =	simm.s32 $0x9;
	_ =	strace $0x80000048  }
0xb4: {  	_ =	swait.ge [sflag:s29], $0x1  }
0xb5: {  	[sflag:s29] =	ssyncadd.s32 $0xFFFFFFFF  }
0xb6: {  	_ =	strace $0x90000048  }
0xb7: {  	_ =	sfence  }
0xb8: {  	s30 =	sld [smem:$0x0];
	_ =	sdelay $0x2  }
0xb9: {  	s31 =	sshll.u32 s1, $0xD;
	s1 =	sshrl.u32 s1, $0x2  }
0xba: {  	s3 =	sand.u32 $0x4000, s31;
	s1 =	sadd.s32 s1, s30  }
0xbb: {  	s0 =	sor.u32 s3, s0;
	s1 =	sshll.u32 s1, $0x11  }
0xbc: {  	s0 =	sor.u32 s1, s0  }
0xbd: {  	s0 =	sadd.s32 $0x8F2B, s0  }
0xbe: {  	[sflag:s0] =	ssyncadd.remote.s32 $0x1  }
0xbf: {  	_ =	sfence.sel $0xFFFF  }
0xc0: {  	[dreg:$0x0] =	wrdreg $0xFFFFFFFF;
	(pc) =	sbr.abs _section_cstart, $3  }
0xc1: {  	[dreg:$0x1] =	wrdreg $0xFFFFFFFF  }
0xc2: {  	_ =	task.clear_ibuf [dreg:s7], $0x2FFFF;
	_ =	strace $0x9FFFFFFF  }
0xc3: {  	(tm) =	ssettm $0x7FFFFFFF  }
tec
execute0_lowered:
.L_overlay_start_1:
0x0: {  	(tag) =	ssettag $0x1  }
0x1: {  	s5 =	rddreg [dreg:$0x0]  }
0x2: {  	s2 =	rddreg [dreg:$0x1]  }
0x3: {  	s3 =	rddreg [dreg:$0x2]  }
0x4: {  	s0 =	rddreg [dreg:$0x3];
	s1 =	stileid.u32  }
0x5: {  	s6 =	srdreg.scid;
	s4 =	simm.s32 $0x0;
	s13 =	simm.s32 $0x50  }
0x6: {  	s14 =	simm.s32 $0x0;
	s7 =	smul.u32 $0x14000, s1;
	s6 =	sand.u32 $0x1, s6  }
0x7: {  	[smem:$0x7FF] =	sst s4;
	s9 =	sshll.u32 s1, $0xB;
	s11 =	smul.u32 $0x50000, s1  }
0x8: {  	s31 =	sshll.u32 s1, $0x6;
	s8 =	smul.u32 $0x140000, s6;
	_ =	strace $0x80000047  }
0x9: {  	s9 =	sadd.s32 s9, s5;
	s26 =	ssub.s32 $0x2, s6;
	s6 =	sshll.u32 s6, $0xF  }
0xa: {  	s10 =	sshrl.u32 s7, $0x3;
	s28 =	sshrl.u32 s26, $0x1;
	s29 =	sadd.s32 s6, s9  }
0xb: {  	s30 =	sshrl.u32 s11, $0x2;
	s9 =	simm.s32 $0x1;
	s11 =	sor.u32 $0x1C01, s31  }
0xc: {  	s10 =	sadd.s32 s10, s5;
	s7 =	sadd.s32 s7, s8;
	s8 =	ssub.s32 s26, s28  }
0xd: {  	s12 =	sadd.s32 s30, s3;
	s7 =	sshrl.u32 s7, $0x3;
	s6 =	sadd.s32 $0x17000, s10  }
0xe: {  	s8 =	smax.u32 s8, $0x1;
	s10 =	simm.s32 $0x4000;
	s7 =	sadd.s32 s7, s5  }
0xf: {  	s12 =	sshrl.u32 s12, $0x3;
	s5 =	sadd.s32 $0x7000, s29;
	s7 =	sadd.s32 $0x3F000, s7  }
.LBB2_1:
0x10: {  	[tilespmem:s4], [sflag:$0x1] =	stream.linear.gather [hbm4b:s5+s4], $0x3E80, $0x38;
	[tilespmem:$0x9000] =	vst v63  }
0x11: {  	_ =	swait.ge [sflag:s9], $0x3E80  }
0x12: {  	[sflag:s9] =	ssyncset.done $0x0  }
0x13: {  	[sflag:s9] =	ssyncadd.s32 $0xFFFFC180  }
0x14: {  	[tilespmem:s10], [sflag:$0x1] =	stream.linear.gather [hbm4b:s2+s4], $0x2800, $0x38;
	[tilespmem:$0x9000] =	vst v63  }
0x15: {  	_ =	swait.ge [sflag:s9], $0x2800  }
0x16: {  	[sflag:s9] =	ssyncset.done $0x0  }
0x17: {  	[sflag:s9] =	ssyncadd.s32 $0xFFFFD800  }
0x18: {  	[spmem:s12], [sflag:s11] =	dma.local [hbm:s6], $0x2800  }
0x19: {  	_ =	swait.ge [sflag:s9], $0x2800  }
0x1a: {  	[sflag:s9] =	ssyncset.done $0x0  }
0x1b: {  	[sflag:s9] =	ssyncadd.s32 $0xFFFFD800  }
0x1c: {  	s15 =	simm.s32 $0x0;
	[bflag:$0x0] =	sbarrier.arrive $0xFFFF  }
0x1d: {  	[spmem:s3] =	stream.indirect.scatter.add.f32 [tilespmem:s10], [sflag:$0x1], $0x10, s15, s13, $0xb8;
	[tilespmem:$0x9000] =	vst v63  }
0x1e: {  	_ =	swait.ge [sflag:s9], $0x500  }
0x1f: {  	s15 =	simm.s32 $0x200;
	[sflag:s9] =	ssyncset.done $0x0  }
.LBB2_2:
0x20: {  	s16 =	sshra.s32 s15, $0x2;
	[sflag:s9] =	ssyncadd.s32 $0xFFFFFB00;
	p0 =	sne.s32 s15, $0xF800  }
0x21: {  	[spmem:s3] =	stream.indirect.scatter.add.f32 [tilespmem:s10], [sflag:$0x1], $0x10, s16, s13, $0xb8;
	[tilespmem:$0x9000] =	vst v63  }
.Ltmp0:
0x22: {  	_ = 	snop;
	(pc) =	sbr.rel @p0 .LBB2_2-.Ltmp0, $4  }
0x23: {  	_ = 	snop  }
0x24: {  	s15 =	sadd.s32 $0x200, s15  }
0x25: {  	_ =	swait.ge [sflag:s9], $0x500  }
0x26: {  	[sflag:s9] =	ssyncset.done $0x0  }
0x27: {  	s14 =	sadd.s32 $0x1, s14  }
0x28: {  	[sflag:s9] =	ssyncadd.s32 $0xFFFFFB00;
	p0 =	sne.s32 s14, s8  }
.Ltmp1:
0x29: {  	[bflag:$0x0] =	sbarrier.arrive $0xFFFF;
	(pc) =	sbr.rel @p0 .LBB2_1-.Ltmp1, $4  }
0x2a: {  	[hbm:s7], [sflag:s11] =	dma.local [spmem:s12], $0x2800  }
0x2b: {  	_ =	swait.ge [sflag:s9], $0x2800  }
0x2c: {  	[sflag:s9] =	ssyncset.done $0x0  }
0x2d: {  	[sflag:s9] =	ssyncadd.s32 $0xFFFFD800  }
0x2e: {  	_ =	sfence.sel $0x180000  }
0x2f: {  	[bflag:$0x0] =	sbarrier.arrive $0xFFFF  }
0x30: {  	p0 =	sne.s32 s1, $0x0;
	_ =	strace $0x90000047  }
0x31: {  	s0 =	sadd.s32 @!p0 $0x100000, s0;
	[bflag:$0x2] =	sbarrier.arrive $0xFFFF  }
0x32: {  	[sflag:s0] =	ssyncadd.tile.s32 @!p0 $0x1;
	_ =	shalt  }
.Lfunc_end2:
_tile_overlayer_lowered:
.L_overlay_start_2:
0x33: {  	(tag) =	ssettag $0x2  }
0x34: {  	s0 =	rddreg [dreg:$0x0];
	s2 =	stileid.u32  }
0x35: {  	s1 =	rddreg [dreg:$0x1];
	p0 =	sne.s32 s2, $0x0  }
0x36: {  	s3 =	rddreg [dreg:$0x2];
	[bflag:$0x3] =	sbarrier.arrive $0xFFFF;
	s2 =	simm.s32 @!p0 $0x1C01  }
0x37: {  	[timem:s3], [sflag:s2] =	dma.local @!p0 [hbm:s0], s1  }
0x38: {  	s0 =	simm.s32 @!p0 $0x1  }
0x39: {  	_ =	swait.ge @!p0 [sflag:s0], s1  }
0x3a: {  	s1 =	ssub.s32 @!p0 $0x0, s1;
	[sflag:s0] =	ssyncset.done @!p0 $0x0  }
0x3b: {  	[sflag:s0] =	ssyncadd.s32 @!p0 s1  }
0x3c: {  	[bflag:$0x3] =	sbarrier.arrive $0xFFFF  }
0x3d: {  	_ =	shalt  }

// kernel: kernel.30.cloned.1.call-start
scs
__scs_entry_jumppad:
0x0: {  	(pc) =	sbr.rel $0x88, $3  }
0x1: {  	(tag) =	ssettag $0x0;
	lr =	simm.s32 $0x1  }
0x2: {  	[smem:$0x3F85] =	sst lr;
	_ =	strace $0xD0000000  }
0x3: {  	_ = 	snop  }
0x4: {  	_ = 	snop  }
0x5: {  	_ = 	snop  }
0x6: {  	_ = 	snop  }
0x7: {  	_ = 	snop  }
__scs_overlays_trampoline_lowered:
0x8: {  	[smem:$0x3F94] =	sst s0  }
0x9: {  	[smem:$0x3F95] =	sst s1  }
0xa: {  	[smem:$0x3F96] =	sst s2  }
0xb: {  	[smem:$0x3F97] =	sst s3  }
0xc: {  	[smem:$0x3F98] =	sst s4  }
0xd: {  	[smem:$0x3F99] =	sst s5  }
0xe: {  	[smem:$0x3F9A] =	sst s6  }
0xf: {  	[smem:$0x3F9B] =	sst s7  }
0x10: {  	[smem:$0x3F9C] =	sst s8  }
0x11: {  	[smem:$0x3F9D] =	sst s9;
	s0 =	simm.s32 @!p0 $0x0  }
0x12: {  	s1 =	sld [smem:$0x3F83];
	s0 =	simm.s32 @p0 $0x1  }
0x13: {  	[smem:$0x3F9E] =	sst s0;
	s0 =	simm.s32 @!p1 $0x0  }
0x14: {  	s2 =	sld [smem:$0x3F82];
	s0 =	simm.s32 @p1 $0x1  }
0x15: {  	[smem:$0x3F9F] =	sst s0;
	s0 =	simm.s32 @!p2 $0x0  }
0x16: {  	s3 =	sld [smem:$0x3FDB];
	s0 =	simm.s32 @p2 $0x1  }
0x17: {  	s4 =	simm.s32 $0x1BF5;
	[smem:$0x3FA1] =	sst s0  }
0x18: {  	s0 =	sld [smem:$0x3F84];
	_ =	swait.ge [sflag:s4], $0x0  }
0x19: {  	s7 =	sld [smem:$0x3F85]  }
0x1a: {  	s8 =	sadd.s32 $0xFFFFE003, lr  }
0x1b: {  	s9 =	sadd.s32 $0xFFFFFEF7, lr;
	s5 =	simm.s32 $0xFFFFFFFF;
	p2 =	slt.u32 s8, $0xFFFFF086  }
0x1c: {  	p1 =	slt.u32 s9, $0xF7A;
	s5 =	simm.s32 @!p2 $0x0  }
0x1d: {  	s5 =	simm.s32 @p1 $0x1;
	p0 =	seq.s32 s7, s2  }
0x1e: {  	s7 =	smul.u32 @!p0 $0xF7A, s2;
	p2 =	seq.s32 @!p0 s5, $0x0  }
0x1f: {  	s9 =	smul.u32 $0xF7A, s1;
	s8 =	simm.s32 @!p0 $0x1BF5;
	p2 =	por !p2, p0  }
0x20: {  	[sflag:s8] =	ssyncset.s32 @!p0 $0xFFFFF086;
	s6 =	sadd.s32 @!p0 s3, s7;
	s7 =	simm.s32 @!p0 $0x108  }
0x21: {  	s3 =	sadd.s32 s3, s9;
	s6 =	sadd.s32 @!p0 $0x88, s6;
	s7 =	simm.s32 @p2 $0x1082  }
0x22: {  	[simem:s7], [sflag:s8] =	dma.local @!p0 [hbm:s6], $0xF7A  }
0x23: {  	s9 =	sor.u32 $0xD0000000, s2;
	s6 =	simm.s32 $0x108;
	_ =	swait.ge @!p0 [sflag:s8], $0x0  }
0x24: {  	s3 =	sadd.s32 $0x88, s3;
	s6 =	simm.s32 @!p1 $0x1082;
	[sflag:s4] =	ssyncset.s32 $0xFFFFF086  }
0x25: {  	[simem:s6], [sflag:s4] =	dma.local [hbm:s3], $0xF7A  }
0x26: {  	[smem:$0x3F85] =	sst s1;
	(tag) =	ssettag s2;
	_ =	strace s9  }
0x27: {  	s1 =	sld [smem:$0x3F95]  }
0x28: {  	s2 =	sld [smem:$0x3F96]  }
0x29: {  	s4 =	sld [smem:$0x3F98]  }
0x2a: {  	p0 =	seq.s32 s5, $0x0;
	s5 =	sld [smem:$0x3F99]  }
0x2b: {  	s6 =	sld [smem:$0x3F9A]  }
0x2c: {  	s7 =	sld [smem:$0x3F9B]  }
0x2d: {  	s3 =	simm.s32 $0x108;
	s8 =	sld [smem:$0x3F9C]  }
0x2e: {  	s3 =	simm.s32 @!p0 $0x1082;
	s9 =	sld [smem:$0x3F9D]  }
0x2f: {  	lr =	sadd.s32 s0, s3;
	s0 =	sld [smem:$0x3F94]  }
0x30: {  	s3 =	sld [smem:$0x3F97]  }
0x31: {  	[smem:$0x3FA0] =	sst s10  }
0x32: {  	s10 =	sld [smem:$0x3F9E];
	_ =	sdelay $0x3  }
0x33: {  	p0 =	seq.s32 s10, $0x1;
	s10 =	sld [smem:$0x3FA0];
	_ =	sdelay $0x3  }
0x34: {  	[smem:$0x3FA0] =	sst s10  }
0x35: {  	s10 =	sld [smem:$0x3F9F];
	_ =	sdelay $0x3  }
0x36: {  	p1 =	seq.s32 s10, $0x1;
	s10 =	sld [smem:$0x3FA0];
	_ =	sdelay $0x3  }
0x37: {  	[smem:$0x3FA0] =	sst s10  }
0x38: {  	s10 =	sld [smem:$0x3FA1]  }
0x39: {  	_ = 	snop;
	(pc) =	sbr.ind lr, $3  }
0x3a: {  	_ = 	snop  }
0x3b: {  	_ = 	snop  }
0x3c: {  	p2 =	seq.s32 s10, $0x1;
	s10 =	sld [smem:$0x3FA0]  }
0x3d: {  	_ =	shalt  }
0x3e: {  	_ =	shalt  }
0x3f: {  	_ =	shalt  }
0x40: {  	_ =	shalt  }
0x41: {  	_ =	shalt  }
0x42: {  	_ =	shalt  }
0x43: {  	_ =	shalt  }
0x44: {  	_ =	shalt  }
0x45: {  	_ =	shalt  }
0x46: {  	_ =	shalt  }
0x47: {  	_ =	shalt  }
0x48: {  	_ =	shalt  }
0x49: {  	_ =	shalt  }
0x4a: {  	_ =	shalt  }
0x4b: {  	_ =	shalt  }
0x4c: {  	_ =	shalt  }
0x4d: {  	_ =	shalt  }
0x4e: {  	_ =	shalt  }
0x4f: {  	_ =	shalt  }
0x50: {  	_ =	shalt  }
0x51: {  	_ =	shalt  }
0x52: {  	_ =	shalt  }
0x53: {  	_ =	shalt  }
0x54: {  	_ =	shalt  }
0x55: {  	_ =	shalt  }
0x56: {  	_ =	shalt  }
0x57: {  	_ =	shalt  }
0x58: {  	_ =	shalt  }
0x59: {  	_ =	shalt  }
0x5a: {  	_ =	shalt  }
0x5b: {  	_ =	shalt  }
0x5c: {  	_ =	shalt  }
0x5d: {  	_ =	shalt  }
0x5e: {  	_ =	shalt  }
0x5f: {  	_ =	shalt  }
0x60: {  	_ =	shalt  }
0x61: {  	_ =	shalt  }
0x62: {  	_ =	shalt  }
0x63: {  	_ =	shalt  }
0x64: {  	_ =	shalt  }
0x65: {  	_ =	shalt  }
0x66: {  	_ =	shalt  }
0x67: {  	_ =	shalt  }
0x68: {  	_ =	shalt  }
0x69: {  	_ =	shalt  }
0x6a: {  	_ =	shalt  }
0x6b: {  	_ =	shalt  }
0x6c: {  	_ =	shalt  }
0x6d: {  	_ =	shalt  }
0x6e: {  	_ =	shalt  }
0x6f: {  	_ =	shalt  }
0x70: {  	_ =	shalt  }
0x71: {  	_ =	shalt  }
0x72: {  	_ =	shalt  }
0x73: {  	_ =	shalt  }
0x74: {  	_ =	shalt  }
0x75: {  	_ =	shalt  }
0x76: {  	_ =	shalt  }
0x77: {  	_ =	shalt  }
0x78: {  	_ =	shalt  }
0x79: {  	_ =	shalt  }
0x7a: {  	_ =	shalt  }
0x7b: {  	_ =	shalt  }
0x7c: {  	_ =	shalt  }
0x7d: {  	_ =	shalt  }
0x7e: {  	_ =	shalt  }
0x7f: {  	_ =	shalt  }
0x80: {  	_ =	shalt  }
0x81: {  	_ =	shalt  }
0x82: {  	_ =	shalt  }
0x83: {  	_ =	shalt  }
0x84: {  	_ =	shalt  }
0x85: {  	_ =	shalt  }
0x86: {  	_ =	shalt  }
0x87: {  	_ =	shalt  }
.Lfunc_end0:
.L_simem_size_0:
called_computation.1_lowered:
.L_overlay_start_0:
0x88: {  	s2 =	sld [smem:$0x3FD9]  }
0x89: {  	s3 =	sld [smem:$0x3FFE];
	_ =	sdelay $0x1  }
0x8a: {  	s1 =	srdreg.scid  }
0x8b: {  	s0 =	sand.u32 $0x1, s1  }
0x8c: {  	s16 =	sshll.u32 s0, $0xA;
	s2 =	sadd.s32 s3, s2  }
0x8d: {  	s2 =	sadd.s32 s2, s16  }
0x8e: {  	[smem:$0x3FAC] =	sst s2  }
0x8f: {  	_ = 	snop  }
0x90: {  	(tm) =	ssettm $0x1  }
0x91: {  	s17 =	sld [smem:$0x3FFB];
	_ =	sdelay $0x3  }
0x92: {  	_ =	strace s17  }
0x93: {  	s2 =	sld [smem:$0x3FFC];
	_ =	sdelay $0x3  }
0x94: {  	_ =	strace s2  }
0x95: {  	s2 =	sld [smem:$0x3FFD];
	_ =	sdelay $0x3  }
0x96: {  	_ =	strace s2  }
0x97: {  	_ =	strace $0x8FFFFFFF  }
0x98: {  	s18 =	sld [smem:$0x3FDB];
	_ =	sdelay $0x1  }
0x99: {  	s19 =	simm.s32 $_scs_section_size  }
0x9a: {  	s4 =	simm.s32 $_size__tile_overlayer_lowered;
	s5 =	simm.s32 $_tile_overlayer_lowered  }
0x9b: {  	s22 =	simm.s32 $0x1BFF;
	s21 =	sshll.u32 s5, $0x1;
	s2 =	sadd.s32 s19, s18  }
0x9c: {  	s6 =	simm.s32 $0x0;
	s20 =	sshll.u32 s4, $0x1;
	s4 =	sadd.s32 s21, s2  }
0x9d: {  	[timem:s6], [sflag:s22] =	dma.local [hbm:s4], s20  }
0x9e: {  	_ =	swait.ge [sflag:s22], s20  }
0x9f: {  	s3 =	ssub.s32 $0x0, s20;
	[sflag:s22] =	ssyncset.done $0x0  }
0xa0: {  	[sflag:s22] =	ssyncadd.s32 s3;
	_ =	sdelay $0x1  }
0xa1: {  	s23 =	simm.s32 $0x1B8B  }
0xa2: {  	_ =	swait.ge [sflag:s23], $0x1  }
0xa3: {  	[sflag:s23] =	ssyncset.done $0x0  }
0xa4: {  	s25 =	simm.s32 $0x1B8E;
	s24 =	sld [smem:$0x3FFE];
	[sflag:s23] =	ssyncadd.s32 $0xFFFFFFFF  }
0xa5: {  	s26 =	simm.s32 $execute0_lowered;
	[smem:$0x3FD2] =	sst s25  }
0xa6: {  	s4 =	sshll.u32 s26, $0x1;
	_ =	strace $0x80000049;
	[dreg:$0x1] =	wrdreg $0xFFFFFFFF  }
0xa7: {  	s28 =	simm.s32 $_size_execute0_lowered;
	s2 =	sadd.s32 s2, s4;
	[dreg:$0x0] =	wrdreg $0x0  }
0xa8: {  	s4 =	sshll.u32 s28, $0x1;
	[dreg:$0x2] =	wrdreg s2  }
0xa9: {  	[dreg:$0x3] =	wrdreg s4  }
0xaa: {  	[dreg:$0x4] =	wrdreg $0xC0  }
0xab: {  	_ =	task [dreg:s6], $0x5FFFF  }
0xac: {  	[dreg:$0x1] =	wrdreg $0xFFFFFFFF  }
0xad: {  	[dreg:$0x0] =	wrdreg $0x60  }
0xae: {  	[dreg:$0x2] =	wrdreg s24  }
0xaf: {  	[dreg:$0x3] =	wrdreg $0xA8000  }
0xb0: {  	[dreg:$0x4] =	wrdreg $0x9  }
0xb1: {  	_ =	task.clear_ibuf [dreg:s6], $0x5FFFF;
	_ =	strace $0x90000049  }
0xb2: {  	s29 =	simm.s32 $0x9;
	_ =	strace $0x8000004B  }
0xb3: {  	_ =	swait.ge [sflag:s29], $0x1  }
0xb4: {  	[sflag:s29] =	ssyncadd.s32 $0xFFFFFFFF  }
0xb5: {  	_ =	strace $0x9000004B  }
0xb6: {  	_ =	sfence  }
0xb7: {  	s30 =	sld [smem:$0x0];
	_ =	sdelay $0x2  }
0xb8: {  	s31 =	sshll.u32 s1, $0xD;
	s1 =	sshrl.u32 s1, $0x2  }
0xb9: {  	s3 =	sand.u32 $0x4000, s31;
	s1 =	sadd.s32 s1, s30  }
0xba: {  	s0 =	sor.u32 s3, s0;
	s1 =	sshll.u32 s1, $0x11  }
0xbb: {  	s0 =	sor.u32 s1, s0  }
0xbc: {  	s0 =	sadd.s32 $0x8F2B, s0  }
0xbd: {  	[sflag:s0] =	ssyncadd.remote.s32 $0x1  }
0xbe: {  	_ =	sfence.sel $0xFFFF  }
0xbf: {  	[dreg:$0x0] =	wrdreg $0xFFFFFFFF;
	(pc) =	sbr.abs _section_cstart, $3  }
0xc0: {  	[dreg:$0x1] =	wrdreg $0xFFFFFFFF  }
0xc1: {  	_ =	task.clear_ibuf [dreg:s6], $0x2FFFF;
	_ =	strace $0x9FFFFFFF  }
0xc2: {  	(tm) =	ssettm $0x7FFFFFFF  }
0xc3: {  	_ =	shalt  }
tec
execute0_lowered:
.L_overlay_start_1:
0x0: {  	(tag) =	ssettag $0x1  }
0x1: {  	s5 =	rddreg [dreg:$0x0]  }
0x2: {  	s1 =	rddreg [dreg:$0x1]  }
0x3: {  	s0 =	rddreg [dreg:$0x2];
	s3 =	simm.s32 $0x0;
	s4 =	srdreg.scid  }
0x4: {  	s2 =	stileid.u32;
	s14 =	simm.s32 $0x50;
	s15 =	simm.s32 $0x8000  }
0x5: {  	s16 =	simm.s32 $0x1;
	s17 =	simm.s32 $0x0;
	[smem:$0x7FF] =	sst s3  }
0x6: {  	s6 =	sand.u32 $0x1, s4;
	s7 =	sshll.u32 s2, $0xB;
	s8 =	smul.u32 $0x14000, s2  }
0x7: {  	s31 =	smul.u32 $0x50000, s2;
	s12 =	sshll.u32 s2, $0x6;
	s4 =	sshll.u32 s6, $0xF  }
0x8: {  	_ =	strace $0x8000004A;
	s9 =	smul.u32 $0x140000, s6;
	s6 =	ssub.s32 $0x2, s6  }
0x9: {  	s12 =	sor.u32 $0x1C02, s12;
	s7 =	sor.u32 s7, s4;
	s4 =	sadd.s32 $0x17000, s5  }
0xa: {  	s10 =	sshrl.u32 s8, $0x3;
	s11 =	sshrl.u32 s6, $0x1;
	s7 =	sadd.s32 s7, s5  }
0xb: {  	s8 =	sadd.s32 s8, s9;
	s10 =	sadd.s32 s10, s5;
	s11 =	ssub.s32 s6, s11  }
0xc: {  	s9 =	sshrl.u32 s31, $0x2;
	s8 =	sshrl.u32 s8, $0x3;
	s6 =	sadd.s32 $0x7000, s7  }
0xd: {  	s13 =	sadd.s32 s9, s1;
	s9 =	smax.u32 s11, $0x1;
	s11 =	simm.s32 $0x4000  }
0xe: {  	s8 =	sadd.s32 s8, s5;
	s5 =	sadd.s32 $0x8F000, s7;
	s7 =	sadd.s32 $0x3E200, s10  }
0xf: {  	s10 =	simm.s32 $0x2;
	s13 =	sshrl.u32 s13, $0x3;
	s8 =	sadd.s32 $0x9F000, s8  }
.LBB2_1:
0x10: {  	[tilespmem:s3], [sflag:$0x2] =	stream.linear.gather [hbm4b:s5+s3], $0x3E80, $0x38;
	[tilespmem:$0x1E800] =	vst v63  }
0x11: {  	_ =	swait.ge [sflag:s10], $0x3E80  }
0x12: {  	[sflag:s10] =	ssyncset.done $0x0  }
0x13: {  	[sflag:s10] =	ssyncadd.s32 $0xFFFFC180  }
0x14: {  	[tilespmem:s11], [sflag:$0x2] =	stream.linear.gather [hbm4b:s6+s3], $0x3E80, $0x38;
	[tilespmem:$0x1E800] =	vst v63  }
0x15: {  	_ =	swait.ge [sflag:s10], $0x3E80  }
0x16: {  	[sflag:s10] =	ssyncset.done $0x0  }
0x17: {  	[sflag:s10] =	ssyncadd.s32 $0xFFFFC180  }
0x18: {  	[spmem:s13], [sflag:s12] =	dma.local [hbm:s7], $0x2800  }
0x19: {  	_ =	swait.ge [sflag:s10], $0x2800  }
0x1a: {  	[sflag:s10] =	ssyncset.done $0x0  }
0x1b: {  	[sflag:s10] =	ssyncadd.s32 $0xFFFFD800  }
0x1c: {  	s18 =	simm.s32 $0x0;
	[bflag:$0x0] =	sbarrier.arrive $0xFFFF  }
0x1d: {  	[tilespmem:s15], [sflag:$0x1] =	stream.indirect.gather [hbm4b:s4+s14], $0x80, s18, s14, $0xb8;
	[tilespmem:$0x1E800] =	vst v63  }
0x1e: {  	_ =	swait.ge [sflag:s16], $0x2800  }
0x1f: {  	[sflag:s16] =	ssyncset.done $0x0  }
0x20: {  	s31 =	simm.s32 $0x4000;
	[sflag:s16] =	ssyncadd.s32 $0xFFFFD800  }
0x21: {  	[spmem:s1] =	stream.indirect.scatter.add.f32 [tilespmem:s15], [sflag:$0x2], $0x80, s31, s14, $0xb8;
	[tilespmem:$0x1E800] =	vst v63  }
0x22: {  	_ =	swait.ge [sflag:s10], $0x2800  }
0x23: {  	s19 =	simm.s32 $0x400;
	s18 =	simm.s32 $0x200;
	[sflag:s10] =	ssyncset.done $0x0  }
.LBB2_2:
0x24: {  	s20 =	sshra.s32 s18, $0x2  }
0x25: {  	[sflag:s10] =	ssyncadd.s32 $0xFFFFD800;
	s18 =	smov.u32 s19;
	s21 =	sadd.s32 $0x200, s19  }
0x26: {  	[tilespmem:s15], [sflag:$0x1] =	stream.indirect.gather [hbm4b:s4+s14], $0x80, s20, s14, $0xb8;
	[tilespmem:$0x1E800] =	vst v63  }
0x27: {  	p0 =	sne.s32 s19, $0xF800;
	_ =	swait.ge [sflag:s16], $0x2800  }
.Ltmp0:
0x28: {  	[sflag:s16] =	ssyncset.done $0x0;
	(pc) =	sbr.rel @p0 .LBB2_2-.Ltmp0, $4  }
0x29: {  	s19 =	sadd.s32 $0x4000, s20;
	[sflag:s16] =	ssyncadd.s32 $0xFFFFD800  }
0x2a: {  	[spmem:s1] =	stream.indirect.scatter.add.f32 [tilespmem:s15], [sflag:$0x2], $0x80, s19, s14, $0xb8;
	[tilespmem:$0x1E800] =	vst v63  }
0x2b: {  	_ =	swait.ge [sflag:s10], $0x2800  }
0x2c: {  	s19 =	smov.u32 s21;
	[sflag:s10] =	ssyncset.done $0x0  }
0x2d: {  	s18 =	sshra.s32 s18, $0x2;
	[sflag:s10] =	ssyncadd.s32 $0xFFFFD800  }
0x2e: {  	[tilespmem:s15], [sflag:$0x1] =	stream.indirect.gather [hbm4b:s4+s14], $0x80, s18, s14, $0xb8;
	[tilespmem:$0x1E800] =	vst v63  }
0x2f: {  	_ =	swait.ge [sflag:s16], $0x2800  }
0x30: {  	[sflag:s16] =	ssyncset.done $0x0  }
0x31: {  	s18 =	sadd.s32 $0x4000, s18;
	[sflag:s16] =	ssyncadd.s32 $0xFFFFD800  }
0x32: {  	[spmem:s1] =	stream.indirect.scatter.add.f32 [tilespmem:s15], [sflag:$0x2], $0x80, s18, s14, $0xb8;
	[tilespmem:$0x1E800] =	vst v63  }
0x33: {  	_ =	swait.ge [sflag:s10], $0x2800  }
0x34: {  	s17 =	sadd.s32 $0x1, s17;
	[sflag:s10] =	ssyncset.done $0x0  }
0x35: {  	p0 =	sne.s32 s17, s9;
	[sflag:s10] =	ssyncadd.s32 $0xFFFFD800  }
.Ltmp1:
0x36: {  	[bflag:$0x0] =	sbarrier.arrive $0xFFFF;
	(pc) =	sbr.rel @p0 .LBB2_1-.Ltmp1, $4  }
0x37: {  	[hbm:s8], [sflag:s12] =	dma.local [spmem:s13], $0x2800  }
0x38: {  	_ =	swait.ge [sflag:s10], $0x2800  }
0x39: {  	[sflag:s10] =	ssyncset.done $0x0  }
0x3a: {  	[sflag:s10] =	ssyncadd.s32 $0xFFFFD800  }
0x3b: {  	_ =	sfence.sel $0x180000  }
0x3c: {  	[bflag:$0x0] =	sbarrier.arrive $0xFFFF  }
0x3d: {  	p0 =	sne.s32 s2, $0x0;
	_ =	strace $0x9000004A  }
0x3e: {  	s0 =	sadd.s32 @!p0 $0x100000, s0;
	[bflag:$0x2] =	sbarrier.arrive $0xFFFF  }
0x3f: {  	[sflag:s0] =	ssyncadd.tile.s32 @!p0 $0x1;
	_ =	shalt  }
.Lfunc_end2:
_tile_overlayer_lowered:
.L_overlay_start_2:
0x40: {  	(tag) =	ssettag $0x2  }
0x41: {  	s0 =	rddreg [dreg:$0x0];
	s2 =	stileid.u32  }
0x42: {  	s1 =	rddreg [dreg:$0x1];
	p0 =	sne.s32 s2, $0x0  }
0x43: {  	s3 =	rddreg [dreg:$0x2];
	[bflag:$0x3] =	sbarrier.arrive $0xFFFF;
	s2 =	simm.s32 @!p0 $0x1C02  }
0x44: {  	[timem:s3], [sflag:s2] =	dma.local @!p0 [hbm:s0], s1  }
0x45: {  	s0 =	simm.s32 @!p0 $0x2  }
0x46: {  	_ =	swait.ge @!p0 [sflag:s0], s1  }
0x47: {  	s1 =	ssub.s32 @!p0 $0x0, s1;
	[sflag:s0] =	ssyncset.done @!p0 $0x0  }
0x48: {  	[sflag:s0] =	ssyncadd.s32 @!p0 s1  }
0x49: {  	[bflag:$0x3] =	sbarrier.arrive $0xFFFF  }
0x4a: {  	_ =	shalt  }

// kernel: kernel.33.cloned.1.call-start
scs
__scs_entry_jumppad:
0x0: {  	(pc) =	sbr.rel $0x88, $3  }
0x1: {  	(tag) =	ssettag $0x0;
	lr =	simm.s32 $0x1  }
0x2: {  	[smem:$0x3F85] =	sst lr;
	_ =	strace $0xD0000000  }
0x3: {  	_ = 	snop  }
0x4: {  	_ = 	snop  }
0x5: {  	_ = 	snop  }
0x6: {  	_ = 	snop  }
0x7: {  	_ = 	snop  }
__scs_overlays_trampoline_lowered:
0x8: {  	[smem:$0x3F94] =	sst s0  }
0x9: {  	[smem:$0x3F95] =	sst s1  }
0xa: {  	[smem:$0x3F96] =	sst s2  }
0xb: {  	[smem:$0x3F97] =	sst s3  }
0xc: {  	[smem:$0x3F98] =	sst s4  }
0xd: {  	[smem:$0x3F99] =	sst s5  }
0xe: {  	[smem:$0x3F9A] =	sst s6  }
0xf: {  	[smem:$0x3F9B] =	sst s7  }
0x10: {  	[smem:$0x3F9C] =	sst s8  }
0x11: {  	[smem:$0x3F9D] =	sst s9;
	s0 =	simm.s32 @!p0 $0x0  }
0x12: {  	s1 =	sld [smem:$0x3F83];
	s0 =	simm.s32 @p0 $0x1  }
0x13: {  	[smem:$0x3F9E] =	sst s0;
	s0 =	simm.s32 @!p1 $0x0  }
0x14: {  	s2 =	sld [smem:$0x3F82];
	s0 =	simm.s32 @p1 $0x1  }
0x15: {  	[smem:$0x3F9F] =	sst s0;
	s0 =	simm.s32 @!p2 $0x0  }
0x16: {  	s3 =	sld [smem:$0x3FDB];
	s0 =	simm.s32 @p2 $0x1  }
0x17: {  	s4 =	simm.s32 $0x1BF5;
	[smem:$0x3FA1] =	sst s0  }
0x18: {  	s0 =	sld [smem:$0x3F84];
	_ =	swait.ge [sflag:s4], $0x0  }
0x19: {  	s7 =	sld [smem:$0x3F85]  }
0x1a: {  	s8 =	sadd.s32 $0xFFFFE003, lr  }
0x1b: {  	s9 =	sadd.s32 $0xFFFFFEF7, lr;
	s5 =	simm.s32 $0xFFFFFFFF;
	p2 =	slt.u32 s8, $0xFFFFF086  }
0x1c: {  	p1 =	slt.u32 s9, $0xF7A;
	s5 =	simm.s32 @!p2 $0x0  }
0x1d: {  	s5 =	simm.s32 @p1 $0x1;
	p0 =	seq.s32 s7, s2  }
0x1e: {  	s7 =	smul.u32 @!p0 $0xF7A, s2;
	p2 =	seq.s32 @!p0 s5, $0x0  }
0x1f: {  	s9 =	smul.u32 $0xF7A, s1;
	s8 =	simm.s32 @!p0 $0x1BF5;
	p2 =	por !p2, p0  }
0x20: {  	[sflag:s8] =	ssyncset.s32 @!p0 $0xFFFFF086;
	s6 =	sadd.s32 @!p0 s3, s7;
	s7 =	simm.s32 @!p0 $0x108  }
0x21: {  	s3 =	sadd.s32 s3, s9;
	s6 =	sadd.s32 @!p0 $0x88, s6;
	s7 =	simm.s32 @p2 $0x1082  }
0x22: {  	[simem:s7], [sflag:s8] =	dma.local @!p0 [hbm:s6], $0xF7A  }
0x23: {  	s9 =	sor.u32 $0xD0000000, s2;
	s6 =	simm.s32 $0x108;
	_ =	swait.ge @!p0 [sflag:s8], $0x0  }
0x24: {  	s3 =	sadd.s32 $0x88, s3;
	s6 =	simm.s32 @!p1 $0x1082;
	[sflag:s4] =	ssyncset.s32 $0xFFFFF086  }
0x25: {  	[simem:s6], [sflag:s4] =	dma.local [hbm:s3], $0xF7A  }
0x26: {  	[smem:$0x3F85] =	sst s1;
	(tag) =	ssettag s2;
	_ =	strace s9  }
0x27: {  	s1 =	sld [smem:$0x3F95]  }
0x28: {  	s2 =	sld [smem:$0x3F96]  }
0x29: {  	s4 =	sld [smem:$0x3F98]  }
0x2a: {  	p0 =	seq.s32 s5, $0x0;
	s5 =	sld [smem:$0x3F99]  }
0x2b: {  	s6 =	sld [smem:$0x3F9A]  }
0x2c: {  	s7 =	sld [smem:$0x3F9B]  }
0x2d: {  	s3 =	simm.s32 $0x108;
	s8 =	sld [smem:$0x3F9C]  }
0x2e: {  	s3 =	simm.s32 @!p0 $0x1082;
	s9 =	sld [smem:$0x3F9D]  }
0x2f: {  	lr =	sadd.s32 s0, s3;
	s0 =	sld [smem:$0x3F94]  }
0x30: {  	s3 =	sld [smem:$0x3F97]  }
0x31: {  	[smem:$0x3FA0] =	sst s10  }
0x32: {  	s10 =	sld [smem:$0x3F9E];
	_ =	sdelay $0x3  }
0x33: {  	p0 =	seq.s32 s10, $0x1;
	s10 =	sld [smem:$0x3FA0];
	_ =	sdelay $0x3  }
0x34: {  	[smem:$0x3FA0] =	sst s10  }
0x35: {  	s10 =	sld [smem:$0x3F9F];
	_ =	sdelay $0x3  }
0x36: {  	p1 =	seq.s32 s10, $0x1;
	s10 =	sld [smem:$0x3FA0];
	_ =	sdelay $0x3  }
0x37: {  	[smem:$0x3FA0] =	sst s10  }
0x38: {  	s10 =	sld [smem:$0x3FA1]  }
0x39: {  	_ = 	snop;
	(pc) =	sbr.ind lr, $3  }
0x3a: {  	_ = 	snop  }
0x3b: {  	_ = 	snop  }
0x3c: {  	p2 =	seq.s32 s10, $0x1;
	s10 =	sld [smem:$0x3FA0]  }
0x3d: {  	_ =	shalt  }
0x3e: {  	_ =	shalt  }
0x3f: {  	_ =	shalt  }
0x40: {  	_ =	shalt  }
0x41: {  	_ =	shalt  }
0x42: {  	_ =	shalt  }
0x43: {  	_ =	shalt  }
0x44: {  	_ =	shalt  }
0x45: {  	_ =	shalt  }
0x46: {  	_ =	shalt  }
0x47: {  	_ =	shalt  }
0x48: {  	_ =	shalt  }
0x49: {  	_ =	shalt  }
0x4a: {  	_ =	shalt  }
0x4b: {  	_ =	shalt  }
0x4c: {  	_ =	shalt  }
0x4d: {  	_ =	shalt  }
0x4e: {  	_ =	shalt  }
0x4f: {  	_ =	shalt  }
0x50: {  	_ =	shalt  }
0x51: {  	_ =	shalt  }
0x52: {  	_ =	shalt  }
0x53: {  	_ =	shalt  }
0x54: {  	_ =	shalt  }
0x55: {  	_ =	shalt  }
0x56: {  	_ =	shalt  }
0x57: {  	_ =	shalt  }
0x58: {  	_ =	shalt  }
0x59: {  	_ =	shalt  }
0x5a: {  	_ =	shalt  }
0x5b: {  	_ =	shalt  }
0x5c: {  	_ =	shalt  }
0x5d: {  	_ =	shalt  }
0x5e: {  	_ =	shalt  }
0x5f: {  	_ =	shalt  }
0x60: {  	_ =	shalt  }
0x61: {  	_ =	shalt  }
0x62: {  	_ =	shalt  }
0x63: {  	_ =	shalt  }
0x64: {  	_ =	shalt  }
0x65: {  	_ =	shalt  }
0x66: {  	_ =	shalt  }
0x67: {  	_ =	shalt  }
0x68: {  	_ =	shalt  }
0x69: {  	_ =	shalt  }
0x6a: {  	_ =	shalt  }
0x6b: {  	_ =	shalt  }
0x6c: {  	_ =	shalt  }
0x6d: {  	_ =	shalt  }
0x6e: {  	_ =	shalt  }
0x6f: {  	_ =	shalt  }
0x70: {  	_ =	shalt  }
0x71: {  	_ =	shalt  }
0x72: {  	_ =	shalt  }
0x73: {  	_ =	shalt  }
0x74: {  	_ =	shalt  }
0x75: {  	_ =	shalt  }
0x76: {  	_ =	shalt  }
0x77: {  	_ =	shalt  }
0x78: {  	_ =	shalt  }
0x79: {  	_ =	shalt  }
0x7a: {  	_ =	shalt  }
0x7b: {  	_ =	shalt  }
0x7c: {  	_ =	shalt  }
0x7d: {  	_ =	shalt  }
0x7e: {  	_ =	shalt  }
0x7f: {  	_ =	shalt  }
0x80: {  	_ =	shalt  }
0x81: {  	_ =	shalt  }
0x82: {  	_ =	shalt  }
0x83: {  	_ =	shalt  }
0x84: {  	_ =	shalt  }
0x85: {  	_ =	shalt  }
0x86: {  	_ =	shalt  }
0x87: {  	_ =	shalt  }
.Lfunc_end0:
.L_simem_size_0:
called_computation.2_lowered:
.L_overlay_start_0:
0x88: {  	s2 =	sld [smem:$0x3FD9]  }
0x89: {  	s3 =	sld [smem:$0x3FFE];
	_ =	sdelay $0x1  }
0x8a: {  	s1 =	srdreg.scid  }
0x8b: {  	s0 =	sand.u32 $0x1, s1  }
0x8c: {  	s16 =	sshll.u32 s0, $0xA;
	s2 =	sadd.s32 s3, s2  }
0x8d: {  	s2 =	sadd.s32 s2, s16  }
0x8e: {  	[smem:$0x3FAC] =	sst s2  }
0x8f: {  	_ = 	snop  }
0x90: {  	(tm) =	ssettm $0x1  }
0x91: {  	s17 =	sld [smem:$0x3FFB];
	_ =	sdelay $0x3  }
0x92: {  	_ =	strace s17  }
0x93: {  	s2 =	sld [smem:$0x3FFC];
	_ =	sdelay $0x3  }
0x94: {  	_ =	strace s2  }
0x95: {  	s2 =	sld [smem:$0x3FFD];
	_ =	sdelay $0x3  }
0x96: {  	_ =	strace s2  }
0x97: {  	_ =	strace $0x8FFFFFFF  }
0x98: {  	s18 =	sld [smem:$0x3FDB];
	_ =	sdelay $0x1  }
0x99: {  	s19 =	simm.s32 $_scs_section_size  }
0x9a: {  	s4 =	simm.s32 $_size__tile_overlayer_lowered;
	s5 =	simm.s32 $_tile_overlayer_lowered  }
0x9b: {  	s22 =	simm.s32 $0x1BFF;
	s21 =	sshll.u32 s5, $0x1;
	s2 =	sadd.s32 s19, s18  }
0x9c: {  	s6 =	simm.s32 $0x0;
	s20 =	sshll.u32 s4, $0x1;
	s4 =	sadd.s32 s21, s2  }
0x9d: {  	[timem:s6], [sflag:s22] =	dma.local [hbm:s4], s20  }
0x9e: {  	_ =	swait.ge [sflag:s22], s20  }
0x9f: {  	s3 =	ssub.s32 $0x0, s20;
	[sflag:s22] =	ssyncset.done $0x0  }
0xa0: {  	[sflag:s22] =	ssyncadd.s32 s3;
	_ =	sdelay $0x1  }
0xa1: {  	s23 =	simm.s32 $0x1B8B  }
0xa2: {  	_ =	swait.ge [sflag:s23], $0x1  }
0xa3: {  	[sflag:s23] =	ssyncset.done $0x0  }
0xa4: {  	s25 =	simm.s32 $0x1B8E;
	s24 =	sld [smem:$0x3FFE];
	[sflag:s23] =	ssyncadd.s32 $0xFFFFFFFF  }
0xa5: {  	s26 =	simm.s32 $execute0_lowered;
	[smem:$0x3FD2] =	sst s25  }
0xa6: {  	s4 =	sshll.u32 s26, $0x1;
	_ =	strace $0x8000004C;
	[dreg:$0x1] =	wrdreg $0xFFFFFFFF  }
0xa7: {  	s28 =	simm.s32 $_size_execute0_lowered;
	s2 =	sadd.s32 s2, s4;
	[dreg:$0x0] =	wrdreg $0x0  }
0xa8: {  	s4 =	sshll.u32 s28, $0x1;
	[dreg:$0x2] =	wrdreg s2  }
0xa9: {  	[dreg:$0x3] =	wrdreg s4  }
0xaa: {  	[dreg:$0x4] =	wrdreg $0xC0  }
0xab: {  	_ =	task [dreg:s6], $0x5FFFF  }
0xac: {  	[dreg:$0x1] =	wrdreg $0xFFFFFFFF  }
0xad: {  	[dreg:$0x0] =	wrdreg $0x60  }
0xae: {  	[dreg:$0x2] =	wrdreg s24  }
0xaf: {  	[dreg:$0x3] =	wrdreg $0xA8000  }
0xb0: {  	[dreg:$0x4] =	wrdreg $0x9  }
0xb1: {  	_ =	task.clear_ibuf [dreg:s6], $0x5FFFF;
	_ =	strace $0x9000004C  }
0xb2: {  	s29 =	simm.s32 $0x9;
	_ =	strace $0x8000004E  }
0xb3: {  	_ =	swait.ge [sflag:s29], $0x1  }
0xb4: {  	[sflag:s29] =	ssyncadd.s32 $0xFFFFFFFF  }
0xb5: {  	_ =	strace $0x9000004E  }
0xb6: {  	_ =	sfence  }
0xb7: {  	s30 =	sld [smem:$0x0];
	_ =	sdelay $0x2  }
0xb8: {  	s31 =	sshll.u32 s1, $0xD;
	s1 =	sshrl.u32 s1, $0x2  }
0xb9: {  	s3 =	sand.u32 $0x4000, s31;
	s1 =	sadd.s32 s1, s30  }
0xba: {  	s0 =	sor.u32 s3, s0;
	s1 =	sshll.u32 s1, $0x11  }
0xbb: {  	s0 =	sor.u32 s1, s0  }
0xbc: {  	s0 =	sadd.s32 $0x8F2B, s0  }
0xbd: {  	[sflag:s0] =	ssyncadd.remote.s32 $0x1  }
0xbe: {  	_ =	sfence.sel $0xFFFF  }
0xbf: {  	[dreg:$0x0] =	wrdreg $0xFFFFFFFF;
	(pc) =	sbr.abs _section_cstart, $3  }
0xc0: {  	[dreg:$0x1] =	wrdreg $0xFFFFFFFF  }
0xc1: {  	_ =	task.clear_ibuf [dreg:s6], $0x2FFFF;
	_ =	strace $0x9FFFFFFF  }
0xc2: {  	(tm) =	ssettm $0x7FFFFFFF  }
0xc3: {  	_ =	shalt  }
tec
execute0_lowered:
.L_overlay_start_1:
0x0: {  	(tag) =	ssettag $0x1  }
0x1: {  	s5 =	rddreg [dreg:$0x0]  }
0x2: {  	s1 =	rddreg [dreg:$0x1]  }
0x3: {  	s0 =	rddreg [dreg:$0x2];
	s3 =	simm.s32 $0x0;
	s4 =	srdreg.scid  }
0x4: {  	s2 =	stileid.u32;
	s14 =	simm.s32 $0x50;
	s15 =	simm.s32 $0x8000  }
0x5: {  	s16 =	simm.s32 $0x1;
	s17 =	simm.s32 $0x0;
	[smem:$0x7FF] =	sst s3  }
0x6: {  	s6 =	sand.u32 $0x1, s4;
	s7 =	sshll.u32 s2, $0xB;
	s8 =	smul.u32 $0x14000, s2  }
0x7: {  	s31 =	smul.u32 $0x50000, s2;
	s12 =	sshll.u32 s2, $0x6;
	s4 =	sshll.u32 s6, $0xF  }
0x8: {  	_ =	strace $0x8000004D;
	s9 =	smul.u32 $0x140000, s6;
	s6 =	ssub.s32 $0x2, s6  }
0x9: {  	s12 =	sor.u32 $0x1C02, s12;
	s7 =	sor.u32 s7, s4;
	s4 =	sadd.s32 $0x17000, s5  }
0xa: {  	s10 =	sshrl.u32 s8, $0x3;
	s11 =	sshrl.u32 s6, $0x1;
	s7 =	sadd.s32 s7, s5  }
0xb: {  	s8 =	sadd.s32 s8, s9;
	s10 =	sadd.s32 s10, s5;
	s11 =	ssub.s32 s6, s11  }
0xc: {  	s9 =	sshrl.u32 s31, $0x2;
	s8 =	sshrl.u32 s8, $0x3;
	s6 =	sadd.s32 $0x7000, s7  }
0xd: {  	s13 =	sadd.s32 s9, s1;
	s9 =	smax.u32 s11, $0x1;
	s11 =	simm.s32 $0x4000  }
0xe: {  	s8 =	sadd.s32 s8, s5;
	s5 =	sadd.s32 $0x8F000, s7;
	s7 =	sadd.s32 $0x3E200, s10  }
0xf: {  	s10 =	simm.s32 $0x2;
	s13 =	sshrl.u32 s13, $0x3;
	s8 =	sadd.s32 $0x9F000, s8  }
.LBB2_1:
0x10: {  	[tilespmem:s3], [sflag:$0x2] =	stream.linear.gather [hbm4b:s5+s3], $0x3E80, $0x38;
	[tilespmem:$0x1E800] =	vst v63  }
0x11: {  	_ =	swait.ge [sflag:s10], $0x3E80  }
0x12: {  	[sflag:s10] =	ssyncset.done $0x0  }
0x13: {  	[sflag:s10] =	ssyncadd.s32 $0xFFFFC180  }
0x14: {  	[tilespmem:s11], [sflag:$0x2] =	stream.linear.gather [hbm4b:s6+s3], $0x3E80, $0x38;
	[tilespmem:$0x1E800] =	vst v63  }
0x15: {  	_ =	swait.ge [sflag:s10], $0x3E80  }
0x16: {  	[sflag:s10] =	ssyncset.done $0x0  }
0x17: {  	[sflag:s10] =	ssyncadd.s32 $0xFFFFC180  }
0x18: {  	[spmem:s13], [sflag:s12] =	dma.local [hbm:s7], $0x2800  }
0x19: {  	_ =	swait.ge [sflag:s10], $0x2800  }
0x1a: {  	[sflag:s10] =	ssyncset.done $0x0  }
0x1b: {  	[sflag:s10] =	ssyncadd.s32 $0xFFFFD800  }
0x1c: {  	s18 =	simm.s32 $0x0;
	[bflag:$0x0] =	sbarrier.arrive $0xFFFF  }
0x1d: {  	[tilespmem:s15], [sflag:$0x1] =	stream.indirect.gather [hbm4b:s4+s14], $0x80, s18, s14, $0xb8;
	[tilespmem:$0x1E800] =	vst v63  }
0x1e: {  	_ =	swait.ge [sflag:s16], $0x2800  }
0x1f: {  	[sflag:s16] =	ssyncset.done $0x0  }
0x20: {  	s31 =	simm.s32 $0x4000;
	[sflag:s16] =	ssyncadd.s32 $0xFFFFD800  }
0x21: {  	[spmem:s1] =	stream.indirect.scatter.add.f32 [tilespmem:s15], [sflag:$0x2], $0x80, s31, s14, $0xb8;
	[tilespmem:$0x1E800] =	vst v63  }
0x22: {  	_ =	swait.ge [sflag:s10], $0x2800  }
0x23: {  	s19 =	simm.s32 $0x400;
	s18 =	simm.s32 $0x200;
	[sflag:s10] =	ssyncset.done $0x0  }
.LBB2_2:
0x24: {  	s20 =	sshra.s32 s18, $0x2  }
0x25: {  	[sflag:s10] =	ssyncadd.s32 $0xFFFFD800;
	s18 =	smov.u32 s19;
	s21 =	sadd.s32 $0x200, s19  }
0x26: {  	[tilespmem:s15], [sflag:$0x1] =	stream.indirect.gather [hbm4b:s4+s14], $0x80, s20, s14, $0xb8;
	[tilespmem:$0x1E800] =	vst v63  }
0x27: {  	p0 =	sne.s32 s19, $0xF800;
	_ =	swait.ge [sflag:s16], $0x2800  }
.Ltmp0:
0x28: {  	[sflag:s16] =	ssyncset.done $0x0;
	(pc) =	sbr.rel @p0 .LBB2_2-.Ltmp0, $4  }
0x29: {  	s19 =	sadd.s32 $0x4000, s20;
	[sflag:s16] =	ssyncadd.s32 $0xFFFFD800  }
0x2a: {  	[spmem:s1] =	stream.indirect.scatter.add.f32 [tilespmem:s15], [sflag:$0x2], $0x80, s19, s14, $0xb8;
	[tilespmem:$0x1E800] =	vst v63  }
0x2b: {  	_ =	swait.ge [sflag:s10], $0x2800  }
0x2c: {  	s19 =	smov.u32 s21;
	[sflag:s10] =	ssyncset.done $0x0  }
0x2d: {  	s18 =	sshra.s32 s18, $0x2;
	[sflag:s10] =	ssyncadd.s32 $0xFFFFD800  }
0x2e: {  	[tilespmem:s15], [sflag:$0x1] =	stream.indirect.gather [hbm4b:s4+s14], $0x80, s18, s14, $0xb8;
	[tilespmem:$0x1E800] =	vst v63  }
0x2f: {  	_ =	swait.ge [sflag:s16], $0x2800  }
0x30: {  	[sflag:s16] =	ssyncset.done $0x0  }
0x31: {  	s18 =	sadd.s32 $0x4000, s18;
	[sflag:s16] =	ssyncadd.s32 $0xFFFFD800  }
0x32: {  	[spmem:s1] =	stream.indirect.scatter.add.f32 [tilespmem:s15], [sflag:$0x2], $0x80, s18, s14, $0xb8;
	[tilespmem:$0x1E800] =	vst v63  }
0x33: {  	_ =	swait.ge [sflag:s10], $0x2800  }
0x34: {  	s17 =	sadd.s32 $0x1, s17;
	[sflag:s10] =	ssyncset.done $0x0  }
0x35: {  	p0 =	sne.s32 s17, s9;
	[sflag:s10] =	ssyncadd.s32 $0xFFFFD800  }
.Ltmp1:
0x36: {  	[bflag:$0x0] =	sbarrier.arrive $0xFFFF;
	(pc) =	sbr.rel @p0 .LBB2_1-.Ltmp1, $4  }
0x37: {  	[hbm:s8], [sflag:s12] =	dma.local [spmem:s13], $0x2800  }
0x38: {  	_ =	swait.ge [sflag:s10], $0x2800  }
0x39: {  	[sflag:s10] =	ssyncset.done $0x0  }
0x3a: {  	[sflag:s10] =	ssyncadd.s32 $0xFFFFD800  }
0x3b: {  	_ =	sfence.sel $0x180000  }
0x3c: {  	[bflag:$0x0] =	sbarrier.arrive $0xFFFF  }
0x3d: {  	p0 =	sne.s32 s2, $0x0;
	_ =	strace $0x9000004D  }
0x3e: {  	s0 =	sadd.s32 @!p0 $0x100000, s0;
	[bflag:$0x2] =	sbarrier.arrive $0xFFFF  }
0x3f: {  	[sflag:s0] =	ssyncadd.tile.s32 @!p0 $0x1;
	_ =	shalt  }
.Lfunc_end2:
_tile_overlayer_lowered:
.L_overlay_start_2:
0x40: {  	(tag) =	ssettag $0x2  }
0x41: {  	s0 =	rddreg [dreg:$0x0];
	s2 =	stileid.u32  }
0x42: {  	s1 =	rddreg [dreg:$0x1];
	p0 =	sne.s32 s2, $0x0  }
0x43: {  	s3 =	rddreg [dreg:$0x2];
	[bflag:$0x3] =	sbarrier.arrive $0xFFFF;
	s2 =	simm.s32 @!p0 $0x1C02  }
0x44: {  	[timem:s3], [sflag:s2] =	dma.local @!p0 [hbm:s0], s1  }
0x45: {  	s0 =	simm.s32 @!p0 $0x2  }
0x46: {  	_ =	swait.ge @!p0 [sflag:s0], s1  }
0x47: {  	s1 =	ssub.s32 @!p0 $0x0, s1;
	[sflag:s0] =	ssyncset.done @!p0 $0x0  }
0x48: {  	[sflag:s0] =	ssyncadd.s32 @!p0 s1  }
0x49: {  	[bflag:$0x3] =	sbarrier.arrive $0xFFFF  }
0x4a: {  	_ =	shalt  }

// kernel: kernel.36.cloned.1.call-start
scs
__scs_entry_jumppad:
0x0: {  	(pc) =	sbr.rel $0x88, $3  }
0x1: {  	(tag) =	ssettag $0x0;
	lr =	simm.s32 $0x1  }
0x2: {  	[smem:$0x3F85] =	sst lr;
	_ =	strace $0xD0000000  }
0x3: {  	_ = 	snop  }
0x4: {  	_ = 	snop  }
0x5: {  	_ = 	snop  }
0x6: {  	_ = 	snop  }
0x7: {  	_ = 	snop  }
__scs_overlays_trampoline_lowered:
0x8: {  	[smem:$0x3F94] =	sst s0  }
0x9: {  	[smem:$0x3F95] =	sst s1  }
0xa: {  	[smem:$0x3F96] =	sst s2  }
0xb: {  	[smem:$0x3F97] =	sst s3  }
0xc: {  	[smem:$0x3F98] =	sst s4  }
0xd: {  	[smem:$0x3F99] =	sst s5  }
0xe: {  	[smem:$0x3F9A] =	sst s6  }
0xf: {  	[smem:$0x3F9B] =	sst s7  }
0x10: {  	[smem:$0x3F9C] =	sst s8  }
0x11: {  	[smem:$0x3F9D] =	sst s9;
	s0 =	simm.s32 @!p0 $0x0  }
0x12: {  	s1 =	sld [smem:$0x3F83];
	s0 =	simm.s32 @p0 $0x1  }
0x13: {  	[smem:$0x3F9E] =	sst s0;
	s0 =	simm.s32 @!p1 $0x0  }
0x14: {  	s2 =	sld [smem:$0x3F82];
	s0 =	simm.s32 @p1 $0x1  }
0x15: {  	[smem:$0x3F9F] =	sst s0;
	s0 =	simm.s32 @!p2 $0x0  }
0x16: {  	s3 =	sld [smem:$0x3FDB];
	s0 =	simm.s32 @p2 $0x1  }
0x17: {  	s4 =	simm.s32 $0x1BF5;
	[smem:$0x3FA1] =	sst s0  }
0x18: {  	s0 =	sld [smem:$0x3F84];
	_ =	swait.ge [sflag:s4], $0x0  }
0x19: {  	s7 =	sld [smem:$0x3F85]  }
0x1a: {  	s8 =	sadd.s32 $0xFFFFE003, lr  }
0x1b: {  	s9 =	sadd.s32 $0xFFFFFEF7, lr;
	s5 =	simm.s32 $0xFFFFFFFF;
	p2 =	slt.u32 s8, $0xFFFFF086  }
0x1c: {  	p1 =	slt.u32 s9, $0xF7A;
	s5 =	simm.s32 @!p2 $0x0  }
0x1d: {  	s5 =	simm.s32 @p1 $0x1;
	p0 =	seq.s32 s7, s2  }
0x1e: {  	s7 =	smul.u32 @!p0 $0xF7A, s2;
	p2 =	seq.s32 @!p0 s5, $0x0  }
0x1f: {  	s9 =	smul.u32 $0xF7A, s1;
	s8 =	simm.s32 @!p0 $0x1BF5;
	p2 =	por !p2, p0  }
0x20: {  	[sflag:s8] =	ssyncset.s32 @!p0 $0xFFFFF086;
	s6 =	sadd.s32 @!p0 s3, s7;
	s7 =	simm.s32 @!p0 $0x108  }
0x21: {  	s3 =	sadd.s32 s3, s9;
	s6 =	sadd.s32 @!p0 $0x88, s6;
	s7 =	simm.s32 @p2 $0x1082  }
0x22: {  	[simem:s7], [sflag:s8] =	dma.local @!p0 [hbm:s6], $0xF7A  }
0x23: {  	s9 =	sor.u32 $0xD0000000, s2;
	s6 =	simm.s32 $0x108;
	_ =	swait.ge @!p0 [sflag:s8], $0x0  }
0x24: {  	s3 =	sadd.s32 $0x88, s3;
	s6 =	simm.s32 @!p1 $0x1082;
	[sflag:s4] =	ssyncset.s32 $0xFFFFF086  }
0x25: {  	[simem:s6], [sflag:s4] =	dma.local [hbm:s3], $0xF7A  }
0x26: {  	[smem:$0x3F85] =	sst s1;
	(tag) =	ssettag s2;
	_ =	strace s9  }
0x27: {  	s1 =	sld [smem:$0x3F95]  }
0x28: {  	s2 =	sld [smem:$0x3F96]  }
0x29: {  	s4 =	sld [smem:$0x3F98]  }
0x2a: {  	p0 =	seq.s32 s5, $0x0;
	s5 =	sld [smem:$0x3F99]  }
0x2b: {  	s6 =	sld [smem:$0x3F9A]  }
0x2c: {  	s7 =	sld [smem:$0x3F9B]  }
0x2d: {  	s3 =	simm.s32 $0x108;
	s8 =	sld [smem:$0x3F9C]  }
0x2e: {  	s3 =	simm.s32 @!p0 $0x1082;
	s9 =	sld [smem:$0x3F9D]  }
0x2f: {  	lr =	sadd.s32 s0, s3;
	s0 =	sld [smem:$0x3F94]  }
0x30: {  	s3 =	sld [smem:$0x3F97]  }
0x31: {  	[smem:$0x3FA0] =	sst s10  }
0x32: {  	s10 =	sld [smem:$0x3F9E];
	_ =	sdelay $0x3  }
0x33: {  	p0 =	seq.s32 s10, $0x1;
	s10 =	sld [smem:$0x3FA0];
	_ =	sdelay $0x3  }
0x34: {  	[smem:$0x3FA0] =	sst s10  }
0x35: {  	s10 =	sld [smem:$0x3F9F];
	_ =	sdelay $0x3  }
0x36: {  	p1 =	seq.s32 s10, $0x1;
	s10 =	sld [smem:$0x3FA0];
	_ =	sdelay $0x3  }
0x37: {  	[smem:$0x3FA0] =	sst s10  }
0x38: {  	s10 =	sld [smem:$0x3FA1]  }
0x39: {  	_ = 	snop;
	(pc) =	sbr.ind lr, $3  }
0x3a: {  	_ = 	snop  }
0x3b: {  	_ = 	snop  }
0x3c: {  	p2 =	seq.s32 s10, $0x1;
	s10 =	sld [smem:$0x3FA0]  }
0x3d: {  	_ =	shalt  }
0x3e: {  	_ =	shalt  }
0x3f: {  	_ =	shalt  }
0x40: {  	_ =	shalt  }
0x41: {  	_ =	shalt  }
0x42: {  	_ =	shalt  }
0x43: {  	_ =	shalt  }
0x44: {  	_ =	shalt  }
0x45: {  	_ =	shalt  }
0x46: {  	_ =	shalt  }
0x47: {  	_ =	shalt  }
0x48: {  	_ =	shalt  }
0x49: {  	_ =	shalt  }
0x4a: {  	_ =	shalt  }
0x4b: {  	_ =	shalt  }
0x4c: {  	_ =	shalt  }
0x4d: {  	_ =	shalt  }
0x4e: {  	_ =	shalt  }
0x4f: {  	_ =	shalt  }
0x50: {  	_ =	shalt  }
0x51: {  	_ =	shalt  }
0x52: {  	_ =	shalt  }
0x53: {  	_ =	shalt  }
0x54: {  	_ =	shalt  }
0x55: {  	_ =	shalt  }
0x56: {  	_ =	shalt  }
0x57: {  	_ =	shalt  }
0x58: {  	_ =	shalt  }
0x59: {  	_ =	shalt  }
0x5a: {  	_ =	shalt  }
0x5b: {  	_ =	shalt  }
0x5c: {  	_ =	shalt  }
0x5d: {  	_ =	shalt  }
0x5e: {  	_ =	shalt  }
0x5f: {  	_ =	shalt  }
0x60: {  	_ =	shalt  }
0x61: {  	_ =	shalt  }
0x62: {  	_ =	shalt  }
0x63: {  	_ =	shalt  }
0x64: {  	_ =	shalt  }
0x65: {  	_ =	shalt  }
0x66: {  	_ =	shalt  }
0x67: {  	_ =	shalt  }
0x68: {  	_ =	shalt  }
0x69: {  	_ =	shalt  }
0x6a: {  	_ =	shalt  }
0x6b: {  	_ =	shalt  }
0x6c: {  	_ =	shalt  }
0x6d: {  	_ =	shalt  }
0x6e: {  	_ =	shalt  }
0x6f: {  	_ =	shalt  }
0x70: {  	_ =	shalt  }
0x71: {  	_ =	shalt  }
0x72: {  	_ =	shalt  }
0x73: {  	_ =	shalt  }
0x74: {  	_ =	shalt  }
0x75: {  	_ =	shalt  }
0x76: {  	_ =	shalt  }
0x77: {  	_ =	shalt  }
0x78: {  	_ =	shalt  }
0x79: {  	_ =	shalt  }
0x7a: {  	_ =	shalt  }
0x7b: {  	_ =	shalt  }
0x7c: {  	_ =	shalt  }
0x7d: {  	_ =	shalt  }
0x7e: {  	_ =	shalt  }
0x7f: {  	_ =	shalt  }
0x80: {  	_ =	shalt  }
0x81: {  	_ =	shalt  }
0x82: {  	_ =	shalt  }
0x83: {  	_ =	shalt  }
0x84: {  	_ =	shalt  }
0x85: {  	_ =	shalt  }
0x86: {  	_ =	shalt  }
0x87: {  	_ =	shalt  }
.Lfunc_end0:
.L_simem_size_0:
called_computation.3_lowered:
.L_overlay_start_0:
0x88: {  	s2 =	sld [smem:$0x3FD9]  }
0x89: {  	s3 =	sld [smem:$0x3FFE];
	_ =	sdelay $0x1  }
0x8a: {  	s1 =	srdreg.scid  }
0x8b: {  	s0 =	sand.u32 $0x1, s1  }
0x8c: {  	s16 =	sshll.u32 s0, $0xA;
	s2 =	sadd.s32 s3, s2  }
0x8d: {  	s2 =	sadd.s32 s2, s16  }
0x8e: {  	[smem:$0x3FAC] =	sst s2  }
0x8f: {  	_ = 	snop  }
0x90: {  	(tm) =	ssettm $0x1  }
0x91: {  	s17 =	sld [smem:$0x3FFB];
	_ =	sdelay $0x3  }
0x92: {  	_ =	strace s17  }
0x93: {  	s2 =	sld [smem:$0x3FFC];
	_ =	sdelay $0x3  }
0x94: {  	_ =	strace s2  }
0x95: {  	s2 =	sld [smem:$0x3FFD];
	_ =	sdelay $0x3  }
0x96: {  	_ =	strace s2  }
0x97: {  	_ =	strace $0x8FFFFFFF  }
0x98: {  	s18 =	sld [smem:$0x3FDB];
	_ =	sdelay $0x1  }
0x99: {  	s19 =	simm.s32 $_scs_section_size  }
0x9a: {  	s4 =	simm.s32 $_size__tile_overlayer_lowered;
	s5 =	simm.s32 $_tile_overlayer_lowered  }
0x9b: {  	s22 =	simm.s32 $0x1BFF;
	s21 =	sshll.u32 s5, $0x1;
	s2 =	sadd.s32 s19, s18  }
0x9c: {  	s6 =	simm.s32 $0x0;
	s20 =	sshll.u32 s4, $0x1;
	s4 =	sadd.s32 s21, s2  }
0x9d: {  	[timem:s6], [sflag:s22] =	dma.local [hbm:s4], s20  }
0x9e: {  	_ =	swait.ge [sflag:s22], s20  }
0x9f: {  	s3 =	ssub.s32 $0x0, s20;
	[sflag:s22] =	ssyncset.done $0x0  }
0xa0: {  	[sflag:s22] =	ssyncadd.s32 s3;
	_ =	sdelay $0x1  }
0xa1: {  	s23 =	simm.s32 $0x1B8B  }
0xa2: {  	_ =	swait.ge [sflag:s23], $0x1  }
0xa3: {  	[sflag:s23] =	ssyncset.done $0x0  }
0xa4: {  	s25 =	simm.s32 $0x1B8E;
	s24 =	sld [smem:$0x3FFE];
	[sflag:s23] =	ssyncadd.s32 $0xFFFFFFFF  }
0xa5: {  	s26 =	simm.s32 $execute0_lowered;
	[smem:$0x3FD2] =	sst s25  }
0xa6: {  	s4 =	sshll.u32 s26, $0x1;
	_ =	strace $0x8000004F;
	[dreg:$0x1] =	wrdreg $0xFFFFFFFF  }
0xa7: {  	s28 =	simm.s32 $_size_execute0_lowered;
	s2 =	sadd.s32 s2, s4;
	[dreg:$0x0] =	wrdreg $0x0  }
0xa8: {  	s4 =	sshll.u32 s28, $0x1;
	[dreg:$0x2] =	wrdreg s2  }
0xa9: {  	[dreg:$0x3] =	wrdreg s4  }
0xaa: {  	[dreg:$0x4] =	wrdreg $0xC0  }
0xab: {  	_ =	task [dreg:s6], $0x5FFFF  }
0xac: {  	[dreg:$0x1] =	wrdreg $0xFFFFFFFF  }
0xad: {  	[dreg:$0x0] =	wrdreg $0x60  }
0xae: {  	[dreg:$0x2] =	wrdreg s24  }
0xaf: {  	[dreg:$0x3] =	wrdreg $0xA8000  }
0xb0: {  	[dreg:$0x4] =	wrdreg $0x9  }
0xb1: {  	_ =	task.clear_ibuf [dreg:s6], $0x5FFFF;
	_ =	strace $0x9000004F  }
0xb2: {  	s29 =	simm.s32 $0x9;
	_ =	strace $0x80000051  }
0xb3: {  	_ =	swait.ge [sflag:s29], $0x1  }
0xb4: {  	[sflag:s29] =	ssyncadd.s32 $0xFFFFFFFF  }
0xb5: {  	_ =	strace $0x90000051  }
0xb6: {  	_ =	sfence  }
0xb7: {  	s30 =	sld [smem:$0x0];
	_ =	sdelay $0x2  }
0xb8: {  	s31 =	sshll.u32 s1, $0xD;
	s1 =	sshrl.u32 s1, $0x2  }
0xb9: {  	s3 =	sand.u32 $0x4000, s31;
	s1 =	sadd.s32 s1, s30  }
0xba: {  	s0 =	sor.u32 s3, s0;
	s1 =	sshll.u32 s1, $0x11  }
0xbb: {  	s0 =	sor.u32 s1, s0  }
0xbc: {  	s0 =	sadd.s32 $0x8F2B, s0  }
0xbd: {  	[sflag:s0] =	ssyncadd.remote.s32 $0x1  }
0xbe: {  	_ =	sfence.sel $0xFFFF  }
0xbf: {  	[dreg:$0x0] =	wrdreg $0xFFFFFFFF;
	(pc) =	sbr.abs _section_cstart, $3  }
0xc0: {  	[dreg:$0x1] =	wrdreg $0xFFFFFFFF  }
0xc1: {  	_ =	task.clear_ibuf [dreg:s6], $0x2FFFF;
	_ =	strace $0x9FFFFFFF  }
0xc2: {  	(tm) =	ssettm $0x7FFFFFFF  }
0xc3: {  	_ =	shalt  }
tec
execute0_lowered:
.L_overlay_start_1:
0x0: {  	(tag) =	ssettag $0x1  }
0x1: {  	s5 =	rddreg [dreg:$0x0]  }
0x2: {  	s1 =	rddreg [dreg:$0x1]  }
0x3: {  	s0 =	rddreg [dreg:$0x2];
	s3 =	simm.s32 $0x0;
	s4 =	srdreg.scid  }
0x4: {  	s2 =	stileid.u32;
	s14 =	simm.s32 $0x50;
	s15 =	simm.s32 $0x8000  }
0x5: {  	s16 =	simm.s32 $0x1;
	s17 =	simm.s32 $0x0;
	[smem:$0x7FF] =	sst s3  }
0x6: {  	s6 =	sand.u32 $0x1, s4;
	s7 =	sshll.u32 s2, $0xB;
	s8 =	smul.u32 $0x14000, s2  }
0x7: {  	s31 =	smul.u32 $0x50000, s2;
	s12 =	sshll.u32 s2, $0x6;
	s4 =	sshll.u32 s6, $0xF  }
0x8: {  	_ =	strace $0x80000050;
	s9 =	smul.u32 $0x140000, s6;
	s6 =	ssub.s32 $0x2, s6  }
0x9: {  	s12 =	sor.u32 $0x1C02, s12;
	s7 =	sor.u32 s7, s4;
	s4 =	sadd.s32 $0x17000, s5  }
0xa: {  	s10 =	sshrl.u32 s8, $0x3;
	s11 =	sshrl.u32 s6, $0x1;
	s7 =	sadd.s32 s7, s5  }
0xb: {  	s8 =	sadd.s32 s8, s9;
	s10 =	sadd.s32 s10, s5;
	s11 =	ssub.s32 s6, s11  }
0xc: {  	s9 =	sshrl.u32 s31, $0x2;
	s8 =	sshrl.u32 s8, $0x3;
	s6 =	sadd.s32 $0x7000, s7  }
0xd: {  	s13 =	sadd.s32 s9, s1;
	s9 =	smax.u32 s11, $0x1;
	s11 =	simm.s32 $0x4000  }
0xe: {  	s8 =	sadd.s32 s8, s5;
	s5 =	sadd.s32 $0x8F000, s7;
	s7 =	sadd.s32 $0x3E200, s10  }
0xf: {  	s10 =	simm.s32 $0x2;
	s13 =	sshrl.u32 s13, $0x3;
	s8 =	sadd.s32 $0x9F000, s8  }
.LBB2_1:
0x10: {  	[tilespmem:s3], [sflag:$0x2] =	stream.linear.gather [hbm4b:s5+s3], $0x3E80, $0x38;
	[tilespmem:$0x1E800] =	vst v63  }
0x11: {  	_ =	swait.ge [sflag:s10], $0x3E80  }
0x12: {  	[sflag:s10] =	ssyncset.done $0x0  }
0x13: {  	[sflag:s10] =	ssyncadd.s32 $0xFFFFC180  }
0x14: {  	[tilespmem:s11], [sflag:$0x2] =	stream.linear.gather [hbm4b:s6+s3], $0x3E80, $0x38;
	[tilespmem:$0x1E800] =	vst v63  }
0x15: {  	_ =	swait.ge [sflag:s10], $0x3E80  }
0x16: {  	[sflag:s10] =	ssyncset.done $0x0  }
0x17: {  	[sflag:s10] =	ssyncadd.s32 $0xFFFFC180  }
0x18: {  	[spmem:s13], [sflag:s12] =	dma.local [hbm:s7], $0x2800  }
0x19: {  	_ =	swait.ge [sflag:s10], $0x2800  }
0x1a: {  	[sflag:s10] =	ssyncset.done $0x0  }
0x1b: {  	[sflag:s10] =	ssyncadd.s32 $0xFFFFD800  }
0x1c: {  	s18 =	simm.s32 $0x0;
	[bflag:$0x0] =	sbarrier.arrive $0xFFFF  }
0x1d: {  	[tilespmem:s15], [sflag:$0x1] =	stream.indirect.gather [hbm4b:s4+s14], $0x80, s18, s14, $0xb8;
	[tilespmem:$0x1E800] =	vst v63  }
0x1e: {  	_ =	swait.ge [sflag:s16], $0x2800  }
0x1f: {  	[sflag:s16] =	ssyncset.done $0x0  }
0x20: {  	s31 =	simm.s32 $0x4000;
	[sflag:s16] =	ssyncadd.s32 $0xFFFFD800  }
0x21: {  	[spmem:s1] =	stream.indirect.scatter.add.f32 [tilespmem:s15], [sflag:$0x2], $0x80, s31, s14, $0xb8;
	[tilespmem:$0x1E800] =	vst v63  }
0x22: {  	_ =	swait.ge [sflag:s10], $0x2800  }
0x23: {  	s19 =	simm.s32 $0x400;
	s18 =	simm.s32 $0x200;
	[sflag:s10] =	ssyncset.done $0x0  }
.LBB2_2:
0x24: {  	s20 =	sshra.s32 s18, $0x2  }
0x25: {  	[sflag:s10] =	ssyncadd.s32 $0xFFFFD800;
	s18 =	smov.u32 s19;
	s21 =	sadd.s32 $0x200, s19  }
0x26: {  	[tilespmem:s15], [sflag:$0x1] =	stream.indirect.gather [hbm4b:s4+s14], $0x80, s20, s14, $0xb8;
	[tilespmem:$0x1E800] =	vst v63  }
0x27: {  	p0 =	sne.s32 s19, $0xF800;
	_ =	swait.ge [sflag:s16], $0x2800  }
.Ltmp0:
0x28: {  	[sflag:s16] =	ssyncset.done $0x0;
	(pc) =	sbr.rel @p0 .LBB2_2-.Ltmp0, $4  }
0x29: {  	s19 =	sadd.s32 $0x4000, s20;
	[sflag:s16] =	ssyncadd.s32 $0xFFFFD800  }
0x2a: {  	[spmem:s1] =	stream.indirect.scatter.add.f32 [tilespmem:s15], [sflag:$0x2], $0x80, s19, s14, $0xb8;
	[tilespmem:$0x1E800] =	vst v63  }
0x2b: {  	_ =	swait.ge [sflag:s10], $0x2800  }
0x2c: {  	s19 =	smov.u32 s21;
	[sflag:s10] =	ssyncset.done $0x0  }
0x2d: {  	s18 =	sshra.s32 s18, $0x2;
	[sflag:s10] =	ssyncadd.s32 $0xFFFFD800  }
0x2e: {  	[tilespmem:s15], [sflag:$0x1] =	stream.indirect.gather [hbm4b:s4+s14], $0x80, s18, s14, $0xb8;
	[tilespmem:$0x1E800] =	vst v63  }
0x2f: {  	_ =	swait.ge [sflag:s16], $0x2800  }
0x30: {  	[sflag:s16] =	ssyncset.done $0x0  }
0x31: {  	s18 =	sadd.s32 $0x4000, s18;
	[sflag:s16] =	ssyncadd.s32 $0xFFFFD800  }
0x32: {  	[spmem:s1] =	stream.indirect.scatter.add.f32 [tilespmem:s15], [sflag:$0x2], $0x80, s18, s14, $0xb8;
	[tilespmem:$0x1E800] =	vst v63  }
0x33: {  	_ =	swait.ge [sflag:s10], $0x2800  }
0x34: {  	s17 =	sadd.s32 $0x1, s17;
	[sflag:s10] =	ssyncset.done $0x0  }
0x35: {  	p0 =	sne.s32 s17, s9;
	[sflag:s10] =	ssyncadd.s32 $0xFFFFD800  }
.Ltmp1:
0x36: {  	[bflag:$0x0] =	sbarrier.arrive $0xFFFF;
	(pc) =	sbr.rel @p0 .LBB2_1-.Ltmp1, $4  }
0x37: {  	[hbm:s8], [sflag:s12] =	dma.local [spmem:s13], $0x2800  }
0x38: {  	_ =	swait.ge [sflag:s10], $0x2800  }
0x39: {  	[sflag:s10] =	ssyncset.done $0x0  }
0x3a: {  	[sflag:s10] =	ssyncadd.s32 $0xFFFFD800  }
0x3b: {  	_ =	sfence.sel $0x180000  }
0x3c: {  	[bflag:$0x0] =	sbarrier.arrive $0xFFFF  }
0x3d: {  	p0 =	sne.s32 s2, $0x0;
	_ =	strace $0x90000050  }
0x3e: {  	s0 =	sadd.s32 @!p0 $0x100000, s0;
	[bflag:$0x2] =	sbarrier.arrive $0xFFFF  }
0x3f: {  	[sflag:s0] =	ssyncadd.tile.s32 @!p0 $0x1;
	_ =	shalt  }
.Lfunc_end2:
_tile_overlayer_lowered:
.L_overlay_start_2:
0x40: {  	(tag) =	ssettag $0x2  }
0x41: {  	s0 =	rddreg [dreg:$0x0];
	s2 =	stileid.u32  }
0x42: {  	s1 =	rddreg [dreg:$0x1];
	p0 =	sne.s32 s2, $0x0  }
0x43: {  	s3 =	rddreg [dreg:$0x2];
	[bflag:$0x3] =	sbarrier.arrive $0xFFFF;
	s2 =	simm.s32 @!p0 $0x1C02  }
0x44: {  	[timem:s3], [sflag:s2] =	dma.local @!p0 [hbm:s0], s1  }
0x45: {  	s0 =	simm.s32 @!p0 $0x2  }
0x46: {  	_ =	swait.ge @!p0 [sflag:s0], s1  }
0x47: {  	s1 =	ssub.s32 @!p0 $0x0, s1;
	[sflag:s0] =	ssyncset.done @!p0 $0x0  }
0x48: {  	[sflag:s0] =	ssyncadd.s32 @!p0 s1  }
0x49: {  	[bflag:$0x3] =	sbarrier.arrive $0xFFFF  }
0x4a: {  	_ =	shalt  }

// kernel: kernel.39.cloned.1.call-start
scs
__scs_entry_jumppad:
0x0: {  	(pc) =	sbr.rel $0x88, $3  }
0x1: {  	(tag) =	ssettag $0x0;
	lr =	simm.s32 $0x1  }
0x2: {  	[smem:$0x3F85] =	sst lr;
	_ =	strace $0xD0000000  }
0x3: {  	_ = 	snop  }
0x4: {  	_ = 	snop  }
0x5: {  	_ = 	snop  }
0x6: {  	_ = 	snop  }
0x7: {  	_ = 	snop  }
__scs_overlays_trampoline_lowered:
0x8: {  	[smem:$0x3F94] =	sst s0  }
0x9: {  	[smem:$0x3F95] =	sst s1  }
0xa: {  	[smem:$0x3F96] =	sst s2  }
0xb: {  	[smem:$0x3F97] =	sst s3  }
0xc: {  	[smem:$0x3F98] =	sst s4  }
0xd: {  	[smem:$0x3F99] =	sst s5  }
0xe: {  	[smem:$0x3F9A] =	sst s6  }
0xf: {  	[smem:$0x3F9B] =	sst s7  }
0x10: {  	[smem:$0x3F9C] =	sst s8  }
0x11: {  	[smem:$0x3F9D] =	sst s9;
	s0 =	simm.s32 @!p0 $0x0  }
0x12: {  	s1 =	sld [smem:$0x3F83];
	s0 =	simm.s32 @p0 $0x1  }
0x13: {  	[smem:$0x3F9E] =	sst s0;
	s0 =	simm.s32 @!p1 $0x0  }
0x14: {  	s2 =	sld [smem:$0x3F82];
	s0 =	simm.s32 @p1 $0x1  }
0x15: {  	[smem:$0x3F9F] =	sst s0;
	s0 =	simm.s32 @!p2 $0x0  }
0x16: {  	s3 =	sld [smem:$0x3FDB];
	s0 =	simm.s32 @p2 $0x1  }
0x17: {  	s4 =	simm.s32 $0x1BF5;
	[smem:$0x3FA1] =	sst s0  }
0x18: {  	s0 =	sld [smem:$0x3F84];
	_ =	swait.ge [sflag:s4], $0x0  }
0x19: {  	s7 =	sld [smem:$0x3F85]  }
0x1a: {  	s8 =	sadd.s32 $0xFFFFE003, lr  }
0x1b: {  	s9 =	sadd.s32 $0xFFFFFEF7, lr;
	s5 =	simm.s32 $0xFFFFFFFF;
	p2 =	slt.u32 s8, $0xFFFFF086  }
0x1c: {  	p1 =	slt.u32 s9, $0xF7A;
	s5 =	simm.s32 @!p2 $0x0  }
0x1d: {  	s5 =	simm.s32 @p1 $0x1;
	p0 =	seq.s32 s7, s2  }
0x1e: {  	s7 =	smul.u32 @!p0 $0xF7A, s2;
	p2 =	seq.s32 @!p0 s5, $0x0  }
0x1f: {  	s9 =	smul.u32 $0xF7A, s1;
	s8 =	simm.s32 @!p0 $0x1BF5;
	p2 =	por !p2, p0  }
0x20: {  	[sflag:s8] =	ssyncset.s32 @!p0 $0xFFFFF086;
	s6 =	sadd.s32 @!p0 s3, s7;
	s7 =	simm.s32 @!p0 $0x108  }
0x21: {  	s3 =	sadd.s32 s3, s9;
	s6 =	sadd.s32 @!p0 $0x88, s6;
	s7 =	simm.s32 @p2 $0x1082  }
0x22: {  	[simem:s7], [sflag:s8] =	dma.local @!p0 [hbm:s6], $0xF7A  }
0x23: {  	s9 =	sor.u32 $0xD0000000, s2;
	s6 =	simm.s32 $0x108;
	_ =	swait.ge @!p0 [sflag:s8], $0x0  }
0x24: {  	s3 =	sadd.s32 $0x88, s3;
	s6 =	simm.s32 @!p1 $0x1082;
	[sflag:s4] =	ssyncset.s32 $0xFFFFF086  }
0x25: {  	[simem:s6], [sflag:s4] =	dma.local [hbm:s3], $0xF7A  }
0x26: {  	[smem:$0x3F85] =	sst s1;
	(tag) =	ssettag s2;
	_ =	strace s9  }
0x27: {  	s1 =	sld [smem:$0x3F95]  }
0x28: {  	s2 =	sld [smem:$0x3F96]  }
0x29: {  	s4 =	sld [smem:$0x3F98]  }
0x2a: {  	p0 =	seq.s32 s5, $0x0;
	s5 =	sld [smem:$0x3F99]  }
0x2b: {  	s6 =	sld [smem:$0x3F9A]  }
0x2c: {  	s7 =	sld [smem:$0x3F9B]  }
0x2d: {  	s3 =	simm.s32 $0x108;
	s8 =	sld [smem:$0x3F9C]  }
0x2e: {  	s3 =	simm.s32 @!p0 $0x1082;
	s9 =	sld [smem:$0x3F9D]  }
0x2f: {  	lr =	sadd.s32 s0, s3;
	s0 =	sld [smem:$0x3F94]  }
0x30: {  	s3 =	sld [smem:$0x3F97]  }
0x31: {  	[smem:$0x3FA0] =	sst s10  }
0x32: {  	s10 =	sld [smem:$0x3F9E];
	_ =	sdelay $0x3  }
0x33: {  	p0 =	seq.s32 s10, $0x1;
	s10 =	sld [smem:$0x3FA0];
	_ =	sdelay $0x3  }
0x34: {  	[smem:$0x3FA0] =	sst s10  }
0x35: {  	s10 =	sld [smem:$0x3F9F];
	_ =	sdelay $0x3  }
0x36: {  	p1 =	seq.s32 s10, $0x1;
	s10 =	sld [smem:$0x3FA0];
	_ =	sdelay $0x3  }
0x37: {  	[smem:$0x3FA0] =	sst s10  }
0x38: {  	s10 =	sld [smem:$0x3FA1]  }
0x39: {  	_ = 	snop;
	(pc) =	sbr.ind lr, $3  }
0x3a: {  	_ = 	snop  }
0x3b: {  	_ = 	snop  }
0x3c: {  	p2 =	seq.s32 s10, $0x1;
	s10 =	sld [smem:$0x3FA0]  }
0x3d: {  	_ =	shalt  }
0x3e: {  	_ =	shalt  }
0x3f: {  	_ =	shalt  }
0x40: {  	_ =	shalt  }
0x41: {  	_ =	shalt  }
0x42: {  	_ =	shalt  }
0x43: {  	_ =	shalt  }
0x44: {  	_ =	shalt  }
0x45: {  	_ =	shalt  }
0x46: {  	_ =	shalt  }
0x47: {  	_ =	shalt  }
0x48: {  	_ =	shalt  }
0x49: {  	_ =	shalt  }
0x4a: {  	_ =	shalt  }
0x4b: {  	_ =	shalt  }
0x4c: {  	_ =	shalt  }
0x4d: {  	_ =	shalt  }
0x4e: {  	_ =	shalt  }
0x4f: {  	_ =	shalt  }
0x50: {  	_ =	shalt  }
0x51: {  	_ =	shalt  }
0x52: {  	_ =	shalt  }
0x53: {  	_ =	shalt  }
0x54: {  	_ =	shalt  }
0x55: {  	_ =	shalt  }
0x56: {  	_ =	shalt  }
0x57: {  	_ =	shalt  }
0x58: {  	_ =	shalt  }
0x59: {  	_ =	shalt  }
0x5a: {  	_ =	shalt  }
0x5b: {  	_ =	shalt  }
0x5c: {  	_ =	shalt  }
0x5d: {  	_ =	shalt  }
0x5e: {  	_ =	shalt  }
0x5f: {  	_ =	shalt  }
0x60: {  	_ =	shalt  }
0x61: {  	_ =	shalt  }
0x62: {  	_ =	shalt  }
0x63: {  	_ =	shalt  }
0x64: {  	_ =	shalt  }
0x65: {  	_ =	shalt  }
0x66: {  	_ =	shalt  }
0x67: {  	_ =	shalt  }
0x68: {  	_ =	shalt  }
0x69: {  	_ =	shalt  }
0x6a: {  	_ =	shalt  }
0x6b: {  	_ =	shalt  }
0x6c: {  	_ =	shalt  }
0x6d: {  	_ =	shalt  }
0x6e: {  	_ =	shalt  }
0x6f: {  	_ =	shalt  }
0x70: {  	_ =	shalt  }
0x71: {  	_ =	shalt  }
0x72: {  	_ =	shalt  }
0x73: {  	_ =	shalt  }
0x74: {  	_ =	shalt  }
0x75: {  	_ =	shalt  }
0x76: {  	_ =	shalt  }
0x77: {  	_ =	shalt  }
0x78: {  	_ =	shalt  }
0x79: {  	_ =	shalt  }
0x7a: {  	_ =	shalt  }
0x7b: {  	_ =	shalt  }
0x7c: {  	_ =	shalt  }
0x7d: {  	_ =	shalt  }
0x7e: {  	_ =	shalt  }
0x7f: {  	_ =	shalt  }
0x80: {  	_ =	shalt  }
0x81: {  	_ =	shalt  }
0x82: {  	_ =	shalt  }
0x83: {  	_ =	shalt  }
0x84: {  	_ =	shalt  }
0x85: {  	_ =	shalt  }
0x86: {  	_ =	shalt  }
0x87: {  	_ =	shalt  }
.Lfunc_end0:
.L_simem_size_0:
called_computation.4_lowered:
.L_overlay_start_0:
0x88: {  	s2 =	sld [smem:$0x3FD9]  }
0x89: {  	s3 =	sld [smem:$0x3FFE];
	_ =	sdelay $0x1  }
0x8a: {  	s1 =	srdreg.scid  }
0x8b: {  	s0 =	sand.u32 $0x1, s1  }
0x8c: {  	s16 =	sshll.u32 s0, $0xA;
	s2 =	sadd.s32 s3, s2  }
0x8d: {  	s2 =	sadd.s32 s2, s16  }
0x8e: {  	[smem:$0x3FAC] =	sst s2  }
0x8f: {  	_ = 	snop  }
0x90: {  	(tm) =	ssettm $0x1  }
0x91: {  	s17 =	sld [smem:$0x3FFB];
	_ =	sdelay $0x3  }
0x92: {  	_ =	strace s17  }
0x93: {  	s2 =	sld [smem:$0x3FFC];
	_ =	sdelay $0x3  }
0x94: {  	_ =	strace s2  }
0x95: {  	s2 =	sld [smem:$0x3FFD];
	_ =	sdelay $0x3  }
0x96: {  	_ =	strace s2  }
0x97: {  	_ =	strace $0x8FFFFFFF  }
0x98: {  	s18 =	sld [smem:$0x3FDB];
	_ =	sdelay $0x1  }
0x99: {  	s19 =	simm.s32 $_scs_section_size  }
0x9a: {  	s4 =	simm.s32 $_size__tile_overlayer_lowered;
	s5 =	simm.s32 $_tile_overlayer_lowered  }
0x9b: {  	s22 =	simm.s32 $0x1BFF;
	s21 =	sshll.u32 s5, $0x1;
	s2 =	sadd.s32 s19, s18  }
0x9c: {  	s6 =	simm.s32 $0x0;
	s20 =	sshll.u32 s4, $0x1;
	s4 =	sadd.s32 s21, s2  }
0x9d: {  	[timem:s6], [sflag:s22] =	dma.local [hbm:s4], s20  }
0x9e: {  	_ =	swait.ge [sflag:s22], s20  }
0x9f: {  	s3 =	ssub.s32 $0x0, s20;
	[sflag:s22] =	ssyncset.done $0x0  }
0xa0: {  	[sflag:s22] =	ssyncadd.s32 s3;
	_ =	sdelay $0x1  }
0xa1: {  	s23 =	simm.s32 $0x1B8B  }
0xa2: {  	_ =	swait.ge [sflag:s23], $0x1  }
0xa3: {  	[sflag:s23] =	ssyncset.done $0x0  }
0xa4: {  	s25 =	simm.s32 $0x1B8E;
	s24 =	sld [smem:$0x3FFE];
	[sflag:s23] =	ssyncadd.s32 $0xFFFFFFFF  }
0xa5: {  	s26 =	simm.s32 $execute0_lowered;
	[smem:$0x3FD2] =	sst s25  }
0xa6: {  	s4 =	sshll.u32 s26, $0x1;
	_ =	strace $0x80000052;
	[dreg:$0x1] =	wrdreg $0xFFFFFFFF  }
0xa7: {  	s28 =	simm.s32 $_size_execute0_lowered;
	s2 =	sadd.s32 s2, s4;
	[dreg:$0x0] =	wrdreg $0x0  }
0xa8: {  	s4 =	sshll.u32 s28, $0x1;
	[dreg:$0x2] =	wrdreg s2  }
0xa9: {  	[dreg:$0x3] =	wrdreg s4  }
0xaa: {  	[dreg:$0x4] =	wrdreg $0xC0  }
0xab: {  	_ =	task [dreg:s6], $0x5FFFF  }
0xac: {  	[dreg:$0x1] =	wrdreg $0xFFFFFFFF  }
0xad: {  	[dreg:$0x0] =	wrdreg $0x60  }
0xae: {  	[dreg:$0x2] =	wrdreg s24  }
0xaf: {  	[dreg:$0x3] =	wrdreg $0xA8000  }
0xb0: {  	[dreg:$0x4] =	wrdreg $0x9  }
0xb1: {  	_ =	task.clear_ibuf [dreg:s6], $0x5FFFF;
	_ =	strace $0x90000052  }
0xb2: {  	s29 =	simm.s32 $0x9;
	_ =	strace $0x80000054  }
0xb3: {  	_ =	swait.ge [sflag:s29], $0x1  }
0xb4: {  	[sflag:s29] =	ssyncadd.s32 $0xFFFFFFFF  }
0xb5: {  	_ =	strace $0x90000054  }
0xb6: {  	_ =	sfence  }
0xb7: {  	s30 =	sld [smem:$0x0];
	_ =	sdelay $0x2  }
0xb8: {  	s31 =	sshll.u32 s1, $0xD;
	s1 =	sshrl.u32 s1, $0x2  }
0xb9: {  	s3 =	sand.u32 $0x4000, s31;
	s1 =	sadd.s32 s1, s30  }
0xba: {  	s0 =	sor.u32 s3, s0;
	s1 =	sshll.u32 s1, $0x11  }
0xbb: {  	s0 =	sor.u32 s1, s0  }
0xbc: {  	s0 =	sadd.s32 $0x8F2B, s0  }
0xbd: {  	[sflag:s0] =	ssyncadd.remote.s32 $0x1  }
0xbe: {  	_ =	sfence.sel $0xFFFF  }
0xbf: {  	[dreg:$0x0] =	wrdreg $0xFFFFFFFF;
	(pc) =	sbr.abs _section_cstart, $3  }
0xc0: {  	[dreg:$0x1] =	wrdreg $0xFFFFFFFF  }
0xc1: {  	_ =	task.clear_ibuf [dreg:s6], $0x2FFFF;
	_ =	strace $0x9FFFFFFF  }
0xc2: {  	(tm) =	ssettm $0x7FFFFFFF  }
0xc3: {  	_ =	shalt  }
tec
execute0_lowered:
.L_overlay_start_1:
0x0: {  	(tag) =	ssettag $0x1  }
0x1: {  	s5 =	rddreg [dreg:$0x0]  }
0x2: {  	s1 =	rddreg [dreg:$0x1]  }
0x3: {  	s0 =	rddreg [dreg:$0x2];
	s3 =	simm.s32 $0x0;
	s4 =	srdreg.scid  }
0x4: {  	s2 =	stileid.u32;
	s14 =	simm.s32 $0x50;
	s15 =	simm.s32 $0x8000  }
0x5: {  	s16 =	simm.s32 $0x1;
	s17 =	simm.s32 $0x0;
	[smem:$0x7FF] =	sst s3  }
0x6: {  	s6 =	sand.u32 $0x1, s4;
	s7 =	sshll.u32 s2, $0xB;
	s8 =	smul.u32 $0x14000, s2  }
0x7: {  	s31 =	smul.u32 $0x50000, s2;
	s12 =	sshll.u32 s2, $0x6;
	s4 =	sshll.u32 s6, $0xF  }
0x8: {  	_ =	strace $0x80000053;
	s9 =	smul.u32 $0x140000, s6;
	s6 =	ssub.s32 $0x2, s6  }
0x9: {  	s12 =	sor.u32 $0x1C02, s12;
	s7 =	sor.u32 s7, s4;
	s4 =	sadd.s32 $0x17000, s5  }
0xa: {  	s10 =	sshrl.u32 s8, $0x3;
	s11 =	sshrl.u32 s6, $0x1;
	s7 =	sadd.s32 s7, s5  }
0xb: {  	s8 =	sadd.s32 s8, s9;
	s10 =	sadd.s32 s10, s5;
	s11 =	ssub.s32 s6, s11  }
0xc: {  	s9 =	sshrl.u32 s31, $0x2;
	s8 =	sshrl.u32 s8, $0x3;
	s6 =	sadd.s32 $0x7000, s7  }
0xd: {  	s13 =	sadd.s32 s9, s1;
	s9 =	smax.u32 s11, $0x1;
	s11 =	simm.s32 $0x4000  }
0xe: {  	s8 =	sadd.s32 s8, s5;
	s5 =	sadd.s32 $0x8F000, s7;
	s7 =	sadd.s32 $0x3E200, s10  }
0xf: {  	s10 =	simm.s32 $0x2;
	s13 =	sshrl.u32 s13, $0x3;
	s8 =	sadd.s32 $0x9F000, s8  }
.LBB2_1:
0x10: {  	[tilespmem:s3], [sflag:$0x2] =	stream.linear.gather [hbm4b:s5+s3], $0x3E80, $0x38;
	[tilespmem:$0x1E800] =	vst v63  }
0x11: {  	_ =	swait.ge [sflag:s10], $0x3E80  }
0x12: {  	[sflag:s10] =	ssyncset.done $0x0  }
0x13: {  	[sflag:s10] =	ssyncadd.s32 $0xFFFFC180  }
0x14: {  	[tilespmem:s11], [sflag:$0x2] =	stream.linear.gather [hbm4b:s6+s3], $0x3E80, $0x38;
	[tilespmem:$0x1E800] =	vst v63  }
0x15: {  	_ =	swait.ge [sflag:s10], $0x3E80  }
0x16: {  	[sflag:s10] =	ssyncset.done $0x0  }
0x17: {  	[sflag:s10] =	ssyncadd.s32 $0xFFFFC180  }
0x18: {  	[spmem:s13], [sflag:s12] =	dma.local [hbm:s7], $0x2800  }
0x19: {  	_ =	swait.ge [sflag:s10], $0x2800  }
0x1a: {  	[sflag:s10] =	ssyncset.done $0x0  }
0x1b: {  	[sflag:s10] =	ssyncadd.s32 $0xFFFFD800  }
0x1c: {  	s18 =	simm.s32 $0x0;
	[bflag:$0x0] =	sbarrier.arrive $0xFFFF  }
0x1d: {  	[tilespmem:s15], [sflag:$0x1] =	stream.indirect.gather [hbm4b:s4+s14], $0x80, s18, s14, $0xb8;
	[tilespmem:$0x1E800] =	vst v63  }
0x1e: {  	_ =	swait.ge [sflag:s16], $0x2800  }
0x1f: {  	[sflag:s16] =	ssyncset.done $0x0  }
0x20: {  	s31 =	simm.s32 $0x4000;
	[sflag:s16] =	ssyncadd.s32 $0xFFFFD800  }
0x21: {  	[spmem:s1] =	stream.indirect.scatter.add.f32 [tilespmem:s15], [sflag:$0x2], $0x80, s31, s14, $0xb8;
	[tilespmem:$0x1E800] =	vst v63  }
0x22: {  	_ =	swait.ge [sflag:s10], $0x2800  }
0x23: {  	s19 =	simm.s32 $0x400;
	s18 =	simm.s32 $0x200;
	[sflag:s10] =	ssyncset.done $0x0  }
.LBB2_2:
0x24: {  	s20 =	sshra.s32 s18, $0x2  }
0x25: {  	[sflag:s10] =	ssyncadd.s32 $0xFFFFD800;
	s18 =	smov.u32 s19;
	s21 =	sadd.s32 $0x200, s19  }
0x26: {  	[tilespmem:s15], [sflag:$0x1] =	stream.indirect.gather [hbm4b:s4+s14], $0x80, s20, s14, $0xb8;
	[tilespmem:$0x1E800] =	vst v63  }
0x27: {  	p0 =	sne.s32 s19, $0xF800;
	_ =	swait.ge [sflag:s16], $0x2800  }
.Ltmp0:
0x28: {  	[sflag:s16] =	ssyncset.done $0x0;
	(pc) =	sbr.rel @p0 .LBB2_2-.Ltmp0, $4  }
0x29: {  	s19 =	sadd.s32 $0x4000, s20;
	[sflag:s16] =	ssyncadd.s32 $0xFFFFD800  }
0x2a: {  	[spmem:s1] =	stream.indirect.scatter.add.f32 [tilespmem:s15], [sflag:$0x2], $0x80, s19, s14, $0xb8;
	[tilespmem:$0x1E800] =	vst v63  }
0x2b: {  	_ =	swait.ge [sflag:s10], $0x2800  }
0x2c: {  	s19 =	smov.u32 s21;
	[sflag:s10] =	ssyncset.done $0x0  }
0x2d: {  	s18 =	sshra.s32 s18, $0x2;
	[sflag:s10] =	ssyncadd.s32 $0xFFFFD800  }
0x2e: {  	[tilespmem:s15], [sflag:$0x1] =	stream.indirect.gather [hbm4b:s4+s14], $0x80, s18, s14, $0xb8;
	[tilespmem:$0x1E800] =	vst v63  }
0x2f: {  	_ =	swait.ge [sflag:s16], $0x2800  }
0x30: {  	[sflag:s16] =	ssyncset.done $0x0  }
0x31: {  	s18 =	sadd.s32 $0x4000, s18;
	[sflag:s16] =	ssyncadd.s32 $0xFFFFD800  }
0x32: {  	[spmem:s1] =	stream.indirect.scatter.add.f32 [tilespmem:s15], [sflag:$0x2], $0x80, s18, s14, $0xb8;
	[tilespmem:$0x1E800] =	vst v63  }
0x33: {  	_ =	swait.ge [sflag:s10], $0x2800  }
0x34: {  	s17 =	sadd.s32 $0x1, s17;
	[sflag:s10] =	ssyncset.done $0x0  }
0x35: {  	p0 =	sne.s32 s17, s9;
	[sflag:s10] =	ssyncadd.s32 $0xFFFFD800  }
.Ltmp1:
0x36: {  	[bflag:$0x0] =	sbarrier.arrive $0xFFFF;
	(pc) =	sbr.rel @p0 .LBB2_1-.Ltmp1, $4  }
0x37: {  	[hbm:s8], [sflag:s12] =	dma.local [spmem:s13], $0x2800  }
0x38: {  	_ =	swait.ge [sflag:s10], $0x2800  }
0x39: {  	[sflag:s10] =	ssyncset.done $0x0  }
0x3a: {  	[sflag:s10] =	ssyncadd.s32 $0xFFFFD800  }
0x3b: {  	_ =	sfence.sel $0x180000  }
0x3c: {  	[bflag:$0x0] =	sbarrier.arrive $0xFFFF  }
0x3d: {  	p0 =	sne.s32 s2, $0x0;
	_ =	strace $0x90000053  }
0x3e: {  	s0 =	sadd.s32 @!p0 $0x100000, s0;
	[bflag:$0x2] =	sbarrier.arrive $0xFFFF  }
0x3f: {  	[sflag:s0] =	ssyncadd.tile.s32 @!p0 $0x1;
	_ =	shalt  }
.Lfunc_end2:
_tile_overlayer_lowered:
.L_overlay_start_2:
0x40: {  	(tag) =	ssettag $0x2  }
0x41: {  	s0 =	rddreg [dreg:$0x0];
	s2 =	stileid.u32  }
0x42: {  	s1 =	rddreg [dreg:$0x1];
	p0 =	sne.s32 s2, $0x0  }
0x43: {  	s3 =	rddreg [dreg:$0x2];
	[bflag:$0x3] =	sbarrier.arrive $0xFFFF;
	s2 =	simm.s32 @!p0 $0x1C02  }
0x44: {  	[timem:s3], [sflag:s2] =	dma.local @!p0 [hbm:s0], s1  }
0x45: {  	s0 =	simm.s32 @!p0 $0x2  }
0x46: {  	_ =	swait.ge @!p0 [sflag:s0], s1  }
0x47: {  	s1 =	ssub.s32 @!p0 $0x0, s1;
	[sflag:s0] =	ssyncset.done @!p0 $0x0  }
0x48: {  	[sflag:s0] =	ssyncadd.s32 @!p0 s1  }
0x49: {  	[bflag:$0x3] =	sbarrier.arrive $0xFFFF  }
0x4a: {  	_ =	shalt  }

// kernel: kernel.42.cloned.1.call-start
scs
__scs_entry_jumppad:
0x0: {  	(pc) =	sbr.rel $0x88, $3  }
0x1: {  	(tag) =	ssettag $0x0;
	lr =	simm.s32 $0x1  }
0x2: {  	[smem:$0x3F85] =	sst lr;
	_ =	strace $0xD0000000  }
0x3: {  	_ = 	snop  }
0x4: {  	_ = 	snop  }
0x5: {  	_ = 	snop  }
0x6: {  	_ = 	snop  }
0x7: {  	_ = 	snop  }
__scs_overlays_trampoline_lowered:
0x8: {  	[smem:$0x3F94] =	sst s0  }
0x9: {  	[smem:$0x3F95] =	sst s1  }
0xa: {  	[smem:$0x3F96] =	sst s2  }
0xb: {  	[smem:$0x3F97] =	sst s3  }
0xc: {  	[smem:$0x3F98] =	sst s4  }
0xd: {  	[smem:$0x3F99] =	sst s5  }
0xe: {  	[smem:$0x3F9A] =	sst s6  }
0xf: {  	[smem:$0x3F9B] =	sst s7  }
0x10: {  	[smem:$0x3F9C] =	sst s8  }
0x11: {  	[smem:$0x3F9D] =	sst s9;
	s0 =	simm.s32 @!p0 $0x0  }
0x12: {  	s1 =	sld [smem:$0x3F83];
	s0 =	simm.s32 @p0 $0x1  }
0x13: {  	[smem:$0x3F9E] =	sst s0;
	s0 =	simm.s32 @!p1 $0x0  }
0x14: {  	s2 =	sld [smem:$0x3F82];
	s0 =	simm.s32 @p1 $0x1  }
0x15: {  	[smem:$0x3F9F] =	sst s0;
	s0 =	simm.s32 @!p2 $0x0  }
0x16: {  	s3 =	sld [smem:$0x3FDB];
	s0 =	simm.s32 @p2 $0x1  }
0x17: {  	s4 =	simm.s32 $0x1BF5;
	[smem:$0x3FA1] =	sst s0  }
0x18: {  	s0 =	sld [smem:$0x3F84];
	_ =	swait.ge [sflag:s4], $0x0  }
0x19: {  	s7 =	sld [smem:$0x3F85]  }
0x1a: {  	s8 =	sadd.s32 $0xFFFFE003, lr  }
0x1b: {  	s9 =	sadd.s32 $0xFFFFFEF7, lr;
	s5 =	simm.s32 $0xFFFFFFFF;
	p2 =	slt.u32 s8, $0xFFFFF086  }
0x1c: {  	p1 =	slt.u32 s9, $0xF7A;
	s5 =	simm.s32 @!p2 $0x0  }
0x1d: {  	s5 =	simm.s32 @p1 $0x1;
	p0 =	seq.s32 s7, s2  }
0x1e: {  	s7 =	smul.u32 @!p0 $0xF7A, s2;
	p2 =	seq.s32 @!p0 s5, $0x0  }
0x1f: {  	s9 =	smul.u32 $0xF7A, s1;
	s8 =	simm.s32 @!p0 $0x1BF5;
	p2 =	por !p2, p0  }
0x20: {  	[sflag:s8] =	ssyncset.s32 @!p0 $0xFFFFF086;
	s6 =	sadd.s32 @!p0 s3, s7;
	s7 =	simm.s32 @!p0 $0x108  }
0x21: {  	s3 =	sadd.s32 s3, s9;
	s6 =	sadd.s32 @!p0 $0x88, s6;
	s7 =	simm.s32 @p2 $0x1082  }
0x22: {  	[simem:s7], [sflag:s8] =	dma.local @!p0 [hbm:s6], $0xF7A  }
0x23: {  	s9 =	sor.u32 $0xD0000000, s2;
	s6 =	simm.s32 $0x108;
	_ =	swait.ge @!p0 [sflag:s8], $0x0  }
0x24: {  	s3 =	sadd.s32 $0x88, s3;
	s6 =	simm.s32 @!p1 $0x1082;
	[sflag:s4] =	ssyncset.s32 $0xFFFFF086  }
0x25: {  	[simem:s6], [sflag:s4] =	dma.local [hbm:s3], $0xF7A  }
0x26: {  	[smem:$0x3F85] =	sst s1;
	(tag) =	ssettag s2;
	_ =	strace s9  }
0x27: {  	s1 =	sld [smem:$0x3F95]  }
0x28: {  	s2 =	sld [smem:$0x3F96]  }
0x29: {  	s4 =	sld [smem:$0x3F98]  }
0x2a: {  	p0 =	seq.s32 s5, $0x0;
	s5 =	sld [smem:$0x3F99]  }
0x2b: {  	s6 =	sld [smem:$0x3F9A]  }
0x2c: {  	s7 =	sld [smem:$0x3F9B]  }
0x2d: {  	s3 =	simm.s32 $0x108;
	s8 =	sld [smem:$0x3F9C]  }
0x2e: {  	s3 =	simm.s32 @!p0 $0x1082;
	s9 =	sld [smem:$0x3F9D]  }
0x2f: {  	lr =	sadd.s32 s0, s3;
	s0 =	sld [smem:$0x3F94]  }
0x30: {  	s3 =	sld [smem:$0x3F97]  }
0x31: {  	[smem:$0x3FA0] =	sst s10  }
0x32: {  	s10 =	sld [smem:$0x3F9E];
	_ =	sdelay $0x3  }
0x33: {  	p0 =	seq.s32 s10, $0x1;
	s10 =	sld [smem:$0x3FA0];
	_ =	sdelay $0x3  }
0x34: {  	[smem:$0x3FA0] =	sst s10  }
0x35: {  	s10 =	sld [smem:$0x3F9F];
	_ =	sdelay $0x3  }
0x36: {  	p1 =	seq.s32 s10, $0x1;
	s10 =	sld [smem:$0x3FA0];
	_ =	sdelay $0x3  }
0x37: {  	[smem:$0x3FA0] =	sst s10  }
0x38: {  	s10 =	sld [smem:$0x3FA1]  }
0x39: {  	_ = 	snop;
	(pc) =	sbr.ind lr, $3  }
0x3a: {  	_ = 	snop  }
0x3b: {  	_ = 	snop  }
0x3c: {  	p2 =	seq.s32 s10, $0x1;
	s10 =	sld [smem:$0x3FA0]  }
0x3d: {  	_ =	shalt  }
0x3e: {  	_ =	shalt  }
0x3f: {  	_ =	shalt  }
0x40: {  	_ =	shalt  }
0x41: {  	_ =	shalt  }
0x42: {  	_ =	shalt  }
0x43: {  	_ =	shalt  }
0x44: {  	_ =	shalt  }
0x45: {  	_ =	shalt  }
0x46: {  	_ =	shalt  }
0x47: {  	_ =	shalt  }
0x48: {  	_ =	shalt  }
0x49: {  	_ =	shalt  }
0x4a: {  	_ =	shalt  }
0x4b: {  	_ =	shalt  }
0x4c: {  	_ =	shalt  }
0x4d: {  	_ =	shalt  }
0x4e: {  	_ =	shalt  }
0x4f: {  	_ =	shalt  }
0x50: {  	_ =	shalt  }
0x51: {  	_ =	shalt  }
0x52: {  	_ =	shalt  }
0x53: {  	_ =	shalt  }
0x54: {  	_ =	shalt  }
0x55: {  	_ =	shalt  }
0x56: {  	_ =	shalt  }
0x57: {  	_ =	shalt  }
0x58: {  	_ =	shalt  }
0x59: {  	_ =	shalt  }
0x5a: {  	_ =	shalt  }
0x5b: {  	_ =	shalt  }
0x5c: {  	_ =	shalt  }
0x5d: {  	_ =	shalt  }
0x5e: {  	_ =	shalt  }
0x5f: {  	_ =	shalt  }
0x60: {  	_ =	shalt  }
0x61: {  	_ =	shalt  }
0x62: {  	_ =	shalt  }
0x63: {  	_ =	shalt  }
0x64: {  	_ =	shalt  }
0x65: {  	_ =	shalt  }
0x66: {  	_ =	shalt  }
0x67: {  	_ =	shalt  }
0x68: {  	_ =	shalt  }
0x69: {  	_ =	shalt  }
0x6a: {  	_ =	shalt  }
0x6b: {  	_ =	shalt  }
0x6c: {  	_ =	shalt  }
0x6d: {  	_ =	shalt  }
0x6e: {  	_ =	shalt  }
0x6f: {  	_ =	shalt  }
0x70: {  	_ =	shalt  }
0x71: {  	_ =	shalt  }
0x72: {  	_ =	shalt  }
0x73: {  	_ =	shalt  }
0x74: {  	_ =	shalt  }
0x75: {  	_ =	shalt  }
0x76: {  	_ =	shalt  }
0x77: {  	_ =	shalt  }
0x78: {  	_ =	shalt  }
0x79: {  	_ =	shalt  }
0x7a: {  	_ =	shalt  }
0x7b: {  	_ =	shalt  }
0x7c: {  	_ =	shalt  }
0x7d: {  	_ =	shalt  }
0x7e: {  	_ =	shalt  }
0x7f: {  	_ =	shalt  }
0x80: {  	_ =	shalt  }
0x81: {  	_ =	shalt  }
0x82: {  	_ =	shalt  }
0x83: {  	_ =	shalt  }
0x84: {  	_ =	shalt  }
0x85: {  	_ =	shalt  }
0x86: {  	_ =	shalt  }
0x87: {  	_ =	shalt  }
.Lfunc_end0:
.L_simem_size_0:
called_computation.5_lowered:
.L_overlay_start_0:
0x88: {  	s2 =	sld [smem:$0x3FD9]  }
0x89: {  	s3 =	sld [smem:$0x3FFE];
	_ =	sdelay $0x1  }
0x8a: {  	s1 =	srdreg.scid  }
0x8b: {  	s0 =	sand.u32 $0x1, s1  }
0x8c: {  	s16 =	sshll.u32 s0, $0xA;
	s2 =	sadd.s32 s3, s2  }
0x8d: {  	s2 =	sadd.s32 s2, s16  }
0x8e: {  	[smem:$0x3FAC] =	sst s2  }
0x8f: {  	_ = 	snop  }
0x90: {  	(tm) =	ssettm $0x1  }
0x91: {  	s17 =	sld [smem:$0x3FFB];
	_ =	sdelay $0x3  }
0x92: {  	_ =	strace s17  }
0x93: {  	s2 =	sld [smem:$0x3FFC];
	_ =	sdelay $0x3  }
0x94: {  	_ =	strace s2  }
0x95: {  	s2 =	sld [smem:$0x3FFD];
	_ =	sdelay $0x3  }
0x96: {  	_ =	strace s2  }
0x97: {  	_ =	strace $0x8FFFFFFF  }
0x98: {  	s18 =	sld [smem:$0x3FDB];
	_ =	sdelay $0x1  }
0x99: {  	s19 =	simm.s32 $_scs_section_size  }
0x9a: {  	s4 =	simm.s32 $_size__tile_overlayer_lowered;
	s5 =	simm.s32 $_tile_overlayer_lowered  }
0x9b: {  	s22 =	simm.s32 $0x1BFF;
	s21 =	sshll.u32 s5, $0x1;
	s2 =	sadd.s32 s19, s18  }
0x9c: {  	s6 =	simm.s32 $0x0;
	s20 =	sshll.u32 s4, $0x1;
	s4 =	sadd.s32 s21, s2  }
0x9d: {  	[timem:s6], [sflag:s22] =	dma.local [hbm:s4], s20  }
0x9e: {  	_ =	swait.ge [sflag:s22], s20  }
0x9f: {  	s3 =	ssub.s32 $0x0, s20;
	[sflag:s22] =	ssyncset.done $0x0  }
0xa0: {  	[sflag:s22] =	ssyncadd.s32 s3;
	_ =	sdelay $0x1  }
0xa1: {  	s23 =	simm.s32 $0x1B8B  }
0xa2: {  	_ =	swait.ge [sflag:s23], $0x1  }
0xa3: {  	[sflag:s23] =	ssyncset.done $0x0  }
0xa4: {  	s25 =	simm.s32 $0x1B8E;
	s24 =	sld [smem:$0x3FFE];
	[sflag:s23] =	ssyncadd.s32 $0xFFFFFFFF  }
0xa5: {  	s26 =	simm.s32 $execute0_lowered;
	[smem:$0x3FD2] =	sst s25  }
0xa6: {  	s4 =	sshll.u32 s26, $0x1;
	_ =	strace $0x80000055;
	[dreg:$0x1] =	wrdreg $0xFFFFFFFF  }
0xa7: {  	s28 =	simm.s32 $_size_execute0_lowered;
	s2 =	sadd.s32 s2, s4;
	[dreg:$0x0] =	wrdreg $0x0  }
0xa8: {  	s4 =	sshll.u32 s28, $0x1;
	[dreg:$0x2] =	wrdreg s2  }
0xa9: {  	[dreg:$0x3] =	wrdreg s4  }
0xaa: {  	[dreg:$0x4] =	wrdreg $0xC0  }
0xab: {  	_ =	task [dreg:s6], $0x5FFFF  }
0xac: {  	[dreg:$0x1] =	wrdreg $0xFFFFFFFF  }
0xad: {  	[dreg:$0x0] =	wrdreg $0x60  }
0xae: {  	[dreg:$0x2] =	wrdreg s24  }
0xaf: {  	[dreg:$0x3] =	wrdreg $0xA8000  }
0xb0: {  	[dreg:$0x4] =	wrdreg $0x9  }
0xb1: {  	_ =	task.clear_ibuf [dreg:s6], $0x5FFFF;
	_ =	strace $0x90000055  }
0xb2: {  	s29 =	simm.s32 $0x9;
	_ =	strace $0x80000057  }
0xb3: {  	_ =	swait.ge [sflag:s29], $0x1  }
0xb4: {  	[sflag:s29] =	ssyncadd.s32 $0xFFFFFFFF  }
0xb5: {  	_ =	strace $0x90000057  }
0xb6: {  	_ =	sfence  }
0xb7: {  	s30 =	sld [smem:$0x0];
	_ =	sdelay $0x2  }
0xb8: {  	s31 =	sshll.u32 s1, $0xD;
	s1 =	sshrl.u32 s1, $0x2  }
0xb9: {  	s3 =	sand.u32 $0x4000, s31;
	s1 =	sadd.s32 s1, s30  }
0xba: {  	s0 =	sor.u32 s3, s0;
	s1 =	sshll.u32 s1, $0x11  }
0xbb: {  	s0 =	sor.u32 s1, s0  }
0xbc: {  	s0 =	sadd.s32 $0x8F2B, s0  }
0xbd: {  	[sflag:s0] =	ssyncadd.remote.s32 $0x1  }
0xbe: {  	_ =	sfence.sel $0xFFFF  }
0xbf: {  	[dreg:$0x0] =	wrdreg $0xFFFFFFFF;
	(pc) =	sbr.abs _section_cstart, $3  }
0xc0: {  	[dreg:$0x1] =	wrdreg $0xFFFFFFFF  }
0xc1: {  	_ =	task.clear_ibuf [dreg:s6], $0x2FFFF;
	_ =	strace $0x9FFFFFFF  }
0xc2: {  	(tm) =	ssettm $0x7FFFFFFF  }
0xc3: {  	_ =	shalt  }
tec
execute0_lowered:
.L_overlay_start_1:
0x0: {  	(tag) =	ssettag $0x1  }
0x1: {  	s5 =	rddreg [dreg:$0x0]  }
0x2: {  	s1 =	rddreg [dreg:$0x1]  }
0x3: {  	s0 =	rddreg [dreg:$0x2];
	s3 =	simm.s32 $0x0;
	s4 =	srdreg.scid  }
0x4: {  	s2 =	stileid.u32;
	s14 =	simm.s32 $0x50;
	s15 =	simm.s32 $0x8000  }
0x5: {  	s16 =	simm.s32 $0x1;
	s17 =	simm.s32 $0x0;
	[smem:$0x7FF] =	sst s3  }
0x6: {  	s6 =	sand.u32 $0x1, s4;
	s7 =	sshll.u32 s2, $0xB;
	s8 =	smul.u32 $0x14000, s2  }
0x7: {  	s31 =	smul.u32 $0x50000, s2;
	s12 =	sshll.u32 s2, $0x6;
	s4 =	sshll.u32 s6, $0xF  }
0x8: {  	_ =	strace $0x80000056;
	s9 =	smul.u32 $0x140000, s6;
	s6 =	ssub.s32 $0x2, s6  }
0x9: {  	s12 =	sor.u32 $0x1C02, s12;
	s7 =	sor.u32 s7, s4;
	s4 =	sadd.s32 $0x17000, s5  }
0xa: {  	s10 =	sshrl.u32 s8, $0x3;
	s11 =	sshrl.u32 s6, $0x1;
	s7 =	sadd.s32 s7, s5  }
0xb: {  	s8 =	sadd.s32 s8, s9;
	s10 =	sadd.s32 s10, s5;
	s11 =	ssub.s32 s6, s11  }
0xc: {  	s9 =	sshrl.u32 s31, $0x2;
	s8 =	sshrl.u32 s8, $0x3;
	s6 =	sadd.s32 $0x7000, s7  }
0xd: {  	s13 =	sadd.s32 s9, s1;
	s9 =	smax.u32 s11, $0x1;
	s11 =	simm.s32 $0x4000  }
0xe: {  	s8 =	sadd.s32 s8, s5;
	s5 =	sadd.s32 $0x8F000, s7;
	s7 =	sadd.s32 $0x3E200, s10  }
0xf: {  	s10 =	simm.s32 $0x2;
	s13 =	sshrl.u32 s13, $0x3;
	s8 =	sadd.s32 $0x9F000, s8  }
.LBB2_1:
0x10: {  	[tilespmem:s3], [sflag:$0x2] =	stream.linear.gather [hbm4b:s5+s3], $0x3E80, $0x38;
	[tilespmem:$0x1E800] =	vst v63  }
0x11: {  	_ =	swait.ge [sflag:s10], $0x3E80  }
0x12: {  	[sflag:s10] =	ssyncset.done $0x0  }
0x13: {  	[sflag:s10] =	ssyncadd.s32 $0xFFFFC180  }
0x14: {  	[tilespmem:s11], [sflag:$0x2] =	stream.linear.gather [hbm4b:s6+s3], $0x3E80, $0x38;
	[tilespmem:$0x1E800] =	vst v63  }
0x15: {  	_ =	swait.ge [sflag:s10], $0x3E80  }
0x16: {  	[sflag:s10] =	ssyncset.done $0x0  }
0x17: {  	[sflag:s10] =	ssyncadd.s32 $0xFFFFC180  }
0x18: {  	[spmem:s13], [sflag:s12] =	dma.local [hbm:s7], $0x2800  }
0x19: {  	_ =	swait.ge [sflag:s10], $0x2800  }
0x1a: {  	[sflag:s10] =	ssyncset.done $0x0  }
0x1b: {  	[sflag:s10] =	ssyncadd.s32 $0xFFFFD800  }
0x1c: {  	s18 =	simm.s32 $0x0;
	[bflag:$0x0] =	sbarrier.arrive $0xFFFF  }
0x1d: {  	[tilespmem:s15], [sflag:$0x1] =	stream.indirect.gather [hbm4b:s4+s14], $0x80, s18, s14, $0xb8;
	[tilespmem:$0x1E800] =	vst v63  }
0x1e: {  	_ =	swait.ge [sflag:s16], $0x2800  }
0x1f: {  	[sflag:s16] =	ssyncset.done $0x0  }
0x20: {  	s31 =	simm.s32 $0x4000;
	[sflag:s16] =	ssyncadd.s32 $0xFFFFD800  }
0x21: {  	[spmem:s1] =	stream.indirect.scatter.add.f32 [tilespmem:s15], [sflag:$0x2], $0x80, s31, s14, $0xb8;
	[tilespmem:$0x1E800] =	vst v63  }
0x22: {  	_ =	swait.ge [sflag:s10], $0x2800  }
0x23: {  	s19 =	simm.s32 $0x400;
	s18 =	simm.s32 $0x200;
	[sflag:s10] =	ssyncset.done $0x0  }
.LBB2_2:
0x24: {  	s20 =	sshra.s32 s18, $0x2  }
0x25: {  	[sflag:s10] =	ssyncadd.s32 $0xFFFFD800;
	s18 =	smov.u32 s19;
	s21 =	sadd.s32 $0x200, s19  }
0x26: {  	[tilespmem:s15], [sflag:$0x1] =	stream.indirect.gather [hbm4b:s4+s14], $0x80, s20, s14, $0xb8;
	[tilespmem:$0x1E800] =	vst v63  }
0x27: {  	p0 =	sne.s32 s19, $0xF800;
	_ =	swait.ge [sflag:s16], $0x2800  }
.Ltmp0:
0x28: {  	[sflag:s16] =	ssyncset.done $0x0;
	(pc) =	sbr.rel @p0 .LBB2_2-.Ltmp0, $4  }
0x29: {  	s19 =	sadd.s32 $0x4000, s20;
	[sflag:s16] =	ssyncadd.s32 $0xFFFFD800  }
0x2a: {  	[spmem:s1] =	stream.indirect.scatter.add.f32 [tilespmem:s15], [sflag:$0x2], $0x80, s19, s14, $0xb8;
	[tilespmem:$0x1E800] =	vst v63  }
0x2b: {  	_ =	swait.ge [sflag:s10], $0x2800  }
0x2c: {  	s19 =	smov.u32 s21;
	[sflag:s10] =	ssyncset.done $0x0  }
0x2d: {  	s18 =	sshra.s32 s18, $0x2;
	[sflag:s10] =	ssyncadd.s32 $0xFFFFD800  }
0x2e: {  	[tilespmem:s15], [sflag:$0x1] =	stream.indirect.gather [hbm4b:s4+s14], $0x80, s18, s14, $0xb8;
	[tilespmem:$0x1E800] =	vst v63  }
0x2f: {  	_ =	swait.ge [sflag:s16], $0x2800  }
0x30: {  	[sflag:s16] =	ssyncset.done $0x0  }
0x31: {  	s18 =	sadd.s32 $0x4000, s18;
	[sflag:s16] =	ssyncadd.s32 $0xFFFFD800  }
0x32: {  	[spmem:s1] =	stream.indirect.scatter.add.f32 [tilespmem:s15], [sflag:$0x2], $0x80, s18, s14, $0xb8;
	[tilespmem:$0x1E800] =	vst v63  }
0x33: {  	_ =	swait.ge [sflag:s10], $0x2800  }
0x34: {  	s17 =	sadd.s32 $0x1, s17;
	[sflag:s10] =	ssyncset.done $0x0  }
0x35: {  	p0 =	sne.s32 s17, s9;
	[sflag:s10] =	ssyncadd.s32 $0xFFFFD800  }
.Ltmp1:
0x36: {  	[bflag:$0x0] =	sbarrier.arrive $0xFFFF;
	(pc) =	sbr.rel @p0 .LBB2_1-.Ltmp1, $4  }
0x37: {  	[hbm:s8], [sflag:s12] =	dma.local [spmem:s13], $0x2800  }
0x38: {  	_ =	swait.ge [sflag:s10], $0x2800  }
0x39: {  	[sflag:s10] =	ssyncset.done $0x0  }
0x3a: {  	[sflag:s10] =	ssyncadd.s32 $0xFFFFD800  }
0x3b: {  	_ =	sfence.sel $0x180000  }
0x3c: {  	[bflag:$0x0] =	sbarrier.arrive $0xFFFF  }
0x3d: {  	p0 =	sne.s32 s2, $0x0;
	_ =	strace $0x90000056  }
0x3e: {  	s0 =	sadd.s32 @!p0 $0x100000, s0;
	[bflag:$0x2] =	sbarrier.arrive $0xFFFF  }
0x3f: {  	[sflag:s0] =	ssyncadd.tile.s32 @!p0 $0x1;
	_ =	shalt  }
.Lfunc_end2:
_tile_overlayer_lowered:
.L_overlay_start_2:
0x40: {  	(tag) =	ssettag $0x2  }
0x41: {  	s0 =	rddreg [dreg:$0x0];
	s2 =	stileid.u32  }
0x42: {  	s1 =	rddreg [dreg:$0x1];
	p0 =	sne.s32 s2, $0x0  }
0x43: {  	s3 =	rddreg [dreg:$0x2];
	[bflag:$0x3] =	sbarrier.arrive $0xFFFF;
	s2 =	simm.s32 @!p0 $0x1C02  }
0x44: {  	[timem:s3], [sflag:s2] =	dma.local @!p0 [hbm:s0], s1  }
0x45: {  	s0 =	simm.s32 @!p0 $0x2  }
0x46: {  	_ =	swait.ge @!p0 [sflag:s0], s1  }
0x47: {  	s1 =	ssub.s32 @!p0 $0x0, s1;
	[sflag:s0] =	ssyncset.done @!p0 $0x0  }
0x48: {  	[sflag:s0] =	ssyncadd.s32 @!p0 s1  }
0x49: {  	[bflag:$0x3] =	sbarrier.arrive $0xFFFF  }
0x4a: {  	_ =	shalt  }

// kernel: kernel.45.cloned.1.call-start
scs
__scs_entry_jumppad:
0x0: {  	(pc) =	sbr.rel $0x88, $3  }
0x1: {  	(tag) =	ssettag $0x0;
	lr =	simm.s32 $0x1  }
0x2: {  	[smem:$0x3F85] =	sst lr;
	_ =	strace $0xD0000000  }
0x3: {  	_ = 	snop  }
0x4: {  	_ = 	snop  }
0x5: {  	_ = 	snop  }
0x6: {  	_ = 	snop  }
0x7: {  	_ = 	snop  }
__scs_overlays_trampoline_lowered:
0x8: {  	[smem:$0x3F94] =	sst s0  }
0x9: {  	[smem:$0x3F95] =	sst s1  }
0xa: {  	[smem:$0x3F96] =	sst s2  }
0xb: {  	[smem:$0x3F97] =	sst s3  }
0xc: {  	[smem:$0x3F98] =	sst s4  }
0xd: {  	[smem:$0x3F99] =	sst s5  }
0xe: {  	[smem:$0x3F9A] =	sst s6  }
0xf: {  	[smem:$0x3F9B] =	sst s7  }
0x10: {  	[smem:$0x3F9C] =	sst s8  }
0x11: {  	[smem:$0x3F9D] =	sst s9;
	s0 =	simm.s32 @!p0 $0x0  }
0x12: {  	s1 =	sld [smem:$0x3F83];
	s0 =	simm.s32 @p0 $0x1  }
0x13: {  	[smem:$0x3F9E] =	sst s0;
	s0 =	simm.s32 @!p1 $0x0  }
0x14: {  	s2 =	sld [smem:$0x3F82];
	s0 =	simm.s32 @p1 $0x1  }
0x15: {  	[smem:$0x3F9F] =	sst s0;
	s0 =	simm.s32 @!p2 $0x0  }
0x16: {  	s3 =	sld [smem:$0x3FDB];
	s0 =	simm.s32 @p2 $0x1  }
0x17: {  	s4 =	simm.s32 $0x1BF5;
	[smem:$0x3FA1] =	sst s0  }
0x18: {  	s0 =	sld [smem:$0x3F84];
	_ =	swait.ge [sflag:s4], $0x0  }
0x19: {  	s7 =	sld [smem:$0x3F85]  }
0x1a: {  	s8 =	sadd.s32 $0xFFFFE003, lr  }
0x1b: {  	s9 =	sadd.s32 $0xFFFFFEF7, lr;
	s5 =	simm.s32 $0xFFFFFFFF;
	p2 =	slt.u32 s8, $0xFFFFF086  }
0x1c: {  	p1 =	slt.u32 s9, $0xF7A;
	s5 =	simm.s32 @!p2 $0x0  }
0x1d: {  	s5 =	simm.s32 @p1 $0x1;
	p0 =	seq.s32 s7, s2  }
0x1e: {  	s7 =	smul.u32 @!p0 $0xF7A, s2;
	p2 =	seq.s32 @!p0 s5, $0x0  }
0x1f: {  	s9 =	smul.u32 $0xF7A, s1;
	s8 =	simm.s32 @!p0 $0x1BF5;
	p2 =	por !p2, p0  }
0x20: {  	[sflag:s8] =	ssyncset.s32 @!p0 $0xFFFFF086;
	s6 =	sadd.s32 @!p0 s3, s7;
	s7 =	simm.s32 @!p0 $0x108  }
0x21: {  	s3 =	sadd.s32 s3, s9;
	s6 =	sadd.s32 @!p0 $0x88, s6;
	s7 =	simm.s32 @p2 $0x1082  }
0x22: {  	[simem:s7], [sflag:s8] =	dma.local @!p0 [hbm:s6], $0xF7A  }
0x23: {  	s9 =	sor.u32 $0xD0000000, s2;
	s6 =	simm.s32 $0x108;
	_ =	swait.ge @!p0 [sflag:s8], $0x0  }
0x24: {  	s3 =	sadd.s32 $0x88, s3;
	s6 =	simm.s32 @!p1 $0x1082;
	[sflag:s4] =	ssyncset.s32 $0xFFFFF086  }
0x25: {  	[simem:s6], [sflag:s4] =	dma.local [hbm:s3], $0xF7A  }
0x26: {  	[smem:$0x3F85] =	sst s1;
	(tag) =	ssettag s2;
	_ =	strace s9  }
0x27: {  	s1 =	sld [smem:$0x3F95]  }
0x28: {  	s2 =	sld [smem:$0x3F96]  }
0x29: {  	s4 =	sld [smem:$0x3F98]  }
0x2a: {  	p0 =	seq.s32 s5, $0x0;
	s5 =	sld [smem:$0x3F99]  }
0x2b: {  	s6 =	sld [smem:$0x3F9A]  }
0x2c: {  	s7 =	sld [smem:$0x3F9B]  }
0x2d: {  	s3 =	simm.s32 $0x108;
	s8 =	sld [smem:$0x3F9C]  }
0x2e: {  	s3 =	simm.s32 @!p0 $0x1082;
	s9 =	sld [smem:$0x3F9D]  }
0x2f: {  	lr =	sadd.s32 s0, s3;
	s0 =	sld [smem:$0x3F94]  }
0x30: {  	s3 =	sld [smem:$0x3F97]  }
0x31: {  	[smem:$0x3FA0] =	sst s10  }
0x32: {  	s10 =	sld [smem:$0x3F9E];
	_ =	sdelay $0x3  }
0x33: {  	p0 =	seq.s32 s10, $0x1;
	s10 =	sld [smem:$0x3FA0];
	_ =	sdelay $0x3  }
0x34: {  	[smem:$0x3FA0] =	sst s10  }
0x35: {  	s10 =	sld [smem:$0x3F9F];
	_ =	sdelay $0x3  }
0x36: {  	p1 =	seq.s32 s10, $0x1;
	s10 =	sld [smem:$0x3FA0];
	_ =	sdelay $0x3  }
0x37: {  	[smem:$0x3FA0] =	sst s10  }
0x38: {  	s10 =	sld [smem:$0x3FA1]  }
0x39: {  	_ = 	snop;
	(pc) =	sbr.ind lr, $3  }
0x3a: {  	_ = 	snop  }
0x3b: {  	_ = 	snop  }
0x3c: {  	p2 =	seq.s32 s10, $0x1;
	s10 =	sld [smem:$0x3FA0]  }
0x3d: {  	_ =	shalt  }
0x3e: {  	_ =	shalt  }
0x3f: {  	_ =	shalt  }
0x40: {  	_ =	shalt  }
0x41: {  	_ =	shalt  }
0x42: {  	_ =	shalt  }
0x43: {  	_ =	shalt  }
0x44: {  	_ =	shalt  }
0x45: {  	_ =	shalt  }
0x46: {  	_ =	shalt  }
0x47: {  	_ =	shalt  }
0x48: {  	_ =	shalt  }
0x49: {  	_ =	shalt  }
0x4a: {  	_ =	shalt  }
0x4b: {  	_ =	shalt  }
0x4c: {  	_ =	shalt  }
0x4d: {  	_ =	shalt  }
0x4e: {  	_ =	shalt  }
0x4f: {  	_ =	shalt  }
0x50: {  	_ =	shalt  }
0x51: {  	_ =	shalt  }
0x52: {  	_ =	shalt  }
0x53: {  	_ =	shalt  }
0x54: {  	_ =	shalt  }
0x55: {  	_ =	shalt  }
0x56: {  	_ =	shalt  }
0x57: {  	_ =	shalt  }
0x58: {  	_ =	shalt  }
0x59: {  	_ =	shalt  }
0x5a: {  	_ =	shalt  }
0x5b: {  	_ =	shalt  }
0x5c: {  	_ =	shalt  }
0x5d: {  	_ =	shalt  }
0x5e: {  	_ =	shalt  }
0x5f: {  	_ =	shalt  }
0x60: {  	_ =	shalt  }
0x61: {  	_ =	shalt  }
0x62: {  	_ =	shalt  }
0x63: {  	_ =	shalt  }
0x64: {  	_ =	shalt  }
0x65: {  	_ =	shalt  }
0x66: {  	_ =	shalt  }
0x67: {  	_ =	shalt  }
0x68: {  	_ =	shalt  }
0x69: {  	_ =	shalt  }
0x6a: {  	_ =	shalt  }
0x6b: {  	_ =	shalt  }
0x6c: {  	_ =	shalt  }
0x6d: {  	_ =	shalt  }
0x6e: {  	_ =	shalt  }
0x6f: {  	_ =	shalt  }
0x70: {  	_ =	shalt  }
0x71: {  	_ =	shalt  }
0x72: {  	_ =	shalt  }
0x73: {  	_ =	shalt  }
0x74: {  	_ =	shalt  }
0x75: {  	_ =	shalt  }
0x76: {  	_ =	shalt  }
0x77: {  	_ =	shalt  }
0x78: {  	_ =	shalt  }
0x79: {  	_ =	shalt  }
0x7a: {  	_ =	shalt  }
0x7b: {  	_ =	shalt  }
0x7c: {  	_ =	shalt  }
0x7d: {  	_ =	shalt  }
0x7e: {  	_ =	shalt  }
0x7f: {  	_ =	shalt  }
0x80: {  	_ =	shalt  }
0x81: {  	_ =	shalt  }
0x82: {  	_ =	shalt  }
0x83: {  	_ =	shalt  }
0x84: {  	_ =	shalt  }
0x85: {  	_ =	shalt  }
0x86: {  	_ =	shalt  }
0x87: {  	_ =	shalt  }
.Lfunc_end0:
.L_simem_size_0:
called_computation.6_lowered:
.L_overlay_start_0:
0x88: {  	s2 =	sld [smem:$0x3FD9]  }
0x89: {  	s3 =	sld [smem:$0x3FFE];
	_ =	sdelay $0x1  }
0x8a: {  	s1 =	srdreg.scid  }
0x8b: {  	s0 =	sand.u32 $0x1, s1  }
0x8c: {  	s17 =	sshll.u32 s0, $0xA;
	s2 =	sadd.s32 s3, s2  }
0x8d: {  	s2 =	sadd.s32 s2, s17  }
0x8e: {  	[smem:$0x3FAC] =	sst s2  }
0x8f: {  	_ = 	snop  }
0x90: {  	(tm) =	ssettm $0x1  }
0x91: {  	s18 =	sld [smem:$0x3FFB];
	_ =	sdelay $0x3  }
0x92: {  	_ =	strace s18  }
0x93: {  	s2 =	sld [smem:$0x3FFC];
	_ =	sdelay $0x3  }
0x94: {  	_ =	strace s2  }
0x95: {  	s2 =	sld [smem:$0x3FFD];
	_ =	sdelay $0x3  }
0x96: {  	_ =	strace s2  }
0x97: {  	_ =	strace $0x8FFFFFFF  }
0x98: {  	s19 =	sld [smem:$0x3FDB];
	_ =	sdelay $0x1  }
0x99: {  	s20 =	simm.s32 $_scs_section_size  }
0x9a: {  	s4 =	simm.s32 $_size__tile_overlayer_lowered;
	s5 =	simm.s32 $_tile_overlayer_lowered  }
0x9b: {  	s6 =	simm.s32 $0x1BFF;
	s21 =	sshll.u32 s5, $0x1;
	s3 =	sadd.s32 s20, s19  }
0x9c: {  	s22 =	simm.s32 $0x0;
	s4 =	sshll.u32 s4, $0x1;
	s5 =	sadd.s32 s21, s3  }
0x9d: {  	[timem:s22], [sflag:s6] =	dma.local [hbm:s5], s4  }
0x9e: {  	_ =	swait.ge [sflag:s6], s4  }
0x9f: {  	s4 =	ssub.s32 $0x0, s4;
	[sflag:s6] =	ssyncset.done $0x0  }
0xa0: {  	[sflag:s6] =	ssyncadd.s32 s4;
	_ =	sdelay $0x1  }
0xa1: {  	s23 =	simm.s32 $0x1B8B  }
0xa2: {  	_ =	swait.ge [sflag:s23], $0x1  }
0xa3: {  	[sflag:s23] =	ssyncset.done $0x0  }
0xa4: {  	[sflag:s23] =	ssyncadd.s32 $0xFFFFFFFF  }
0xa5: {  	s4 =	sld [smem:$0x0]  }
0xa6: {  	s5 =	sand.u32 $0xFFFFFFFE, s1  }
0xa7: {  	p0 =	sne.s32 s1, s5  }
0xa8: {  	s5 =	sshll.u32 @p0 s5, $0xE  }
0xa9: {  	s5 =	sadd.s32 @p0 $0x11B8D, s5;
	s6 =	sshll.u32 @p0 s4, $0x11  }
0xaa: {  	s5 =	sor.u32 @p0 s6, s5  }
0xab: {  	[sflag:s5] =	ssyncadd.remote.s32 @p0 $0x1;
	_ =	sdelay $0x1  }
0xac: {  	s5 =	simm.s32 @p0 $0x1B8D  }
0xad: {  	_ =	swait.eq @p0 [sflag:s5], $0x1  }
0xae: {  	[sflag:s5] =	ssyncadd.s32 @p0 $0xFFFFFFFF  }
0xaf: {  	s6 =	sshll.u32 @!p0 s1, $0xE  }
0xb0: {  	s6 =	sor.u32 @!p0 $0x4000, s6;
	s5 =	simm.s32 @!p0 $0x1B8D  }
0xb1: {  	s4 =	sshll.u32 @!p0 s4, $0x11;
	s6 =	sadd.s32 @!p0 $0x11B8D, s6;
	_ =	swait.eq @!p0 [sflag:s5], $0x1  }
0xb2: {  	s4 =	sor.u32 @!p0 s4, s6;
	[sflag:s5] =	ssyncadd.s32 @!p0 $0xFFFFFFFF  }
0xb3: {  	s25 =	simm.s32 $0x1B8E;
	s24 =	sld [smem:$0x3FFE];
	[sflag:s4] =	ssyncadd.remote.s32 @!p0 $0x1  }
0xb4: {  	s26 =	simm.s32 $execute0_lowered;
	[smem:$0x3FD2] =	sst s25  }
0xb5: {  	s5 =	sshll.u32 s26, $0x1;
	_ =	strace $0x8000005B;
	[dreg:$0x1] =	wrdreg $0xFFFFFFFF  }
0xb6: {  	s28 =	simm.s32 $_size_execute0_lowered;
	s3 =	sadd.s32 s3, s5;
	[dreg:$0x0] =	wrdreg $0x0  }
0xb7: {  	s5 =	sshll.u32 s28, $0x1;
	[dreg:$0x2] =	wrdreg s3  }
0xb8: {  	[dreg:$0x3] =	wrdreg s5  }
0xb9: {  	[dreg:$0x4] =	wrdreg $0xC0  }
0xba: {  	_ =	task [dreg:s22], $0x5FFFF  }
0xbb: {  	[dreg:$0x1] =	wrdreg $0xFFFFFFFF  }
0xbc: {  	[dreg:$0x0] =	wrdreg $0x60  }
0xbd: {  	[dreg:$0x2] =	wrdreg s24  }
0xbe: {  	[dreg:$0x3] =	wrdreg $0xA8000  }
0xbf: {  	[dreg:$0x4] =	wrdreg $0x9  }
0xc0: {  	_ =	task.clear_ibuf [dreg:s22], $0x5FFFF;
	_ =	strace $0x9000005B  }
0xc1: {  	s29 =	simm.s32 $0x9;
	_ =	strace $0x8000005D  }
0xc2: {  	_ =	swait.ge [sflag:s29], $0x1  }
0xc3: {  	[sflag:s29] =	ssyncadd.s32 $0xFFFFFFFF  }
0xc4: {  	_ =	strace $0x9000005D  }
0xc5: {  	_ =	sfence  }
0xc6: {  	s30 =	sld [smem:$0x0];
	_ =	sdelay $0x2  }
0xc7: {  	s31 =	sshll.u32 s1, $0xD;
	s1 =	sshrl.u32 s1, $0x2  }
0xc8: {  	s4 =	sand.u32 $0x4000, s31;
	s1 =	sadd.s32 s1, s30  }
0xc9: {  	s0 =	sor.u32 s4, s0;
	s1 =	sshll.u32 s1, $0x11  }
0xca: {  	s0 =	sor.u32 s1, s0  }
0xcb: {  	s0 =	sadd.s32 $0x8F2B, s0  }
0xcc: {  	[sflag:s0] =	ssyncadd.remote.s32 $0x1  }
0xcd: {  	_ =	sfence.sel $0xFFFF  }
0xce: {  	[dreg:$0x0] =	wrdreg $0xFFFFFFFF;
	(pc) =	sbr.abs _section_cstart, $3  }
0xcf: {  	[dreg:$0x1] =	wrdreg $0xFFFFFFFF  }
0xd0: {  	_ =	task.clear_ibuf [dreg:s22], $0x2FFFF;
	_ =	strace $0x9FFFFFFF  }
0xd1: {  	(tm) =	ssettm $0x7FFFFFFF  }
tec
execute0_lowered:
.L_overlay_start_1:
0x0: {  	(tag) =	ssettag $0x1  }
0x1: {  	s5 =	rddreg [dreg:$0x0]  }
0x2: {  	s1 =	rddreg [dreg:$0x1]  }
0x3: {  	s0 =	rddreg [dreg:$0x2];
	s3 =	simm.s32 $0x0;
	s4 =	srdreg.scid  }
0x4: {  	s2 =	stileid.u32;
	s14 =	simm.s32 $0x50;
	s15 =	simm.s32 $0x8000  }
0x5: {  	s16 =	simm.s32 $0x1;
	s17 =	simm.s32 $0x0;
	[smem:$0x7FF] =	sst s3  }
0x6: {  	s6 =	sand.u32 $0x1, s4;
	s7 =	sshll.u32 s2, $0xB;
	s8 =	smul.u32 $0x14000, s2  }
0x7: {  	s31 =	smul.u32 $0x50000, s2;
	s12 =	sshll.u32 s2, $0x6;
	s4 =	sshll.u32 s6, $0xF  }
0x8: {  	_ =	strace $0x8000005C;
	s9 =	smul.u32 $0x140000, s6;
	s6 =	ssub.s32 $0x2, s6  }
0x9: {  	s12 =	sor.u32 $0x1C02, s12;
	s7 =	sor.u32 s7, s4;
	s4 =	sadd.s32 $0x66200, s5  }
0xa: {  	s10 =	sshrl.u32 s8, $0x3;
	s11 =	sshrl.u32 s6, $0x1;
	s7 =	sadd.s32 s7, s5  }
0xb: {  	s8 =	sadd.s32 s8, s9;
	s10 =	sadd.s32 s10, s5;
	s11 =	ssub.s32 s6, s11  }
0xc: {  	s9 =	sshrl.u32 s31, $0x2;
	s8 =	sshrl.u32 s8, $0x3;
	s6 =	sadd.s32 $0x7000, s7  }
0xd: {  	s13 =	sadd.s32 s9, s1;
	s9 =	smax.u32 s11, $0x1;
	s11 =	simm.s32 $0x4000  }
0xe: {  	s8 =	sadd.s32 s8, s5;
	s5 =	sadd.s32 $0x8F000, s7;
	s7 =	sadd.s32 $0x3E200, s10  }
0xf: {  	s10 =	simm.s32 $0x2;
	s13 =	sshrl.u32 s13, $0x3;
	s8 =	sadd.s32 $0x13D200, s8  }
.LBB2_1:
0x10: {  	[tilespmem:s3], [sflag:$0x2] =	stream.linear.gather [hbm4b:s5+s3], $0x3E80, $0x38;
	[tilespmem:$0x1E800] =	vst v63  }
0x11: {  	_ =	swait.ge [sflag:s10], $0x3E80  }
0x12: {  	[sflag:s10] =	ssyncset.done $0x0  }
0x13: {  	[sflag:s10] =	ssyncadd.s32 $0xFFFFC180  }
0x14: {  	[tilespmem:s11], [sflag:$0x2] =	stream.linear.gather [hbm4b:s6+s3], $0x3E80, $0x38;
	[tilespmem:$0x1E800] =	vst v63  }
0x15: {  	_ =	swait.ge [sflag:s10], $0x3E80  }
0x16: {  	[sflag:s10] =	ssyncset.done $0x0  }
0x17: {  	[sflag:s10] =	ssyncadd.s32 $0xFFFFC180  }
0x18: {  	[spmem:s13], [sflag:s12] =	dma.local [hbm:s7], $0x2800  }
0x19: {  	_ =	swait.ge [sflag:s10], $0x2800  }
0x1a: {  	[sflag:s10] =	ssyncset.done $0x0  }
0x1b: {  	[sflag:s10] =	ssyncadd.s32 $0xFFFFD800  }
0x1c: {  	s18 =	simm.s32 $0x0;
	[bflag:$0x0] =	sbarrier.arrive $0xFFFF  }
0x1d: {  	[tilespmem:s15], [sflag:$0x1] =	stream.indirect.gather [hbm4b:s4+s14], $0x80, s18, s14, $0xb8;
	[tilespmem:$0x1E800] =	vst v63  }
0x1e: {  	_ =	swait.ge [sflag:s16], $0x2800  }
0x1f: {  	[sflag:s16] =	ssyncset.done $0x0  }
0x20: {  	s31 =	simm.s32 $0x4000;
	[sflag:s16] =	ssyncadd.s32 $0xFFFFD800  }
0x21: {  	[spmem:s1] =	stream.indirect.scatter.add.f32 [tilespmem:s15], [sflag:$0x2], $0x80, s31, s14, $0xb8;
	[tilespmem:$0x1E800] =	vst v63  }
0x22: {  	_ =	swait.ge [sflag:s10], $0x2800  }
0x23: {  	s19 =	simm.s32 $0x400;
	s18 =	simm.s32 $0x200;
	[sflag:s10] =	ssyncset.done $0x0  }
.LBB2_2:
0x24: {  	s20 =	sshra.s32 s18, $0x2  }
0x25: {  	[sflag:s10] =	ssyncadd.s32 $0xFFFFD800;
	s18 =	smov.u32 s19;
	s21 =	sadd.s32 $0x200, s19  }
0x26: {  	[tilespmem:s15], [sflag:$0x1] =	stream.indirect.gather [hbm4b:s4+s14], $0x80, s20, s14, $0xb8;
	[tilespmem:$0x1E800] =	vst v63  }
0x27: {  	p0 =	sne.s32 s19, $0xF800;
	_ =	swait.ge [sflag:s16], $0x2800  }
.Ltmp0:
0x28: {  	[sflag:s16] =	ssyncset.done $0x0;
	(pc) =	sbr.rel @p0 .LBB2_2-.Ltmp0, $4  }
0x29: {  	s19 =	sadd.s32 $0x4000, s20;
	[sflag:s16] =	ssyncadd.s32 $0xFFFFD800  }
0x2a: {  	[spmem:s1] =	stream.indirect.scatter.add.f32 [tilespmem:s15], [sflag:$0x2], $0x80, s19, s14, $0xb8;
	[tilespmem:$0x1E800] =	vst v63  }
0x2b: {  	_ =	swait.ge [sflag:s10], $0x2800  }
0x2c: {  	s19 =	smov.u32 s21;
	[sflag:s10] =	ssyncset.done $0x0  }
0x2d: {  	s18 =	sshra.s32 s18, $0x2;
	[sflag:s10] =	ssyncadd.s32 $0xFFFFD800  }
0x2e: {  	[tilespmem:s15], [sflag:$0x1] =	stream.indirect.gather [hbm4b:s4+s14], $0x80, s18, s14, $0xb8;
	[tilespmem:$0x1E800] =	vst v63  }
0x2f: {  	_ =	swait.ge [sflag:s16], $0x2800  }
0x30: {  	[sflag:s16] =	ssyncset.done $0x0  }
0x31: {  	s18 =	sadd.s32 $0x4000, s18;
	[sflag:s16] =	ssyncadd.s32 $0xFFFFD800  }
0x32: {  	[spmem:s1] =	stream.indirect.scatter.add.f32 [tilespmem:s15], [sflag:$0x2], $0x80, s18, s14, $0xb8;
	[tilespmem:$0x1E800] =	vst v63  }
0x33: {  	_ =	swait.ge [sflag:s10], $0x2800  }
0x34: {  	s17 =	sadd.s32 $0x1, s17;
	[sflag:s10] =	ssyncset.done $0x0  }
0x35: {  	p0 =	sne.s32 s17, s9;
	[sflag:s10] =	ssyncadd.s32 $0xFFFFD800  }
.Ltmp1:
0x36: {  	[bflag:$0x0] =	sbarrier.arrive $0xFFFF;
	(pc) =	sbr.rel @p0 .LBB2_1-.Ltmp1, $4  }
0x37: {  	[hbm:s8], [sflag:s12] =	dma.local [spmem:s13], $0x2800  }
0x38: {  	_ =	swait.ge [sflag:s10], $0x2800  }
0x39: {  	[sflag:s10] =	ssyncset.done $0x0  }
0x3a: {  	[sflag:s10] =	ssyncadd.s32 $0xFFFFD800  }
0x3b: {  	_ =	sfence.sel $0x180000  }
0x3c: {  	[bflag:$0x0] =	sbarrier.arrive $0xFFFF  }
0x3d: {  	p0 =	sne.s32 s2, $0x0;
	_ =	strace $0x9000005C  }
0x3e: {  	s0 =	sadd.s32 @!p0 $0x100000, s0;
	[bflag:$0x2] =	sbarrier.arrive $0xFFFF  }
0x3f: {  	[sflag:s0] =	ssyncadd.tile.s32 @!p0 $0x1;
	_ =	shalt  }
.Lfunc_end2:
_tile_overlayer_lowered:
.L_overlay_start_2:
0x40: {  	(tag) =	ssettag $0x2  }
0x41: {  	s0 =	rddreg [dreg:$0x0];
	s2 =	stileid.u32  }
0x42: {  	s1 =	rddreg [dreg:$0x1];
	p0 =	sne.s32 s2, $0x0  }
0x43: {  	s3 =	rddreg [dreg:$0x2];
	[bflag:$0x3] =	sbarrier.arrive $0xFFFF;
	s2 =	simm.s32 @!p0 $0x1C02  }
0x44: {  	[timem:s3], [sflag:s2] =	dma.local @!p0 [hbm:s0], s1  }
0x45: {  	s0 =	simm.s32 @!p0 $0x2  }
0x46: {  	_ =	swait.ge @!p0 [sflag:s0], s1  }
0x47: {  	s1 =	ssub.s32 @!p0 $0x0, s1;
	[sflag:s0] =	ssyncset.done @!p0 $0x0  }
0x48: {  	[sflag:s0] =	ssyncadd.s32 @!p0 s1  }
0x49: {  	[bflag:$0x3] =	sbarrier.arrive $0xFFFF  }
0x4a: {  	_ =	shalt  }

// kernel: kernel.48.cloned.1.call-start
scs
__scs_entry_jumppad:
0x0: {  	(pc) =	sbr.rel $0x88, $3  }
0x1: {  	(tag) =	ssettag $0x0;
	lr =	simm.s32 $0x1  }
0x2: {  	[smem:$0x3F85] =	sst lr;
	_ =	strace $0xD0000000  }
0x3: {  	_ = 	snop  }
0x4: {  	_ = 	snop  }
0x5: {  	_ = 	snop  }
0x6: {  	_ = 	snop  }
0x7: {  	_ = 	snop  }
__scs_overlays_trampoline_lowered:
0x8: {  	[smem:$0x3F94] =	sst s0  }
0x9: {  	[smem:$0x3F95] =	sst s1  }
0xa: {  	[smem:$0x3F96] =	sst s2  }
0xb: {  	[smem:$0x3F97] =	sst s3  }
0xc: {  	[smem:$0x3F98] =	sst s4  }
0xd: {  	[smem:$0x3F99] =	sst s5  }
0xe: {  	[smem:$0x3F9A] =	sst s6  }
0xf: {  	[smem:$0x3F9B] =	sst s7  }
0x10: {  	[smem:$0x3F9C] =	sst s8  }
0x11: {  	[smem:$0x3F9D] =	sst s9;
	s0 =	simm.s32 @!p0 $0x0  }
0x12: {  	s1 =	sld [smem:$0x3F83];
	s0 =	simm.s32 @p0 $0x1  }
0x13: {  	[smem:$0x3F9E] =	sst s0;
	s0 =	simm.s32 @!p1 $0x0  }
0x14: {  	s2 =	sld [smem:$0x3F82];
	s0 =	simm.s32 @p1 $0x1  }
0x15: {  	[smem:$0x3F9F] =	sst s0;
	s0 =	simm.s32 @!p2 $0x0  }
0x16: {  	s3 =	sld [smem:$0x3FDB];
	s0 =	simm.s32 @p2 $0x1  }
0x17: {  	s4 =	simm.s32 $0x1BF5;
	[smem:$0x3FA1] =	sst s0  }
0x18: {  	s0 =	sld [smem:$0x3F84];
	_ =	swait.ge [sflag:s4], $0x0  }
0x19: {  	s7 =	sld [smem:$0x3F85]  }
0x1a: {  	s8 =	sadd.s32 $0xFFFFE003, lr  }
0x1b: {  	s9 =	sadd.s32 $0xFFFFFEF7, lr;
	s5 =	simm.s32 $0xFFFFFFFF;
	p2 =	slt.u32 s8, $0xFFFFF086  }
0x1c: {  	p1 =	slt.u32 s9, $0xF7A;
	s5 =	simm.s32 @!p2 $0x0  }
0x1d: {  	s5 =	simm.s32 @p1 $0x1;
	p0 =	seq.s32 s7, s2  }
0x1e: {  	s7 =	smul.u32 @!p0 $0xF7A, s2;
	p2 =	seq.s32 @!p0 s5, $0x0  }
0x1f: {  	s9 =	smul.u32 $0xF7A, s1;
	s8 =	simm.s32 @!p0 $0x1BF5;
	p2 =	por !p2, p0  }
0x20: {  	[sflag:s8] =	ssyncset.s32 @!p0 $0xFFFFF086;
	s6 =	sadd.s32 @!p0 s3, s7;
	s7 =	simm.s32 @!p0 $0x108  }
0x21: {  	s3 =	sadd.s32 s3, s9;
	s6 =	sadd.s32 @!p0 $0x88, s6;
	s7 =	simm.s32 @p2 $0x1082  }
0x22: {  	[simem:s7], [sflag:s8] =	dma.local @!p0 [hbm:s6], $0xF7A  }
0x23: {  	s9 =	sor.u32 $0xD0000000, s2;
	s6 =	simm.s32 $0x108;
	_ =	swait.ge @!p0 [sflag:s8], $0x0  }
0x24: {  	s3 =	sadd.s32 $0x88, s3;
	s6 =	simm.s32 @!p1 $0x1082;
	[sflag:s4] =	ssyncset.s32 $0xFFFFF086  }
0x25: {  	[simem:s6], [sflag:s4] =	dma.local [hbm:s3], $0xF7A  }
0x26: {  	[smem:$0x3F85] =	sst s1;
	(tag) =	ssettag s2;
	_ =	strace s9  }
0x27: {  	s1 =	sld [smem:$0x3F95]  }
0x28: {  	s2 =	sld [smem:$0x3F96]  }
0x29: {  	s4 =	sld [smem:$0x3F98]  }
0x2a: {  	p0 =	seq.s32 s5, $0x0;
	s5 =	sld [smem:$0x3F99]  }
0x2b: {  	s6 =	sld [smem:$0x3F9A]  }
0x2c: {  	s7 =	sld [smem:$0x3F9B]  }
0x2d: {  	s3 =	simm.s32 $0x108;
	s8 =	sld [smem:$0x3F9C]  }
0x2e: {  	s3 =	simm.s32 @!p0 $0x1082;
	s9 =	sld [smem:$0x3F9D]  }
0x2f: {  	lr =	sadd.s32 s0, s3;
	s0 =	sld [smem:$0x3F94]  }
0x30: {  	s3 =	sld [smem:$0x3F97]  }
0x31: {  	[smem:$0x3FA0] =	sst s10  }
0x32: {  	s10 =	sld [smem:$0x3F9E];
	_ =	sdelay $0x3  }
0x33: {  	p0 =	seq.s32 s10, $0x1;
	s10 =	sld [smem:$0x3FA0];
	_ =	sdelay $0x3  }
0x34: {  	[smem:$0x3FA0] =	sst s10  }
0x35: {  	s10 =	sld [smem:$0x3F9F];
	_ =	sdelay $0x3  }
0x36: {  	p1 =	seq.s32 s10, $0x1;
	s10 =	sld [smem:$0x3FA0];
	_ =	sdelay $0x3  }
0x37: {  	[smem:$0x3FA0] =	sst s10  }
0x38: {  	s10 =	sld [smem:$0x3FA1]  }
0x39: {  	_ = 	snop;
	(pc) =	sbr.ind lr, $3  }
0x3a: {  	_ = 	snop  }
0x3b: {  	_ = 	snop  }
0x3c: {  	p2 =	seq.s32 s10, $0x1;
	s10 =	sld [smem:$0x3FA0]  }
0x3d: {  	_ =	shalt  }
0x3e: {  	_ =	shalt  }
0x3f: {  	_ =	shalt  }
0x40: {  	_ =	shalt  }
0x41: {  	_ =	shalt  }
0x42: {  	_ =	shalt  }
0x43: {  	_ =	shalt  }
0x44: {  	_ =	shalt  }
0x45: {  	_ =	shalt  }
0x46: {  	_ =	shalt  }
0x47: {  	_ =	shalt  }
0x48: {  	_ =	shalt  }
0x49: {  	_ =	shalt  }
0x4a: {  	_ =	shalt  }
0x4b: {  	_ =	shalt  }
0x4c: {  	_ =	shalt  }
0x4d: {  	_ =	shalt  }
0x4e: {  	_ =	shalt  }
0x4f: {  	_ =	shalt  }
0x50: {  	_ =	shalt  }
0x51: {  	_ =	shalt  }
0x52: {  	_ =	shalt  }
0x53: {  	_ =	shalt  }
0x54: {  	_ =	shalt  }
0x55: {  	_ =	shalt  }
0x56: {  	_ =	shalt  }
0x57: {  	_ =	shalt  }
0x58: {  	_ =	shalt  }
0x59: {  	_ =	shalt  }
0x5a: {  	_ =	shalt  }
0x5b: {  	_ =	shalt  }
0x5c: {  	_ =	shalt  }
0x5d: {  	_ =	shalt  }
0x5e: {  	_ =	shalt  }
0x5f: {  	_ =	shalt  }
0x60: {  	_ =	shalt  }
0x61: {  	_ =	shalt  }
0x62: {  	_ =	shalt  }
0x63: {  	_ =	shalt  }
0x64: {  	_ =	shalt  }
0x65: {  	_ =	shalt  }
0x66: {  	_ =	shalt  }
0x67: {  	_ =	shalt  }
0x68: {  	_ =	shalt  }
0x69: {  	_ =	shalt  }
0x6a: {  	_ =	shalt  }
0x6b: {  	_ =	shalt  }
0x6c: {  	_ =	shalt  }
0x6d: {  	_ =	shalt  }
0x6e: {  	_ =	shalt  }
0x6f: {  	_ =	shalt  }
0x70: {  	_ =	shalt  }
0x71: {  	_ =	shalt  }
0x72: {  	_ =	shalt  }
0x73: {  	_ =	shalt  }
0x74: {  	_ =	shalt  }
0x75: {  	_ =	shalt  }
0x76: {  	_ =	shalt  }
0x77: {  	_ =	shalt  }
0x78: {  	_ =	shalt  }
0x79: {  	_ =	shalt  }
0x7a: {  	_ =	shalt  }
0x7b: {  	_ =	shalt  }
0x7c: {  	_ =	shalt  }
0x7d: {  	_ =	shalt  }
0x7e: {  	_ =	shalt  }
0x7f: {  	_ =	shalt  }
0x80: {  	_ =	shalt  }
0x81: {  	_ =	shalt  }
0x82: {  	_ =	shalt  }
0x83: {  	_ =	shalt  }
0x84: {  	_ =	shalt  }
0x85: {  	_ =	shalt  }
0x86: {  	_ =	shalt  }
0x87: {  	_ =	shalt  }
.Lfunc_end0:
.L_simem_size_0:
called_computation.7_lowered:
.L_overlay_start_0:
0x88: {  	s2 =	sld [smem:$0x3FD9]  }
0x89: {  	s3 =	sld [smem:$0x3FFE];
	_ =	sdelay $0x1  }
0x8a: {  	s1 =	srdreg.scid  }
0x8b: {  	s0 =	sand.u32 $0x1, s1  }
0x8c: {  	s16 =	sshll.u32 s0, $0xA;
	s2 =	sadd.s32 s3, s2  }
0x8d: {  	s2 =	sadd.s32 s2, s16  }
0x8e: {  	[smem:$0x3FAC] =	sst s2  }
0x8f: {  	_ = 	snop  }
0x90: {  	(tm) =	ssettm $0x1  }
0x91: {  	s17 =	sld [smem:$0x3FFB];
	_ =	sdelay $0x3  }
0x92: {  	_ =	strace s17  }
0x93: {  	s2 =	sld [smem:$0x3FFC];
	_ =	sdelay $0x3  }
0x94: {  	_ =	strace s2  }
0x95: {  	s2 =	sld [smem:$0x3FFD];
	_ =	sdelay $0x3  }
0x96: {  	_ =	strace s2  }
0x97: {  	_ =	strace $0x8FFFFFFF  }
0x98: {  	s18 =	sld [smem:$0x3FDB];
	_ =	sdelay $0x1  }
0x99: {  	s19 =	simm.s32 $_scs_section_size  }
0x9a: {  	s4 =	simm.s32 $_size__tile_overlayer_lowered;
	s5 =	simm.s32 $_tile_overlayer_lowered  }
0x9b: {  	s22 =	simm.s32 $0x1BFF;
	s21 =	sshll.u32 s5, $0x1;
	s2 =	sadd.s32 s19, s18  }
0x9c: {  	s6 =	simm.s32 $0x0;
	s20 =	sshll.u32 s4, $0x1;
	s4 =	sadd.s32 s21, s2  }
0x9d: {  	[timem:s6], [sflag:s22] =	dma.local [hbm:s4], s20  }
0x9e: {  	_ =	swait.ge [sflag:s22], s20  }
0x9f: {  	s3 =	ssub.s32 $0x0, s20;
	[sflag:s22] =	ssyncset.done $0x0  }
0xa0: {  	[sflag:s22] =	ssyncadd.s32 s3;
	_ =	sdelay $0x1  }
0xa1: {  	s23 =	simm.s32 $0x1B8B  }
0xa2: {  	_ =	swait.ge [sflag:s23], $0x1  }
0xa3: {  	[sflag:s23] =	ssyncset.done $0x0  }
0xa4: {  	s25 =	simm.s32 $0x1B8E;
	s24 =	sld [smem:$0x3FFE];
	[sflag:s23] =	ssyncadd.s32 $0xFFFFFFFF  }
0xa5: {  	s26 =	simm.s32 $execute0_lowered;
	[smem:$0x3FD2] =	sst s25  }
0xa6: {  	s4 =	sshll.u32 s26, $0x1;
	_ =	strace $0x80000058;
	[dreg:$0x1] =	wrdreg $0xFFFFFFFF  }
0xa7: {  	s28 =	simm.s32 $_size_execute0_lowered;
	s2 =	sadd.s32 s2, s4;
	[dreg:$0x0] =	wrdreg $0x0  }
0xa8: {  	s4 =	sshll.u32 s28, $0x1;
	[dreg:$0x2] =	wrdreg s2  }
0xa9: {  	[dreg:$0x3] =	wrdreg s4  }
0xaa: {  	[dreg:$0x4] =	wrdreg $0xC0  }
0xab: {  	_ =	task [dreg:s6], $0x5FFFF  }
0xac: {  	[dreg:$0x1] =	wrdreg $0xFFFFFFFF  }
0xad: {  	[dreg:$0x0] =	wrdreg $0x60  }
0xae: {  	[dreg:$0x2] =	wrdreg s24  }
0xaf: {  	[dreg:$0x3] =	wrdreg $0xA8000  }
0xb0: {  	[dreg:$0x4] =	wrdreg $0xA  }
0xb1: {  	_ =	task.clear_ibuf [dreg:s6], $0x5FFFF;
	_ =	strace $0x90000058  }
0xb2: {  	s29 =	simm.s32 $0xA;
	_ =	strace $0x8000005A  }
0xb3: {  	_ =	swait.ge [sflag:s29], $0x1  }
0xb4: {  	[sflag:s29] =	ssyncadd.s32 $0xFFFFFFFF  }
0xb5: {  	_ =	strace $0x9000005A  }
0xb6: {  	_ =	sfence  }
0xb7: {  	s30 =	sld [smem:$0x0];
	_ =	sdelay $0x2  }
0xb8: {  	s31 =	sshll.u32 s1, $0xD;
	s1 =	sshrl.u32 s1, $0x2  }
0xb9: {  	s3 =	sand.u32 $0x4000, s31;
	s1 =	sadd.s32 s1, s30  }
0xba: {  	s0 =	sor.u32 s3, s0;
	s1 =	sshll.u32 s1, $0x11  }
0xbb: {  	s0 =	sor.u32 s1, s0  }
0xbc: {  	s0 =	sadd.s32 $0x8F2B, s0  }
0xbd: {  	[sflag:s0] =	ssyncadd.remote.s32 $0x1  }
0xbe: {  	_ =	sfence.sel $0xFFFF  }
0xbf: {  	[dreg:$0x0] =	wrdreg $0xFFFFFFFF;
	(pc) =	sbr.abs _section_cstart, $3  }
0xc0: {  	[dreg:$0x1] =	wrdreg $0xFFFFFFFF  }
0xc1: {  	_ =	task.clear_ibuf [dreg:s6], $0x2FFFF;
	_ =	strace $0x9FFFFFFF  }
0xc2: {  	(tm) =	ssettm $0x7FFFFFFF  }
0xc3: {  	_ =	shalt  }
tec
execute0_lowered:
.L_overlay_start_1:
0x0: {  	(tag) =	ssettag $0x1  }
0x1: {  	s5 =	rddreg [dreg:$0x0]  }
0x2: {  	s1 =	rddreg [dreg:$0x1]  }
0x3: {  	s0 =	rddreg [dreg:$0x2];
	s3 =	simm.s32 $0x0;
	s4 =	srdreg.scid  }
0x4: {  	s2 =	stileid.u32;
	s14 =	simm.s32 $0x50;
	s15 =	simm.s32 $0x8000  }
0x5: {  	s16 =	simm.s32 $0x1;
	s17 =	simm.s32 $0x0;
	[smem:$0x7FF] =	sst s3  }
0x6: {  	s6 =	sand.u32 $0x1, s4;
	s7 =	sshll.u32 s2, $0xB;
	s8 =	smul.u32 $0x14000, s2  }
0x7: {  	s31 =	smul.u32 $0x50000, s2;
	s12 =	sshll.u32 s2, $0x6;
	s4 =	sshll.u32 s6, $0xF  }
0x8: {  	_ =	strace $0x80000059;
	s9 =	smul.u32 $0x140000, s6;
	s6 =	ssub.s32 $0x2, s6  }
0x9: {  	s12 =	sor.u32 $0x1C02, s12;
	s7 =	sor.u32 s7, s4;
	s4 =	sadd.s32 $0x17000, s5  }
0xa: {  	s10 =	sshrl.u32 s8, $0x3;
	s11 =	sshrl.u32 s6, $0x1;
	s7 =	sadd.s32 s7, s5  }
0xb: {  	s8 =	sadd.s32 s8, s9;
	s10 =	sadd.s32 s10, s5;
	s11 =	ssub.s32 s6, s11  }
0xc: {  	s9 =	sshrl.u32 s31, $0x2;
	s8 =	sshrl.u32 s8, $0x3;
	s6 =	sadd.s32 $0x7000, s7  }
0xd: {  	s13 =	sadd.s32 s9, s1;
	s9 =	smax.u32 s11, $0x1;
	s11 =	simm.s32 $0x4000  }
0xe: {  	s8 =	sadd.s32 s8, s5;
	s5 =	sadd.s32 $0x8F000, s7;
	s7 =	sadd.s32 $0x3E200, s10  }
0xf: {  	s10 =	simm.s32 $0x2;
	s13 =	sshrl.u32 s13, $0x3;
	s8 =	sadd.s32 $0xED200, s8  }
.LBB2_1:
0x10: {  	[tilespmem:s3], [sflag:$0x2] =	stream.linear.gather [hbm4b:s5+s3], $0x3E80, $0x38;
	[tilespmem:$0x1E800] =	vst v63  }
0x11: {  	_ =	swait.ge [sflag:s10], $0x3E80  }
0x12: {  	[sflag:s10] =	ssyncset.done $0x0  }
0x13: {  	[sflag:s10] =	ssyncadd.s32 $0xFFFFC180  }
0x14: {  	[tilespmem:s11], [sflag:$0x2] =	stream.linear.gather [hbm4b:s6+s3], $0x3E80, $0x38;
	[tilespmem:$0x1E800] =	vst v63  }
0x15: {  	_ =	swait.ge [sflag:s10], $0x3E80  }
0x16: {  	[sflag:s10] =	ssyncset.done $0x0  }
0x17: {  	[sflag:s10] =	ssyncadd.s32 $0xFFFFC180  }
0x18: {  	[spmem:s13], [sflag:s12] =	dma.local [hbm:s7], $0x2800  }
0x19: {  	_ =	swait.ge [sflag:s10], $0x2800  }
0x1a: {  	[sflag:s10] =	ssyncset.done $0x0  }
0x1b: {  	[sflag:s10] =	ssyncadd.s32 $0xFFFFD800  }
0x1c: {  	s18 =	simm.s32 $0x0;
	[bflag:$0x0] =	sbarrier.arrive $0xFFFF  }
0x1d: {  	[tilespmem:s15], [sflag:$0x1] =	stream.indirect.gather [hbm4b:s4+s14], $0x80, s18, s14, $0xb8;
	[tilespmem:$0x1E800] =	vst v63  }
0x1e: {  	_ =	swait.ge [sflag:s16], $0x2800  }
0x1f: {  	[sflag:s16] =	ssyncset.done $0x0  }
0x20: {  	s31 =	simm.s32 $0x4000;
	[sflag:s16] =	ssyncadd.s32 $0xFFFFD800  }
0x21: {  	[spmem:s1] =	stream.indirect.scatter.add.f32 [tilespmem:s15], [sflag:$0x2], $0x80, s31, s14, $0xb8;
	[tilespmem:$0x1E800] =	vst v63  }
0x22: {  	_ =	swait.ge [sflag:s10], $0x2800  }
0x23: {  	s19 =	simm.s32 $0x400;
	s18 =	simm.s32 $0x200;
	[sflag:s10] =	ssyncset.done $0x0  }
.LBB2_2:
0x24: {  	s20 =	sshra.s32 s18, $0x2  }
0x25: {  	[sflag:s10] =	ssyncadd.s32 $0xFFFFD800;
	s18 =	smov.u32 s19;
	s21 =	sadd.s32 $0x200, s19  }
0x26: {  	[tilespmem:s15], [sflag:$0x1] =	stream.indirect.gather [hbm4b:s4+s14], $0x80, s20, s14, $0xb8;
	[tilespmem:$0x1E800] =	vst v63  }
0x27: {  	p0 =	sne.s32 s19, $0xF800;
	_ =	swait.ge [sflag:s16], $0x2800  }
.Ltmp0:
0x28: {  	[sflag:s16] =	ssyncset.done $0x0;
	(pc) =	sbr.rel @p0 .LBB2_2-.Ltmp0, $4  }
0x29: {  	s19 =	sadd.s32 $0x4000, s20;
	[sflag:s16] =	ssyncadd.s32 $0xFFFFD800  }
0x2a: {  	[spmem:s1] =	stream.indirect.scatter.add.f32 [tilespmem:s15], [sflag:$0x2], $0x80, s19, s14, $0xb8;
	[tilespmem:$0x1E800] =	vst v63  }
0x2b: {  	_ =	swait.ge [sflag:s10], $0x2800  }
0x2c: {  	s19 =	smov.u32 s21;
	[sflag:s10] =	ssyncset.done $0x0  }
0x2d: {  	s18 =	sshra.s32 s18, $0x2;
	[sflag:s10] =	ssyncadd.s32 $0xFFFFD800  }
0x2e: {  	[tilespmem:s15], [sflag:$0x1] =	stream.indirect.gather [hbm4b:s4+s14], $0x80, s18, s14, $0xb8;
	[tilespmem:$0x1E800] =	vst v63  }
0x2f: {  	_ =	swait.ge [sflag:s16], $0x2800  }
0x30: {  	[sflag:s16] =	ssyncset.done $0x0  }
0x31: {  	s18 =	sadd.s32 $0x4000, s18;
	[sflag:s16] =	ssyncadd.s32 $0xFFFFD800  }
0x32: {  	[spmem:s1] =	stream.indirect.scatter.add.f32 [tilespmem:s15], [sflag:$0x2], $0x80, s18, s14, $0xb8;
	[tilespmem:$0x1E800] =	vst v63  }
0x33: {  	_ =	swait.ge [sflag:s10], $0x2800  }
0x34: {  	s17 =	sadd.s32 $0x1, s17;
	[sflag:s10] =	ssyncset.done $0x0  }
0x35: {  	p0 =	sne.s32 s17, s9;
	[sflag:s10] =	ssyncadd.s32 $0xFFFFD800  }
.Ltmp1:
0x36: {  	[bflag:$0x0] =	sbarrier.arrive $0xFFFF;
	(pc) =	sbr.rel @p0 .LBB2_1-.Ltmp1, $4  }
0x37: {  	[hbm:s8], [sflag:s12] =	dma.local [spmem:s13], $0x2800  }
0x38: {  	_ =	swait.ge [sflag:s10], $0x2800  }
0x39: {  	[sflag:s10] =	ssyncset.done $0x0  }
0x3a: {  	[sflag:s10] =	ssyncadd.s32 $0xFFFFD800  }
0x3b: {  	_ =	sfence.sel $0x180000  }
0x3c: {  	[bflag:$0x0] =	sbarrier.arrive $0xFFFF  }
0x3d: {  	p0 =	sne.s32 s2, $0x0;
	_ =	strace $0x90000059  }
0x3e: {  	s0 =	sadd.s32 @!p0 $0x100000, s0;
	[bflag:$0x2] =	sbarrier.arrive $0xFFFF  }
0x3f: {  	[sflag:s0] =	ssyncadd.tile.s32 @!p0 $0x1;
	_ =	shalt  }
.Lfunc_end2:
_tile_overlayer_lowered:
.L_overlay_start_2:
0x40: {  	(tag) =	ssettag $0x2  }
0x41: {  	s0 =	rddreg [dreg:$0x0];
	s2 =	stileid.u32  }
0x42: {  	s1 =	rddreg [dreg:$0x1];
	p0 =	sne.s32 s2, $0x0  }
0x43: {  	s3 =	rddreg [dreg:$0x2];
	[bflag:$0x3] =	sbarrier.arrive $0xFFFF;
	s2 =	simm.s32 @!p0 $0x1C02  }
0x44: {  	[timem:s3], [sflag:s2] =	dma.local @!p0 [hbm:s0], s1  }
0x45: {  	s0 =	simm.s32 @!p0 $0x2  }
0x46: {  	_ =	swait.ge @!p0 [sflag:s0], s1  }
0x47: {  	s1 =	ssub.s32 @!p0 $0x0, s1;
	[sflag:s0] =	ssyncset.done @!p0 $0x0  }
0x48: {  	[sflag:s0] =	ssyncadd.s32 @!p0 s1  }
0x49: {  	[bflag:$0x3] =	sbarrier.arrive $0xFFFF  }
0x4a: {  	_ =	shalt  }

// kernel: kernel.51.cloned.1.call-start
scs
__scs_entry_jumppad:
0x0: {  	(pc) =	sbr.rel $0x88, $3  }
0x1: {  	(tag) =	ssettag $0x0;
	lr =	simm.s32 $0x1  }
0x2: {  	[smem:$0x3F85] =	sst lr;
	_ =	strace $0xD0000000  }
0x3: {  	_ = 	snop  }
0x4: {  	_ = 	snop  }
0x5: {  	_ = 	snop  }
0x6: {  	_ = 	snop  }
0x7: {  	_ = 	snop  }
__scs_overlays_trampoline_lowered:
0x8: {  	[smem:$0x3F94] =	sst s0  }
0x9: {  	[smem:$0x3F95] =	sst s1  }
0xa: {  	[smem:$0x3F96] =	sst s2  }
0xb: {  	[smem:$0x3F97] =	sst s3  }
0xc: {  	[smem:$0x3F98] =	sst s4  }
0xd: {  	[smem:$0x3F99] =	sst s5  }
0xe: {  	[smem:$0x3F9A] =	sst s6  }
0xf: {  	[smem:$0x3F9B] =	sst s7  }
0x10: {  	[smem:$0x3F9C] =	sst s8  }
0x11: {  	[smem:$0x3F9D] =	sst s9;
	s0 =	simm.s32 @!p0 $0x0  }
0x12: {  	s1 =	sld [smem:$0x3F83];
	s0 =	simm.s32 @p0 $0x1  }
0x13: {  	[smem:$0x3F9E] =	sst s0;
	s0 =	simm.s32 @!p1 $0x0  }
0x14: {  	s2 =	sld [smem:$0x3F82];
	s0 =	simm.s32 @p1 $0x1  }
0x15: {  	[smem:$0x3F9F] =	sst s0;
	s0 =	simm.s32 @!p2 $0x0  }
0x16: {  	s3 =	sld [smem:$0x3FDB];
	s0 =	simm.s32 @p2 $0x1  }
0x17: {  	s4 =	simm.s32 $0x1BF5;
	[smem:$0x3FA1] =	sst s0  }
0x18: {  	s0 =	sld [smem:$0x3F84];
	_ =	swait.ge [sflag:s4], $0x0  }
0x19: {  	s7 =	sld [smem:$0x3F85]  }
0x1a: {  	s8 =	sadd.s32 $0xFFFFE003, lr  }
0x1b: {  	s9 =	sadd.s32 $0xFFFFFEF7, lr;
	s5 =	simm.s32 $0xFFFFFFFF;
	p2 =	slt.u32 s8, $0xFFFFF086  }
0x1c: {  	p1 =	slt.u32 s9, $0xF7A;
	s5 =	simm.s32 @!p2 $0x0  }
0x1d: {  	s5 =	simm.s32 @p1 $0x1;
	p0 =	seq.s32 s7, s2  }
0x1e: {  	s7 =	smul.u32 @!p0 $0xF7A, s2;
	p2 =	seq.s32 @!p0 s5, $0x0  }
0x1f: {  	s9 =	smul.u32 $0xF7A, s1;
	s8 =	simm.s32 @!p0 $0x1BF5;
	p2 =	por !p2, p0  }
0x20: {  	[sflag:s8] =	ssyncset.s32 @!p0 $0xFFFFF086;
	s6 =	sadd.s32 @!p0 s3, s7;
	s7 =	simm.s32 @!p0 $0x108  }
0x21: {  	s3 =	sadd.s32 s3, s9;
	s6 =	sadd.s32 @!p0 $0x88, s6;
	s7 =	simm.s32 @p2 $0x1082  }
0x22: {  	[simem:s7], [sflag:s8] =	dma.local @!p0 [hbm:s6], $0xF7A  }
0x23: {  	s9 =	sor.u32 $0xD0000000, s2;
	s6 =	simm.s32 $0x108;
	_ =	swait.ge @!p0 [sflag:s8], $0x0  }
0x24: {  	s3 =	sadd.s32 $0x88, s3;
	s6 =	simm.s32 @!p1 $0x1082;
	[sflag:s4] =	ssyncset.s32 $0xFFFFF086  }
0x25: {  	[simem:s6], [sflag:s4] =	dma.local [hbm:s3], $0xF7A  }
0x26: {  	[smem:$0x3F85] =	sst s1;
	(tag) =	ssettag s2;
	_ =	strace s9  }
0x27: {  	s1 =	sld [smem:$0x3F95]  }
0x28: {  	s2 =	sld [smem:$0x3F96]  }
0x29: {  	s4 =	sld [smem:$0x3F98]  }
0x2a: {  	p0 =	seq.s32 s5, $0x0;
	s5 =	sld [smem:$0x3F99]  }
0x2b: {  	s6 =	sld [smem:$0x3F9A]  }
0x2c: {  	s7 =	sld [smem:$0x3F9B]  }
0x2d: {  	s3 =	simm.s32 $0x108;
	s8 =	sld [smem:$0x3F9C]  }
0x2e: {  	s3 =	simm.s32 @!p0 $0x1082;
	s9 =	sld [smem:$0x3F9D]  }
0x2f: {  	lr =	sadd.s32 s0, s3;
	s0 =	sld [smem:$0x3F94]  }
0x30: {  	s3 =	sld [smem:$0x3F97]  }
0x31: {  	[smem:$0x3FA0] =	sst s10  }
0x32: {  	s10 =	sld [smem:$0x3F9E];
	_ =	sdelay $0x3  }
0x33: {  	p0 =	seq.s32 s10, $0x1;
	s10 =	sld [smem:$0x3FA0];
	_ =	sdelay $0x3  }
0x34: {  	[smem:$0x3FA0] =	sst s10  }
0x35: {  	s10 =	sld [smem:$0x3F9F];
	_ =	sdelay $0x3  }
0x36: {  	p1 =	seq.s32 s10, $0x1;
	s10 =	sld [smem:$0x3FA0];
	_ =	sdelay $0x3  }
0x37: {  	[smem:$0x3FA0] =	sst s10  }
0x38: {  	s10 =	sld [smem:$0x3FA1]  }
0x39: {  	_ = 	snop;
	(pc) =	sbr.ind lr, $3  }
0x3a: {  	_ = 	snop  }
0x3b: {  	_ = 	snop  }
0x3c: {  	p2 =	seq.s32 s10, $0x1;
	s10 =	sld [smem:$0x3FA0]  }
0x3d: {  	_ =	shalt  }
0x3e: {  	_ =	shalt  }
0x3f: {  	_ =	shalt  }
0x40: {  	_ =	shalt  }
0x41: {  	_ =	shalt  }
0x42: {  	_ =	shalt  }
0x43: {  	_ =	shalt  }
0x44: {  	_ =	shalt  }
0x45: {  	_ =	shalt  }
0x46: {  	_ =	shalt  }
0x47: {  	_ =	shalt  }
0x48: {  	_ =	shalt  }
0x49: {  	_ =	shalt  }
0x4a: {  	_ =	shalt  }
0x4b: {  	_ =	shalt  }
0x4c: {  	_ =	shalt  }
0x4d: {  	_ =	shalt  }
0x4e: {  	_ =	shalt  }
0x4f: {  	_ =	shalt  }
0x50: {  	_ =	shalt  }
0x51: {  	_ =	shalt  }
0x52: {  	_ =	shalt  }
0x53: {  	_ =	shalt  }
0x54: {  	_ =	shalt  }
0x55: {  	_ =	shalt  }
0x56: {  	_ =	shalt  }
0x57: {  	_ =	shalt  }
0x58: {  	_ =	shalt  }
0x59: {  	_ =	shalt  }
0x5a: {  	_ =	shalt  }
0x5b: {  	_ =	shalt  }
0x5c: {  	_ =	shalt  }
0x5d: {  	_ =	shalt  }
0x5e: {  	_ =	shalt  }
0x5f: {  	_ =	shalt  }
0x60: {  	_ =	shalt  }
0x61: {  	_ =	shalt  }
0x62: {  	_ =	shalt  }
0x63: {  	_ =	shalt  }
0x64: {  	_ =	shalt  }
0x65: {  	_ =	shalt  }
0x66: {  	_ =	shalt  }
0x67: {  	_ =	shalt  }
0x68: {  	_ =	shalt  }
0x69: {  	_ =	shalt  }
0x6a: {  	_ =	shalt  }
0x6b: {  	_ =	shalt  }
0x6c: {  	_ =	shalt  }
0x6d: {  	_ =	shalt  }
0x6e: {  	_ =	shalt  }
0x6f: {  	_ =	shalt  }
0x70: {  	_ =	shalt  }
0x71: {  	_ =	shalt  }
0x72: {  	_ =	shalt  }
0x73: {  	_ =	shalt  }
0x74: {  	_ =	shalt  }
0x75: {  	_ =	shalt  }
0x76: {  	_ =	shalt  }
0x77: {  	_ =	shalt  }
0x78: {  	_ =	shalt  }
0x79: {  	_ =	shalt  }
0x7a: {  	_ =	shalt  }
0x7b: {  	_ =	shalt  }
0x7c: {  	_ =	shalt  }
0x7d: {  	_ =	shalt  }
0x7e: {  	_ =	shalt  }
0x7f: {  	_ =	shalt  }
0x80: {  	_ =	shalt  }
0x81: {  	_ =	shalt  }
0x82: {  	_ =	shalt  }
0x83: {  	_ =	shalt  }
0x84: {  	_ =	shalt  }
0x85: {  	_ =	shalt  }
0x86: {  	_ =	shalt  }
0x87: {  	_ =	shalt  }
.Lfunc_end0:
.L_simem_size_0:
called_computation.8_lowered:
.L_overlay_start_0:
0x88: {  	s2 =	sld [smem:$0x3FD9]  }
0x89: {  	s3 =	sld [smem:$0x3FFE];
	_ =	sdelay $0x1  }
0x8a: {  	s1 =	srdreg.scid  }
0x8b: {  	s0 =	sand.u32 $0x1, s1  }
0x8c: {  	s16 =	sshll.u32 s0, $0xA;
	s2 =	sadd.s32 s3, s2  }
0x8d: {  	s2 =	sadd.s32 s2, s16  }
0x8e: {  	[smem:$0x3FAC] =	sst s2  }
0x8f: {  	_ = 	snop  }
0x90: {  	(tm) =	ssettm $0x1  }
0x91: {  	s17 =	sld [smem:$0x3FFB];
	_ =	sdelay $0x3  }
0x92: {  	_ =	strace s17  }
0x93: {  	s2 =	sld [smem:$0x3FFC];
	_ =	sdelay $0x3  }
0x94: {  	_ =	strace s2  }
0x95: {  	s2 =	sld [smem:$0x3FFD];
	_ =	sdelay $0x3  }
0x96: {  	_ =	strace s2  }
0x97: {  	_ =	strace $0x8FFFFFFF  }
0x98: {  	s18 =	sld [smem:$0x3FDB];
	_ =	sdelay $0x1  }
0x99: {  	s19 =	simm.s32 $_scs_section_size  }
0x9a: {  	s4 =	simm.s32 $_size__tile_overlayer_lowered;
	s5 =	simm.s32 $_tile_overlayer_lowered  }
0x9b: {  	s22 =	simm.s32 $0x1BFF;
	s21 =	sshll.u32 s5, $0x1;
	s2 =	sadd.s32 s19, s18  }
0x9c: {  	s6 =	simm.s32 $0x0;
	s20 =	sshll.u32 s4, $0x1;
	s4 =	sadd.s32 s21, s2  }
0x9d: {  	[timem:s6], [sflag:s22] =	dma.local [hbm:s4], s20  }
0x9e: {  	_ =	swait.ge [sflag:s22], s20  }
0x9f: {  	s3 =	ssub.s32 $0x0, s20;
	[sflag:s22] =	ssyncset.done $0x0  }
0xa0: {  	[sflag:s22] =	ssyncadd.s32 s3;
	_ =	sdelay $0x1  }
0xa1: {  	s23 =	simm.s32 $0x1B8B  }
0xa2: {  	_ =	swait.ge [sflag:s23], $0x1  }
0xa3: {  	[sflag:s23] =	ssyncset.done $0x0  }
0xa4: {  	s25 =	simm.s32 $0x1B8E;
	s24 =	sld [smem:$0x3FFE];
	[sflag:s23] =	ssyncadd.s32 $0xFFFFFFFF  }
0xa5: {  	s26 =	simm.s32 $execute0_lowered;
	[smem:$0x3FD2] =	sst s25  }
0xa6: {  	s4 =	sshll.u32 s26, $0x1;
	_ =	strace $0x8000005E;
	[dreg:$0x1] =	wrdreg $0xFFFFFFFF  }
0xa7: {  	s28 =	simm.s32 $_size_execute0_lowered;
	s2 =	sadd.s32 s2, s4;
	[dreg:$0x0] =	wrdreg $0x0  }
0xa8: {  	s4 =	sshll.u32 s28, $0x1;
	[dreg:$0x2] =	wrdreg s2  }
0xa9: {  	[dreg:$0x3] =	wrdreg s4  }
0xaa: {  	[dreg:$0x4] =	wrdreg $0xC0  }
0xab: {  	_ =	task [dreg:s6], $0x5FFFF  }
0xac: {  	[dreg:$0x1] =	wrdreg $0xFFFFFFFF  }
0xad: {  	[dreg:$0x0] =	wrdreg $0x60  }
0xae: {  	[dreg:$0x2] =	wrdreg s24  }
0xaf: {  	[dreg:$0x3] =	wrdreg $0xA8000  }
0xb0: {  	[dreg:$0x4] =	wrdreg $0x9  }
0xb1: {  	_ =	task.clear_ibuf [dreg:s6], $0x5FFFF;
	_ =	strace $0x9000005E  }
0xb2: {  	s29 =	simm.s32 $0x9;
	_ =	strace $0x80000060  }
0xb3: {  	_ =	swait.ge [sflag:s29], $0x1  }
0xb4: {  	[sflag:s29] =	ssyncadd.s32 $0xFFFFFFFF  }
0xb5: {  	_ =	strace $0x90000060  }
0xb6: {  	_ =	sfence  }
0xb7: {  	s30 =	sld [smem:$0x0];
	_ =	sdelay $0x2  }
0xb8: {  	s31 =	sshll.u32 s1, $0xD;
	s1 =	sshrl.u32 s1, $0x2  }
0xb9: {  	s3 =	sand.u32 $0x4000, s31;
	s1 =	sadd.s32 s1, s30  }
0xba: {  	s0 =	sor.u32 s3, s0;
	s1 =	sshll.u32 s1, $0x11  }
0xbb: {  	s0 =	sor.u32 s1, s0  }
0xbc: {  	s0 =	sadd.s32 $0x8F2B, s0  }
0xbd: {  	[sflag:s0] =	ssyncadd.remote.s32 $0x1  }
0xbe: {  	_ =	sfence.sel $0xFFFF  }
0xbf: {  	[dreg:$0x0] =	wrdreg $0xFFFFFFFF;
	(pc) =	sbr.abs _section_cstart, $3  }
0xc0: {  	[dreg:$0x1] =	wrdreg $0xFFFFFFFF  }
0xc1: {  	_ =	task.clear_ibuf [dreg:s6], $0x2FFFF;
	_ =	strace $0x9FFFFFFF  }
0xc2: {  	(tm) =	ssettm $0x7FFFFFFF  }
0xc3: {  	_ =	shalt  }
tec
execute0_lowered:
.L_overlay_start_1:
0x0: {  	(tag) =	ssettag $0x1  }
0x1: {  	s5 =	rddreg [dreg:$0x0]  }
0x2: {  	s1 =	rddreg [dreg:$0x1]  }
0x3: {  	s0 =	rddreg [dreg:$0x2];
	s3 =	simm.s32 $0x0;
	s4 =	srdreg.scid  }
0x4: {  	s2 =	stileid.u32;
	s14 =	simm.s32 $0x50;
	s15 =	simm.s32 $0x8000  }
0x5: {  	s16 =	simm.s32 $0x1;
	s17 =	simm.s32 $0x0;
	[smem:$0x7FF] =	sst s3  }
0x6: {  	s6 =	sand.u32 $0x1, s4;
	s7 =	sshll.u32 s2, $0xB;
	s8 =	smul.u32 $0x14000, s2  }
0x7: {  	s31 =	smul.u32 $0x50000, s2;
	s12 =	sshll.u32 s2, $0x6;
	s4 =	sshll.u32 s6, $0xF  }
0x8: {  	_ =	strace $0x8000005F;
	s9 =	smul.u32 $0x140000, s6;
	s6 =	ssub.s32 $0x2, s6  }
0x9: {  	s12 =	sor.u32 $0x1C02, s12;
	s7 =	sor.u32 s7, s4;
	s4 =	sadd.s32 $0x17000, s5  }
0xa: {  	s10 =	sshrl.u32 s8, $0x3;
	s11 =	sshrl.u32 s6, $0x1;
	s7 =	sadd.s32 s7, s5  }
0xb: {  	s8 =	sadd.s32 s8, s9;
	s10 =	sadd.s32 s10, s5;
	s11 =	ssub.s32 s6, s11  }
0xc: {  	s9 =	sshrl.u32 s31, $0x2;
	s8 =	sshrl.u32 s8, $0x3;
	s6 =	sadd.s32 $0x7000, s7  }
0xd: {  	s13 =	sadd.s32 s9, s1;
	s9 =	smax.u32 s11, $0x1;
	s11 =	simm.s32 $0x4000  }
0xe: {  	s8 =	sadd.s32 s8, s5;
	s5 =	sadd.s32 $0x8F000, s7;
	s7 =	sadd.s32 $0x3E200, s10  }
0xf: {  	s10 =	simm.s32 $0x2;
	s13 =	sshrl.u32 s13, $0x3;
	s8 =	sadd.s32 $0x9F000, s8  }
.LBB2_1:
0x10: {  	[tilespmem:s3], [sflag:$0x2] =	stream.linear.gather [hbm4b:s5+s3], $0x3E80, $0x38;
	[tilespmem:$0x1E800] =	vst v63  }
0x11: {  	_ =	swait.ge [sflag:s10], $0x3E80  }
0x12: {  	[sflag:s10] =	ssyncset.done $0x0  }
0x13: {  	[sflag:s10] =	ssyncadd.s32 $0xFFFFC180  }
0x14: {  	[tilespmem:s11], [sflag:$0x2] =	stream.linear.gather [hbm4b:s6+s3], $0x3E80, $0x38;
	[tilespmem:$0x1E800] =	vst v63  }
0x15: {  	_ =	swait.ge [sflag:s10], $0x3E80  }
0x16: {  	[sflag:s10] =	ssyncset.done $0x0  }
0x17: {  	[sflag:s10] =	ssyncadd.s32 $0xFFFFC180  }
0x18: {  	[spmem:s13], [sflag:s12] =	dma.local [hbm:s7], $0x2800  }
0x19: {  	_ =	swait.ge [sflag:s10], $0x2800  }
0x1a: {  	[sflag:s10] =	ssyncset.done $0x0  }
0x1b: {  	[sflag:s10] =	ssyncadd.s32 $0xFFFFD800  }
0x1c: {  	s18 =	simm.s32 $0x0;
	[bflag:$0x0] =	sbarrier.arrive $0xFFFF  }
0x1d: {  	[tilespmem:s15], [sflag:$0x1] =	stream.indirect.gather [hbm4b:s4+s14], $0x80, s18, s14, $0xb8;
	[tilespmem:$0x1E800] =	vst v63  }
0x1e: {  	_ =	swait.ge [sflag:s16], $0x2800  }
0x1f: {  	[sflag:s16] =	ssyncset.done $0x0  }
0x20: {  	s31 =	simm.s32 $0x4000;
	[sflag:s16] =	ssyncadd.s32 $0xFFFFD800  }
0x21: {  	[spmem:s1] =	stream.indirect.scatter.add.f32 [tilespmem:s15], [sflag:$0x2], $0x80, s31, s14, $0xb8;
	[tilespmem:$0x1E800] =	vst v63  }
0x22: {  	_ =	swait.ge [sflag:s10], $0x2800  }
0x23: {  	s19 =	simm.s32 $0x400;
	s18 =	simm.s32 $0x200;
	[sflag:s10] =	ssyncset.done $0x0  }
.LBB2_2:
0x24: {  	s20 =	sshra.s32 s18, $0x2  }
0x25: {  	[sflag:s10] =	ssyncadd.s32 $0xFFFFD800;
	s18 =	smov.u32 s19;
	s21 =	sadd.s32 $0x200, s19  }
0x26: {  	[tilespmem:s15], [sflag:$0x1] =	stream.indirect.gather [hbm4b:s4+s14], $0x80, s20, s14, $0xb8;
	[tilespmem:$0x1E800] =	vst v63  }
0x27: {  	p0 =	sne.s32 s19, $0xF800;
	_ =	swait.ge [sflag:s16], $0x2800  }
.Ltmp0:
0x28: {  	[sflag:s16] =	ssyncset.done $0x0;
	(pc) =	sbr.rel @p0 .LBB2_2-.Ltmp0, $4  }
0x29: {  	s19 =	sadd.s32 $0x4000, s20;
	[sflag:s16] =	ssyncadd.s32 $0xFFFFD800  }
0x2a: {  	[spmem:s1] =	stream.indirect.scatter.add.f32 [tilespmem:s15], [sflag:$0x2], $0x80, s19, s14, $0xb8;
	[tilespmem:$0x1E800] =	vst v63  }
0x2b: {  	_ =	swait.ge [sflag:s10], $0x2800  }
0x2c: {  	s19 =	smov.u32 s21;
	[sflag:s10] =	ssyncset.done $0x0  }
0x2d: {  	s18 =	sshra.s32 s18, $0x2;
	[sflag:s10] =	ssyncadd.s32 $0xFFFFD800  }
0x2e: {  	[tilespmem:s15], [sflag:$0x1] =	stream.indirect.gather [hbm4b:s4+s14], $0x80, s18, s14, $0xb8;
	[tilespmem:$0x1E800] =	vst v63  }
0x2f: {  	_ =	swait.ge [sflag:s16], $0x2800  }
0x30: {  	[sflag:s16] =	ssyncset.done $0x0  }
0x31: {  	s18 =	sadd.s32 $0x4000, s18;
	[sflag:s16] =	ssyncadd.s32 $0xFFFFD800  }
0x32: {  	[spmem:s1] =	stream.indirect.scatter.add.f32 [tilespmem:s15], [sflag:$0x2], $0x80, s18, s14, $0xb8;
	[tilespmem:$0x1E800] =	vst v63  }
0x33: {  	_ =	swait.ge [sflag:s10], $0x2800  }
0x34: {  	s17 =	sadd.s32 $0x1, s17;
	[sflag:s10] =	ssyncset.done $0x0  }
0x35: {  	p0 =	sne.s32 s17, s9;
	[sflag:s10] =	ssyncadd.s32 $0xFFFFD800  }
.Ltmp1:
0x36: {  	[bflag:$0x0] =	sbarrier.arrive $0xFFFF;
	(pc) =	sbr.rel @p0 .LBB2_1-.Ltmp1, $4  }
0x37: {  	[hbm:s8], [sflag:s12] =	dma.local [spmem:s13], $0x2800  }
0x38: {  	_ =	swait.ge [sflag:s10], $0x2800  }
0x39: {  	[sflag:s10] =	ssyncset.done $0x0  }
0x3a: {  	[sflag:s10] =	ssyncadd.s32 $0xFFFFD800  }
0x3b: {  	_ =	sfence.sel $0x180000  }
0x3c: {  	[bflag:$0x0] =	sbarrier.arrive $0xFFFF  }
0x3d: {  	p0 =	sne.s32 s2, $0x0;
	_ =	strace $0x9000005F  }
0x3e: {  	s0 =	sadd.s32 @!p0 $0x100000, s0;
	[bflag:$0x2] =	sbarrier.arrive $0xFFFF  }
0x3f: {  	[sflag:s0] =	ssyncadd.tile.s32 @!p0 $0x1;
	_ =	shalt  }
.Lfunc_end2:
_tile_overlayer_lowered:
.L_overlay_start_2:
0x40: {  	(tag) =	ssettag $0x2  }
0x41: {  	s0 =	rddreg [dreg:$0x0];
	s2 =	stileid.u32  }
0x42: {  	s1 =	rddreg [dreg:$0x1];
	p0 =	sne.s32 s2, $0x0  }
0x43: {  	s3 =	rddreg [dreg:$0x2];
	[bflag:$0x3] =	sbarrier.arrive $0xFFFF;
	s2 =	simm.s32 @!p0 $0x1C02  }
0x44: {  	[timem:s3], [sflag:s2] =	dma.local @!p0 [hbm:s0], s1  }
0x45: {  	s0 =	simm.s32 @!p0 $0x2  }
0x46: {  	_ =	swait.ge @!p0 [sflag:s0], s1  }
0x47: {  	s1 =	ssub.s32 @!p0 $0x0, s1;
	[sflag:s0] =	ssyncset.done @!p0 $0x0  }
0x48: {  	[sflag:s0] =	ssyncadd.s32 @!p0 s1  }
0x49: {  	[bflag:$0x3] =	sbarrier.arrive $0xFFFF  }
0x4a: {  	_ =	shalt  }

</sc_bundles>
